<compile_context>
chip_gen: v7x
topology: tpu7x:2x2x1
jax: 0.10.2.dev20260603
libtpu: 0.0.44.dev20260713+nightly
codegen_flags: <defaults>
</compile_context>

<pallas_src>
import functools

import jax
import jax.numpy as jnp
from jax import lax
from jax.experimental import pallas as pl
from jax.experimental.pallas import tpu as pltpu
from jax.experimental.pallas import tpu_sc as plsc

N = 10000
D = 128
E = 320000
Z = 64
H = 64
C = 10

NC = 2
NS = 16
NW = NC * NS
EPW = E // NW
K = 100
NCH = EPW // K
GRP = 20
NGRP = NCH // GRP

_mesh = plsc.VectorSubcoreMesh(core_axis_name="c", subcore_axis_name="s")


@functools.partial(
    pl.kernel,
    out_type=jax.ShapeDtypeStruct((2 * N,), jnp.float32),
    mesh=_mesh,
    scratch_types=[
        pltpu.VMEM((NGRP, GRP, K), jnp.int32),
        pltpu.VMEM((128,), jnp.float32),
        pltpu.VMEM((1024,), jnp.float32),
        pltpu.VMEM_SHARED((N,), jnp.float32),
        pltpu.SemaphoreType.DMA,
    ],
)
def _sc_deg(eidx_hbm, out_hbm, didx, ones, zbuf, acc, dsem):
    cid = lax.axis_index("c")
    sid = lax.axis_index("s")
    wid = cid * NS + sid

    one16 = jnp.ones((16,), jnp.float32)
    zero16 = jnp.zeros((16,), jnp.float32)
    for j in range(8):
        ones[pl.ds(j * 16, 16)] = one16

    @pl.loop(0, 64)
    def _zero(i):
        zbuf[pl.ds(i * 16, 16)] = zero16

    @pl.when(sid < 10)
    def _():
        pltpu.sync_copy(zbuf.at[pl.ds(0, 1000)], acc.at[pl.ds(sid * 1000, 1000)])

    plsc.subcore_barrier()

    pltpu.sync_copy(eidx_hbm.at[1, wid], didx)

    @pl.loop(0, NGRP)
    def _edges(g):
        for j in range(GRP):
            pltpu.async_copy(ones.at[pl.ds(0, K)], acc.at[didx.at[g, j]],
                             dsem, add=True)
        for j in range(GRP):
            pltpu.make_async_copy(ones.at[pl.ds(0, K)], acc.at[didx.at[g, j]],
                                  dsem).wait()

    plsc.subcore_barrier()

    @pl.when(sid < 10)
    def _():
        pltpu.sync_copy(acc.at[pl.ds(sid * 1000, 1000)], zbuf.at[pl.ds(0, 1000)])
        pltpu.sync_copy(zbuf.at[pl.ds(0, 1000)],
                        out_hbm.at[pl.ds(cid * N + sid * 1000, 1000)])


@functools.partial(
    pl.kernel,
    out_type=jax.ShapeDtypeStruct((2 * N, D), jnp.float32),
    mesh=_mesh,
    scratch_types=[
        pltpu.VMEM((GRP, K), jnp.int32),
        pltpu.VMEM((GRP, K), jnp.int32),
        pltpu.VMEM((K, D), jnp.float32),
        pltpu.VMEM((K, D), jnp.float32),
        pltpu.VMEM((K, D), jnp.float32),
        pltpu.VMEM_SHARED((N, D), jnp.float32),
        pltpu.SemaphoreType.DMA,
        pltpu.SemaphoreType.DMA,
        pltpu.SemaphoreType.DMA,
    ],
)
def _sc_edge(h_hbm, eidx_hbm, z_hbm, out_hbm, sring, dring, rows0, rows1,
             rows2, acc, sem0, sem1, sem2):
    cid = lax.axis_index("c")
    sid = lax.axis_index("s")
    wid = cid * NS + sid

    ir0 = sid * 664

    @pl.when(cid == 0)
    def _():
        @pl.when(sid < NS - 1)
        def _():
            pltpu.sync_copy(h_hbm.at[pl.ds(ir0, 664)], acc.at[pl.ds(ir0, 664)])

        @pl.when(sid == NS - 1)
        def _():
            pltpu.sync_copy(h_hbm.at[pl.ds(ir0, 40)], acc.at[pl.ds(ir0, 40)])

    @pl.when(cid == 1)
    def _():
        @pl.when(sid < NS - 1)
        def _():
            pltpu.sync_copy(z_hbm, acc.at[pl.ds(ir0, 664)])

        @pl.when(sid == NS - 1)
        def _():
            pltpu.sync_copy(z_hbm.at[pl.ds(0, 40)], acc.at[pl.ds(ir0, 40)])

    plsc.subcore_barrier()

    bufs = (rows0, rows1, rows2)
    gsems = (sem0, sem1, sem2)

    @pl.loop(0, NGRP)
    def _grp(gi):
        pltpu.sync_copy(eidx_hbm.at[0, wid, gi], sring)
        pltpu.sync_copy(eidx_hbm.at[1, wid, gi], dring)
        pltpu.async_copy(h_hbm.at[sring.at[0]], rows0, sem0)
        pltpu.async_copy(h_hbm.at[sring.at[1]], rows1, sem1)
        for j in range(GRP):
            b = j % 3
            if j + 2 < GRP:
                n = (j + 2) % 3
                pltpu.async_copy(h_hbm.at[sring.at[j + 2]], bufs[n], gsems[n])
            pltpu.make_async_copy(h_hbm.at[sring.at[j]], bufs[b], gsems[b]).wait()
            pltpu.sync_copy(bufs[b], acc.at[dring.at[j]], add=True)

    plsc.subcore_barrier()

    r0 = sid * 664

    @pl.when(sid < NS - 1)
    def _():
        pltpu.sync_copy(acc.at[pl.ds(r0, 664)],
                        out_hbm.at[pl.ds(cid * N + r0, 664)])

    @pl.when(sid == NS - 1)
    def _():
        pltpu.sync_copy(acc.at[pl.ds(r0, 40)],
                        out_hbm.at[pl.ds(cid * N + r0, 40)])


_B = 5000
_G = N // _B


def _tc1a_body(x_ref, w_ref, b_ref, h_ref):
    h = jnp.dot(x_ref[...], w_ref[...], preferred_element_type=jnp.float32)
    h_ref[...] = h + b_ref[...]


def _tc1a(x, W1, b1r):
    return pl.pallas_call(
        _tc1a_body,
        grid=(_G,),
        in_specs=[
            pl.BlockSpec((_B, D), lambda i: (i, 0)),
            pl.BlockSpec((D, D), lambda i: (0, 0)),
            pl.BlockSpec((1, D), lambda i: (0, 0)),
        ],
        out_specs=pl.BlockSpec((_B, D), lambda i: (i, 0)),
        out_shape=jax.ShapeDtypeStruct((N, D), jnp.float32),
    )(x, W1, b1r)


def _tc1b_body(xw_ref, d0_ref, d1_ref, h_ref, n_ref):
    norm = lax.rsqrt(d0_ref[...] + d1_ref[...] + 1.0)
    h_ref[...] = xw_ref[...] * norm
    n_ref[...] = jnp.broadcast_to(norm, (_B, D))


def _tc1b(xw, d0, d1):
    return pl.pallas_call(
        _tc1b_body,
        grid=(_G,),
        in_specs=[
            pl.BlockSpec((_B, D), lambda i: (i, 0)),
            pl.BlockSpec((_B, 1), lambda i: (i, 0)),
            pl.BlockSpec((_B, 1), lambda i: (i, 0)),
        ],
        out_specs=[
            pl.BlockSpec((_B, D), lambda i: (i, 0)),
            pl.BlockSpec((_B, D), lambda i: (i, 0)),
        ],
        out_shape=[
            jax.ShapeDtypeStruct((N, D), jnp.float32),
            jax.ShapeDtypeStruct((N, D), jnp.float32),
        ],
    )(xw, d0, d1)


def _tc2_body(s0_ref, s1_ref, n_ref, w_ref, b_ref, o_ref):
    norm = n_ref[...]
    h = jnp.maximum((s0_ref[...] + s1_ref[...]) * norm, 0.0)
    o = jnp.dot(h, w_ref[...], preferred_element_type=jnp.float32)
    o_ref[...] = (o + b_ref[...]) * norm


def _tc2(s, normc, W2, b2r):
    return pl.pallas_call(
        _tc2_body,
        grid=(_G,),
        in_specs=[
            pl.BlockSpec((_B, D), lambda i: (i, 0)),
            pl.BlockSpec((_B, D), lambda i: (_G + i, 0)),
            pl.BlockSpec((_B, D), lambda i: (i, 0)),
            pl.BlockSpec((D, D), lambda i: (0, 0)),
            pl.BlockSpec((1, D), lambda i: (0, 0)),
        ],
        out_specs=pl.BlockSpec((_B, D), lambda i: (i, 0)),
        out_shape=jax.ShapeDtypeStruct((N, D), jnp.float32),
    )(s, s, normc, W2, b2r)


def _tc3_body(s0_ref, s1_ref, n_ref, wz_ref, bz_ref, wl_ref, bl_ref,
              wt_ref, bt_ref, y_ref):
    x_ori = (s0_ref[...] + s1_ref[...]) * n_ref[...]
    z = jnp.dot(x_ori, wz_ref[...], preferred_element_type=jnp.float32)
    z = jnp.maximum(z + bz_ref[...], 0.0)
    t = jnp.dot(z, wl_ref[...], preferred_element_type=jnp.float32) + bl_ref[...]
    y_ref[...] = jnp.dot(t, wt_ref[...], preferred_element_type=jnp.float32) + bt_ref[...]


def _tc3(s, normc, Wz1, bz1r, Wl1, bl1r, Wtp, btp):
    return pl.pallas_call(
        _tc3_body,
        grid=(_G,),
        in_specs=[
            pl.BlockSpec((_B, D), lambda i: (i, 0)),
            pl.BlockSpec((_B, D), lambda i: (_G + i, 0)),
            pl.BlockSpec((_B, D), lambda i: (i, 0)),
            pl.BlockSpec((D, Z), lambda i: (0, 0)),
            pl.BlockSpec((1, Z), lambda i: (0, 0)),
            pl.BlockSpec((Z, H), lambda i: (0, 0)),
            pl.BlockSpec((1, H), lambda i: (0, 0)),
            pl.BlockSpec((H, C), lambda i: (0, 0)),
            pl.BlockSpec((1, C), lambda i: (0, 0)),
        ],
        out_specs=pl.BlockSpec((_B, C), lambda i: (i, 0)),
        out_shape=jax.ShapeDtypeStruct((N, C), jnp.float32),
    )(s, s, normc, Wz1, bz1r, Wl1, bl1r, Wtp, btp)


def kernel(x, edge_index, data, W1, b1, W2, b2, Wz1, bz1, Wl1, bl1, Wt, bt):
    eidxr = edge_index.reshape(2, NW, NGRP, GRP, K)

    degp = _sc_deg(eidxr)
    d0 = degp[:N].reshape(N, 1)
    d1 = degp[N:].reshape(N, 1)

    zrows = jnp.zeros((664, D), jnp.float32)
    xw = _tc1a(x, W1, b1.reshape(1, D))
    h1p, normc = _tc1b(xw, d0, d1)
    s1 = _sc_edge(h1p, eidxr, zrows)
    h2p = _tc2(s1, normc, W2, b2.reshape(1, D))
    s2 = _sc_edge(h2p, eidxr, zrows)

    return _tc3(s2, normc, Wz1, bz1.reshape(1, Z),
                Wl1, bl1.reshape(1, H), Wt, bt.reshape(1, C))

# --- scband reference (transcript-rebuilt; emitter-appended) ---
"""Pipeline reference for scband-disent-gnn-64776696758700 (READ-ONLY COPY).

The authoritative reference and input builder live on the scoring server;
editing this copy changes nothing except your own understanding.
"""

import jax, jax.numpy as jnp
import numpy as np

N = 10000
E = 320000
D = 128
Z = 64
H = 64
C = 10


def setup_inputs(seed: int = 0) -> dict:
    key = jax.random.key(seed)
    ks = jax.random.split(key, 12)
    x = jax.random.normal(ks[0], (N, D), dtype=jnp.float32)
    edge_index = jax.random.randint(ks[1], (2, E), 0, N, dtype=jnp.int32)
    data = jnp.zeros((N,), dtype=jnp.int32)  # batch vector (single graph)
    s_d = 1.0 / np.sqrt(D)
    s_z = 1.0 / np.sqrt(Z)
    s_h = 1.0 / np.sqrt(H)
    W1 = jax.random.normal(ks[2], (D, D), dtype=jnp.float32) * s_d
    b1 = jnp.zeros((D,), dtype=jnp.float32)
    W2 = jax.random.normal(ks[3], (D, D), dtype=jnp.float32) * s_d
    b2 = jnp.zeros((D,), dtype=jnp.float32)
    Wz1 = jax.random.normal(ks[4], (D, Z), dtype=jnp.float32) * s_d
    bz1 = jnp.zeros((Z,), dtype=jnp.float32)
    Wl1 = jax.random.normal(ks[5], (Z, H), dtype=jnp.float32) * s_z
    bl1 = jnp.zeros((H,), dtype=jnp.float32)
    Wt = jax.random.normal(ks[6], (H, C), dtype=jnp.float32) * s_h
    bt = jnp.zeros((C,), dtype=jnp.float32)
    return {"x": x, "edge_index": edge_index, "data": data,
            "W1": W1, "b1": b1, "W2": W2, "b2": b2,
            "Wz1": Wz1, "bz1": bz1, "Wl1": Wl1, "bl1": bl1,
            "Wt": Wt, "bt": bt}


def reference(x, edge_index, data, W1, b1, W2, b2, Wz1, bz1, Wl1, bl1, Wt, bt):
    # BaselineGCN backbone: 2-layer GCN with symmetric normalization + self-loops
    src = edge_index[0]
    dst = edge_index[1]

    def gcn_layer(h, W, b):
        h = h @ W + b
        deg = jnp.zeros((N,), h.dtype).at[dst].add(1.0) + 1.0  # +1 self-loop
        norm = jax.lax.rsqrt(deg)
        coef = norm[src] * norm[dst]
        msgs = h[src] * coef[:, None]
        agg = jnp.zeros_like(h).at[dst].add(msgs)
        agg = agg + h * (norm * norm)[:, None]  # self-loop contribution
        return agg

    h = jax.nn.relu(gcn_layer(x, W1, b1))
    x_ori = gcn_layer(h, W2, b2)
    # DisentGNN head (training branch for BaselineGCN):
    z_1_ori = jax.nn.relu(x_ori @ Wz1 + bz1)
    y_pred = (z_1_ori @ Wl1 + bl1) @ Wt + bt
    return y_pred

if __name__ == "__main__":
    import jax
    _d = setup_inputs()
    print(jax.jit(kernel)(*tuple(_d.values())))

</pallas_src>

<mosaic_0001>
#map = affine_map<(d0, d1) -> (0, 0)>
#map1 = affine_map<(d0, d1) -> (0, 0, 0, 0, 0)>
module attributes {stable_mosaic.version = 14 : i64} {
  func.func @_sc_edge(%arg0: i32, %arg1: i32, %arg2: memref<10000x128xf32, #tpu.memory_space<hbm>>, %arg3: memref<2x32x5x20x100xi32, #tpu.memory_space<hbm>>, %arg4: memref<664x128xf32, #tpu.memory_space<hbm>>, %arg5: memref<20000x128xf32, #tpu.memory_space<hbm>>, %arg6: memref<20x100xi32, #tpu.memory_space<vmem>>, %arg7: memref<20x100xi32, #tpu.memory_space<vmem>>, %arg8: memref<100x128xf32, #tpu.memory_space<vmem>>, %arg9: memref<100x128xf32, #tpu.memory_space<vmem>>, %arg10: memref<100x128xf32, #tpu.memory_space<vmem>>, %arg11: memref<10000x128xf32, #tpu.memory_space<vmem_shared>>, %arg12: memref<!tpu.dma_semaphore, #tpu.memory_space<semaphore_mem>>, %arg13: memref<!tpu.dma_semaphore, #tpu.memory_space<semaphore_mem>>, %arg14: memref<!tpu.dma_semaphore, #tpu.memory_space<semaphore_mem>>) attributes {dimension_semantics = [#tpu.dimension_semantics<core_parallel>, #tpu.dimension_semantics<subcore_parallel>], iteration_bounds = array<i64: 2, 16>, scalar_prefetch = 0 : i64, scratch_operands = 9 : i64, tpu.core_type = #tpu.core_type<sc_vector_subcore>, window_params = [{transform_indices = #map}, {transform_indices = #map1}, {transform_indices = #map}, {transform_indices = #map}]} {
    %mul3A = arith.constant 16 : i32
    %mul3A_0 = arith.muli %arg0, %mul3A : i32
    %add3A = arith.addi %mul3A_0, %arg1 : i32
    %mul3A_1 = arith.constant 664 : i32
    %mul3A_2 = arith.muli %arg1, %mul3A_1 : i32
    %eq3A = arith.constant 0 : i32
    %eq3A_3 = arith.cmpi eq, %arg0, %eq3A : i32
    %convert_element_type3A = arith.extui %eq3A_3 : i1 to i32
    %cond3A = arith.constant 0 : i32
    %cond3A_4 = arith.cmpi ne, %convert_element_type3A, %cond3A : i32
    scf.if %cond3A_4 {
      %lt3A_26 = arith.constant 15 : i32
      %lt3A_27 = arith.cmpi slt, %arg1, %lt3A_26 : i32
      %convert_element_type3A_28 = arith.extui %lt3A_27 : i1 to i32
      %cond3A_29 = arith.constant 0 : i32
      %cond3A_30 = arith.cmpi ne, %convert_element_type3A_28, %cond3A_29 : i32
      scf.if %cond3A_30 {
        "tpu.region"() ({
          %run_scoped3A = tpu.sem_alloc : memref<!tpu.dma_semaphore, #tpu.memory_space<semaphore_mem>>
          %dma_start3A = arith.constant 0 : i32
          %dma_start3A_36 = tpu.memref_slice %arg11[%mul3A_2, %dma_start3A] : memref<10000x128xf32, #tpu.memory_space<vmem_shared>> -> memref<664x128xf32, #tpu.memory_space<vmem_shared>>
          %dma_start3A_37 = arith.constant 0 : i32
          %dma_start3A_38 = tpu.memref_slice %arg2[%mul3A_2, %dma_start3A_37] : memref<10000x128xf32, #tpu.memory_space<hbm>> -> memref<664x128xf32, #tpu.memory_space<hbm>>
          tpu.enqueue_dma source(%dma_start3A_38 : memref<664x128xf32, #tpu.memory_space<hbm>>) target(%dma_start3A_36 : memref<664x128xf32, #tpu.memory_space<vmem_shared>>) target_semaphore(%run_scoped3A : memref<!tpu.dma_semaphore, #tpu.memory_space<semaphore_mem>>)
          %dma_wait3A = arith.constant 0 : i32
          %dma_wait3A_39 = tpu.memref_slice %arg11[%mul3A_2, %dma_wait3A] : memref<10000x128xf32, #tpu.memory_space<vmem_shared>> -> memref<664x128xf32, #tpu.memory_space<vmem_shared>>
          %dma_wait3A_40 = arith.constant 0 : i32
          %dma_wait3A_41 = tpu.memref_slice %arg2[%mul3A_2, %dma_wait3A_40] : memref<10000x128xf32, #tpu.memory_space<hbm>> -> memref<664x128xf32, #tpu.memory_space<hbm>>
          tpu.wait_dma2 semaphore(%run_scoped3A : memref<!tpu.dma_semaphore, #tpu.memory_space<semaphore_mem>>) src(%dma_wait3A_41 : memref<664x128xf32, #tpu.memory_space<hbm>>) dst(%dma_wait3A_39 : memref<664x128xf32, #tpu.memory_space<vmem_shared>>)
          tpu.yield
        }) : () -> ()
      } else {
      }
      %eq3A_31 = arith.constant 15 : i32
      %eq3A_32 = arith.cmpi eq, %arg1, %eq3A_31 : i32
      %convert_element_type3A_33 = arith.extui %eq3A_32 : i1 to i32
      %cond3A_34 = arith.constant 0 : i32
      %cond3A_35 = arith.cmpi ne, %convert_element_type3A_33, %cond3A_34 : i32
      scf.if %cond3A_35 {
        "tpu.region"() ({
          %run_scoped3A = tpu.sem_alloc : memref<!tpu.dma_semaphore, #tpu.memory_space<semaphore_mem>>
          %dma_start3A = arith.constant 0 : i32
          %dma_start3A_36 = tpu.memref_slice %arg11[%mul3A_2, %dma_start3A] : memref<10000x128xf32, #tpu.memory_space<vmem_shared>> -> memref<40x128xf32, #tpu.memory_space<vmem_shared>>
          %dma_start3A_37 = arith.constant 0 : i32
          %dma_start3A_38 = tpu.memref_slice %arg2[%mul3A_2, %dma_start3A_37] : memref<10000x128xf32, #tpu.memory_space<hbm>> -> memref<40x128xf32, #tpu.memory_space<hbm>>
          tpu.enqueue_dma source(%dma_start3A_38 : memref<40x128xf32, #tpu.memory_space<hbm>>) target(%dma_start3A_36 : memref<40x128xf32, #tpu.memory_space<vmem_shared>>) target_semaphore(%run_scoped3A : memref<!tpu.dma_semaphore, #tpu.memory_space<semaphore_mem>>)
          %dma_wait3A = arith.constant 0 : i32
          %dma_wait3A_39 = tpu.memref_slice %arg11[%mul3A_2, %dma_wait3A] : memref<10000x128xf32, #tpu.memory_space<vmem_shared>> -> memref<40x128xf32, #tpu.memory_space<vmem_shared>>
          %dma_wait3A_40 = arith.constant 0 : i32
          %dma_wait3A_41 = tpu.memref_slice %arg2[%mul3A_2, %dma_wait3A_40] : memref<10000x128xf32, #tpu.memory_space<hbm>> -> memref<40x128xf32, #tpu.memory_space<hbm>>
          tpu.wait_dma2 semaphore(%run_scoped3A : memref<!tpu.dma_semaphore, #tpu.memory_space<semaphore_mem>>) src(%dma_wait3A_41 : memref<40x128xf32, #tpu.memory_space<hbm>>) dst(%dma_wait3A_39 : memref<40x128xf32, #tpu.memory_space<vmem_shared>>)
          tpu.yield
        }) : () -> ()
      } else {
      }
    } else {
    }
    %eq3A_5 = arith.constant 1 : i32
    %eq3A_6 = arith.cmpi eq, %arg0, %eq3A_5 : i32
    %convert_element_type3A_7 = arith.extui %eq3A_6 : i1 to i32
    %cond3A_8 = arith.constant 0 : i32
    %cond3A_9 = arith.cmpi ne, %convert_element_type3A_7, %cond3A_8 : i32
    scf.if %cond3A_9 {
      %lt3A_26 = arith.constant 15 : i32
      %lt3A_27 = arith.cmpi slt, %arg1, %lt3A_26 : i32
      %convert_element_type3A_28 = arith.extui %lt3A_27 : i1 to i32
      %cond3A_29 = arith.constant 0 : i32
      %cond3A_30 = arith.cmpi ne, %convert_element_type3A_28, %cond3A_29 : i32
      scf.if %cond3A_30 {
        "tpu.region"() ({
          %run_scoped3A = tpu.sem_alloc : memref<!tpu.dma_semaphore, #tpu.memory_space<semaphore_mem>>
          %dma_start3A = arith.constant 0 : i32
          %dma_start3A_36 = tpu.memref_slice %arg11[%mul3A_2, %dma_start3A] : memref<10000x128xf32, #tpu.memory_space<vmem_shared>> -> memref<664x128xf32, #tpu.memory_space<vmem_shared>>
          tpu.enqueue_dma source(%arg4 : memref<664x128xf32, #tpu.memory_space<hbm>>) target(%dma_start3A_36 : memref<664x128xf32, #tpu.memory_space<vmem_shared>>) target_semaphore(%run_scoped3A : memref<!tpu.dma_semaphore, #tpu.memory_space<semaphore_mem>>)
          %dma_wait3A = arith.constant 0 : i32
          %dma_wait3A_37 = tpu.memref_slice %arg11[%mul3A_2, %dma_wait3A] : memref<10000x128xf32, #tpu.memory_space<vmem_shared>> -> memref<664x128xf32, #tpu.memory_space<vmem_shared>>
          tpu.wait_dma2 semaphore(%run_scoped3A : memref<!tpu.dma_semaphore, #tpu.memory_space<semaphore_mem>>) src(%arg4 : memref<664x128xf32, #tpu.memory_space<hbm>>) dst(%dma_wait3A_37 : memref<664x128xf32, #tpu.memory_space<vmem_shared>>)
          tpu.yield
        }) : () -> ()
      } else {
      }
      %eq3A_31 = arith.constant 15 : i32
      %eq3A_32 = arith.cmpi eq, %arg1, %eq3A_31 : i32
      %convert_element_type3A_33 = arith.extui %eq3A_32 : i1 to i32
      %cond3A_34 = arith.constant 0 : i32
      %cond3A_35 = arith.cmpi ne, %convert_element_type3A_33, %cond3A_34 : i32
      scf.if %cond3A_35 {
        "tpu.region"() ({
          %run_scoped3A = tpu.sem_alloc : memref<!tpu.dma_semaphore, #tpu.memory_space<semaphore_mem>>
          %dma_start3A = arith.constant 0 : i32
          %dma_start3A_36 = tpu.memref_slice %arg11[%mul3A_2, %dma_start3A] : memref<10000x128xf32, #tpu.memory_space<vmem_shared>> -> memref<40x128xf32, #tpu.memory_space<vmem_shared>>
          %dma_start3A_37 = arith.constant 0 : i32
          %dma_start3A_38 = arith.constant 0 : i32
          %dma_start3A_39 = tpu.memref_slice %arg4[%dma_start3A_37, %dma_start3A_38] : memref<664x128xf32, #tpu.memory_space<hbm>> -> memref<40x128xf32, #tpu.memory_space<hbm>>
          tpu.enqueue_dma source(%dma_start3A_39 : memref<40x128xf32, #tpu.memory_space<hbm>>) target(%dma_start3A_36 : memref<40x128xf32, #tpu.memory_space<vmem_shared>>) target_semaphore(%run_scoped3A : memref<!tpu.dma_semaphore, #tpu.memory_space<semaphore_mem>>)
          %dma_wait3A = arith.constant 0 : i32
          %dma_wait3A_40 = tpu.memref_slice %arg11[%mul3A_2, %dma_wait3A] : memref<10000x128xf32, #tpu.memory_space<vmem_shared>> -> memref<40x128xf32, #tpu.memory_space<vmem_shared>>
          %dma_wait3A_41 = arith.constant 0 : i32
          %dma_wait3A_42 = arith.constant 0 : i32
          %dma_wait3A_43 = tpu.memref_slice %arg4[%dma_wait3A_41, %dma_wait3A_42] : memref<664x128xf32, #tpu.memory_space<hbm>> -> memref<40x128xf32, #tpu.memory_space<hbm>>
          tpu.wait_dma2 semaphore(%run_scoped3A : memref<!tpu.dma_semaphore, #tpu.memory_space<semaphore_mem>>) src(%dma_wait3A_43 : memref<40x128xf32, #tpu.memory_space<hbm>>) dst(%dma_wait3A_40 : memref<40x128xf32, #tpu.memory_space<vmem_shared>>)
          tpu.yield
        }) : () -> ()
      } else {
      }
    } else {
    }
    %barrier3A = arith.constant 0 : index
    tpu.barrier barrier_id(%barrier3A)
    %scan3A = arith.constant 0 : i32
    %scan3A_10 = arith.constant 5 : i32
    %scan3A_11 = arith.addi %scan3A, %scan3A_10 : i32
    %scan3A_12 = arith.constant 1 : i32
    scf.for %scan3A_26 = %scan3A to %scan3A_11 step %scan3A_12  : i32 {
      %mul3A_27 = arith.constant 1 : i32
      %mul3A_28 = arith.muli %scan3A_26, %mul3A_27 : i32
      %add3A_29 = arith.constant 0 : i32
      %add3A_30 = arith.addi %add3A_29, %mul3A_28 : i32
      %run_scoped3A = arith.constant 0 : i32
      "tpu.region"() ({
        %run_scoped3A_330 = tpu.sem_alloc : memref<!tpu.dma_semaphore, #tpu.memory_space<semaphore_mem>>
        %dma_start3A_331 = arith.constant 0 : i32
        %dma_start3A_332 = arith.constant 0 : i32
        %dma_start3A_333 = tpu.memref_slice %arg3[%run_scoped3A, %add3A, %add3A_30, %dma_start3A_331, %dma_start3A_332] : memref<2x32x5x20x100xi32, #tpu.memory_space<hbm>> -> memref<1x1x1x20x100xi32, #tpu.memory_space<hbm>>
        %dma_start3A_334 = tpu.memref_squeeze %dma_start3A_333 : memref<1x1x1x20x100xi32, #tpu.memory_space<hbm>> -> memref<20x100xi32, #tpu.memory_space<hbm>>
        %dma_start3A_335 = arith.constant 0 : i32
        %dma_start3A_336 = arith.constant 0 : i32
        %dma_start3A_337 = tpu.memref_slice %arg3[%run_scoped3A, %add3A, %add3A_30, %dma_start3A_335, %dma_start3A_336] : memref<2x32x5x20x100xi32, #tpu.memory_space<hbm>> -> memref<1x1x1x20x100xi32, #tpu.memory_space<hbm>>
        %dma_start3A_338 = tpu.memref_squeeze %dma_start3A_337 : memref<1x1x1x20x100xi32, #tpu.memory_space<hbm>> -> memref<20x100xi32, #tpu.memory_space<hbm>>
        tpu.enqueue_dma source(%dma_start3A_338 : memref<20x100xi32, #tpu.memory_space<hbm>>) target(%arg6 : memref<20x100xi32, #tpu.memory_space<vmem>>) target_semaphore(%run_scoped3A_330 : memref<!tpu.dma_semaphore, #tpu.memory_space<semaphore_mem>>)
        %dma_wait3A_339 = arith.constant 0 : i32
        %dma_wait3A_340 = arith.constant 0 : i32
        %dma_wait3A_341 = tpu.memref_slice %arg3[%run_scoped3A, %add3A, %add3A_30, %dma_wait3A_339, %dma_wait3A_340] : memref<2x32x5x20x100xi32, #tpu.memory_space<hbm>> -> memref<1x1x1x20x100xi32, #tpu.memory_space<hbm>>
        %dma_wait3A_342 = tpu.memref_squeeze %dma_wait3A_341 : memref<1x1x1x20x100xi32, #tpu.memory_space<hbm>> -> memref<20x100xi32, #tpu.memory_space<hbm>>
        %dma_wait3A_343 = arith.constant 0 : i32
        %dma_wait3A_344 = arith.constant 0 : i32
        %dma_wait3A_345 = tpu.memref_slice %arg3[%run_scoped3A, %add3A, %add3A_30, %dma_wait3A_343, %dma_wait3A_344] : memref<2x32x5x20x100xi32, #tpu.memory_space<hbm>> -> memref<1x1x1x20x100xi32, #tpu.memory_space<hbm>>
        %dma_wait3A_346 = tpu.memref_squeeze %dma_wait3A_345 : memref<1x1x1x20x100xi32, #tpu.memory_space<hbm>> -> memref<20x100xi32, #tpu.memory_space<hbm>>
        tpu.wait_dma2 semaphore(%run_scoped3A_330 : memref<!tpu.dma_semaphore, #tpu.memory_space<semaphore_mem>>) src(%dma_wait3A_346 : memref<20x100xi32, #tpu.memory_space<hbm>>) dst(%arg6 : memref<20x100xi32, #tpu.memory_space<vmem>>)
        tpu.yield
      }) : () -> ()
      %run_scoped3A_31 = arith.constant 1 : i32
      "tpu.region"() ({
        %run_scoped3A_330 = tpu.sem_alloc : memref<!tpu.dma_semaphore, #tpu.memory_space<semaphore_mem>>
        %dma_start3A_331 = arith.constant 0 : i32
        %dma_start3A_332 = arith.constant 0 : i32
        %dma_start3A_333 = tpu.memref_slice %arg3[%run_scoped3A_31, %add3A, %add3A_30, %dma_start3A_331, %dma_start3A_332] : memref<2x32x5x20x100xi32, #tpu.memory_space<hbm>> -> memref<1x1x1x20x100xi32, #tpu.memory_space<hbm>>
        %dma_start3A_334 = tpu.memref_squeeze %dma_start3A_333 : memref<1x1x1x20x100xi32, #tpu.memory_space<hbm>> -> memref<20x100xi32, #tpu.memory_space<hbm>>
        %dma_start3A_335 = arith.constant 0 : i32
        %dma_start3A_336 = arith.constant 0 : i32
        %dma_start3A_337 = tpu.memref_slice %arg3[%run_scoped3A_31, %add3A, %add3A_30, %dma_start3A_335, %dma_start3A_336] : memref<2x32x5x20x100xi32, #tpu.memory_space<hbm>> -> memref<1x1x1x20x100xi32, #tpu.memory_space<hbm>>
        %dma_start3A_338 = tpu.memref_squeeze %dma_start3A_337 : memref<1x1x1x20x100xi32, #tpu.memory_space<hbm>> -> memref<20x100xi32, #tpu.memory_space<hbm>>
        tpu.enqueue_dma source(%dma_start3A_338 : memref<20x100xi32, #tpu.memory_space<hbm>>) target(%arg7 : memref<20x100xi32, #tpu.memory_space<vmem>>) target_semaphore(%run_scoped3A_330 : memref<!tpu.dma_semaphore, #tpu.memory_space<semaphore_mem>>)
        %dma_wait3A_339 = arith.constant 0 : i32
        %dma_wait3A_340 = arith.constant 0 : i32
        %dma_wait3A_341 = tpu.memref_slice %arg3[%run_scoped3A_31, %add3A, %add3A_30, %dma_wait3A_339, %dma_wait3A_340] : memref<2x32x5x20x100xi32, #tpu.memory_space<hbm>> -> memref<1x1x1x20x100xi32, #tpu.memory_space<hbm>>
        %dma_wait3A_342 = tpu.memref_squeeze %dma_wait3A_341 : memref<1x1x1x20x100xi32, #tpu.memory_space<hbm>> -> memref<20x100xi32, #tpu.memory_space<hbm>>
        %dma_wait3A_343 = arith.constant 0 : i32
        %dma_wait3A_344 = arith.constant 0 : i32
        %dma_wait3A_345 = tpu.memref_slice %arg3[%run_scoped3A_31, %add3A, %add3A_30, %dma_wait3A_343, %dma_wait3A_344] : memref<2x32x5x20x100xi32, #tpu.memory_space<hbm>> -> memref<1x1x1x20x100xi32, #tpu.memory_space<hbm>>
        %dma_wait3A_346 = tpu.memref_squeeze %dma_wait3A_345 : memref<1x1x1x20x100xi32, #tpu.memory_space<hbm>> -> memref<20x100xi32, #tpu.memory_space<hbm>>
        tpu.wait_dma2 semaphore(%run_scoped3A_330 : memref<!tpu.dma_semaphore, #tpu.memory_space<semaphore_mem>>) src(%dma_wait3A_346 : memref<20x100xi32, #tpu.memory_space<hbm>>) dst(%arg7 : memref<20x100xi32, #tpu.memory_space<vmem>>)
        tpu.yield
      }) : () -> ()
      %dma_start3A = arith.constant 0 : i32
      %dma_start3A_32 = arith.constant 0 : i32
      %dma_start3A_33 = tpu.memref_slice %arg6[%dma_start3A, %dma_start3A_32] : memref<20x100xi32, #tpu.memory_space<vmem>> -> memref<1x100xi32, #tpu.memory_space<vmem>>
      %dma_start3A_34 = tpu.memref_squeeze %dma_start3A_33 : memref<1x100xi32, #tpu.memory_space<vmem>> -> memref<100xi32, #tpu.memory_space<vmem>>
      %dma_start3A_35 = arith.constant 0 : i32
      %dma_start3A_36 = arith.constant 0 : i32
      %dma_start3A_37 = tpu.memref_slice %arg2[%dma_start3A_35, %dma_start3A_36] : memref<10000x128xf32, #tpu.memory_space<hbm>> -> memref<10000x128xf32, #tpu.memory_space<hbm>>
      tpu.enqueue_indirect_dma source(%dma_start3A_37 : memref<10000x128xf32, #tpu.memory_space<hbm>>) target(%arg8 : memref<100x128xf32, #tpu.memory_space<vmem>>) offsets(%dma_start3A_34 : memref<100xi32, #tpu.memory_space<vmem>>) semaphore(%arg12 : memref<!tpu.dma_semaphore, #tpu.memory_space<semaphore_mem>>)
      %dma_start3A_38 = arith.constant 1 : i32
      %dma_start3A_39 = arith.constant 0 : i32
      %dma_start3A_40 = tpu.memref_slice %arg6[%dma_start3A_38, %dma_start3A_39] : memref<20x100xi32, #tpu.memory_space<vmem>> -> memref<1x100xi32, #tpu.memory_space<vmem>>
      %dma_start3A_41 = tpu.memref_squeeze %dma_start3A_40 : memref<1x100xi32, #tpu.memory_space<vmem>> -> memref<100xi32, #tpu.memory_space<vmem>>
      %dma_start3A_42 = arith.constant 0 : i32
      %dma_start3A_43 = arith.constant 0 : i32
      %dma_start3A_44 = tpu.memref_slice %arg2[%dma_start3A_42, %dma_start3A_43] : memref<10000x128xf32, #tpu.memory_space<hbm>> -> memref<10000x128xf32, #tpu.memory_space<hbm>>
      tpu.enqueue_indirect_dma source(%dma_start3A_44 : memref<10000x128xf32, #tpu.memory_space<hbm>>) target(%arg9 : memref<100x128xf32, #tpu.memory_space<vmem>>) offsets(%dma_start3A_41 : memref<100xi32, #tpu.memory_space<vmem>>) semaphore(%arg13 : memref<!tpu.dma_semaphore, #tpu.memory_space<semaphore_mem>>)
      %dma_start3A_45 = arith.constant 2 : i32
      %dma_start3A_46 = arith.constant 0 : i32
      %dma_start3A_47 = tpu.memref_slice %arg6[%dma_start3A_45, %dma_start3A_46] : memref<20x100xi32, #tpu.memory_space<vmem>> -> memref<1x100xi32, #tpu.memory_space<vmem>>
      %dma_start3A_48 = tpu.memref_squeeze %dma_start3A_47 : memref<1x100xi32, #tpu.memory_space<vmem>> -> memref<100xi32, #tpu.memory_space<vmem>>
      %dma_start3A_49 = arith.constant 0 : i32
      %dma_start3A_50 = arith.constant 0 : i32
      %dma_start3A_51 = tpu.memref_slice %arg2[%dma_start3A_49, %dma_start3A_50] : memref<10000x128xf32, #tpu.memory_space<hbm>> -> memref<10000x128xf32, #tpu.memory_space<hbm>>
      tpu.enqueue_indirect_dma source(%dma_start3A_51 : memref<10000x128xf32, #tpu.memory_space<hbm>>) target(%arg10 : memref<100x128xf32, #tpu.memory_space<vmem>>) offsets(%dma_start3A_48 : memref<100xi32, #tpu.memory_space<vmem>>) semaphore(%arg14 : memref<!tpu.dma_semaphore, #tpu.memory_space<semaphore_mem>>)
      %dma_wait3A = arith.constant 0 : i32
      %dma_wait3A_52 = arith.constant 0 : i32
      %dma_wait3A_53 = tpu.memref_slice %arg6[%dma_wait3A, %dma_wait3A_52] : memref<20x100xi32, #tpu.memory_space<vmem>> -> memref<1x100xi32, #tpu.memory_space<vmem>>
      %dma_wait3A_54 = tpu.memref_squeeze %dma_wait3A_53 : memref<1x100xi32, #tpu.memory_space<vmem>> -> memref<100xi32, #tpu.memory_space<vmem>>
      %dma_wait3A_55 = arith.constant 0 : i32
      %dma_wait3A_56 = arith.constant 0 : i32
      %dma_wait3A_57 = tpu.memref_slice %arg2[%dma_wait3A_55, %dma_wait3A_56] : memref<10000x128xf32, #tpu.memory_space<hbm>> -> memref<10000x128xf32, #tpu.memory_space<hbm>>
      tpu.wait_indirect_dma semaphore(%arg12 : memref<!tpu.dma_semaphore, #tpu.memory_space<semaphore_mem>>) src(%dma_wait3A_57 : memref<10000x128xf32, #tpu.memory_space<hbm>>) dst(%arg8 : memref<100x128xf32, #tpu.memory_space<vmem>>)
      %run_scoped3A_58 = arith.constant 0 : i32
      "tpu.region"() ({
        %run_scoped3A_330 = tpu.sem_alloc : memref<!tpu.dma_semaphore, #tpu.memory_space<semaphore_mem>>
        %dma_start3A_331 = arith.constant 0 : i32
        %dma_start3A_332 = tpu.memref_slice %arg7[%run_scoped3A_58, %dma_start3A_331] : memref<20x100xi32, #tpu.memory_space<vmem>> -> memref<1x100xi32, #tpu.memory_space<vmem>>
        %dma_start3A_333 = tpu.memref_squeeze %dma_start3A_332 : memref<1x100xi32, #tpu.memory_space<vmem>> -> memref<100xi32, #tpu.memory_space<vmem>>
        %dma_start3A_334 = arith.constant 0 : i32
        %dma_start3A_335 = arith.constant 0 : i32
        %dma_start3A_336 = tpu.memref_slice %arg11[%dma_start3A_334, %dma_start3A_335] : memref<10000x128xf32, #tpu.memory_space<vmem_shared>> -> memref<10000x128xf32, #tpu.memory_space<vmem_shared>>
        tpu.enqueue_indirect_dma source(%arg8 : memref<100x128xf32, #tpu.memory_space<vmem>>) target(%dma_start3A_336 : memref<10000x128xf32, #tpu.memory_space<vmem_shared>>) offsets(%dma_start3A_333 : memref<100xi32, #tpu.memory_space<vmem>>) semaphore(%run_scoped3A_330 : memref<!tpu.dma_semaphore, #tpu.memory_space<semaphore_mem>>) {add = true}
        %dma_wait3A_337 = arith.constant 0 : i32
        %dma_wait3A_338 = tpu.memref_slice %arg7[%run_scoped3A_58, %dma_wait3A_337] : memref<20x100xi32, #tpu.memory_space<vmem>> -> memref<1x100xi32, #tpu.memory_space<vmem>>
        %dma_wait3A_339 = tpu.memref_squeeze %dma_wait3A_338 : memref<1x100xi32, #tpu.memory_space<vmem>> -> memref<100xi32, #tpu.memory_space<vmem>>
        %dma_wait3A_340 = arith.constant 0 : i32
        %dma_wait3A_341 = arith.constant 0 : i32
        %dma_wait3A_342 = tpu.memref_slice %arg11[%dma_wait3A_340, %dma_wait3A_341] : memref<10000x128xf32, #tpu.memory_space<vmem_shared>> -> memref<10000x128xf32, #tpu.memory_space<vmem_shared>>
        tpu.wait_indirect_dma semaphore(%run_scoped3A_330 : memref<!tpu.dma_semaphore, #tpu.memory_space<semaphore_mem>>) src(%arg8 : memref<100x128xf32, #tpu.memory_space<vmem>>) dst(%dma_wait3A_342 : memref<10000x128xf32, #tpu.memory_space<vmem_shared>>)
        tpu.yield
      }) : () -> ()
      %dma_start3A_59 = arith.constant 3 : i32
      %dma_start3A_60 = arith.constant 0 : i32
      %dma_start3A_61 = tpu.memref_slice %arg6[%dma_start3A_59, %dma_start3A_60] : memref<20x100xi32, #tpu.memory_space<vmem>> -> memref<1x100xi32, #tpu.memory_space<vmem>>
      %dma_start3A_62 = tpu.memref_squeeze %dma_start3A_61 : memref<1x100xi32, #tpu.memory_space<vmem>> -> memref<100xi32, #tpu.memory_space<vmem>>
      %dma_start3A_63 = arith.constant 0 : i32
      %dma_start3A_64 = arith.constant 0 : i32
      %dma_start3A_65 = tpu.memref_slice %arg2[%dma_start3A_63, %dma_start3A_64] : memref<10000x128xf32, #tpu.memory_space<hbm>> -> memref<10000x128xf32, #tpu.memory_space<hbm>>
      tpu.enqueue_indirect_dma source(%dma_start3A_65 : memref<10000x128xf32, #tpu.memory_space<hbm>>) target(%arg8 : memref<100x128xf32, #tpu.memory_space<vmem>>) offsets(%dma_start3A_62 : memref<100xi32, #tpu.memory_space<vmem>>) semaphore(%arg12 : memref<!tpu.dma_semaphore, #tpu.memory_space<semaphore_mem>>)
      %dma_wait3A_66 = arith.constant 1 : i32
      %dma_wait3A_67 = arith.constant 0 : i32
      %dma_wait3A_68 = tpu.memref_slice %arg6[%dma_wait3A_66, %dma_wait3A_67] : memref<20x100xi32, #tpu.memory_space<vmem>> -> memref<1x100xi32, #tpu.memory_space<vmem>>
      %dma_wait3A_69 = tpu.memref_squeeze %dma_wait3A_68 : memref<1x100xi32, #tpu.memory_space<vmem>> -> memref<100xi32, #tpu.memory_space<vmem>>
      %dma_wait3A_70 = arith.constant 0 : i32
      %dma_wait3A_71 = arith.constant 0 : i32
      %dma_wait3A_72 = tpu.memref_slice %arg2[%dma_wait3A_70, %dma_wait3A_71] : memref<10000x128xf32, #tpu.memory_space<hbm>> -> memref<10000x128xf32, #tpu.memory_space<hbm>>
      tpu.wait_indirect_dma semaphore(%arg13 : memref<!tpu.dma_semaphore, #tpu.memory_space<semaphore_mem>>) src(%dma_wait3A_72 : memref<10000x128xf32, #tpu.memory_space<hbm>>) dst(%arg9 : memref<100x128xf32, #tpu.memory_space<vmem>>)
      %run_scoped3A_73 = arith.constant 1 : i32
      "tpu.region"() ({
        %run_scoped3A_330 = tpu.sem_alloc : memref<!tpu.dma_semaphore, #tpu.memory_space<semaphore_mem>>
        %dma_start3A_331 = arith.constant 0 : i32
        %dma_start3A_332 = tpu.memref_slice %arg7[%run_scoped3A_73, %dma_start3A_331] : memref<20x100xi32, #tpu.memory_space<vmem>> -> memref<1x100xi32, #tpu.memory_space<vmem>>
        %dma_start3A_333 = tpu.memref_squeeze %dma_start3A_332 : memref<1x100xi32, #tpu.memory_space<vmem>> -> memref<100xi32, #tpu.memory_space<vmem>>
        %dma_start3A_334 = arith.constant 0 : i32
        %dma_start3A_335 = arith.constant 0 : i32
        %dma_start3A_336 = tpu.memref_slice %arg11[%dma_start3A_334, %dma_start3A_335] : memref<10000x128xf32, #tpu.memory_space<vmem_shared>> -> memref<10000x128xf32, #tpu.memory_space<vmem_shared>>
        tpu.enqueue_indirect_dma source(%arg9 : memref<100x128xf32, #tpu.memory_space<vmem>>) target(%dma_start3A_336 : memref<10000x128xf32, #tpu.memory_space<vmem_shared>>) offsets(%dma_start3A_333 : memref<100xi32, #tpu.memory_space<vmem>>) semaphore(%run_scoped3A_330 : memref<!tpu.dma_semaphore, #tpu.memory_space<semaphore_mem>>) {add = true}
        %dma_wait3A_337 = arith.constant 0 : i32
        %dma_wait3A_338 = tpu.memref_slice %arg7[%run_scoped3A_73, %dma_wait3A_337] : memref<20x100xi32, #tpu.memory_space<vmem>> -> memref<1x100xi32, #tpu.memory_space<vmem>>
        %dma_wait3A_339 = tpu.memref_squeeze %dma_wait3A_338 : memref<1x100xi32, #tpu.memory_space<vmem>> -> memref<100xi32, #tpu.memory_space<vmem>>
        %dma_wait3A_340 = arith.constant 0 : i32
        %dma_wait3A_341 = arith.constant 0 : i32
        %dma_wait3A_342 = tpu.memref_slice %arg11[%dma_wait3A_340, %dma_wait3A_341] : memref<10000x128xf32, #tpu.memory_space<vmem_shared>> -> memref<10000x128xf32, #tpu.memory_space<vmem_shared>>
        tpu.wait_indirect_dma semaphore(%run_scoped3A_330 : memref<!tpu.dma_semaphore, #tpu.memory_space<semaphore_mem>>) src(%arg9 : memref<100x128xf32, #tpu.memory_space<vmem>>) dst(%dma_wait3A_342 : memref<10000x128xf32, #tpu.memory_space<vmem_shared>>)
        tpu.yield
      }) : () -> ()
      %dma_start3A_74 = arith.constant 4 : i32
      %dma_start3A_75 = arith.constant 0 : i32
      %dma_start3A_76 = tpu.memref_slice %arg6[%dma_start3A_74, %dma_start3A_75] : memref<20x100xi32, #tpu.memory_space<vmem>> -> memref<1x100xi32, #tpu.memory_space<vmem>>
      %dma_start3A_77 = tpu.memref_squeeze %dma_start3A_76 : memref<1x100xi32, #tpu.memory_space<vmem>> -> memref<100xi32, #tpu.memory_space<vmem>>
      %dma_start3A_78 = arith.constant 0 : i32
      %dma_start3A_79 = arith.constant 0 : i32
      %dma_start3A_80 = tpu.memref_slice %arg2[%dma_start3A_78, %dma_start3A_79] : memref<10000x128xf32, #tpu.memory_space<hbm>> -> memref<10000x128xf32, #tpu.memory_space<hbm>>
      tpu.enqueue_indirect_dma source(%dma_start3A_80 : memref<10000x128xf32, #tpu.memory_space<hbm>>) target(%arg9 : memref<100x128xf32, #tpu.memory_space<vmem>>) offsets(%dma_start3A_77 : memref<100xi32, #tpu.memory_space<vmem>>) semaphore(%arg13 : memref<!tpu.dma_semaphore, #tpu.memory_space<semaphore_mem>>)
      %dma_wait3A_81 = arith.constant 2 : i32
      %dma_wait3A_82 = arith.constant 0 : i32
      %dma_wait3A_83 = tpu.memref_slice %arg6[%dma_wait3A_81, %dma_wait3A_82] : memref<20x100xi32, #tpu.memory_space<vmem>> -> memref<1x100xi32, #tpu.memory_space<vmem>>
      %dma_wait3A_84 = tpu.memref_squeeze %dma_wait3A_83 : memref<1x100xi32, #tpu.memory_space<vmem>> -> memref<100xi32, #tpu.memory_space<vmem>>
      %dma_wait3A_85 = arith.constant 0 : i32
      %dma_wait3A_86 = arith.constant 0 : i32
      %dma_wait3A_87 = tpu.memref_slice %arg2[%dma_wait3A_85, %dma_wait3A_86] : memref<10000x128xf32, #tpu.memory_space<hbm>> -> memref<10000x128xf32, #tpu.memory_space<hbm>>
      tpu.wait_indirect_dma semaphore(%arg14 : memref<!tpu.dma_semaphore, #tpu.memory_space<semaphore_mem>>) src(%dma_wait3A_87 : memref<10000x128xf32, #tpu.memory_space<hbm>>) dst(%arg10 : memref<100x128xf32, #tpu.memory_space<vmem>>)
      %run_scoped3A_88 = arith.constant 2 : i32
      "tpu.region"() ({
        %run_scoped3A_330 = tpu.sem_alloc : memref<!tpu.dma_semaphore, #tpu.memory_space<semaphore_mem>>
        %dma_start3A_331 = arith.constant 0 : i32
        %dma_start3A_332 = tpu.memref_slice %arg7[%run_scoped3A_88, %dma_start3A_331] : memref<20x100xi32, #tpu.memory_space<vmem>> -> memref<1x100xi32, #tpu.memory_space<vmem>>
        %dma_start3A_333 = tpu.memref_squeeze %dma_start3A_332 : memref<1x100xi32, #tpu.memory_space<vmem>> -> memref<100xi32, #tpu.memory_space<vmem>>
        %dma_start3A_334 = arith.constant 0 : i32
        %dma_start3A_335 = arith.constant 0 : i32
        %dma_start3A_336 = tpu.memref_slice %arg11[%dma_start3A_334, %dma_start3A_335] : memref<10000x128xf32, #tpu.memory_space<vmem_shared>> -> memref<10000x128xf32, #tpu.memory_space<vmem_shared>>
        tpu.enqueue_indirect_dma source(%arg10 : memref<100x128xf32, #tpu.memory_space<vmem>>) target(%dma_start3A_336 : memref<10000x128xf32, #tpu.memory_space<vmem_shared>>) offsets(%dma_start3A_333 : memref<100xi32, #tpu.memory_space<vmem>>) semaphore(%run_scoped3A_330 : memref<!tpu.dma_semaphore, #tpu.memory_space<semaphore_mem>>) {add = true}
        %dma_wait3A_337 = arith.constant 0 : i32
        %dma_wait3A_338 = tpu.memref_slice %arg7[%run_scoped3A_88, %dma_wait3A_337] : memref<20x100xi32, #tpu.memory_space<vmem>> -> memref<1x100xi32, #tpu.memory_space<vmem>>
        %dma_wait3A_339 = tpu.memref_squeeze %dma_wait3A_338 : memref<1x100xi32, #tpu.memory_space<vmem>> -> memref<100xi32, #tpu.memory_space<vmem>>
        %dma_wait3A_340 = arith.constant 0 : i32
        %dma_wait3A_341 = arith.constant 0 : i32
        %dma_wait3A_342 = tpu.memref_slice %arg11[%dma_wait3A_340, %dma_wait3A_341] : memref<10000x128xf32, #tpu.memory_space<vmem_shared>> -> memref<10000x128xf32, #tpu.memory_space<vmem_shared>>
        tpu.wait_indirect_dma semaphore(%run_scoped3A_330 : memref<!tpu.dma_semaphore, #tpu.memory_space<semaphore_mem>>) src(%arg10 : memref<100x128xf32, #tpu.memory_space<vmem>>) dst(%dma_wait3A_342 : memref<10000x128xf32, #tpu.memory_space<vmem_shared>>)
        tpu.yield
      }) : () -> ()
      %dma_start3A_89 = arith.constant 5 : i32
      %dma_start3A_90 = arith.constant 0 : i32
      %dma_start3A_91 = tpu.memref_slice %arg6[%dma_start3A_89, %dma_start3A_90] : memref<20x100xi32, #tpu.memory_space<vmem>> -> memref<1x100xi32, #tpu.memory_space<vmem>>
      %dma_start3A_92 = tpu.memref_squeeze %dma_start3A_91 : memref<1x100xi32, #tpu.memory_space<vmem>> -> memref<100xi32, #tpu.memory_space<vmem>>
      %dma_start3A_93 = arith.constant 0 : i32
      %dma_start3A_94 = arith.constant 0 : i32
      %dma_start3A_95 = tpu.memref_slice %arg2[%dma_start3A_93, %dma_start3A_94] : memref<10000x128xf32, #tpu.memory_space<hbm>> -> memref<10000x128xf32, #tpu.memory_space<hbm>>
      tpu.enqueue_indirect_dma source(%dma_start3A_95 : memref<10000x128xf32, #tpu.memory_space<hbm>>) target(%arg10 : memref<100x128xf32, #tpu.memory_space<vmem>>) offsets(%dma_start3A_92 : memref<100xi32, #tpu.memory_space<vmem>>) semaphore(%arg14 : memref<!tpu.dma_semaphore, #tpu.memory_space<semaphore_mem>>)
      %dma_wait3A_96 = arith.constant 3 : i32
      %dma_wait3A_97 = arith.constant 0 : i32
      %dma_wait3A_98 = tpu.memref_slice %arg6[%dma_wait3A_96, %dma_wait3A_97] : memref<20x100xi32, #tpu.memory_space<vmem>> -> memref<1x100xi32, #tpu.memory_space<vmem>>
      %dma_wait3A_99 = tpu.memref_squeeze %dma_wait3A_98 : memref<1x100xi32, #tpu.memory_space<vmem>> -> memref<100xi32, #tpu.memory_space<vmem>>
      %dma_wait3A_100 = arith.constant 0 : i32
      %dma_wait3A_101 = arith.constant 0 : i32
      %dma_wait3A_102 = tpu.memref_slice %arg2[%dma_wait3A_100, %dma_wait3A_101] : memref<10000x128xf32, #tpu.memory_space<hbm>> -> memref<10000x128xf32, #tpu.memory_space<hbm>>
      tpu.wait_indirect_dma semaphore(%arg12 : memref<!tpu.dma_semaphore, #tpu.memory_space<semaphore_mem>>) src(%dma_wait3A_102 : memref<10000x128xf32, #tpu.memory_space<hbm>>) dst(%arg8 : memref<100x128xf32, #tpu.memory_space<vmem>>)
      %run_scoped3A_103 = arith.constant 3 : i32
      "tpu.region"() ({
        %run_scoped3A_330 = tpu.sem_alloc : memref<!tpu.dma_semaphore, #tpu.memory_space<semaphore_mem>>
        %dma_start3A_331 = arith.constant 0 : i32
        %dma_start3A_332 = tpu.memref_slice %arg7[%run_scoped3A_103, %dma_start3A_331] : memref<20x100xi32, #tpu.memory_space<vmem>> -> memref<1x100xi32, #tpu.memory_space<vmem>>
        %dma_start3A_333 = tpu.memref_squeeze %dma_start3A_332 : memref<1x100xi32, #tpu.memory_space<vmem>> -> memref<100xi32, #tpu.memory_space<vmem>>
        %dma_start3A_334 = arith.constant 0 : i32
        %dma_start3A_335 = arith.constant 0 : i32
        %dma_start3A_336 = tpu.memref_slice %arg11[%dma_start3A_334, %dma_start3A_335] : memref<10000x128xf32, #tpu.memory_space<vmem_shared>> -> memref<10000x128xf32, #tpu.memory_space<vmem_shared>>
        tpu.enqueue_indirect_dma source(%arg8 : memref<100x128xf32, #tpu.memory_space<vmem>>) target(%dma_start3A_336 : memref<10000x128xf32, #tpu.memory_space<vmem_shared>>) offsets(%dma_start3A_333 : memref<100xi32, #tpu.memory_space<vmem>>) semaphore(%run_scoped3A_330 : memref<!tpu.dma_semaphore, #tpu.memory_space<semaphore_mem>>) {add = true}
        %dma_wait3A_337 = arith.constant 0 : i32
        %dma_wait3A_338 = tpu.memref_slice %arg7[%run_scoped3A_103, %dma_wait3A_337] : memref<20x100xi32, #tpu.memory_space<vmem>> -> memref<1x100xi32, #tpu.memory_space<vmem>>
        %dma_wait3A_339 = tpu.memref_squeeze %dma_wait3A_338 : memref<1x100xi32, #tpu.memory_space<vmem>> -> memref<100xi32, #tpu.memory_space<vmem>>
        %dma_wait3A_340 = arith.constant 0 : i32
        %dma_wait3A_341 = arith.constant 0 : i32
        %dma_wait3A_342 = tpu.memref_slice %arg11[%dma_wait3A_340, %dma_wait3A_341] : memref<10000x128xf32, #tpu.memory_space<vmem_shared>> -> memref<10000x128xf32, #tpu.memory_space<vmem_shared>>
        tpu.wait_indirect_dma semaphore(%run_scoped3A_330 : memref<!tpu.dma_semaphore, #tpu.memory_space<semaphore_mem>>) src(%arg8 : memref<100x128xf32, #tpu.memory_space<vmem>>) dst(%dma_wait3A_342 : memref<10000x128xf32, #tpu.memory_space<vmem_shared>>)
        tpu.yield
      }) : () -> ()
      %dma_start3A_104 = arith.constant 6 : i32
      %dma_start3A_105 = arith.constant 0 : i32
      %dma_start3A_106 = tpu.memref_slice %arg6[%dma_start3A_104, %dma_start3A_105] : memref<20x100xi32, #tpu.memory_space<vmem>> -> memref<1x100xi32, #tpu.memory_space<vmem>>
      %dma_start3A_107 = tpu.memref_squeeze %dma_start3A_106 : memref<1x100xi32, #tpu.memory_space<vmem>> -> memref<100xi32, #tpu.memory_space<vmem>>
      %dma_start3A_108 = arith.constant 0 : i32
      %dma_start3A_109 = arith.constant 0 : i32
      %dma_start3A_110 = tpu.memref_slice %arg2[%dma_start3A_108, %dma_start3A_109] : memref<10000x128xf32, #tpu.memory_space<hbm>> -> memref<10000x128xf32, #tpu.memory_space<hbm>>
      tpu.enqueue_indirect_dma source(%dma_start3A_110 : memref<10000x128xf32, #tpu.memory_space<hbm>>) target(%arg8 : memref<100x128xf32, #tpu.memory_space<vmem>>) offsets(%dma_start3A_107 : memref<100xi32, #tpu.memory_space<vmem>>) semaphore(%arg12 : memref<!tpu.dma_semaphore, #tpu.memory_space<semaphore_mem>>)
      %dma_wait3A_111 = arith.constant 4 : i32
      %dma_wait3A_112 = arith.constant 0 : i32
      %dma_wait3A_113 = tpu.memref_slice %arg6[%dma_wait3A_111, %dma_wait3A_112] : memref<20x100xi32, #tpu.memory_space<vmem>> -> memref<1x100xi32, #tpu.memory_space<vmem>>
      %dma_wait3A_114 = tpu.memref_squeeze %dma_wait3A_113 : memref<1x100xi32, #tpu.memory_space<vmem>> -> memref<100xi32, #tpu.memory_space<vmem>>
      %dma_wait3A_115 = arith.constant 0 : i32
      %dma_wait3A_116 = arith.constant 0 : i32
      %dma_wait3A_117 = tpu.memref_slice %arg2[%dma_wait3A_115, %dma_wait3A_116] : memref<10000x128xf32, #tpu.memory_space<hbm>> -> memref<10000x128xf32, #tpu.memory_space<hbm>>
      tpu.wait_indirect_dma semaphore(%arg13 : memref<!tpu.dma_semaphore, #tpu.memory_space<semaphore_mem>>) src(%dma_wait3A_117 : memref<10000x128xf32, #tpu.memory_space<hbm>>) dst(%arg9 : memref<100x128xf32, #tpu.memory_space<vmem>>)
      %run_scoped3A_118 = arith.constant 4 : i32
      "tpu.region"() ({
        %run_scoped3A_330 = tpu.sem_alloc : memref<!tpu.dma_semaphore, #tpu.memory_space<semaphore_mem>>
        %dma_start3A_331 = arith.constant 0 : i32
        %dma_start3A_332 = tpu.memref_slice %arg7[%run_scoped3A_118, %dma_start3A_331] : memref<20x100xi32, #tpu.memory_space<vmem>> -> memref<1x100xi32, #tpu.memory_space<vmem>>
        %dma_start3A_333 = tpu.memref_squeeze %dma_start3A_332 : memref<1x100xi32, #tpu.memory_space<vmem>> -> memref<100xi32, #tpu.memory_space<vmem>>
        %dma_start3A_334 = arith.constant 0 : i32
        %dma_start3A_335 = arith.constant 0 : i32
        %dma_start3A_336 = tpu.memref_slice %arg11[%dma_start3A_334, %dma_start3A_335] : memref<10000x128xf32, #tpu.memory_space<vmem_shared>> -> memref<10000x128xf32, #tpu.memory_space<vmem_shared>>
        tpu.enqueue_indirect_dma source(%arg9 : memref<100x128xf32, #tpu.memory_space<vmem>>) target(%dma_start3A_336 : memref<10000x128xf32, #tpu.memory_space<vmem_shared>>) offsets(%dma_start3A_333 : memref<100xi32, #tpu.memory_space<vmem>>) semaphore(%run_scoped3A_330 : memref<!tpu.dma_semaphore, #tpu.memory_space<semaphore_mem>>) {add = true}
        %dma_wait3A_337 = arith.constant 0 : i32
        %dma_wait3A_338 = tpu.memref_slice %arg7[%run_scoped3A_118, %dma_wait3A_337] : memref<20x100xi32, #tpu.memory_space<vmem>> -> memref<1x100xi32, #tpu.memory_space<vmem>>
        %dma_wait3A_339 = tpu.memref_squeeze %dma_wait3A_338 : memref<1x100xi32, #tpu.memory_space<vmem>> -> memref<100xi32, #tpu.memory_space<vmem>>
        %dma_wait3A_340 = arith.constant 0 : i32
        %dma_wait3A_341 = arith.constant 0 : i32
        %dma_wait3A_342 = tpu.memref_slice %arg11[%dma_wait3A_340, %dma_wait3A_341] : memref<10000x128xf32, #tpu.memory_space<vmem_shared>> -> memref<10000x128xf32, #tpu.memory_space<vmem_shared>>
        tpu.wait_indirect_dma semaphore(%run_scoped3A_330 : memref<!tpu.dma_semaphore, #tpu.memory_space<semaphore_mem>>) src(%arg9 : memref<100x128xf32, #tpu.memory_space<vmem>>) dst(%dma_wait3A_342 : memref<10000x128xf32, #tpu.memory_space<vmem_shared>>)
        tpu.yield
      }) : () -> ()
      %dma_start3A_119 = arith.constant 7 : i32
      %dma_start3A_120 = arith.constant 0 : i32
      %dma_start3A_121 = tpu.memref_slice %arg6[%dma_start3A_119, %dma_start3A_120] : memref<20x100xi32, #tpu.memory_space<vmem>> -> memref<1x100xi32, #tpu.memory_space<vmem>>
      %dma_start3A_122 = tpu.memref_squeeze %dma_start3A_121 : memref<1x100xi32, #tpu.memory_space<vmem>> -> memref<100xi32, #tpu.memory_space<vmem>>
      %dma_start3A_123 = arith.constant 0 : i32
      %dma_start3A_124 = arith.constant 0 : i32
      %dma_start3A_125 = tpu.memref_slice %arg2[%dma_start3A_123, %dma_start3A_124] : memref<10000x128xf32, #tpu.memory_space<hbm>> -> memref<10000x128xf32, #tpu.memory_space<hbm>>
      tpu.enqueue_indirect_dma source(%dma_start3A_125 : memref<10000x128xf32, #tpu.memory_space<hbm>>) target(%arg9 : memref<100x128xf32, #tpu.memory_space<vmem>>) offsets(%dma_start3A_122 : memref<100xi32, #tpu.memory_space<vmem>>) semaphore(%arg13 : memref<!tpu.dma_semaphore, #tpu.memory_space<semaphore_mem>>)
      %dma_wait3A_126 = arith.constant 5 : i32
      %dma_wait3A_127 = arith.constant 0 : i32
      %dma_wait3A_128 = tpu.memref_slice %arg6[%dma_wait3A_126, %dma_wait3A_127] : memref<20x100xi32, #tpu.memory_space<vmem>> -> memref<1x100xi32, #tpu.memory_space<vmem>>
      %dma_wait3A_129 = tpu.memref_squeeze %dma_wait3A_128 : memref<1x100xi32, #tpu.memory_space<vmem>> -> memref<100xi32, #tpu.memory_space<vmem>>
      %dma_wait3A_130 = arith.constant 0 : i32
      %dma_wait3A_131 = arith.constant 0 : i32
      %dma_wait3A_132 = tpu.memref_slice %arg2[%dma_wait3A_130, %dma_wait3A_131] : memref<10000x128xf32, #tpu.memory_space<hbm>> -> memref<10000x128xf32, #tpu.memory_space<hbm>>
      tpu.wait_indirect_dma semaphore(%arg14 : memref<!tpu.dma_semaphore, #tpu.memory_space<semaphore_mem>>) src(%dma_wait3A_132 : memref<10000x128xf32, #tpu.memory_space<hbm>>) dst(%arg10 : memref<100x128xf32, #tpu.memory_space<vmem>>)
      %run_scoped3A_133 = arith.constant 5 : i32
      "tpu.region"() ({
        %run_scoped3A_330 = tpu.sem_alloc : memref<!tpu.dma_semaphore, #tpu.memory_space<semaphore_mem>>
        %dma_start3A_331 = arith.constant 0 : i32
        %dma_start3A_332 = tpu.memref_slice %arg7[%run_scoped3A_133, %dma_start3A_331] : memref<20x100xi32, #tpu.memory_space<vmem>> -> memref<1x100xi32, #tpu.memory_space<vmem>>
        %dma_start3A_333 = tpu.memref_squeeze %dma_start3A_332 : memref<1x100xi32, #tpu.memory_space<vmem>> -> memref<100xi32, #tpu.memory_space<vmem>>
        %dma_start3A_334 = arith.constant 0 : i32
        %dma_start3A_335 = arith.constant 0 : i32
        %dma_start3A_336 = tpu.memref_slice %arg11[%dma_start3A_334, %dma_start3A_335] : memref<10000x128xf32, #tpu.memory_space<vmem_shared>> -> memref<10000x128xf32, #tpu.memory_space<vmem_shared>>
        tpu.enqueue_indirect_dma source(%arg10 : memref<100x128xf32, #tpu.memory_space<vmem>>) target(%dma_start3A_336 : memref<10000x128xf32, #tpu.memory_space<vmem_shared>>) offsets(%dma_start3A_333 : memref<100xi32, #tpu.memory_space<vmem>>) semaphore(%run_scoped3A_330 : memref<!tpu.dma_semaphore, #tpu.memory_space<semaphore_mem>>) {add = true}
        %dma_wait3A_337 = arith.constant 0 : i32
        %dma_wait3A_338 = tpu.memref_slice %arg7[%run_scoped3A_133, %dma_wait3A_337] : memref<20x100xi32, #tpu.memory_space<vmem>> -> memref<1x100xi32, #tpu.memory_space<vmem>>
        %dma_wait3A_339 = tpu.memref_squeeze %dma_wait3A_338 : memref<1x100xi32, #tpu.memory_space<vmem>> -> memref<100xi32, #tpu.memory_space<vmem>>
        %dma_wait3A_340 = arith.constant 0 : i32
        %dma_wait3A_341 = arith.constant 0 : i32
        %dma_wait3A_342 = tpu.memref_slice %arg11[%dma_wait3A_340, %dma_wait3A_341] : memref<10000x128xf32, #tpu.memory_space<vmem_shared>> -> memref<10000x128xf32, #tpu.memory_space<vmem_shared>>
        tpu.wait_indirect_dma semaphore(%run_scoped3A_330 : memref<!tpu.dma_semaphore, #tpu.memory_space<semaphore_mem>>) src(%arg10 : memref<100x128xf32, #tpu.memory_space<vmem>>) dst(%dma_wait3A_342 : memref<10000x128xf32, #tpu.memory_space<vmem_shared>>)
        tpu.yield
      }) : () -> ()
      %dma_start3A_134 = arith.constant 8 : i32
      %dma_start3A_135 = arith.constant 0 : i32
      %dma_start3A_136 = tpu.memref_slice %arg6[%dma_start3A_134, %dma_start3A_135] : memref<20x100xi32, #tpu.memory_space<vmem>> -> memref<1x100xi32, #tpu.memory_space<vmem>>
      %dma_start3A_137 = tpu.memref_squeeze %dma_start3A_136 : memref<1x100xi32, #tpu.memory_space<vmem>> -> memref<100xi32, #tpu.memory_space<vmem>>
      %dma_start3A_138 = arith.constant 0 : i32
      %dma_start3A_139 = arith.constant 0 : i32
      %dma_start3A_140 = tpu.memref_slice %arg2[%dma_start3A_138, %dma_start3A_139] : memref<10000x128xf32, #tpu.memory_space<hbm>> -> memref<10000x128xf32, #tpu.memory_space<hbm>>
      tpu.enqueue_indirect_dma source(%dma_start3A_140 : memref<10000x128xf32, #tpu.memory_space<hbm>>) target(%arg10 : memref<100x128xf32, #tpu.memory_space<vmem>>) offsets(%dma_start3A_137 : memref<100xi32, #tpu.memory_space<vmem>>) semaphore(%arg14 : memref<!tpu.dma_semaphore, #tpu.memory_space<semaphore_mem>>)
      %dma_wait3A_141 = arith.constant 6 : i32
      %dma_wait3A_142 = arith.constant 0 : i32
      %dma_wait3A_143 = tpu.memref_slice %arg6[%dma_wait3A_141, %dma_wait3A_142] : memref<20x100xi32, #tpu.memory_space<vmem>> -> memref<1x100xi32, #tpu.memory_space<vmem>>
      %dma_wait3A_144 = tpu.memref_squeeze %dma_wait3A_143 : memref<1x100xi32, #tpu.memory_space<vmem>> -> memref<100xi32, #tpu.memory_space<vmem>>
      %dma_wait3A_145 = arith.constant 0 : i32
      %dma_wait3A_146 = arith.constant 0 : i32
      %dma_wait3A_147 = tpu.memref_slice %arg2[%dma_wait3A_145, %dma_wait3A_146] : memref<10000x128xf32, #tpu.memory_space<hbm>> -> memref<10000x128xf32, #tpu.memory_space<hbm>>
      tpu.wait_indirect_dma semaphore(%arg12 : memref<!tpu.dma_semaphore, #tpu.memory_space<semaphore_mem>>) src(%dma_wait3A_147 : memref<10000x128xf32, #tpu.memory_space<hbm>>) dst(%arg8 : memref<100x128xf32, #tpu.memory_space<vmem>>)
      %run_scoped3A_148 = arith.constant 6 : i32
      "tpu.region"() ({
        %run_scoped3A_330 = tpu.sem_alloc : memref<!tpu.dma_semaphore, #tpu.memory_space<semaphore_mem>>
        %dma_start3A_331 = arith.constant 0 : i32
        %dma_start3A_332 = tpu.memref_slice %arg7[%run_scoped3A_148, %dma_start3A_331] : memref<20x100xi32, #tpu.memory_space<vmem>> -> memref<1x100xi32, #tpu.memory_space<vmem>>
        %dma_start3A_333 = tpu.memref_squeeze %dma_start3A_332 : memref<1x100xi32, #tpu.memory_space<vmem>> -> memref<100xi32, #tpu.memory_space<vmem>>
        %dma_start3A_334 = arith.constant 0 : i32
        %dma_start3A_335 = arith.constant 0 : i32
        %dma_start3A_336 = tpu.memref_slice %arg11[%dma_start3A_334, %dma_start3A_335] : memref<10000x128xf32, #tpu.memory_space<vmem_shared>> -> memref<10000x128xf32, #tpu.memory_space<vmem_shared>>
        tpu.enqueue_indirect_dma source(%arg8 : memref<100x128xf32, #tpu.memory_space<vmem>>) target(%dma_start3A_336 : memref<10000x128xf32, #tpu.memory_space<vmem_shared>>) offsets(%dma_start3A_333 : memref<100xi32, #tpu.memory_space<vmem>>) semaphore(%run_scoped3A_330 : memref<!tpu.dma_semaphore, #tpu.memory_space<semaphore_mem>>) {add = true}
        %dma_wait3A_337 = arith.constant 0 : i32
        %dma_wait3A_338 = tpu.memref_slice %arg7[%run_scoped3A_148, %dma_wait3A_337] : memref<20x100xi32, #tpu.memory_space<vmem>> -> memref<1x100xi32, #tpu.memory_space<vmem>>
        %dma_wait3A_339 = tpu.memref_squeeze %dma_wait3A_338 : memref<1x100xi32, #tpu.memory_space<vmem>> -> memref<100xi32, #tpu.memory_space<vmem>>
        %dma_wait3A_340 = arith.constant 0 : i32
        %dma_wait3A_341 = arith.constant 0 : i32
        %dma_wait3A_342 = tpu.memref_slice %arg11[%dma_wait3A_340, %dma_wait3A_341] : memref<10000x128xf32, #tpu.memory_space<vmem_shared>> -> memref<10000x128xf32, #tpu.memory_space<vmem_shared>>
        tpu.wait_indirect_dma semaphore(%run_scoped3A_330 : memref<!tpu.dma_semaphore, #tpu.memory_space<semaphore_mem>>) src(%arg8 : memref<100x128xf32, #tpu.memory_space<vmem>>) dst(%dma_wait3A_342 : memref<10000x128xf32, #tpu.memory_space<vmem_shared>>)
        tpu.yield
      }) : () -> ()
      %dma_start3A_149 = arith.constant 9 : i32
      %dma_start3A_150 = arith.constant 0 : i32
      %dma_start3A_151 = tpu.memref_slice %arg6[%dma_start3A_149, %dma_start3A_150] : memref<20x100xi32, #tpu.memory_space<vmem>> -> memref<1x100xi32, #tpu.memory_space<vmem>>
      %dma_start3A_152 = tpu.memref_squeeze %dma_start3A_151 : memref<1x100xi32, #tpu.memory_space<vmem>> -> memref<100xi32, #tpu.memory_space<vmem>>
      %dma_start3A_153 = arith.constant 0 : i32
      %dma_start3A_154 = arith.constant 0 : i32
      %dma_start3A_155 = tpu.memref_slice %arg2[%dma_start3A_153, %dma_start3A_154] : memref<10000x128xf32, #tpu.memory_space<hbm>> -> memref<10000x128xf32, #tpu.memory_space<hbm>>
      tpu.enqueue_indirect_dma source(%dma_start3A_155 : memref<10000x128xf32, #tpu.memory_space<hbm>>) target(%arg8 : memref<100x128xf32, #tpu.memory_space<vmem>>) offsets(%dma_start3A_152 : memref<100xi32, #tpu.memory_space<vmem>>) semaphore(%arg12 : memref<!tpu.dma_semaphore, #tpu.memory_space<semaphore_mem>>)
      %dma_wait3A_156 = arith.constant 7 : i32
      %dma_wait3A_157 = arith.constant 0 : i32
      %dma_wait3A_158 = tpu.memref_slice %arg6[%dma_wait3A_156, %dma_wait3A_157] : memref<20x100xi32, #tpu.memory_space<vmem>> -> memref<1x100xi32, #tpu.memory_space<vmem>>
      %dma_wait3A_159 = tpu.memref_squeeze %dma_wait3A_158 : memref<1x100xi32, #tpu.memory_space<vmem>> -> memref<100xi32, #tpu.memory_space<vmem>>
      %dma_wait3A_160 = arith.constant 0 : i32
      %dma_wait3A_161 = arith.constant 0 : i32
      %dma_wait3A_162 = tpu.memref_slice %arg2[%dma_wait3A_160, %dma_wait3A_161] : memref<10000x128xf32, #tpu.memory_space<hbm>> -> memref<10000x128xf32, #tpu.memory_space<hbm>>
      tpu.wait_indirect_dma semaphore(%arg13 : memref<!tpu.dma_semaphore, #tpu.memory_space<semaphore_mem>>) src(%dma_wait3A_162 : memref<10000x128xf32, #tpu.memory_space<hbm>>) dst(%arg9 : memref<100x128xf32, #tpu.memory_space<vmem>>)
      %run_scoped3A_163 = arith.constant 7 : i32
      "tpu.region"() ({
        %run_scoped3A_330 = tpu.sem_alloc : memref<!tpu.dma_semaphore, #tpu.memory_space<semaphore_mem>>
        %dma_start3A_331 = arith.constant 0 : i32
        %dma_start3A_332 = tpu.memref_slice %arg7[%run_scoped3A_163, %dma_start3A_331] : memref<20x100xi32, #tpu.memory_space<vmem>> -> memref<1x100xi32, #tpu.memory_space<vmem>>
        %dma_start3A_333 = tpu.memref_squeeze %dma_start3A_332 : memref<1x100xi32, #tpu.memory_space<vmem>> -> memref<100xi32, #tpu.memory_space<vmem>>
        %dma_start3A_334 = arith.constant 0 : i32
        %dma_start3A_335 = arith.constant 0 : i32
        %dma_start3A_336 = tpu.memref_slice %arg11[%dma_start3A_334, %dma_start3A_335] : memref<10000x128xf32, #tpu.memory_space<vmem_shared>> -> memref<10000x128xf32, #tpu.memory_space<vmem_shared>>
        tpu.enqueue_indirect_dma source(%arg9 : memref<100x128xf32, #tpu.memory_space<vmem>>) target(%dma_start3A_336 : memref<10000x128xf32, #tpu.memory_space<vmem_shared>>) offsets(%dma_start3A_333 : memref<100xi32, #tpu.memory_space<vmem>>) semaphore(%run_scoped3A_330 : memref<!tpu.dma_semaphore, #tpu.memory_space<semaphore_mem>>) {add = true}
        %dma_wait3A_337 = arith.constant 0 : i32
        %dma_wait3A_338 = tpu.memref_slice %arg7[%run_scoped3A_163, %dma_wait3A_337] : memref<20x100xi32, #tpu.memory_space<vmem>> -> memref<1x100xi32, #tpu.memory_space<vmem>>
        %dma_wait3A_339 = tpu.memref_squeeze %dma_wait3A_338 : memref<1x100xi32, #tpu.memory_space<vmem>> -> memref<100xi32, #tpu.memory_space<vmem>>
        %dma_wait3A_340 = arith.constant 0 : i32
        %dma_wait3A_341 = arith.constant 0 : i32
        %dma_wait3A_342 = tpu.memref_slice %arg11[%dma_wait3A_340, %dma_wait3A_341] : memref<10000x128xf32, #tpu.memory_space<vmem_shared>> -> memref<10000x128xf32, #tpu.memory_space<vmem_shared>>
        tpu.wait_indirect_dma semaphore(%run_scoped3A_330 : memref<!tpu.dma_semaphore, #tpu.memory_space<semaphore_mem>>) src(%arg9 : memref<100x128xf32, #tpu.memory_space<vmem>>) dst(%dma_wait3A_342 : memref<10000x128xf32, #tpu.memory_space<vmem_shared>>)
        tpu.yield
      }) : () -> ()
      %dma_start3A_164 = arith.constant 10 : i32
      %dma_start3A_165 = arith.constant 0 : i32
      %dma_start3A_166 = tpu.memref_slice %arg6[%dma_start3A_164, %dma_start3A_165] : memref<20x100xi32, #tpu.memory_space<vmem>> -> memref<1x100xi32, #tpu.memory_space<vmem>>
      %dma_start3A_167 = tpu.memref_squeeze %dma_start3A_166 : memref<1x100xi32, #tpu.memory_space<vmem>> -> memref<100xi32, #tpu.memory_space<vmem>>
      %dma_start3A_168 = arith.constant 0 : i32
      %dma_start3A_169 = arith.constant 0 : i32
      %dma_start3A_170 = tpu.memref_slice %arg2[%dma_start3A_168, %dma_start3A_169] : memref<10000x128xf32, #tpu.memory_space<hbm>> -> memref<10000x128xf32, #tpu.memory_space<hbm>>
      tpu.enqueue_indirect_dma source(%dma_start3A_170 : memref<10000x128xf32, #tpu.memory_space<hbm>>) target(%arg9 : memref<100x128xf32, #tpu.memory_space<vmem>>) offsets(%dma_start3A_167 : memref<100xi32, #tpu.memory_space<vmem>>) semaphore(%arg13 : memref<!tpu.dma_semaphore, #tpu.memory_space<semaphore_mem>>)
      %dma_wait3A_171 = arith.constant 8 : i32
      %dma_wait3A_172 = arith.constant 0 : i32
      %dma_wait3A_173 = tpu.memref_slice %arg6[%dma_wait3A_171, %dma_wait3A_172] : memref<20x100xi32, #tpu.memory_space<vmem>> -> memref<1x100xi32, #tpu.memory_space<vmem>>
      %dma_wait3A_174 = tpu.memref_squeeze %dma_wait3A_173 : memref<1x100xi32, #tpu.memory_space<vmem>> -> memref<100xi32, #tpu.memory_space<vmem>>
      %dma_wait3A_175 = arith.constant 0 : i32
      %dma_wait3A_176 = arith.constant 0 : i32
      %dma_wait3A_177 = tpu.memref_slice %arg2[%dma_wait3A_175, %dma_wait3A_176] : memref<10000x128xf32, #tpu.memory_space<hbm>> -> memref<10000x128xf32, #tpu.memory_space<hbm>>
      tpu.wait_indirect_dma semaphore(%arg14 : memref<!tpu.dma_semaphore, #tpu.memory_space<semaphore_mem>>) src(%dma_wait3A_177 : memref<10000x128xf32, #tpu.memory_space<hbm>>) dst(%arg10 : memref<100x128xf32, #tpu.memory_space<vmem>>)
      %run_scoped3A_178 = arith.constant 8 : i32
      "tpu.region"() ({
        %run_scoped3A_330 = tpu.sem_alloc : memref<!tpu.dma_semaphore, #tpu.memory_space<semaphore_mem>>
        %dma_start3A_331 = arith.constant 0 : i32
        %dma_start3A_332 = tpu.memref_slice %arg7[%run_scoped3A_178, %dma_start3A_331] : memref<20x100xi32, #tpu.memory_space<vmem>> -> memref<1x100xi32, #tpu.memory_space<vmem>>
        %dma_start3A_333 = tpu.memref_squeeze %dma_start3A_332 : memref<1x100xi32, #tpu.memory_space<vmem>> -> memref<100xi32, #tpu.memory_space<vmem>>
        %dma_start3A_334 = arith.constant 0 : i32
        %dma_start3A_335 = arith.constant 0 : i32
        %dma_start3A_336 = tpu.memref_slice %arg11[%dma_start3A_334, %dma_start3A_335] : memref<10000x128xf32, #tpu.memory_space<vmem_shared>> -> memref<10000x128xf32, #tpu.memory_space<vmem_shared>>
        tpu.enqueue_indirect_dma source(%arg10 : memref<100x128xf32, #tpu.memory_space<vmem>>) target(%dma_start3A_336 : memref<10000x128xf32, #tpu.memory_space<vmem_shared>>) offsets(%dma_start3A_333 : memref<100xi32, #tpu.memory_space<vmem>>) semaphore(%run_scoped3A_330 : memref<!tpu.dma_semaphore, #tpu.memory_space<semaphore_mem>>) {add = true}
        %dma_wait3A_337 = arith.constant 0 : i32
        %dma_wait3A_338 = tpu.memref_slice %arg7[%run_scoped3A_178, %dma_wait3A_337] : memref<20x100xi32, #tpu.memory_space<vmem>> -> memref<1x100xi32, #tpu.memory_space<vmem>>
        %dma_wait3A_339 = tpu.memref_squeeze %dma_wait3A_338 : memref<1x100xi32, #tpu.memory_space<vmem>> -> memref<100xi32, #tpu.memory_space<vmem>>
        %dma_wait3A_340 = arith.constant 0 : i32
        %dma_wait3A_341 = arith.constant 0 : i32
        %dma_wait3A_342 = tpu.memref_slice %arg11[%dma_wait3A_340, %dma_wait3A_341] : memref<10000x128xf32, #tpu.memory_space<vmem_shared>> -> memref<10000x128xf32, #tpu.memory_space<vmem_shared>>
        tpu.wait_indirect_dma semaphore(%run_scoped3A_330 : memref<!tpu.dma_semaphore, #tpu.memory_space<semaphore_mem>>) src(%arg10 : memref<100x128xf32, #tpu.memory_space<vmem>>) dst(%dma_wait3A_342 : memref<10000x128xf32, #tpu.memory_space<vmem_shared>>)
        tpu.yield
      }) : () -> ()
      %dma_start3A_179 = arith.constant 11 : i32
      %dma_start3A_180 = arith.constant 0 : i32
      %dma_start3A_181 = tpu.memref_slice %arg6[%dma_start3A_179, %dma_start3A_180] : memref<20x100xi32, #tpu.memory_space<vmem>> -> memref<1x100xi32, #tpu.memory_space<vmem>>
      %dma_start3A_182 = tpu.memref_squeeze %dma_start3A_181 : memref<1x100xi32, #tpu.memory_space<vmem>> -> memref<100xi32, #tpu.memory_space<vmem>>
      %dma_start3A_183 = arith.constant 0 : i32
      %dma_start3A_184 = arith.constant 0 : i32
      %dma_start3A_185 = tpu.memref_slice %arg2[%dma_start3A_183, %dma_start3A_184] : memref<10000x128xf32, #tpu.memory_space<hbm>> -> memref<10000x128xf32, #tpu.memory_space<hbm>>
      tpu.enqueue_indirect_dma source(%dma_start3A_185 : memref<10000x128xf32, #tpu.memory_space<hbm>>) target(%arg10 : memref<100x128xf32, #tpu.memory_space<vmem>>) offsets(%dma_start3A_182 : memref<100xi32, #tpu.memory_space<vmem>>) semaphore(%arg14 : memref<!tpu.dma_semaphore, #tpu.memory_space<semaphore_mem>>)
      %dma_wait3A_186 = arith.constant 9 : i32
      %dma_wait3A_187 = arith.constant 0 : i32
      %dma_wait3A_188 = tpu.memref_slice %arg6[%dma_wait3A_186, %dma_wait3A_187] : memref<20x100xi32, #tpu.memory_space<vmem>> -> memref<1x100xi32, #tpu.memory_space<vmem>>
      %dma_wait3A_189 = tpu.memref_squeeze %dma_wait3A_188 : memref<1x100xi32, #tpu.memory_space<vmem>> -> memref<100xi32, #tpu.memory_space<vmem>>
      %dma_wait3A_190 = arith.constant 0 : i32
      %dma_wait3A_191 = arith.constant 0 : i32
      %dma_wait3A_192 = tpu.memref_slice %arg2[%dma_wait3A_190, %dma_wait3A_191] : memref<10000x128xf32, #tpu.memory_space<hbm>> -> memref<10000x128xf32, #tpu.memory_space<hbm>>
      tpu.wait_indirect_dma semaphore(%arg12 : memref<!tpu.dma_semaphore, #tpu.memory_space<semaphore_mem>>) src(%dma_wait3A_192 : memref<10000x128xf32, #tpu.memory_space<hbm>>) dst(%arg8 : memref<100x128xf32, #tpu.memory_space<vmem>>)
      %run_scoped3A_193 = arith.constant 9 : i32
      "tpu.region"() ({
        %run_scoped3A_330 = tpu.sem_alloc : memref<!tpu.dma_semaphore, #tpu.memory_space<semaphore_mem>>
        %dma_start3A_331 = arith.constant 0 : i32
        %dma_start3A_332 = tpu.memref_slice %arg7[%run_scoped3A_193, %dma_start3A_331] : memref<20x100xi32, #tpu.memory_space<vmem>> -> memref<1x100xi32, #tpu.memory_space<vmem>>
        %dma_start3A_333 = tpu.memref_squeeze %dma_start3A_332 : memref<1x100xi32, #tpu.memory_space<vmem>> -> memref<100xi32, #tpu.memory_space<vmem>>
        %dma_start3A_334 = arith.constant 0 : i32
        %dma_start3A_335 = arith.constant 0 : i32
        %dma_start3A_336 = tpu.memref_slice %arg11[%dma_start3A_334, %dma_start3A_335] : memref<10000x128xf32, #tpu.memory_space<vmem_shared>> -> memref<10000x128xf32, #tpu.memory_space<vmem_shared>>
        tpu.enqueue_indirect_dma source(%arg8 : memref<100x128xf32, #tpu.memory_space<vmem>>) target(%dma_start3A_336 : memref<10000x128xf32, #tpu.memory_space<vmem_shared>>) offsets(%dma_start3A_333 : memref<100xi32, #tpu.memory_space<vmem>>) semaphore(%run_scoped3A_330 : memref<!tpu.dma_semaphore, #tpu.memory_space<semaphore_mem>>) {add = true}
        %dma_wait3A_337 = arith.constant 0 : i32
        %dma_wait3A_338 = tpu.memref_slice %arg7[%run_scoped3A_193, %dma_wait3A_337] : memref<20x100xi32, #tpu.memory_space<vmem>> -> memref<1x100xi32, #tpu.memory_space<vmem>>
        %dma_wait3A_339 = tpu.memref_squeeze %dma_wait3A_338 : memref<1x100xi32, #tpu.memory_space<vmem>> -> memref<100xi32, #tpu.memory_space<vmem>>
        %dma_wait3A_340 = arith.constant 0 : i32
        %dma_wait3A_341 = arith.constant 0 : i32
        %dma_wait3A_342 = tpu.memref_slice %arg11[%dma_wait3A_340, %dma_wait3A_341] : memref<10000x128xf32, #tpu.memory_space<vmem_shared>> -> memref<10000x128xf32, #tpu.memory_space<vmem_shared>>
        tpu.wait_indirect_dma semaphore(%run_scoped3A_330 : memref<!tpu.dma_semaphore, #tpu.memory_space<semaphore_mem>>) src(%arg8 : memref<100x128xf32, #tpu.memory_space<vmem>>) dst(%dma_wait3A_342 : memref<10000x128xf32, #tpu.memory_space<vmem_shared>>)
        tpu.yield
      }) : () -> ()
      %dma_start3A_194 = arith.constant 12 : i32
      %dma_start3A_195 = arith.constant 0 : i32
      %dma_start3A_196 = tpu.memref_slice %arg6[%dma_start3A_194, %dma_start3A_195] : memref<20x100xi32, #tpu.memory_space<vmem>> -> memref<1x100xi32, #tpu.memory_space<vmem>>
      %dma_start3A_197 = tpu.memref_squeeze %dma_start3A_196 : memref<1x100xi32, #tpu.memory_space<vmem>> -> memref<100xi32, #tpu.memory_space<vmem>>
      %dma_start3A_198 = arith.constant 0 : i32
      %dma_start3A_199 = arith.constant 0 : i32
      %dma_start3A_200 = tpu.memref_slice %arg2[%dma_start3A_198, %dma_start3A_199] : memref<10000x128xf32, #tpu.memory_space<hbm>> -> memref<10000x128xf32, #tpu.memory_space<hbm>>
      tpu.enqueue_indirect_dma source(%dma_start3A_200 : memref<10000x128xf32, #tpu.memory_space<hbm>>) target(%arg8 : memref<100x128xf32, #tpu.memory_space<vmem>>) offsets(%dma_start3A_197 : memref<100xi32, #tpu.memory_space<vmem>>) semaphore(%arg12 : memref<!tpu.dma_semaphore, #tpu.memory_space<semaphore_mem>>)
      %dma_wait3A_201 = arith.constant 10 : i32
      %dma_wait3A_202 = arith.constant 0 : i32
      %dma_wait3A_203 = tpu.memref_slice %arg6[%dma_wait3A_201, %dma_wait3A_202] : memref<20x100xi32, #tpu.memory_space<vmem>> -> memref<1x100xi32, #tpu.memory_space<vmem>>
      %dma_wait3A_204 = tpu.memref_squeeze %dma_wait3A_203 : memref<1x100xi32, #tpu.memory_space<vmem>> -> memref<100xi32, #tpu.memory_space<vmem>>
      %dma_wait3A_205 = arith.constant 0 : i32
      %dma_wait3A_206 = arith.constant 0 : i32
      %dma_wait3A_207 = tpu.memref_slice %arg2[%dma_wait3A_205, %dma_wait3A_206] : memref<10000x128xf32, #tpu.memory_space<hbm>> -> memref<10000x128xf32, #tpu.memory_space<hbm>>
      tpu.wait_indirect_dma semaphore(%arg13 : memref<!tpu.dma_semaphore, #tpu.memory_space<semaphore_mem>>) src(%dma_wait3A_207 : memref<10000x128xf32, #tpu.memory_space<hbm>>) dst(%arg9 : memref<100x128xf32, #tpu.memory_space<vmem>>)
      %run_scoped3A_208 = arith.constant 10 : i32
      "tpu.region"() ({
        %run_scoped3A_330 = tpu.sem_alloc : memref<!tpu.dma_semaphore, #tpu.memory_space<semaphore_mem>>
        %dma_start3A_331 = arith.constant 0 : i32
        %dma_start3A_332 = tpu.memref_slice %arg7[%run_scoped3A_208, %dma_start3A_331] : memref<20x100xi32, #tpu.memory_space<vmem>> -> memref<1x100xi32, #tpu.memory_space<vmem>>
        %dma_start3A_333 = tpu.memref_squeeze %dma_start3A_332 : memref<1x100xi32, #tpu.memory_space<vmem>> -> memref<100xi32, #tpu.memory_space<vmem>>
        %dma_start3A_334 = arith.constant 0 : i32
        %dma_start3A_335 = arith.constant 0 : i32
        %dma_start3A_336 = tpu.memref_slice %arg11[%dma_start3A_334, %dma_start3A_335] : memref<10000x128xf32, #tpu.memory_space<vmem_shared>> -> memref<10000x128xf32, #tpu.memory_space<vmem_shared>>
        tpu.enqueue_indirect_dma source(%arg9 : memref<100x128xf32, #tpu.memory_space<vmem>>) target(%dma_start3A_336 : memref<10000x128xf32, #tpu.memory_space<vmem_shared>>) offsets(%dma_start3A_333 : memref<100xi32, #tpu.memory_space<vmem>>) semaphore(%run_scoped3A_330 : memref<!tpu.dma_semaphore, #tpu.memory_space<semaphore_mem>>) {add = true}
        %dma_wait3A_337 = arith.constant 0 : i32
        %dma_wait3A_338 = tpu.memref_slice %arg7[%run_scoped3A_208, %dma_wait3A_337] : memref<20x100xi32, #tpu.memory_space<vmem>> -> memref<1x100xi32, #tpu.memory_space<vmem>>
        %dma_wait3A_339 = tpu.memref_squeeze %dma_wait3A_338 : memref<1x100xi32, #tpu.memory_space<vmem>> -> memref<100xi32, #tpu.memory_space<vmem>>
        %dma_wait3A_340 = arith.constant 0 : i32
        %dma_wait3A_341 = arith.constant 0 : i32
        %dma_wait3A_342 = tpu.memref_slice %arg11[%dma_wait3A_340, %dma_wait3A_341] : memref<10000x128xf32, #tpu.memory_space<vmem_shared>> -> memref<10000x128xf32, #tpu.memory_space<vmem_shared>>
        tpu.wait_indirect_dma semaphore(%run_scoped3A_330 : memref<!tpu.dma_semaphore, #tpu.memory_space<semaphore_mem>>) src(%arg9 : memref<100x128xf32, #tpu.memory_space<vmem>>) dst(%dma_wait3A_342 : memref<10000x128xf32, #tpu.memory_space<vmem_shared>>)
        tpu.yield
      }) : () -> ()
      %dma_start3A_209 = arith.constant 13 : i32
      %dma_start3A_210 = arith.constant 0 : i32
      %dma_start3A_211 = tpu.memref_slice %arg6[%dma_start3A_209, %dma_start3A_210] : memref<20x100xi32, #tpu.memory_space<vmem>> -> memref<1x100xi32, #tpu.memory_space<vmem>>
      %dma_start3A_212 = tpu.memref_squeeze %dma_start3A_211 : memref<1x100xi32, #tpu.memory_space<vmem>> -> memref<100xi32, #tpu.memory_space<vmem>>
      %dma_start3A_213 = arith.constant 0 : i32
      %dma_start3A_214 = arith.constant 0 : i32
      %dma_start3A_215 = tpu.memref_slice %arg2[%dma_start3A_213, %dma_start3A_214] : memref<10000x128xf32, #tpu.memory_space<hbm>> -> memref<10000x128xf32, #tpu.memory_space<hbm>>
      tpu.enqueue_indirect_dma source(%dma_start3A_215 : memref<10000x128xf32, #tpu.memory_space<hbm>>) target(%arg9 : memref<100x128xf32, #tpu.memory_space<vmem>>) offsets(%dma_start3A_212 : memref<100xi32, #tpu.memory_space<vmem>>) semaphore(%arg13 : memref<!tpu.dma_semaphore, #tpu.memory_space<semaphore_mem>>)
      %dma_wait3A_216 = arith.constant 11 : i32
      %dma_wait3A_217 = arith.constant 0 : i32
      %dma_wait3A_218 = tpu.memref_slice %arg6[%dma_wait3A_216, %dma_wait3A_217] : memref<20x100xi32, #tpu.memory_space<vmem>> -> memref<1x100xi32, #tpu.memory_space<vmem>>
      %dma_wait3A_219 = tpu.memref_squeeze %dma_wait3A_218 : memref<1x100xi32, #tpu.memory_space<vmem>> -> memref<100xi32, #tpu.memory_space<vmem>>
      %dma_wait3A_220 = arith.constant 0 : i32
      %dma_wait3A_221 = arith.constant 0 : i32
      %dma_wait3A_222 = tpu.memref_slice %arg2[%dma_wait3A_220, %dma_wait3A_221] : memref<10000x128xf32, #tpu.memory_space<hbm>> -> memref<10000x128xf32, #tpu.memory_space<hbm>>
      tpu.wait_indirect_dma semaphore(%arg14 : memref<!tpu.dma_semaphore, #tpu.memory_space<semaphore_mem>>) src(%dma_wait3A_222 : memref<10000x128xf32, #tpu.memory_space<hbm>>) dst(%arg10 : memref<100x128xf32, #tpu.memory_space<vmem>>)
      %run_scoped3A_223 = arith.constant 11 : i32
      "tpu.region"() ({
        %run_scoped3A_330 = tpu.sem_alloc : memref<!tpu.dma_semaphore, #tpu.memory_space<semaphore_mem>>
        %dma_start3A_331 = arith.constant 0 : i32
        %dma_start3A_332 = tpu.memref_slice %arg7[%run_scoped3A_223, %dma_start3A_331] : memref<20x100xi32, #tpu.memory_space<vmem>> -> memref<1x100xi32, #tpu.memory_space<vmem>>
        %dma_start3A_333 = tpu.memref_squeeze %dma_start3A_332 : memref<1x100xi32, #tpu.memory_space<vmem>> -> memref<100xi32, #tpu.memory_space<vmem>>
        %dma_start3A_334 = arith.constant 0 : i32
        %dma_start3A_335 = arith.constant 0 : i32
        %dma_start3A_336 = tpu.memref_slice %arg11[%dma_start3A_334, %dma_start3A_335] : memref<10000x128xf32, #tpu.memory_space<vmem_shared>> -> memref<10000x128xf32, #tpu.memory_space<vmem_shared>>
        tpu.enqueue_indirect_dma source(%arg10 : memref<100x128xf32, #tpu.memory_space<vmem>>) target(%dma_start3A_336 : memref<10000x128xf32, #tpu.memory_space<vmem_shared>>) offsets(%dma_start3A_333 : memref<100xi32, #tpu.memory_space<vmem>>) semaphore(%run_scoped3A_330 : memref<!tpu.dma_semaphore, #tpu.memory_space<semaphore_mem>>) {add = true}
        %dma_wait3A_337 = arith.constant 0 : i32
        %dma_wait3A_338 = tpu.memref_slice %arg7[%run_scoped3A_223, %dma_wait3A_337] : memref<20x100xi32, #tpu.memory_space<vmem>> -> memref<1x100xi32, #tpu.memory_space<vmem>>
        %dma_wait3A_339 = tpu.memref_squeeze %dma_wait3A_338 : memref<1x100xi32, #tpu.memory_space<vmem>> -> memref<100xi32, #tpu.memory_space<vmem>>
        %dma_wait3A_340 = arith.constant 0 : i32
        %dma_wait3A_341 = arith.constant 0 : i32
        %dma_wait3A_342 = tpu.memref_slice %arg11[%dma_wait3A_340, %dma_wait3A_341] : memref<10000x128xf32, #tpu.memory_space<vmem_shared>> -> memref<10000x128xf32, #tpu.memory_space<vmem_shared>>
        tpu.wait_indirect_dma semaphore(%run_scoped3A_330 : memref<!tpu.dma_semaphore, #tpu.memory_space<semaphore_mem>>) src(%arg10 : memref<100x128xf32, #tpu.memory_space<vmem>>) dst(%dma_wait3A_342 : memref<10000x128xf32, #tpu.memory_space<vmem_shared>>)
        tpu.yield
      }) : () -> ()
      %dma_start3A_224 = arith.constant 14 : i32
      %dma_start3A_225 = arith.constant 0 : i32
      %dma_start3A_226 = tpu.memref_slice %arg6[%dma_start3A_224, %dma_start3A_225] : memref<20x100xi32, #tpu.memory_space<vmem>> -> memref<1x100xi32, #tpu.memory_space<vmem>>
      %dma_start3A_227 = tpu.memref_squeeze %dma_start3A_226 : memref<1x100xi32, #tpu.memory_space<vmem>> -> memref<100xi32, #tpu.memory_space<vmem>>
      %dma_start3A_228 = arith.constant 0 : i32
      %dma_start3A_229 = arith.constant 0 : i32
      %dma_start3A_230 = tpu.memref_slice %arg2[%dma_start3A_228, %dma_start3A_229] : memref<10000x128xf32, #tpu.memory_space<hbm>> -> memref<10000x128xf32, #tpu.memory_space<hbm>>
      tpu.enqueue_indirect_dma source(%dma_start3A_230 : memref<10000x128xf32, #tpu.memory_space<hbm>>) target(%arg10 : memref<100x128xf32, #tpu.memory_space<vmem>>) offsets(%dma_start3A_227 : memref<100xi32, #tpu.memory_space<vmem>>) semaphore(%arg14 : memref<!tpu.dma_semaphore, #tpu.memory_space<semaphore_mem>>)
      %dma_wait3A_231 = arith.constant 12 : i32
      %dma_wait3A_232 = arith.constant 0 : i32
      %dma_wait3A_233 = tpu.memref_slice %arg6[%dma_wait3A_231, %dma_wait3A_232] : memref<20x100xi32, #tpu.memory_space<vmem>> -> memref<1x100xi32, #tpu.memory_space<vmem>>
      %dma_wait3A_234 = tpu.memref_squeeze %dma_wait3A_233 : memref<1x100xi32, #tpu.memory_space<vmem>> -> memref<100xi32, #tpu.memory_space<vmem>>
      %dma_wait3A_235 = arith.constant 0 : i32
      %dma_wait3A_236 = arith.constant 0 : i32
      %dma_wait3A_237 = tpu.memref_slice %arg2[%dma_wait3A_235, %dma_wait3A_236] : memref<10000x128xf32, #tpu.memory_space<hbm>> -> memref<10000x128xf32, #tpu.memory_space<hbm>>
      tpu.wait_indirect_dma semaphore(%arg12 : memref<!tpu.dma_semaphore, #tpu.memory_space<semaphore_mem>>) src(%dma_wait3A_237 : memref<10000x128xf32, #tpu.memory_space<hbm>>) dst(%arg8 : memref<100x128xf32, #tpu.memory_space<vmem>>)
      %run_scoped3A_238 = arith.constant 12 : i32
      "tpu.region"() ({
        %run_scoped3A_330 = tpu.sem_alloc : memref<!tpu.dma_semaphore, #tpu.memory_space<semaphore_mem>>
        %dma_start3A_331 = arith.constant 0 : i32
        %dma_start3A_332 = tpu.memref_slice %arg7[%run_scoped3A_238, %dma_start3A_331] : memref<20x100xi32, #tpu.memory_space<vmem>> -> memref<1x100xi32, #tpu.memory_space<vmem>>
        %dma_start3A_333 = tpu.memref_squeeze %dma_start3A_332 : memref<1x100xi32, #tpu.memory_space<vmem>> -> memref<100xi32, #tpu.memory_space<vmem>>
        %dma_start3A_334 = arith.constant 0 : i32
        %dma_start3A_335 = arith.constant 0 : i32
        %dma_start3A_336 = tpu.memref_slice %arg11[%dma_start3A_334, %dma_start3A_335] : memref<10000x128xf32, #tpu.memory_space<vmem_shared>> -> memref<10000x128xf32, #tpu.memory_space<vmem_shared>>
        tpu.enqueue_indirect_dma source(%arg8 : memref<100x128xf32, #tpu.memory_space<vmem>>) target(%dma_start3A_336 : memref<10000x128xf32, #tpu.memory_space<vmem_shared>>) offsets(%dma_start3A_333 : memref<100xi32, #tpu.memory_space<vmem>>) semaphore(%run_scoped3A_330 : memref<!tpu.dma_semaphore, #tpu.memory_space<semaphore_mem>>) {add = true}
        %dma_wait3A_337 = arith.constant 0 : i32
        %dma_wait3A_338 = tpu.memref_slice %arg7[%run_scoped3A_238, %dma_wait3A_337] : memref<20x100xi32, #tpu.memory_space<vmem>> -> memref<1x100xi32, #tpu.memory_space<vmem>>
        %dma_wait3A_339 = tpu.memref_squeeze %dma_wait3A_338 : memref<1x100xi32, #tpu.memory_space<vmem>> -> memref<100xi32, #tpu.memory_space<vmem>>
        %dma_wait3A_340 = arith.constant 0 : i32
        %dma_wait3A_341 = arith.constant 0 : i32
        %dma_wait3A_342 = tpu.memref_slice %arg11[%dma_wait3A_340, %dma_wait3A_341] : memref<10000x128xf32, #tpu.memory_space<vmem_shared>> -> memref<10000x128xf32, #tpu.memory_space<vmem_shared>>
        tpu.wait_indirect_dma semaphore(%run_scoped3A_330 : memref<!tpu.dma_semaphore, #tpu.memory_space<semaphore_mem>>) src(%arg8 : memref<100x128xf32, #tpu.memory_space<vmem>>) dst(%dma_wait3A_342 : memref<10000x128xf32, #tpu.memory_space<vmem_shared>>)
        tpu.yield
      }) : () -> ()
      %dma_start3A_239 = arith.constant 15 : i32
      %dma_start3A_240 = arith.constant 0 : i32
      %dma_start3A_241 = tpu.memref_slice %arg6[%dma_start3A_239, %dma_start3A_240] : memref<20x100xi32, #tpu.memory_space<vmem>> -> memref<1x100xi32, #tpu.memory_space<vmem>>
      %dma_start3A_242 = tpu.memref_squeeze %dma_start3A_241 : memref<1x100xi32, #tpu.memory_space<vmem>> -> memref<100xi32, #tpu.memory_space<vmem>>
      %dma_start3A_243 = arith.constant 0 : i32
      %dma_start3A_244 = arith.constant 0 : i32
      %dma_start3A_245 = tpu.memref_slice %arg2[%dma_start3A_243, %dma_start3A_244] : memref<10000x128xf32, #tpu.memory_space<hbm>> -> memref<10000x128xf32, #tpu.memory_space<hbm>>
      tpu.enqueue_indirect_dma source(%dma_start3A_245 : memref<10000x128xf32, #tpu.memory_space<hbm>>) target(%arg8 : memref<100x128xf32, #tpu.memory_space<vmem>>) offsets(%dma_start3A_242 : memref<100xi32, #tpu.memory_space<vmem>>) semaphore(%arg12 : memref<!tpu.dma_semaphore, #tpu.memory_space<semaphore_mem>>)
      %dma_wait3A_246 = arith.constant 13 : i32
      %dma_wait3A_247 = arith.constant 0 : i32
      %dma_wait3A_248 = tpu.memref_slice %arg6[%dma_wait3A_246, %dma_wait3A_247] : memref<20x100xi32, #tpu.memory_space<vmem>> -> memref<1x100xi32, #tpu.memory_space<vmem>>
      %dma_wait3A_249 = tpu.memref_squeeze %dma_wait3A_248 : memref<1x100xi32, #tpu.memory_space<vmem>> -> memref<100xi32, #tpu.memory_space<vmem>>
      %dma_wait3A_250 = arith.constant 0 : i32
      %dma_wait3A_251 = arith.constant 0 : i32
      %dma_wait3A_252 = tpu.memref_slice %arg2[%dma_wait3A_250, %dma_wait3A_251] : memref<10000x128xf32, #tpu.memory_space<hbm>> -> memref<10000x128xf32, #tpu.memory_space<hbm>>
      tpu.wait_indirect_dma semaphore(%arg13 : memref<!tpu.dma_semaphore, #tpu.memory_space<semaphore_mem>>) src(%dma_wait3A_252 : memref<10000x128xf32, #tpu.memory_space<hbm>>) dst(%arg9 : memref<100x128xf32, #tpu.memory_space<vmem>>)
      %run_scoped3A_253 = arith.constant 13 : i32
      "tpu.region"() ({
        %run_scoped3A_330 = tpu.sem_alloc : memref<!tpu.dma_semaphore, #tpu.memory_space<semaphore_mem>>
        %dma_start3A_331 = arith.constant 0 : i32
        %dma_start3A_332 = tpu.memref_slice %arg7[%run_scoped3A_253, %dma_start3A_331] : memref<20x100xi32, #tpu.memory_space<vmem>> -> memref<1x100xi32, #tpu.memory_space<vmem>>
        %dma_start3A_333 = tpu.memref_squeeze %dma_start3A_332 : memref<1x100xi32, #tpu.memory_space<vmem>> -> memref<100xi32, #tpu.memory_space<vmem>>
        %dma_start3A_334 = arith.constant 0 : i32
        %dma_start3A_335 = arith.constant 0 : i32
        %dma_start3A_336 = tpu.memref_slice %arg11[%dma_start3A_334, %dma_start3A_335] : memref<10000x128xf32, #tpu.memory_space<vmem_shared>> -> memref<10000x128xf32, #tpu.memory_space<vmem_shared>>
        tpu.enqueue_indirect_dma source(%arg9 : memref<100x128xf32, #tpu.memory_space<vmem>>) target(%dma_start3A_336 : memref<10000x128xf32, #tpu.memory_space<vmem_shared>>) offsets(%dma_start3A_333 : memref<100xi32, #tpu.memory_space<vmem>>) semaphore(%run_scoped3A_330 : memref<!tpu.dma_semaphore, #tpu.memory_space<semaphore_mem>>) {add = true}
        %dma_wait3A_337 = arith.constant 0 : i32
        %dma_wait3A_338 = tpu.memref_slice %arg7[%run_scoped3A_253, %dma_wait3A_337] : memref<20x100xi32, #tpu.memory_space<vmem>> -> memref<1x100xi32, #tpu.memory_space<vmem>>
        %dma_wait3A_339 = tpu.memref_squeeze %dma_wait3A_338 : memref<1x100xi32, #tpu.memory_space<vmem>> -> memref<100xi32, #tpu.memory_space<vmem>>
        %dma_wait3A_340 = arith.constant 0 : i32
        %dma_wait3A_341 = arith.constant 0 : i32
        %dma_wait3A_342 = tpu.memref_slice %arg11[%dma_wait3A_340, %dma_wait3A_341] : memref<10000x128xf32, #tpu.memory_space<vmem_shared>> -> memref<10000x128xf32, #tpu.memory_space<vmem_shared>>
        tpu.wait_indirect_dma semaphore(%run_scoped3A_330 : memref<!tpu.dma_semaphore, #tpu.memory_space<semaphore_mem>>) src(%arg9 : memref<100x128xf32, #tpu.memory_space<vmem>>) dst(%dma_wait3A_342 : memref<10000x128xf32, #tpu.memory_space<vmem_shared>>)
        tpu.yield
      }) : () -> ()
      %dma_start3A_254 = arith.constant 16 : i32
      %dma_start3A_255 = arith.constant 0 : i32
      %dma_start3A_256 = tpu.memref_slice %arg6[%dma_start3A_254, %dma_start3A_255] : memref<20x100xi32, #tpu.memory_space<vmem>> -> memref<1x100xi32, #tpu.memory_space<vmem>>
      %dma_start3A_257 = tpu.memref_squeeze %dma_start3A_256 : memref<1x100xi32, #tpu.memory_space<vmem>> -> memref<100xi32, #tpu.memory_space<vmem>>
      %dma_start3A_258 = arith.constant 0 : i32
      %dma_start3A_259 = arith.constant 0 : i32
      %dma_start3A_260 = tpu.memref_slice %arg2[%dma_start3A_258, %dma_start3A_259] : memref<10000x128xf32, #tpu.memory_space<hbm>> -> memref<10000x128xf32, #tpu.memory_space<hbm>>
      tpu.enqueue_indirect_dma source(%dma_start3A_260 : memref<10000x128xf32, #tpu.memory_space<hbm>>) target(%arg9 : memref<100x128xf32, #tpu.memory_space<vmem>>) offsets(%dma_start3A_257 : memref<100xi32, #tpu.memory_space<vmem>>) semaphore(%arg13 : memref<!tpu.dma_semaphore, #tpu.memory_space<semaphore_mem>>)
      %dma_wait3A_261 = arith.constant 14 : i32
      %dma_wait3A_262 = arith.constant 0 : i32
      %dma_wait3A_263 = tpu.memref_slice %arg6[%dma_wait3A_261, %dma_wait3A_262] : memref<20x100xi32, #tpu.memory_space<vmem>> -> memref<1x100xi32, #tpu.memory_space<vmem>>
      %dma_wait3A_264 = tpu.memref_squeeze %dma_wait3A_263 : memref<1x100xi32, #tpu.memory_space<vmem>> -> memref<100xi32, #tpu.memory_space<vmem>>
      %dma_wait3A_265 = arith.constant 0 : i32
      %dma_wait3A_266 = arith.constant 0 : i32
      %dma_wait3A_267 = tpu.memref_slice %arg2[%dma_wait3A_265, %dma_wait3A_266] : memref<10000x128xf32, #tpu.memory_space<hbm>> -> memref<10000x128xf32, #tpu.memory_space<hbm>>
      tpu.wait_indirect_dma semaphore(%arg14 : memref<!tpu.dma_semaphore, #tpu.memory_space<semaphore_mem>>) src(%dma_wait3A_267 : memref<10000x128xf32, #tpu.memory_space<hbm>>) dst(%arg10 : memref<100x128xf32, #tpu.memory_space<vmem>>)
      %run_scoped3A_268 = arith.constant 14 : i32
      "tpu.region"() ({
        %run_scoped3A_330 = tpu.sem_alloc : memref<!tpu.dma_semaphore, #tpu.memory_space<semaphore_mem>>
        %dma_start3A_331 = arith.constant 0 : i32
        %dma_start3A_332 = tpu.memref_slice %arg7[%run_scoped3A_268, %dma_start3A_331] : memref<20x100xi32, #tpu.memory_space<vmem>> -> memref<1x100xi32, #tpu.memory_space<vmem>>
        %dma_start3A_333 = tpu.memref_squeeze %dma_start3A_332 : memref<1x100xi32, #tpu.memory_space<vmem>> -> memref<100xi32, #tpu.memory_space<vmem>>
        %dma_start3A_334 = arith.constant 0 : i32
        %dma_start3A_335 = arith.constant 0 : i32
        %dma_start3A_336 = tpu.memref_slice %arg11[%dma_start3A_334, %dma_start3A_335] : memref<10000x128xf32, #tpu.memory_space<vmem_shared>> -> memref<10000x128xf32, #tpu.memory_space<vmem_shared>>
        tpu.enqueue_indirect_dma source(%arg10 : memref<100x128xf32, #tpu.memory_space<vmem>>) target(%dma_start3A_336 : memref<10000x128xf32, #tpu.memory_space<vmem_shared>>) offsets(%dma_start3A_333 : memref<100xi32, #tpu.memory_space<vmem>>) semaphore(%run_scoped3A_330 : memref<!tpu.dma_semaphore, #tpu.memory_space<semaphore_mem>>) {add = true}
        %dma_wait3A_337 = arith.constant 0 : i32
        %dma_wait3A_338 = tpu.memref_slice %arg7[%run_scoped3A_268, %dma_wait3A_337] : memref<20x100xi32, #tpu.memory_space<vmem>> -> memref<1x100xi32, #tpu.memory_space<vmem>>
        %dma_wait3A_339 = tpu.memref_squeeze %dma_wait3A_338 : memref<1x100xi32, #tpu.memory_space<vmem>> -> memref<100xi32, #tpu.memory_space<vmem>>
        %dma_wait3A_340 = arith.constant 0 : i32
        %dma_wait3A_341 = arith.constant 0 : i32
        %dma_wait3A_342 = tpu.memref_slice %arg11[%dma_wait3A_340, %dma_wait3A_341] : memref<10000x128xf32, #tpu.memory_space<vmem_shared>> -> memref<10000x128xf32, #tpu.memory_space<vmem_shared>>
        tpu.wait_indirect_dma semaphore(%run_scoped3A_330 : memref<!tpu.dma_semaphore, #tpu.memory_space<semaphore_mem>>) src(%arg10 : memref<100x128xf32, #tpu.memory_space<vmem>>) dst(%dma_wait3A_342 : memref<10000x128xf32, #tpu.memory_space<vmem_shared>>)
        tpu.yield
      }) : () -> ()
      %dma_start3A_269 = arith.constant 17 : i32
      %dma_start3A_270 = arith.constant 0 : i32
      %dma_start3A_271 = tpu.memref_slice %arg6[%dma_start3A_269, %dma_start3A_270] : memref<20x100xi32, #tpu.memory_space<vmem>> -> memref<1x100xi32, #tpu.memory_space<vmem>>
      %dma_start3A_272 = tpu.memref_squeeze %dma_start3A_271 : memref<1x100xi32, #tpu.memory_space<vmem>> -> memref<100xi32, #tpu.memory_space<vmem>>
      %dma_start3A_273 = arith.constant 0 : i32
      %dma_start3A_274 = arith.constant 0 : i32
      %dma_start3A_275 = tpu.memref_slice %arg2[%dma_start3A_273, %dma_start3A_274] : memref<10000x128xf32, #tpu.memory_space<hbm>> -> memref<10000x128xf32, #tpu.memory_space<hbm>>
      tpu.enqueue_indirect_dma source(%dma_start3A_275 : memref<10000x128xf32, #tpu.memory_space<hbm>>) target(%arg10 : memref<100x128xf32, #tpu.memory_space<vmem>>) offsets(%dma_start3A_272 : memref<100xi32, #tpu.memory_space<vmem>>) semaphore(%arg14 : memref<!tpu.dma_semaphore, #tpu.memory_space<semaphore_mem>>)
      %dma_wait3A_276 = arith.constant 15 : i32
      %dma_wait3A_277 = arith.constant 0 : i32
      %dma_wait3A_278 = tpu.memref_slice %arg6[%dma_wait3A_276, %dma_wait3A_277] : memref<20x100xi32, #tpu.memory_space<vmem>> -> memref<1x100xi32, #tpu.memory_space<vmem>>
      %dma_wait3A_279 = tpu.memref_squeeze %dma_wait3A_278 : memref<1x100xi32, #tpu.memory_space<vmem>> -> memref<100xi32, #tpu.memory_space<vmem>>
      %dma_wait3A_280 = arith.constant 0 : i32
      %dma_wait3A_281 = arith.constant 0 : i32
      %dma_wait3A_282 = tpu.memref_slice %arg2[%dma_wait3A_280, %dma_wait3A_281] : memref<10000x128xf32, #tpu.memory_space<hbm>> -> memref<10000x128xf32, #tpu.memory_space<hbm>>
      tpu.wait_indirect_dma semaphore(%arg12 : memref<!tpu.dma_semaphore, #tpu.memory_space<semaphore_mem>>) src(%dma_wait3A_282 : memref<10000x128xf32, #tpu.memory_space<hbm>>) dst(%arg8 : memref<100x128xf32, #tpu.memory_space<vmem>>)
      %run_scoped3A_283 = arith.constant 15 : i32
      "tpu.region"() ({
        %run_scoped3A_330 = tpu.sem_alloc : memref<!tpu.dma_semaphore, #tpu.memory_space<semaphore_mem>>
        %dma_start3A_331 = arith.constant 0 : i32
        %dma_start3A_332 = tpu.memref_slice %arg7[%run_scoped3A_283, %dma_start3A_331] : memref<20x100xi32, #tpu.memory_space<vmem>> -> memref<1x100xi32, #tpu.memory_space<vmem>>
        %dma_start3A_333 = tpu.memref_squeeze %dma_start3A_332 : memref<1x100xi32, #tpu.memory_space<vmem>> -> memref<100xi32, #tpu.memory_space<vmem>>
        %dma_start3A_334 = arith.constant 0 : i32
        %dma_start3A_335 = arith.constant 0 : i32
        %dma_start3A_336 = tpu.memref_slice %arg11[%dma_start3A_334, %dma_start3A_335] : memref<10000x128xf32, #tpu.memory_space<vmem_shared>> -> memref<10000x128xf32, #tpu.memory_space<vmem_shared>>
        tpu.enqueue_indirect_dma source(%arg8 : memref<100x128xf32, #tpu.memory_space<vmem>>) target(%dma_start3A_336 : memref<10000x128xf32, #tpu.memory_space<vmem_shared>>) offsets(%dma_start3A_333 : memref<100xi32, #tpu.memory_space<vmem>>) semaphore(%run_scoped3A_330 : memref<!tpu.dma_semaphore, #tpu.memory_space<semaphore_mem>>) {add = true}
        %dma_wait3A_337 = arith.constant 0 : i32
        %dma_wait3A_338 = tpu.memref_slice %arg7[%run_scoped3A_283, %dma_wait3A_337] : memref<20x100xi32, #tpu.memory_space<vmem>> -> memref<1x100xi32, #tpu.memory_space<vmem>>
        %dma_wait3A_339 = tpu.memref_squeeze %dma_wait3A_338 : memref<1x100xi32, #tpu.memory_space<vmem>> -> memref<100xi32, #tpu.memory_space<vmem>>
        %dma_wait3A_340 = arith.constant 0 : i32
        %dma_wait3A_341 = arith.constant 0 : i32
        %dma_wait3A_342 = tpu.memref_slice %arg11[%dma_wait3A_340, %dma_wait3A_341] : memref<10000x128xf32, #tpu.memory_space<vmem_shared>> -> memref<10000x128xf32, #tpu.memory_space<vmem_shared>>
        tpu.wait_indirect_dma semaphore(%run_scoped3A_330 : memref<!tpu.dma_semaphore, #tpu.memory_space<semaphore_mem>>) src(%arg8 : memref<100x128xf32, #tpu.memory_space<vmem>>) dst(%dma_wait3A_342 : memref<10000x128xf32, #tpu.memory_space<vmem_shared>>)
        tpu.yield
      }) : () -> ()
      %dma_start3A_284 = arith.constant 18 : i32
      %dma_start3A_285 = arith.constant 0 : i32
      %dma_start3A_286 = tpu.memref_slice %arg6[%dma_start3A_284, %dma_start3A_285] : memref<20x100xi32, #tpu.memory_space<vmem>> -> memref<1x100xi32, #tpu.memory_space<vmem>>
      %dma_start3A_287 = tpu.memref_squeeze %dma_start3A_286 : memref<1x100xi32, #tpu.memory_space<vmem>> -> memref<100xi32, #tpu.memory_space<vmem>>
      %dma_start3A_288 = arith.constant 0 : i32
      %dma_start3A_289 = arith.constant 0 : i32
      %dma_start3A_290 = tpu.memref_slice %arg2[%dma_start3A_288, %dma_start3A_289] : memref<10000x128xf32, #tpu.memory_space<hbm>> -> memref<10000x128xf32, #tpu.memory_space<hbm>>
      tpu.enqueue_indirect_dma source(%dma_start3A_290 : memref<10000x128xf32, #tpu.memory_space<hbm>>) target(%arg8 : memref<100x128xf32, #tpu.memory_space<vmem>>) offsets(%dma_start3A_287 : memref<100xi32, #tpu.memory_space<vmem>>) semaphore(%arg12 : memref<!tpu.dma_semaphore, #tpu.memory_space<semaphore_mem>>)
      %dma_wait3A_291 = arith.constant 16 : i32
      %dma_wait3A_292 = arith.constant 0 : i32
      %dma_wait3A_293 = tpu.memref_slice %arg6[%dma_wait3A_291, %dma_wait3A_292] : memref<20x100xi32, #tpu.memory_space<vmem>> -> memref<1x100xi32, #tpu.memory_space<vmem>>
      %dma_wait3A_294 = tpu.memref_squeeze %dma_wait3A_293 : memref<1x100xi32, #tpu.memory_space<vmem>> -> memref<100xi32, #tpu.memory_space<vmem>>
      %dma_wait3A_295 = arith.constant 0 : i32
      %dma_wait3A_296 = arith.constant 0 : i32
      %dma_wait3A_297 = tpu.memref_slice %arg2[%dma_wait3A_295, %dma_wait3A_296] : memref<10000x128xf32, #tpu.memory_space<hbm>> -> memref<10000x128xf32, #tpu.memory_space<hbm>>
      tpu.wait_indirect_dma semaphore(%arg13 : memref<!tpu.dma_semaphore, #tpu.memory_space<semaphore_mem>>) src(%dma_wait3A_297 : memref<10000x128xf32, #tpu.memory_space<hbm>>) dst(%arg9 : memref<100x128xf32, #tpu.memory_space<vmem>>)
      %run_scoped3A_298 = arith.constant 16 : i32
      "tpu.region"() ({
        %run_scoped3A_330 = tpu.sem_alloc : memref<!tpu.dma_semaphore, #tpu.memory_space<semaphore_mem>>
        %dma_start3A_331 = arith.constant 0 : i32
        %dma_start3A_332 = tpu.memref_slice %arg7[%run_scoped3A_298, %dma_start3A_331] : memref<20x100xi32, #tpu.memory_space<vmem>> -> memref<1x100xi32, #tpu.memory_space<vmem>>
        %dma_start3A_333 = tpu.memref_squeeze %dma_start3A_332 : memref<1x100xi32, #tpu.memory_space<vmem>> -> memref<100xi32, #tpu.memory_space<vmem>>
        %dma_start3A_334 = arith.constant 0 : i32
        %dma_start3A_335 = arith.constant 0 : i32
        %dma_start3A_336 = tpu.memref_slice %arg11[%dma_start3A_334, %dma_start3A_335] : memref<10000x128xf32, #tpu.memory_space<vmem_shared>> -> memref<10000x128xf32, #tpu.memory_space<vmem_shared>>
        tpu.enqueue_indirect_dma source(%arg9 : memref<100x128xf32, #tpu.memory_space<vmem>>) target(%dma_start3A_336 : memref<10000x128xf32, #tpu.memory_space<vmem_shared>>) offsets(%dma_start3A_333 : memref<100xi32, #tpu.memory_space<vmem>>) semaphore(%run_scoped3A_330 : memref<!tpu.dma_semaphore, #tpu.memory_space<semaphore_mem>>) {add = true}
        %dma_wait3A_337 = arith.constant 0 : i32
        %dma_wait3A_338 = tpu.memref_slice %arg7[%run_scoped3A_298, %dma_wait3A_337] : memref<20x100xi32, #tpu.memory_space<vmem>> -> memref<1x100xi32, #tpu.memory_space<vmem>>
        %dma_wait3A_339 = tpu.memref_squeeze %dma_wait3A_338 : memref<1x100xi32, #tpu.memory_space<vmem>> -> memref<100xi32, #tpu.memory_space<vmem>>
        %dma_wait3A_340 = arith.constant 0 : i32
        %dma_wait3A_341 = arith.constant 0 : i32
        %dma_wait3A_342 = tpu.memref_slice %arg11[%dma_wait3A_340, %dma_wait3A_341] : memref<10000x128xf32, #tpu.memory_space<vmem_shared>> -> memref<10000x128xf32, #tpu.memory_space<vmem_shared>>
        tpu.wait_indirect_dma semaphore(%run_scoped3A_330 : memref<!tpu.dma_semaphore, #tpu.memory_space<semaphore_mem>>) src(%arg9 : memref<100x128xf32, #tpu.memory_space<vmem>>) dst(%dma_wait3A_342 : memref<10000x128xf32, #tpu.memory_space<vmem_shared>>)
        tpu.yield
      }) : () -> ()
      %dma_start3A_299 = arith.constant 19 : i32
      %dma_start3A_300 = arith.constant 0 : i32
      %dma_start3A_301 = tpu.memref_slice %arg6[%dma_start3A_299, %dma_start3A_300] : memref<20x100xi32, #tpu.memory_space<vmem>> -> memref<1x100xi32, #tpu.memory_space<vmem>>
      %dma_start3A_302 = tpu.memref_squeeze %dma_start3A_301 : memref<1x100xi32, #tpu.memory_space<vmem>> -> memref<100xi32, #tpu.memory_space<vmem>>
      %dma_start3A_303 = arith.constant 0 : i32
      %dma_start3A_304 = arith.constant 0 : i32
      %dma_start3A_305 = tpu.memref_slice %arg2[%dma_start3A_303, %dma_start3A_304] : memref<10000x128xf32, #tpu.memory_space<hbm>> -> memref<10000x128xf32, #tpu.memory_space<hbm>>
      tpu.enqueue_indirect_dma source(%dma_start3A_305 : memref<10000x128xf32, #tpu.memory_space<hbm>>) target(%arg9 : memref<100x128xf32, #tpu.memory_space<vmem>>) offsets(%dma_start3A_302 : memref<100xi32, #tpu.memory_space<vmem>>) semaphore(%arg13 : memref<!tpu.dma_semaphore, #tpu.memory_space<semaphore_mem>>)
      %dma_wait3A_306 = arith.constant 17 : i32
      %dma_wait3A_307 = arith.constant 0 : i32
      %dma_wait3A_308 = tpu.memref_slice %arg6[%dma_wait3A_306, %dma_wait3A_307] : memref<20x100xi32, #tpu.memory_space<vmem>> -> memref<1x100xi32, #tpu.memory_space<vmem>>
      %dma_wait3A_309 = tpu.memref_squeeze %dma_wait3A_308 : memref<1x100xi32, #tpu.memory_space<vmem>> -> memref<100xi32, #tpu.memory_space<vmem>>
      %dma_wait3A_310 = arith.constant 0 : i32
      %dma_wait3A_311 = arith.constant 0 : i32
      %dma_wait3A_312 = tpu.memref_slice %arg2[%dma_wait3A_310, %dma_wait3A_311] : memref<10000x128xf32, #tpu.memory_space<hbm>> -> memref<10000x128xf32, #tpu.memory_space<hbm>>
      tpu.wait_indirect_dma semaphore(%arg14 : memref<!tpu.dma_semaphore, #tpu.memory_space<semaphore_mem>>) src(%dma_wait3A_312 : memref<10000x128xf32, #tpu.memory_space<hbm>>) dst(%arg10 : memref<100x128xf32, #tpu.memory_space<vmem>>)
      %run_scoped3A_313 = arith.constant 17 : i32
      "tpu.region"() ({
        %run_scoped3A_330 = tpu.sem_alloc : memref<!tpu.dma_semaphore, #tpu.memory_space<semaphore_mem>>
        %dma_start3A_331 = arith.constant 0 : i32
        %dma_start3A_332 = tpu.memref_slice %arg7[%run_scoped3A_313, %dma_start3A_331] : memref<20x100xi32, #tpu.memory_space<vmem>> -> memref<1x100xi32, #tpu.memory_space<vmem>>
        %dma_start3A_333 = tpu.memref_squeeze %dma_start3A_332 : memref<1x100xi32, #tpu.memory_space<vmem>> -> memref<100xi32, #tpu.memory_space<vmem>>
        %dma_start3A_334 = arith.constant 0 : i32
        %dma_start3A_335 = arith.constant 0 : i32
        %dma_start3A_336 = tpu.memref_slice %arg11[%dma_start3A_334, %dma_start3A_335] : memref<10000x128xf32, #tpu.memory_space<vmem_shared>> -> memref<10000x128xf32, #tpu.memory_space<vmem_shared>>
        tpu.enqueue_indirect_dma source(%arg10 : memref<100x128xf32, #tpu.memory_space<vmem>>) target(%dma_start3A_336 : memref<10000x128xf32, #tpu.memory_space<vmem_shared>>) offsets(%dma_start3A_333 : memref<100xi32, #tpu.memory_space<vmem>>) semaphore(%run_scoped3A_330 : memref<!tpu.dma_semaphore, #tpu.memory_space<semaphore_mem>>) {add = true}
        %dma_wait3A_337 = arith.constant 0 : i32
        %dma_wait3A_338 = tpu.memref_slice %arg7[%run_scoped3A_313, %dma_wait3A_337] : memref<20x100xi32, #tpu.memory_space<vmem>> -> memref<1x100xi32, #tpu.memory_space<vmem>>
        %dma_wait3A_339 = tpu.memref_squeeze %dma_wait3A_338 : memref<1x100xi32, #tpu.memory_space<vmem>> -> memref<100xi32, #tpu.memory_space<vmem>>
        %dma_wait3A_340 = arith.constant 0 : i32
        %dma_wait3A_341 = arith.constant 0 : i32
        %dma_wait3A_342 = tpu.memref_slice %arg11[%dma_wait3A_340, %dma_wait3A_341] : memref<10000x128xf32, #tpu.memory_space<vmem_shared>> -> memref<10000x128xf32, #tpu.memory_space<vmem_shared>>
        tpu.wait_indirect_dma semaphore(%run_scoped3A_330 : memref<!tpu.dma_semaphore, #tpu.memory_space<semaphore_mem>>) src(%arg10 : memref<100x128xf32, #tpu.memory_space<vmem>>) dst(%dma_wait3A_342 : memref<10000x128xf32, #tpu.memory_space<vmem_shared>>)
        tpu.yield
      }) : () -> ()
      %dma_wait3A_314 = arith.constant 18 : i32
      %dma_wait3A_315 = arith.constant 0 : i32
      %dma_wait3A_316 = tpu.memref_slice %arg6[%dma_wait3A_314, %dma_wait3A_315] : memref<20x100xi32, #tpu.memory_space<vmem>> -> memref<1x100xi32, #tpu.memory_space<vmem>>
      %dma_wait3A_317 = tpu.memref_squeeze %dma_wait3A_316 : memref<1x100xi32, #tpu.memory_space<vmem>> -> memref<100xi32, #tpu.memory_space<vmem>>
      %dma_wait3A_318 = arith.constant 0 : i32
      %dma_wait3A_319 = arith.constant 0 : i32
      %dma_wait3A_320 = tpu.memref_slice %arg2[%dma_wait3A_318, %dma_wait3A_319] : memref<10000x128xf32, #tpu.memory_space<hbm>> -> memref<10000x128xf32, #tpu.memory_space<hbm>>
      tpu.wait_indirect_dma semaphore(%arg12 : memref<!tpu.dma_semaphore, #tpu.memory_space<semaphore_mem>>) src(%dma_wait3A_320 : memref<10000x128xf32, #tpu.memory_space<hbm>>) dst(%arg8 : memref<100x128xf32, #tpu.memory_space<vmem>>)
      %run_scoped3A_321 = arith.constant 18 : i32
      "tpu.region"() ({
        %run_scoped3A_330 = tpu.sem_alloc : memref<!tpu.dma_semaphore, #tpu.memory_space<semaphore_mem>>
        %dma_start3A_331 = arith.constant 0 : i32
        %dma_start3A_332 = tpu.memref_slice %arg7[%run_scoped3A_321, %dma_start3A_331] : memref<20x100xi32, #tpu.memory_space<vmem>> -> memref<1x100xi32, #tpu.memory_space<vmem>>
        %dma_start3A_333 = tpu.memref_squeeze %dma_start3A_332 : memref<1x100xi32, #tpu.memory_space<vmem>> -> memref<100xi32, #tpu.memory_space<vmem>>
        %dma_start3A_334 = arith.constant 0 : i32
        %dma_start3A_335 = arith.constant 0 : i32
        %dma_start3A_336 = tpu.memref_slice %arg11[%dma_start3A_334, %dma_start3A_335] : memref<10000x128xf32, #tpu.memory_space<vmem_shared>> -> memref<10000x128xf32, #tpu.memory_space<vmem_shared>>
        tpu.enqueue_indirect_dma source(%arg8 : memref<100x128xf32, #tpu.memory_space<vmem>>) target(%dma_start3A_336 : memref<10000x128xf32, #tpu.memory_space<vmem_shared>>) offsets(%dma_start3A_333 : memref<100xi32, #tpu.memory_space<vmem>>) semaphore(%run_scoped3A_330 : memref<!tpu.dma_semaphore, #tpu.memory_space<semaphore_mem>>) {add = true}
        %dma_wait3A_337 = arith.constant 0 : i32
        %dma_wait3A_338 = tpu.memref_slice %arg7[%run_scoped3A_321, %dma_wait3A_337] : memref<20x100xi32, #tpu.memory_space<vmem>> -> memref<1x100xi32, #tpu.memory_space<vmem>>
        %dma_wait3A_339 = tpu.memref_squeeze %dma_wait3A_338 : memref<1x100xi32, #tpu.memory_space<vmem>> -> memref<100xi32, #tpu.memory_space<vmem>>
        %dma_wait3A_340 = arith.constant 0 : i32
        %dma_wait3A_341 = arith.constant 0 : i32
        %dma_wait3A_342 = tpu.memref_slice %arg11[%dma_wait3A_340, %dma_wait3A_341] : memref<10000x128xf32, #tpu.memory_space<vmem_shared>> -> memref<10000x128xf32, #tpu.memory_space<vmem_shared>>
        tpu.wait_indirect_dma semaphore(%run_scoped3A_330 : memref<!tpu.dma_semaphore, #tpu.memory_space<semaphore_mem>>) src(%arg8 : memref<100x128xf32, #tpu.memory_space<vmem>>) dst(%dma_wait3A_342 : memref<10000x128xf32, #tpu.memory_space<vmem_shared>>)
        tpu.yield
      }) : () -> ()
      %dma_wait3A_322 = arith.constant 19 : i32
      %dma_wait3A_323 = arith.constant 0 : i32
      %dma_wait3A_324 = tpu.memref_slice %arg6[%dma_wait3A_322, %dma_wait3A_323] : memref<20x100xi32, #tpu.memory_space<vmem>> -> memref<1x100xi32, #tpu.memory_space<vmem>>
      %dma_wait3A_325 = tpu.memref_squeeze %dma_wait3A_324 : memref<1x100xi32, #tpu.memory_space<vmem>> -> memref<100xi32, #tpu.memory_space<vmem>>
      %dma_wait3A_326 = arith.constant 0 : i32
      %dma_wait3A_327 = arith.constant 0 : i32
      %dma_wait3A_328 = tpu.memref_slice %arg2[%dma_wait3A_326, %dma_wait3A_327] : memref<10000x128xf32, #tpu.memory_space<hbm>> -> memref<10000x128xf32, #tpu.memory_space<hbm>>
      tpu.wait_indirect_dma semaphore(%arg13 : memref<!tpu.dma_semaphore, #tpu.memory_space<semaphore_mem>>) src(%dma_wait3A_328 : memref<10000x128xf32, #tpu.memory_space<hbm>>) dst(%arg9 : memref<100x128xf32, #tpu.memory_space<vmem>>)
      %run_scoped3A_329 = arith.constant 19 : i32
      "tpu.region"() ({
        %run_scoped3A_330 = tpu.sem_alloc : memref<!tpu.dma_semaphore, #tpu.memory_space<semaphore_mem>>
        %dma_start3A_331 = arith.constant 0 : i32
        %dma_start3A_332 = tpu.memref_slice %arg7[%run_scoped3A_329, %dma_start3A_331] : memref<20x100xi32, #tpu.memory_space<vmem>> -> memref<1x100xi32, #tpu.memory_space<vmem>>
        %dma_start3A_333 = tpu.memref_squeeze %dma_start3A_332 : memref<1x100xi32, #tpu.memory_space<vmem>> -> memref<100xi32, #tpu.memory_space<vmem>>
        %dma_start3A_334 = arith.constant 0 : i32
        %dma_start3A_335 = arith.constant 0 : i32
        %dma_start3A_336 = tpu.memref_slice %arg11[%dma_start3A_334, %dma_start3A_335] : memref<10000x128xf32, #tpu.memory_space<vmem_shared>> -> memref<10000x128xf32, #tpu.memory_space<vmem_shared>>
        tpu.enqueue_indirect_dma source(%arg9 : memref<100x128xf32, #tpu.memory_space<vmem>>) target(%dma_start3A_336 : memref<10000x128xf32, #tpu.memory_space<vmem_shared>>) offsets(%dma_start3A_333 : memref<100xi32, #tpu.memory_space<vmem>>) semaphore(%run_scoped3A_330 : memref<!tpu.dma_semaphore, #tpu.memory_space<semaphore_mem>>) {add = true}
        %dma_wait3A_337 = arith.constant 0 : i32
        %dma_wait3A_338 = tpu.memref_slice %arg7[%run_scoped3A_329, %dma_wait3A_337] : memref<20x100xi32, #tpu.memory_space<vmem>> -> memref<1x100xi32, #tpu.memory_space<vmem>>
        %dma_wait3A_339 = tpu.memref_squeeze %dma_wait3A_338 : memref<1x100xi32, #tpu.memory_space<vmem>> -> memref<100xi32, #tpu.memory_space<vmem>>
        %dma_wait3A_340 = arith.constant 0 : i32
        %dma_wait3A_341 = arith.constant 0 : i32
        %dma_wait3A_342 = tpu.memref_slice %arg11[%dma_wait3A_340, %dma_wait3A_341] : memref<10000x128xf32, #tpu.memory_space<vmem_shared>> -> memref<10000x128xf32, #tpu.memory_space<vmem_shared>>
        tpu.wait_indirect_dma semaphore(%run_scoped3A_330 : memref<!tpu.dma_semaphore, #tpu.memory_space<semaphore_mem>>) src(%arg9 : memref<100x128xf32, #tpu.memory_space<vmem>>) dst(%dma_wait3A_342 : memref<10000x128xf32, #tpu.memory_space<vmem_shared>>)
        tpu.yield
      }) : () -> ()
    }
    %scan3A_13 = arith.constant 5 : i32
    %barrier3A_14 = arith.constant 0 : index
    tpu.barrier barrier_id(%barrier3A_14)
    %mul3A_15 = arith.constant 664 : i32
    %mul3A_16 = arith.muli %arg1, %mul3A_15 : i32
    %lt3A = arith.constant 15 : i32
    %lt3A_17 = arith.cmpi slt, %arg1, %lt3A : i32
    %convert_element_type3A_18 = arith.extui %lt3A_17 : i1 to i32
    %cond3A_19 = arith.constant 0 : i32
    %cond3A_20 = arith.cmpi ne, %convert_element_type3A_18, %cond3A_19 : i32
    scf.if %cond3A_20 {
      %mul3A_26 = arith.constant 10000 : i32
      %mul3A_27 = arith.muli %arg0, %mul3A_26 : i32
      %add3A_28 = arith.addi %mul3A_27, %mul3A_16 : i32
      "tpu.region"() ({
        %run_scoped3A = tpu.sem_alloc : memref<!tpu.dma_semaphore, #tpu.memory_space<semaphore_mem>>
        %dma_start3A = arith.constant 0 : i32
        %dma_start3A_29 = tpu.memref_slice %arg5[%add3A_28, %dma_start3A] : memref<20000x128xf32, #tpu.memory_space<hbm>> -> memref<664x128xf32, #tpu.memory_space<hbm>>
        %dma_start3A_30 = arith.constant 0 : i32
        %dma_start3A_31 = tpu.memref_slice %arg11[%mul3A_16, %dma_start3A_30] : memref<10000x128xf32, #tpu.memory_space<vmem_shared>> -> memref<664x128xf32, #tpu.memory_space<vmem_shared>>
        tpu.enqueue_dma source(%dma_start3A_31 : memref<664x128xf32, #tpu.memory_space<vmem_shared>>) target(%dma_start3A_29 : memref<664x128xf32, #tpu.memory_space<hbm>>) target_semaphore(%run_scoped3A : memref<!tpu.dma_semaphore, #tpu.memory_space<semaphore_mem>>)
        %dma_wait3A = arith.constant 0 : i32
        %dma_wait3A_32 = tpu.memref_slice %arg5[%add3A_28, %dma_wait3A] : memref<20000x128xf32, #tpu.memory_space<hbm>> -> memref<664x128xf32, #tpu.memory_space<hbm>>
        %dma_wait3A_33 = arith.constant 0 : i32
        %dma_wait3A_34 = tpu.memref_slice %arg11[%mul3A_16, %dma_wait3A_33] : memref<10000x128xf32, #tpu.memory_space<vmem_shared>> -> memref<664x128xf32, #tpu.memory_space<vmem_shared>>
        tpu.wait_dma2 semaphore(%run_scoped3A : memref<!tpu.dma_semaphore, #tpu.memory_space<semaphore_mem>>) src(%dma_wait3A_34 : memref<664x128xf32, #tpu.memory_space<vmem_shared>>) dst(%dma_wait3A_32 : memref<664x128xf32, #tpu.memory_space<hbm>>)
        tpu.yield
      }) : () -> ()
    } else {
    }
    %eq3A_21 = arith.constant 15 : i32
    %eq3A_22 = arith.cmpi eq, %arg1, %eq3A_21 : i32
    %convert_element_type3A_23 = arith.extui %eq3A_22 : i1 to i32
    %cond3A_24 = arith.constant 0 : i32
    %cond3A_25 = arith.cmpi ne, %convert_element_type3A_23, %cond3A_24 : i32
    scf.if %cond3A_25 {
      %mul3A_26 = arith.constant 10000 : i32
      %mul3A_27 = arith.muli %arg0, %mul3A_26 : i32
      %add3A_28 = arith.addi %mul3A_27, %mul3A_16 : i32
      "tpu.region"() ({
        %run_scoped3A = tpu.sem_alloc : memref<!tpu.dma_semaphore, #tpu.memory_space<semaphore_mem>>
        %dma_start3A = arith.constant 0 : i32
        %dma_start3A_29 = tpu.memref_slice %arg5[%add3A_28, %dma_start3A] : memref<20000x128xf32, #tpu.memory_space<hbm>> -> memref<40x128xf32, #tpu.memory_space<hbm>>
        %dma_start3A_30 = arith.constant 0 : i32
        %dma_start3A_31 = tpu.memref_slice %arg11[%mul3A_16, %dma_start3A_30] : memref<10000x128xf32, #tpu.memory_space<vmem_shared>> -> memref<40x128xf32, #tpu.memory_space<vmem_shared>>
        tpu.enqueue_dma source(%dma_start3A_31 : memref<40x128xf32, #tpu.memory_space<vmem_shared>>) target(%dma_start3A_29 : memref<40x128xf32, #tpu.memory_space<hbm>>) target_semaphore(%run_scoped3A : memref<!tpu.dma_semaphore, #tpu.memory_space<semaphore_mem>>)
        %dma_wait3A = arith.constant 0 : i32
        %dma_wait3A_32 = tpu.memref_slice %arg5[%add3A_28, %dma_wait3A] : memref<20000x128xf32, #tpu.memory_space<hbm>> -> memref<40x128xf32, #tpu.memory_space<hbm>>
        %dma_wait3A_33 = arith.constant 0 : i32
        %dma_wait3A_34 = tpu.memref_slice %arg11[%mul3A_16, %dma_wait3A_33] : memref<10000x128xf32, #tpu.memory_space<vmem_shared>> -> memref<40x128xf32, #tpu.memory_space<vmem_shared>>
        tpu.wait_dma2 semaphore(%run_scoped3A : memref<!tpu.dma_semaphore, #tpu.memory_space<semaphore_mem>>) src(%dma_wait3A_34 : memref<40x128xf32, #tpu.memory_space<vmem_shared>>) dst(%dma_wait3A_32 : memref<40x128xf32, #tpu.memory_space<hbm>>)
        tpu.yield
      }) : () -> ()
    } else {
    }
    return
  }
}

#map = affine_map<(d0, d1) -> (0, 0, 0, 0, 0)>
#map1 = affine_map<(d0, d1) -> (0)>
module attributes {stable_mosaic.version = 14 : i64} {
  func.func @_sc_deg(%arg0: i32, %arg1: i32, %arg2: memref<2x32x5x20x100xi32, #tpu.memory_space<hbm>>, %arg3: memref<20000xf32, #tpu.memory_space<hbm>>, %arg4: memref<5x20x100xi32, #tpu.memory_space<vmem>>, %arg5: memref<128xf32, #tpu.memory_space<vmem>>, %arg6: memref<1024xf32, #tpu.memory_space<vmem>>, %arg7: memref<10000xf32, #tpu.memory_space<vmem_shared>>, %arg8: memref<!tpu.dma_semaphore, #tpu.memory_space<semaphore_mem>>) attributes {dimension_semantics = [#tpu.dimension_semantics<core_parallel>, #tpu.dimension_semantics<subcore_parallel>], iteration_bounds = array<i64: 2, 16>, scalar_prefetch = 0 : i64, scratch_operands = 5 : i64, tpu.core_type = #tpu.core_type<sc_vector_subcore>, window_params = [{transform_indices = #map}, {transform_indices = #map1}]} {
    %mul3A = arith.constant 16 : i32
    %mul3A_0 = arith.muli %arg0, %mul3A : i32
    %add3A = arith.addi %mul3A_0, %arg1 : i32
    %broadcast_in_dim3A = arith.constant 1.000000e+00 : f32
    %broadcast_in_dim3A_1 = vector.broadcast %broadcast_in_dim3A : f32 to vector<16xf32>
    %broadcast_in_dim3A_2 = arith.constant 0.000000e+00 : f32
    %broadcast_in_dim3A_3 = vector.broadcast %broadcast_in_dim3A_2 : f32 to vector<16xf32>
    %swap3A = arith.constant 0 : index
    %swap3A_4 = tpu.vector_load %arg5[%swap3A] {strides = array<i32>} : memref<128xf32, #tpu.memory_space<vmem>>, vector<16xf32>,
    %swap3A_5 = vector.shape_cast %swap3A_4 : vector<16xf32> to vector<16xf32>
    %swap3A_6 = vector.shape_cast %broadcast_in_dim3A_1 : vector<16xf32> to vector<16xf32>
    tpu.vector_store %arg5[%swap3A], %swap3A_6 {strides = array<i32>} : memref<128xf32, #tpu.memory_space<vmem>>, vector<16xf32>,
    %swap3A_7 = arith.constant 16 : index
    %swap3A_8 = tpu.vector_load %arg5[%swap3A_7] {strides = array<i32>} : memref<128xf32, #tpu.memory_space<vmem>>, vector<16xf32>,
    %swap3A_9 = vector.shape_cast %swap3A_8 : vector<16xf32> to vector<16xf32>
    %swap3A_10 = vector.shape_cast %broadcast_in_dim3A_1 : vector<16xf32> to vector<16xf32>
    tpu.vector_store %arg5[%swap3A_7], %swap3A_10 {strides = array<i32>} : memref<128xf32, #tpu.memory_space<vmem>>, vector<16xf32>,
    %swap3A_11 = arith.constant 32 : index
    %swap3A_12 = tpu.vector_load %arg5[%swap3A_11] {strides = array<i32>} : memref<128xf32, #tpu.memory_space<vmem>>, vector<16xf32>,
    %swap3A_13 = vector.shape_cast %swap3A_12 : vector<16xf32> to vector<16xf32>
    %swap3A_14 = vector.shape_cast %broadcast_in_dim3A_1 : vector<16xf32> to vector<16xf32>
    tpu.vector_store %arg5[%swap3A_11], %swap3A_14 {strides = array<i32>} : memref<128xf32, #tpu.memory_space<vmem>>, vector<16xf32>,
    %swap3A_15 = arith.constant 48 : index
    %swap3A_16 = tpu.vector_load %arg5[%swap3A_15] {strides = array<i32>} : memref<128xf32, #tpu.memory_space<vmem>>, vector<16xf32>,
    %swap3A_17 = vector.shape_cast %swap3A_16 : vector<16xf32> to vector<16xf32>
    %swap3A_18 = vector.shape_cast %broadcast_in_dim3A_1 : vector<16xf32> to vector<16xf32>
    tpu.vector_store %arg5[%swap3A_15], %swap3A_18 {strides = array<i32>} : memref<128xf32, #tpu.memory_space<vmem>>, vector<16xf32>,
    %swap3A_19 = arith.constant 64 : index
    %swap3A_20 = tpu.vector_load %arg5[%swap3A_19] {strides = array<i32>} : memref<128xf32, #tpu.memory_space<vmem>>, vector<16xf32>,
    %swap3A_21 = vector.shape_cast %swap3A_20 : vector<16xf32> to vector<16xf32>
    %swap3A_22 = vector.shape_cast %broadcast_in_dim3A_1 : vector<16xf32> to vector<16xf32>
    tpu.vector_store %arg5[%swap3A_19], %swap3A_22 {strides = array<i32>} : memref<128xf32, #tpu.memory_space<vmem>>, vector<16xf32>,
    %swap3A_23 = arith.constant 80 : index
    %swap3A_24 = tpu.vector_load %arg5[%swap3A_23] {strides = array<i32>} : memref<128xf32, #tpu.memory_space<vmem>>, vector<16xf32>,
    %swap3A_25 = vector.shape_cast %swap3A_24 : vector<16xf32> to vector<16xf32>
    %swap3A_26 = vector.shape_cast %broadcast_in_dim3A_1 : vector<16xf32> to vector<16xf32>
    tpu.vector_store %arg5[%swap3A_23], %swap3A_26 {strides = array<i32>} : memref<128xf32, #tpu.memory_space<vmem>>, vector<16xf32>,
    %swap3A_27 = arith.constant 96 : index
    %swap3A_28 = tpu.vector_load %arg5[%swap3A_27] {strides = array<i32>} : memref<128xf32, #tpu.memory_space<vmem>>, vector<16xf32>,
    %swap3A_29 = vector.shape_cast %swap3A_28 : vector<16xf32> to vector<16xf32>
    %swap3A_30 = vector.shape_cast %broadcast_in_dim3A_1 : vector<16xf32> to vector<16xf32>
    tpu.vector_store %arg5[%swap3A_27], %swap3A_30 {strides = array<i32>} : memref<128xf32, #tpu.memory_space<vmem>>, vector<16xf32>,
    %swap3A_31 = arith.constant 112 : index
    %swap3A_32 = tpu.vector_load %arg5[%swap3A_31] {strides = array<i32>} : memref<128xf32, #tpu.memory_space<vmem>>, vector<16xf32>,
    %swap3A_33 = vector.shape_cast %swap3A_32 : vector<16xf32> to vector<16xf32>
    %swap3A_34 = vector.shape_cast %broadcast_in_dim3A_1 : vector<16xf32> to vector<16xf32>
    tpu.vector_store %arg5[%swap3A_31], %swap3A_34 {strides = array<i32>} : memref<128xf32, #tpu.memory_space<vmem>>, vector<16xf32>,
    %scan3A = arith.constant 0 : i32
    %scan3A_35 = arith.constant 64 : i32
    %scan3A_36 = arith.addi %scan3A, %scan3A_35 : i32
    %scan3A_37 = arith.constant 1 : i32
    scf.for %scan3A_52 = %scan3A to %scan3A_36 step %scan3A_37  : i32 {
      %mul3A_53 = arith.constant 1 : i32
      %mul3A_54 = arith.muli %scan3A_52, %mul3A_53 : i32
      %add3A_55 = arith.constant 0 : i32
      %add3A_56 = arith.addi %add3A_55, %mul3A_54 : i32
      %mul3A_57 = arith.constant 16 : i32
      %mul3A_58 = arith.muli %add3A_56, %mul3A_57 : i32
      %swap3A_59 = arith.index_cast %mul3A_58 : i32 to index
      %swap3A_60 = tpu.vector_load %arg6[%swap3A_59] {strides = array<i32>} : memref<1024xf32, #tpu.memory_space<vmem>>, vector<16xf32>,
      %swap3A_61 = vector.shape_cast %swap3A_60 : vector<16xf32> to vector<16xf32>
      %swap3A_62 = vector.shape_cast %broadcast_in_dim3A_3 : vector<16xf32> to vector<16xf32>
      tpu.vector_store %arg6[%swap3A_59], %swap3A_62 {strides = array<i32>} : memref<1024xf32, #tpu.memory_space<vmem>>, vector<16xf32>,
    }
    %scan3A_38 = arith.constant 64 : i32
    %lt3A = arith.constant 10 : i32
    %lt3A_39 = arith.cmpi slt, %arg1, %lt3A : i32
    %convert_element_type3A = arith.extui %lt3A_39 : i1 to i32
    %cond3A = arith.constant 0 : i32
    %cond3A_40 = arith.cmpi ne, %convert_element_type3A, %cond3A : i32
    scf.if %cond3A_40 {
      %mul3A_52 = arith.constant 1000 : i32
      %mul3A_53 = arith.muli %arg1, %mul3A_52 : i32
      "tpu.region"() ({
        %run_scoped3A_54 = tpu.sem_alloc : memref<!tpu.dma_semaphore, #tpu.memory_space<semaphore_mem>>
        %dma_start3A = arith.constant 0 : i32
        %dma_start3A_55 = tpu.memref_slice %arg6[%dma_start3A] : memref<1024xf32, #tpu.memory_space<vmem>> -> memref<1000xf32, #tpu.memory_space<vmem>>
        %dma_start3A_56 = tpu.memref_slice %arg7[%mul3A_53] : memref<10000xf32, #tpu.memory_space<vmem_shared>> -> memref<1000xf32, #tpu.memory_space<vmem_shared>>
        %dma_start3A_57 = tpu.memref_slice %arg7[%mul3A_53] : memref<10000xf32, #tpu.memory_space<vmem_shared>> -> memref<1000xf32, #tpu.memory_space<vmem_shared>>
        %dma_start3A_58 = arith.constant 0 : i32
        %dma_start3A_59 = tpu.memref_slice %arg6[%dma_start3A_58] : memref<1024xf32, #tpu.memory_space<vmem>> -> memref<1000xf32, #tpu.memory_space<vmem>>
        tpu.enqueue_dma source(%dma_start3A_59 : memref<1000xf32, #tpu.memory_space<vmem>>) target(%dma_start3A_57 : memref<1000xf32, #tpu.memory_space<vmem_shared>>) target_semaphore(%run_scoped3A_54 : memref<!tpu.dma_semaphore, #tpu.memory_space<semaphore_mem>>)
        %dma_wait3A = arith.constant 0 : i32
        %dma_wait3A_60 = tpu.memref_slice %arg6[%dma_wait3A] : memref<1024xf32, #tpu.memory_space<vmem>> -> memref<1000xf32, #tpu.memory_space<vmem>>
        %dma_wait3A_61 = tpu.memref_slice %arg7[%mul3A_53] : memref<10000xf32, #tpu.memory_space<vmem_shared>> -> memref<1000xf32, #tpu.memory_space<vmem_shared>>
        %dma_wait3A_62 = tpu.memref_slice %arg7[%mul3A_53] : memref<10000xf32, #tpu.memory_space<vmem_shared>> -> memref<1000xf32, #tpu.memory_space<vmem_shared>>
        %dma_wait3A_63 = arith.constant 0 : i32
        %dma_wait3A_64 = tpu.memref_slice %arg6[%dma_wait3A_63] : memref<1024xf32, #tpu.memory_space<vmem>> -> memref<1000xf32, #tpu.memory_space<vmem>>
        tpu.wait_dma2 semaphore(%run_scoped3A_54 : memref<!tpu.dma_semaphore, #tpu.memory_space<semaphore_mem>>) src(%dma_wait3A_64 : memref<1000xf32, #tpu.memory_space<vmem>>) dst(%dma_wait3A_62 : memref<1000xf32, #tpu.memory_space<vmem_shared>>)
        tpu.yield
      }) : () -> ()
    } else {
    }
    %barrier3A = arith.constant 0 : index
    tpu.barrier barrier_id(%barrier3A)
    %run_scoped3A = arith.constant 1 : i32
    "tpu.region"() ({
      %run_scoped3A_52 = tpu.sem_alloc : memref<!tpu.dma_semaphore, #tpu.memory_space<semaphore_mem>>
      %dma_start3A = arith.constant 0 : i32
      %dma_start3A_53 = arith.constant 0 : i32
      %dma_start3A_54 = arith.constant 0 : i32
      %dma_start3A_55 = tpu.memref_slice %arg2[%run_scoped3A, %add3A, %dma_start3A, %dma_start3A_53, %dma_start3A_54] : memref<2x32x5x20x100xi32, #tpu.memory_space<hbm>> -> memref<1x1x5x20x100xi32, #tpu.memory_space<hbm>>
      %dma_start3A_56 = tpu.memref_squeeze %dma_start3A_55 : memref<1x1x5x20x100xi32, #tpu.memory_space<hbm>> -> memref<5x20x100xi32, #tpu.memory_space<hbm>>
      %dma_start3A_57 = arith.constant 0 : i32
      %dma_start3A_58 = arith.constant 0 : i32
      %dma_start3A_59 = arith.constant 0 : i32
      %dma_start3A_60 = tpu.memref_slice %arg2[%run_scoped3A, %add3A, %dma_start3A_57, %dma_start3A_58, %dma_start3A_59] : memref<2x32x5x20x100xi32, #tpu.memory_space<hbm>> -> memref<1x1x5x20x100xi32, #tpu.memory_space<hbm>>
      %dma_start3A_61 = tpu.memref_squeeze %dma_start3A_60 : memref<1x1x5x20x100xi32, #tpu.memory_space<hbm>> -> memref<5x20x100xi32, #tpu.memory_space<hbm>>
      tpu.enqueue_dma source(%dma_start3A_61 : memref<5x20x100xi32, #tpu.memory_space<hbm>>) target(%arg4 : memref<5x20x100xi32, #tpu.memory_space<vmem>>) target_semaphore(%run_scoped3A_52 : memref<!tpu.dma_semaphore, #tpu.memory_space<semaphore_mem>>)
      %dma_wait3A = arith.constant 0 : i32
      %dma_wait3A_62 = arith.constant 0 : i32
      %dma_wait3A_63 = arith.constant 0 : i32
      %dma_wait3A_64 = tpu.memref_slice %arg2[%run_scoped3A, %add3A, %dma_wait3A, %dma_wait3A_62, %dma_wait3A_63] : memref<2x32x5x20x100xi32, #tpu.memory_space<hbm>> -> memref<1x1x5x20x100xi32, #tpu.memory_space<hbm>>
      %dma_wait3A_65 = tpu.memref_squeeze %dma_wait3A_64 : memref<1x1x5x20x100xi32, #tpu.memory_space<hbm>> -> memref<5x20x100xi32, #tpu.memory_space<hbm>>
      %dma_wait3A_66 = arith.constant 0 : i32
      %dma_wait3A_67 = arith.constant 0 : i32
      %dma_wait3A_68 = arith.constant 0 : i32
      %dma_wait3A_69 = tpu.memref_slice %arg2[%run_scoped3A, %add3A, %dma_wait3A_66, %dma_wait3A_67, %dma_wait3A_68] : memref<2x32x5x20x100xi32, #tpu.memory_space<hbm>> -> memref<1x1x5x20x100xi32, #tpu.memory_space<hbm>>
      %dma_wait3A_70 = tpu.memref_squeeze %dma_wait3A_69 : memref<1x1x5x20x100xi32, #tpu.memory_space<hbm>> -> memref<5x20x100xi32, #tpu.memory_space<hbm>>
      tpu.wait_dma2 semaphore(%run_scoped3A_52 : memref<!tpu.dma_semaphore, #tpu.memory_space<semaphore_mem>>) src(%dma_wait3A_70 : memref<5x20x100xi32, #tpu.memory_space<hbm>>) dst(%arg4 : memref<5x20x100xi32, #tpu.memory_space<vmem>>)
      tpu.yield
    }) : () -> ()
    %scan3A_41 = arith.constant 0 : i32
    %scan3A_42 = arith.constant 5 : i32
    %scan3A_43 = arith.addi %scan3A_41, %scan3A_42 : i32
    %scan3A_44 = arith.constant 1 : i32
    scf.for %scan3A_52 = %scan3A_41 to %scan3A_43 step %scan3A_44  : i32 {
      %mul3A_53 = arith.constant 1 : i32
      %mul3A_54 = arith.muli %scan3A_52, %mul3A_53 : i32
      %add3A_55 = arith.constant 0 : i32
      %add3A_56 = arith.addi %add3A_55, %mul3A_54 : i32
      %dma_start3A = arith.constant 0 : i32
      %dma_start3A_57 = arith.constant 0 : i32
      %dma_start3A_58 = tpu.memref_slice %arg5[%dma_start3A_57] : memref<128xf32, #tpu.memory_space<vmem>> -> memref<100xf32, #tpu.memory_space<vmem>>
      %dma_start3A_59 = arith.constant 0 : i32
      %dma_start3A_60 = tpu.memref_slice %arg4[%add3A_56, %dma_start3A, %dma_start3A_59] : memref<5x20x100xi32, #tpu.memory_space<vmem>> -> memref<1x1x100xi32, #tpu.memory_space<vmem>>
      %dma_start3A_61 = tpu.memref_squeeze %dma_start3A_60 : memref<1x1x100xi32, #tpu.memory_space<vmem>> -> memref<100xi32, #tpu.memory_space<vmem>>
      %dma_start3A_62 = arith.constant 0 : i32
      %dma_start3A_63 = tpu.memref_slice %arg7[%dma_start3A_62] : memref<10000xf32, #tpu.memory_space<vmem_shared>> -> memref<10000xf32, #tpu.memory_space<vmem_shared>>
      tpu.enqueue_indirect_dma source(%dma_start3A_58 : memref<100xf32, #tpu.memory_space<vmem>>) target(%dma_start3A_63 : memref<10000xf32, #tpu.memory_space<vmem_shared>>) offsets(%dma_start3A_61 : memref<100xi32, #tpu.memory_space<vmem>>) semaphore(%arg8 : memref<!tpu.dma_semaphore, #tpu.memory_space<semaphore_mem>>) {add = true}
      %dma_start3A_64 = arith.constant 1 : i32
      %dma_start3A_65 = arith.constant 0 : i32
      %dma_start3A_66 = tpu.memref_slice %arg5[%dma_start3A_65] : memref<128xf32, #tpu.memory_space<vmem>> -> memref<100xf32, #tpu.memory_space<vmem>>
      %dma_start3A_67 = arith.constant 0 : i32
      %dma_start3A_68 = tpu.memref_slice %arg4[%add3A_56, %dma_start3A_64, %dma_start3A_67] : memref<5x20x100xi32, #tpu.memory_space<vmem>> -> memref<1x1x100xi32, #tpu.memory_space<vmem>>
      %dma_start3A_69 = tpu.memref_squeeze %dma_start3A_68 : memref<1x1x100xi32, #tpu.memory_space<vmem>> -> memref<100xi32, #tpu.memory_space<vmem>>
      %dma_start3A_70 = arith.constant 0 : i32
      %dma_start3A_71 = tpu.memref_slice %arg7[%dma_start3A_70] : memref<10000xf32, #tpu.memory_space<vmem_shared>> -> memref<10000xf32, #tpu.memory_space<vmem_shared>>
      tpu.enqueue_indirect_dma source(%dma_start3A_66 : memref<100xf32, #tpu.memory_space<vmem>>) target(%dma_start3A_71 : memref<10000xf32, #tpu.memory_space<vmem_shared>>) offsets(%dma_start3A_69 : memref<100xi32, #tpu.memory_space<vmem>>) semaphore(%arg8 : memref<!tpu.dma_semaphore, #tpu.memory_space<semaphore_mem>>) {add = true}
      %dma_start3A_72 = arith.constant 2 : i32
      %dma_start3A_73 = arith.constant 0 : i32
      %dma_start3A_74 = tpu.memref_slice %arg5[%dma_start3A_73] : memref<128xf32, #tpu.memory_space<vmem>> -> memref<100xf32, #tpu.memory_space<vmem>>
      %dma_start3A_75 = arith.constant 0 : i32
      %dma_start3A_76 = tpu.memref_slice %arg4[%add3A_56, %dma_start3A_72, %dma_start3A_75] : memref<5x20x100xi32, #tpu.memory_space<vmem>> -> memref<1x1x100xi32, #tpu.memory_space<vmem>>
      %dma_start3A_77 = tpu.memref_squeeze %dma_start3A_76 : memref<1x1x100xi32, #tpu.memory_space<vmem>> -> memref<100xi32, #tpu.memory_space<vmem>>
      %dma_start3A_78 = arith.constant 0 : i32
      %dma_start3A_79 = tpu.memref_slice %arg7[%dma_start3A_78] : memref<10000xf32, #tpu.memory_space<vmem_shared>> -> memref<10000xf32, #tpu.memory_space<vmem_shared>>
      tpu.enqueue_indirect_dma source(%dma_start3A_74 : memref<100xf32, #tpu.memory_space<vmem>>) target(%dma_start3A_79 : memref<10000xf32, #tpu.memory_space<vmem_shared>>) offsets(%dma_start3A_77 : memref<100xi32, #tpu.memory_space<vmem>>) semaphore(%arg8 : memref<!tpu.dma_semaphore, #tpu.memory_space<semaphore_mem>>) {add = true}
      %dma_start3A_80 = arith.constant 3 : i32
      %dma_start3A_81 = arith.constant 0 : i32
      %dma_start3A_82 = tpu.memref_slice %arg5[%dma_start3A_81] : memref<128xf32, #tpu.memory_space<vmem>> -> memref<100xf32, #tpu.memory_space<vmem>>
      %dma_start3A_83 = arith.constant 0 : i32
      %dma_start3A_84 = tpu.memref_slice %arg4[%add3A_56, %dma_start3A_80, %dma_start3A_83] : memref<5x20x100xi32, #tpu.memory_space<vmem>> -> memref<1x1x100xi32, #tpu.memory_space<vmem>>
      %dma_start3A_85 = tpu.memref_squeeze %dma_start3A_84 : memref<1x1x100xi32, #tpu.memory_space<vmem>> -> memref<100xi32, #tpu.memory_space<vmem>>
      %dma_start3A_86 = arith.constant 0 : i32
      %dma_start3A_87 = tpu.memref_slice %arg7[%dma_start3A_86] : memref<10000xf32, #tpu.memory_space<vmem_shared>> -> memref<10000xf32, #tpu.memory_space<vmem_shared>>
      tpu.enqueue_indirect_dma source(%dma_start3A_82 : memref<100xf32, #tpu.memory_space<vmem>>) target(%dma_start3A_87 : memref<10000xf32, #tpu.memory_space<vmem_shared>>) offsets(%dma_start3A_85 : memref<100xi32, #tpu.memory_space<vmem>>) semaphore(%arg8 : memref<!tpu.dma_semaphore, #tpu.memory_space<semaphore_mem>>) {add = true}
      %dma_start3A_88 = arith.constant 4 : i32
      %dma_start3A_89 = arith.constant 0 : i32
      %dma_start3A_90 = tpu.memref_slice %arg5[%dma_start3A_89] : memref<128xf32, #tpu.memory_space<vmem>> -> memref<100xf32, #tpu.memory_space<vmem>>
      %dma_start3A_91 = arith.constant 0 : i32
      %dma_start3A_92 = tpu.memref_slice %arg4[%add3A_56, %dma_start3A_88, %dma_start3A_91] : memref<5x20x100xi32, #tpu.memory_space<vmem>> -> memref<1x1x100xi32, #tpu.memory_space<vmem>>
      %dma_start3A_93 = tpu.memref_squeeze %dma_start3A_92 : memref<1x1x100xi32, #tpu.memory_space<vmem>> -> memref<100xi32, #tpu.memory_space<vmem>>
      %dma_start3A_94 = arith.constant 0 : i32
      %dma_start3A_95 = tpu.memref_slice %arg7[%dma_start3A_94] : memref<10000xf32, #tpu.memory_space<vmem_shared>> -> memref<10000xf32, #tpu.memory_space<vmem_shared>>
      tpu.enqueue_indirect_dma source(%dma_start3A_90 : memref<100xf32, #tpu.memory_space<vmem>>) target(%dma_start3A_95 : memref<10000xf32, #tpu.memory_space<vmem_shared>>) offsets(%dma_start3A_93 : memref<100xi32, #tpu.memory_space<vmem>>) semaphore(%arg8 : memref<!tpu.dma_semaphore, #tpu.memory_space<semaphore_mem>>) {add = true}
      %dma_start3A_96 = arith.constant 5 : i32
      %dma_start3A_97 = arith.constant 0 : i32
      %dma_start3A_98 = tpu.memref_slice %arg5[%dma_start3A_97] : memref<128xf32, #tpu.memory_space<vmem>> -> memref<100xf32, #tpu.memory_space<vmem>>
      %dma_start3A_99 = arith.constant 0 : i32
      %dma_start3A_100 = tpu.memref_slice %arg4[%add3A_56, %dma_start3A_96, %dma_start3A_99] : memref<5x20x100xi32, #tpu.memory_space<vmem>> -> memref<1x1x100xi32, #tpu.memory_space<vmem>>
      %dma_start3A_101 = tpu.memref_squeeze %dma_start3A_100 : memref<1x1x100xi32, #tpu.memory_space<vmem>> -> memref<100xi32, #tpu.memory_space<vmem>>
      %dma_start3A_102 = arith.constant 0 : i32
      %dma_start3A_103 = tpu.memref_slice %arg7[%dma_start3A_102] : memref<10000xf32, #tpu.memory_space<vmem_shared>> -> memref<10000xf32, #tpu.memory_space<vmem_shared>>
      tpu.enqueue_indirect_dma source(%dma_start3A_98 : memref<100xf32, #tpu.memory_space<vmem>>) target(%dma_start3A_103 : memref<10000xf32, #tpu.memory_space<vmem_shared>>) offsets(%dma_start3A_101 : memref<100xi32, #tpu.memory_space<vmem>>) semaphore(%arg8 : memref<!tpu.dma_semaphore, #tpu.memory_space<semaphore_mem>>) {add = true}
      %dma_start3A_104 = arith.constant 6 : i32
      %dma_start3A_105 = arith.constant 0 : i32
      %dma_start3A_106 = tpu.memref_slice %arg5[%dma_start3A_105] : memref<128xf32, #tpu.memory_space<vmem>> -> memref<100xf32, #tpu.memory_space<vmem>>
      %dma_start3A_107 = arith.constant 0 : i32
      %dma_start3A_108 = tpu.memref_slice %arg4[%add3A_56, %dma_start3A_104, %dma_start3A_107] : memref<5x20x100xi32, #tpu.memory_space<vmem>> -> memref<1x1x100xi32, #tpu.memory_space<vmem>>
      %dma_start3A_109 = tpu.memref_squeeze %dma_start3A_108 : memref<1x1x100xi32, #tpu.memory_space<vmem>> -> memref<100xi32, #tpu.memory_space<vmem>>
      %dma_start3A_110 = arith.constant 0 : i32
      %dma_start3A_111 = tpu.memref_slice %arg7[%dma_start3A_110] : memref<10000xf32, #tpu.memory_space<vmem_shared>> -> memref<10000xf32, #tpu.memory_space<vmem_shared>>
      tpu.enqueue_indirect_dma source(%dma_start3A_106 : memref<100xf32, #tpu.memory_space<vmem>>) target(%dma_start3A_111 : memref<10000xf32, #tpu.memory_space<vmem_shared>>) offsets(%dma_start3A_109 : memref<100xi32, #tpu.memory_space<vmem>>) semaphore(%arg8 : memref<!tpu.dma_semaphore, #tpu.memory_space<semaphore_mem>>) {add = true}
      %dma_start3A_112 = arith.constant 7 : i32
      %dma_start3A_113 = arith.constant 0 : i32
      %dma_start3A_114 = tpu.memref_slice %arg5[%dma_start3A_113] : memref<128xf32, #tpu.memory_space<vmem>> -> memref<100xf32, #tpu.memory_space<vmem>>
      %dma_start3A_115 = arith.constant 0 : i32
      %dma_start3A_116 = tpu.memref_slice %arg4[%add3A_56, %dma_start3A_112, %dma_start3A_115] : memref<5x20x100xi32, #tpu.memory_space<vmem>> -> memref<1x1x100xi32, #tpu.memory_space<vmem>>
      %dma_start3A_117 = tpu.memref_squeeze %dma_start3A_116 : memref<1x1x100xi32, #tpu.memory_space<vmem>> -> memref<100xi32, #tpu.memory_space<vmem>>
      %dma_start3A_118 = arith.constant 0 : i32
      %dma_start3A_119 = tpu.memref_slice %arg7[%dma_start3A_118] : memref<10000xf32, #tpu.memory_space<vmem_shared>> -> memref<10000xf32, #tpu.memory_space<vmem_shared>>
      tpu.enqueue_indirect_dma source(%dma_start3A_114 : memref<100xf32, #tpu.memory_space<vmem>>) target(%dma_start3A_119 : memref<10000xf32, #tpu.memory_space<vmem_shared>>) offsets(%dma_start3A_117 : memref<100xi32, #tpu.memory_space<vmem>>) semaphore(%arg8 : memref<!tpu.dma_semaphore, #tpu.memory_space<semaphore_mem>>) {add = true}
      %dma_start3A_120 = arith.constant 8 : i32
      %dma_start3A_121 = arith.constant 0 : i32
      %dma_start3A_122 = tpu.memref_slice %arg5[%dma_start3A_121] : memref<128xf32, #tpu.memory_space<vmem>> -> memref<100xf32, #tpu.memory_space<vmem>>
      %dma_start3A_123 = arith.constant 0 : i32
      %dma_start3A_124 = tpu.memref_slice %arg4[%add3A_56, %dma_start3A_120, %dma_start3A_123] : memref<5x20x100xi32, #tpu.memory_space<vmem>> -> memref<1x1x100xi32, #tpu.memory_space<vmem>>
      %dma_start3A_125 = tpu.memref_squeeze %dma_start3A_124 : memref<1x1x100xi32, #tpu.memory_space<vmem>> -> memref<100xi32, #tpu.memory_space<vmem>>
      %dma_start3A_126 = arith.constant 0 : i32
      %dma_start3A_127 = tpu.memref_slice %arg7[%dma_start3A_126] : memref<10000xf32, #tpu.memory_space<vmem_shared>> -> memref<10000xf32, #tpu.memory_space<vmem_shared>>
      tpu.enqueue_indirect_dma source(%dma_start3A_122 : memref<100xf32, #tpu.memory_space<vmem>>) target(%dma_start3A_127 : memref<10000xf32, #tpu.memory_space<vmem_shared>>) offsets(%dma_start3A_125 : memref<100xi32, #tpu.memory_space<vmem>>) semaphore(%arg8 : memref<!tpu.dma_semaphore, #tpu.memory_space<semaphore_mem>>) {add = true}
      %dma_start3A_128 = arith.constant 9 : i32
      %dma_start3A_129 = arith.constant 0 : i32
      %dma_start3A_130 = tpu.memref_slice %arg5[%dma_start3A_129] : memref<128xf32, #tpu.memory_space<vmem>> -> memref<100xf32, #tpu.memory_space<vmem>>
      %dma_start3A_131 = arith.constant 0 : i32
      %dma_start3A_132 = tpu.memref_slice %arg4[%add3A_56, %dma_start3A_128, %dma_start3A_131] : memref<5x20x100xi32, #tpu.memory_space<vmem>> -> memref<1x1x100xi32, #tpu.memory_space<vmem>>
      %dma_start3A_133 = tpu.memref_squeeze %dma_start3A_132 : memref<1x1x100xi32, #tpu.memory_space<vmem>> -> memref<100xi32, #tpu.memory_space<vmem>>
      %dma_start3A_134 = arith.constant 0 : i32
      %dma_start3A_135 = tpu.memref_slice %arg7[%dma_start3A_134] : memref<10000xf32, #tpu.memory_space<vmem_shared>> -> memref<10000xf32, #tpu.memory_space<vmem_shared>>
      tpu.enqueue_indirect_dma source(%dma_start3A_130 : memref<100xf32, #tpu.memory_space<vmem>>) target(%dma_start3A_135 : memref<10000xf32, #tpu.memory_space<vmem_shared>>) offsets(%dma_start3A_133 : memref<100xi32, #tpu.memory_space<vmem>>) semaphore(%arg8 : memref<!tpu.dma_semaphore, #tpu.memory_space<semaphore_mem>>) {add = true}
      %dma_start3A_136 = arith.constant 10 : i32
      %dma_start3A_137 = arith.constant 0 : i32
      %dma_start3A_138 = tpu.memref_slice %arg5[%dma_start3A_137] : memref<128xf32, #tpu.memory_space<vmem>> -> memref<100xf32, #tpu.memory_space<vmem>>
      %dma_start3A_139 = arith.constant 0 : i32
      %dma_start3A_140 = tpu.memref_slice %arg4[%add3A_56, %dma_start3A_136, %dma_start3A_139] : memref<5x20x100xi32, #tpu.memory_space<vmem>> -> memref<1x1x100xi32, #tpu.memory_space<vmem>>
      %dma_start3A_141 = tpu.memref_squeeze %dma_start3A_140 : memref<1x1x100xi32, #tpu.memory_space<vmem>> -> memref<100xi32, #tpu.memory_space<vmem>>
      %dma_start3A_142 = arith.constant 0 : i32
      %dma_start3A_143 = tpu.memref_slice %arg7[%dma_start3A_142] : memref<10000xf32, #tpu.memory_space<vmem_shared>> -> memref<10000xf32, #tpu.memory_space<vmem_shared>>
      tpu.enqueue_indirect_dma source(%dma_start3A_138 : memref<100xf32, #tpu.memory_space<vmem>>) target(%dma_start3A_143 : memref<10000xf32, #tpu.memory_space<vmem_shared>>) offsets(%dma_start3A_141 : memref<100xi32, #tpu.memory_space<vmem>>) semaphore(%arg8 : memref<!tpu.dma_semaphore, #tpu.memory_space<semaphore_mem>>) {add = true}
      %dma_start3A_144 = arith.constant 11 : i32
      %dma_start3A_145 = arith.constant 0 : i32
      %dma_start3A_146 = tpu.memref_slice %arg5[%dma_start3A_145] : memref<128xf32, #tpu.memory_space<vmem>> -> memref<100xf32, #tpu.memory_space<vmem>>
      %dma_start3A_147 = arith.constant 0 : i32
      %dma_start3A_148 = tpu.memref_slice %arg4[%add3A_56, %dma_start3A_144, %dma_start3A_147] : memref<5x20x100xi32, #tpu.memory_space<vmem>> -> memref<1x1x100xi32, #tpu.memory_space<vmem>>
      %dma_start3A_149 = tpu.memref_squeeze %dma_start3A_148 : memref<1x1x100xi32, #tpu.memory_space<vmem>> -> memref<100xi32, #tpu.memory_space<vmem>>
      %dma_start3A_150 = arith.constant 0 : i32
      %dma_start3A_151 = tpu.memref_slice %arg7[%dma_start3A_150] : memref<10000xf32, #tpu.memory_space<vmem_shared>> -> memref<10000xf32, #tpu.memory_space<vmem_shared>>
      tpu.enqueue_indirect_dma source(%dma_start3A_146 : memref<100xf32, #tpu.memory_space<vmem>>) target(%dma_start3A_151 : memref<10000xf32, #tpu.memory_space<vmem_shared>>) offsets(%dma_start3A_149 : memref<100xi32, #tpu.memory_space<vmem>>) semaphore(%arg8 : memref<!tpu.dma_semaphore, #tpu.memory_space<semaphore_mem>>) {add = true}
      %dma_start3A_152 = arith.constant 12 : i32
      %dma_start3A_153 = arith.constant 0 : i32
      %dma_start3A_154 = tpu.memref_slice %arg5[%dma_start3A_153] : memref<128xf32, #tpu.memory_space<vmem>> -> memref<100xf32, #tpu.memory_space<vmem>>
      %dma_start3A_155 = arith.constant 0 : i32
      %dma_start3A_156 = tpu.memref_slice %arg4[%add3A_56, %dma_start3A_152, %dma_start3A_155] : memref<5x20x100xi32, #tpu.memory_space<vmem>> -> memref<1x1x100xi32, #tpu.memory_space<vmem>>
      %dma_start3A_157 = tpu.memref_squeeze %dma_start3A_156 : memref<1x1x100xi32, #tpu.memory_space<vmem>> -> memref<100xi32, #tpu.memory_space<vmem>>
      %dma_start3A_158 = arith.constant 0 : i32
      %dma_start3A_159 = tpu.memref_slice %arg7[%dma_start3A_158] : memref<10000xf32, #tpu.memory_space<vmem_shared>> -> memref<10000xf32, #tpu.memory_space<vmem_shared>>
      tpu.enqueue_indirect_dma source(%dma_start3A_154 : memref<100xf32, #tpu.memory_space<vmem>>) target(%dma_start3A_159 : memref<10000xf32, #tpu.memory_space<vmem_shared>>) offsets(%dma_start3A_157 : memref<100xi32, #tpu.memory_space<vmem>>) semaphore(%arg8 : memref<!tpu.dma_semaphore, #tpu.memory_space<semaphore_mem>>) {add = true}
      %dma_start3A_160 = arith.constant 13 : i32
      %dma_start3A_161 = arith.constant 0 : i32
      %dma_start3A_162 = tpu.memref_slice %arg5[%dma_start3A_161] : memref<128xf32, #tpu.memory_space<vmem>> -> memref<100xf32, #tpu.memory_space<vmem>>
      %dma_start3A_163 = arith.constant 0 : i32
      %dma_start3A_164 = tpu.memref_slice %arg4[%add3A_56, %dma_start3A_160, %dma_start3A_163] : memref<5x20x100xi32, #tpu.memory_space<vmem>> -> memref<1x1x100xi32, #tpu.memory_space<vmem>>
      %dma_start3A_165 = tpu.memref_squeeze %dma_start3A_164 : memref<1x1x100xi32, #tpu.memory_space<vmem>> -> memref<100xi32, #tpu.memory_space<vmem>>
      %dma_start3A_166 = arith.constant 0 : i32
      %dma_start3A_167 = tpu.memref_slice %arg7[%dma_start3A_166] : memref<10000xf32, #tpu.memory_space<vmem_shared>> -> memref<10000xf32, #tpu.memory_space<vmem_shared>>
      tpu.enqueue_indirect_dma source(%dma_start3A_162 : memref<100xf32, #tpu.memory_space<vmem>>) target(%dma_start3A_167 : memref<10000xf32, #tpu.memory_space<vmem_shared>>) offsets(%dma_start3A_165 : memref<100xi32, #tpu.memory_space<vmem>>) semaphore(%arg8 : memref<!tpu.dma_semaphore, #tpu.memory_space<semaphore_mem>>) {add = true}
      %dma_start3A_168 = arith.constant 14 : i32
      %dma_start3A_169 = arith.constant 0 : i32
      %dma_start3A_170 = tpu.memref_slice %arg5[%dma_start3A_169] : memref<128xf32, #tpu.memory_space<vmem>> -> memref<100xf32, #tpu.memory_space<vmem>>
      %dma_start3A_171 = arith.constant 0 : i32
      %dma_start3A_172 = tpu.memref_slice %arg4[%add3A_56, %dma_start3A_168, %dma_start3A_171] : memref<5x20x100xi32, #tpu.memory_space<vmem>> -> memref<1x1x100xi32, #tpu.memory_space<vmem>>
      %dma_start3A_173 = tpu.memref_squeeze %dma_start3A_172 : memref<1x1x100xi32, #tpu.memory_space<vmem>> -> memref<100xi32, #tpu.memory_space<vmem>>
      %dma_start3A_174 = arith.constant 0 : i32
      %dma_start3A_175 = tpu.memref_slice %arg7[%dma_start3A_174] : memref<10000xf32, #tpu.memory_space<vmem_shared>> -> memref<10000xf32, #tpu.memory_space<vmem_shared>>
      tpu.enqueue_indirect_dma source(%dma_start3A_170 : memref<100xf32, #tpu.memory_space<vmem>>) target(%dma_start3A_175 : memref<10000xf32, #tpu.memory_space<vmem_shared>>) offsets(%dma_start3A_173 : memref<100xi32, #tpu.memory_space<vmem>>) semaphore(%arg8 : memref<!tpu.dma_semaphore, #tpu.memory_space<semaphore_mem>>) {add = true}
      %dma_start3A_176 = arith.constant 15 : i32
      %dma_start3A_177 = arith.constant 0 : i32
      %dma_start3A_178 = tpu.memref_slice %arg5[%dma_start3A_177] : memref<128xf32, #tpu.memory_space<vmem>> -> memref<100xf32, #tpu.memory_space<vmem>>
      %dma_start3A_179 = arith.constant 0 : i32
      %dma_start3A_180 = tpu.memref_slice %arg4[%add3A_56, %dma_start3A_176, %dma_start3A_179] : memref<5x20x100xi32, #tpu.memory_space<vmem>> -> memref<1x1x100xi32, #tpu.memory_space<vmem>>
      %dma_start3A_181 = tpu.memref_squeeze %dma_start3A_180 : memref<1x1x100xi32, #tpu.memory_space<vmem>> -> memref<100xi32, #tpu.memory_space<vmem>>
      %dma_start3A_182 = arith.constant 0 : i32
      %dma_start3A_183 = tpu.memref_slice %arg7[%dma_start3A_182] : memref<10000xf32, #tpu.memory_space<vmem_shared>> -> memref<10000xf32, #tpu.memory_space<vmem_shared>>
      tpu.enqueue_indirect_dma source(%dma_start3A_178 : memref<100xf32, #tpu.memory_space<vmem>>) target(%dma_start3A_183 : memref<10000xf32, #tpu.memory_space<vmem_shared>>) offsets(%dma_start3A_181 : memref<100xi32, #tpu.memory_space<vmem>>) semaphore(%arg8 : memref<!tpu.dma_semaphore, #tpu.memory_space<semaphore_mem>>) {add = true}
      %dma_start3A_184 = arith.constant 16 : i32
      %dma_start3A_185 = arith.constant 0 : i32
      %dma_start3A_186 = tpu.memref_slice %arg5[%dma_start3A_185] : memref<128xf32, #tpu.memory_space<vmem>> -> memref<100xf32, #tpu.memory_space<vmem>>
      %dma_start3A_187 = arith.constant 0 : i32
      %dma_start3A_188 = tpu.memref_slice %arg4[%add3A_56, %dma_start3A_184, %dma_start3A_187] : memref<5x20x100xi32, #tpu.memory_space<vmem>> -> memref<1x1x100xi32, #tpu.memory_space<vmem>>
      %dma_start3A_189 = tpu.memref_squeeze %dma_start3A_188 : memref<1x1x100xi32, #tpu.memory_space<vmem>> -> memref<100xi32, #tpu.memory_space<vmem>>
      %dma_start3A_190 = arith.constant 0 : i32
      %dma_start3A_191 = tpu.memref_slice %arg7[%dma_start3A_190] : memref<10000xf32, #tpu.memory_space<vmem_shared>> -> memref<10000xf32, #tpu.memory_space<vmem_shared>>
      tpu.enqueue_indirect_dma source(%dma_start3A_186 : memref<100xf32, #tpu.memory_space<vmem>>) target(%dma_start3A_191 : memref<10000xf32, #tpu.memory_space<vmem_shared>>) offsets(%dma_start3A_189 : memref<100xi32, #tpu.memory_space<vmem>>) semaphore(%arg8 : memref<!tpu.dma_semaphore, #tpu.memory_space<semaphore_mem>>) {add = true}
      %dma_start3A_192 = arith.constant 17 : i32
      %dma_start3A_193 = arith.constant 0 : i32
      %dma_start3A_194 = tpu.memref_slice %arg5[%dma_start3A_193] : memref<128xf32, #tpu.memory_space<vmem>> -> memref<100xf32, #tpu.memory_space<vmem>>
      %dma_start3A_195 = arith.constant 0 : i32
      %dma_start3A_196 = tpu.memref_slice %arg4[%add3A_56, %dma_start3A_192, %dma_start3A_195] : memref<5x20x100xi32, #tpu.memory_space<vmem>> -> memref<1x1x100xi32, #tpu.memory_space<vmem>>
      %dma_start3A_197 = tpu.memref_squeeze %dma_start3A_196 : memref<1x1x100xi32, #tpu.memory_space<vmem>> -> memref<100xi32, #tpu.memory_space<vmem>>
      %dma_start3A_198 = arith.constant 0 : i32
      %dma_start3A_199 = tpu.memref_slice %arg7[%dma_start3A_198] : memref<10000xf32, #tpu.memory_space<vmem_shared>> -> memref<10000xf32, #tpu.memory_space<vmem_shared>>
      tpu.enqueue_indirect_dma source(%dma_start3A_194 : memref<100xf32, #tpu.memory_space<vmem>>) target(%dma_start3A_199 : memref<10000xf32, #tpu.memory_space<vmem_shared>>) offsets(%dma_start3A_197 : memref<100xi32, #tpu.memory_space<vmem>>) semaphore(%arg8 : memref<!tpu.dma_semaphore, #tpu.memory_space<semaphore_mem>>) {add = true}
      %dma_start3A_200 = arith.constant 18 : i32
      %dma_start3A_201 = arith.constant 0 : i32
      %dma_start3A_202 = tpu.memref_slice %arg5[%dma_start3A_201] : memref<128xf32, #tpu.memory_space<vmem>> -> memref<100xf32, #tpu.memory_space<vmem>>
      %dma_start3A_203 = arith.constant 0 : i32
      %dma_start3A_204 = tpu.memref_slice %arg4[%add3A_56, %dma_start3A_200, %dma_start3A_203] : memref<5x20x100xi32, #tpu.memory_space<vmem>> -> memref<1x1x100xi32, #tpu.memory_space<vmem>>
      %dma_start3A_205 = tpu.memref_squeeze %dma_start3A_204 : memref<1x1x100xi32, #tpu.memory_space<vmem>> -> memref<100xi32, #tpu.memory_space<vmem>>
      %dma_start3A_206 = arith.constant 0 : i32
      %dma_start3A_207 = tpu.memref_slice %arg7[%dma_start3A_206] : memref<10000xf32, #tpu.memory_space<vmem_shared>> -> memref<10000xf32, #tpu.memory_space<vmem_shared>>
      tpu.enqueue_indirect_dma source(%dma_start3A_202 : memref<100xf32, #tpu.memory_space<vmem>>) target(%dma_start3A_207 : memref<10000xf32, #tpu.memory_space<vmem_shared>>) offsets(%dma_start3A_205 : memref<100xi32, #tpu.memory_space<vmem>>) semaphore(%arg8 : memref<!tpu.dma_semaphore, #tpu.memory_space<semaphore_mem>>) {add = true}
      %dma_start3A_208 = arith.constant 19 : i32
      %dma_start3A_209 = arith.constant 0 : i32
      %dma_start3A_210 = tpu.memref_slice %arg5[%dma_start3A_209] : memref<128xf32, #tpu.memory_space<vmem>> -> memref<100xf32, #tpu.memory_space<vmem>>
      %dma_start3A_211 = arith.constant 0 : i32
      %dma_start3A_212 = tpu.memref_slice %arg4[%add3A_56, %dma_start3A_208, %dma_start3A_211] : memref<5x20x100xi32, #tpu.memory_space<vmem>> -> memref<1x1x100xi32, #tpu.memory_space<vmem>>
      %dma_start3A_213 = tpu.memref_squeeze %dma_start3A_212 : memref<1x1x100xi32, #tpu.memory_space<vmem>> -> memref<100xi32, #tpu.memory_space<vmem>>
      %dma_start3A_214 = arith.constant 0 : i32
      %dma_start3A_215 = tpu.memref_slice %arg7[%dma_start3A_214] : memref<10000xf32, #tpu.memory_space<vmem_shared>> -> memref<10000xf32, #tpu.memory_space<vmem_shared>>
      tpu.enqueue_indirect_dma source(%dma_start3A_210 : memref<100xf32, #tpu.memory_space<vmem>>) target(%dma_start3A_215 : memref<10000xf32, #tpu.memory_space<vmem_shared>>) offsets(%dma_start3A_213 : memref<100xi32, #tpu.memory_space<vmem>>) semaphore(%arg8 : memref<!tpu.dma_semaphore, #tpu.memory_space<semaphore_mem>>) {add = true}
      %dma_wait3A = arith.constant 0 : i32
      %dma_wait3A_216 = arith.constant 0 : i32
      %dma_wait3A_217 = tpu.memref_slice %arg5[%dma_wait3A_216] : memref<128xf32, #tpu.memory_space<vmem>> -> memref<100xf32, #tpu.memory_space<vmem>>
      %dma_wait3A_218 = arith.constant 0 : i32
      %dma_wait3A_219 = tpu.memref_slice %arg4[%add3A_56, %dma_wait3A, %dma_wait3A_218] : memref<5x20x100xi32, #tpu.memory_space<vmem>> -> memref<1x1x100xi32, #tpu.memory_space<vmem>>
      %dma_wait3A_220 = tpu.memref_squeeze %dma_wait3A_219 : memref<1x1x100xi32, #tpu.memory_space<vmem>> -> memref<100xi32, #tpu.memory_space<vmem>>
      %dma_wait3A_221 = arith.constant 0 : i32
      %dma_wait3A_222 = tpu.memref_slice %arg7[%dma_wait3A_221] : memref<10000xf32, #tpu.memory_space<vmem_shared>> -> memref<10000xf32, #tpu.memory_space<vmem_shared>>
      tpu.wait_indirect_dma semaphore(%arg8 : memref<!tpu.dma_semaphore, #tpu.memory_space<semaphore_mem>>) src(%dma_wait3A_217 : memref<100xf32, #tpu.memory_space<vmem>>) dst(%dma_wait3A_222 : memref<10000xf32, #tpu.memory_space<vmem_shared>>)
      %dma_wait3A_223 = arith.constant 1 : i32
      %dma_wait3A_224 = arith.constant 0 : i32
      %dma_wait3A_225 = tpu.memref_slice %arg5[%dma_wait3A_224] : memref<128xf32, #tpu.memory_space<vmem>> -> memref<100xf32, #tpu.memory_space<vmem>>
      %dma_wait3A_226 = arith.constant 0 : i32
      %dma_wait3A_227 = tpu.memref_slice %arg4[%add3A_56, %dma_wait3A_223, %dma_wait3A_226] : memref<5x20x100xi32, #tpu.memory_space<vmem>> -> memref<1x1x100xi32, #tpu.memory_space<vmem>>
      %dma_wait3A_228 = tpu.memref_squeeze %dma_wait3A_227 : memref<1x1x100xi32, #tpu.memory_space<vmem>> -> memref<100xi32, #tpu.memory_space<vmem>>
      %dma_wait3A_229 = arith.constant 0 : i32
      %dma_wait3A_230 = tpu.memref_slice %arg7[%dma_wait3A_229] : memref<10000xf32, #tpu.memory_space<vmem_shared>> -> memref<10000xf32, #tpu.memory_space<vmem_shared>>
      tpu.wait_indirect_dma semaphore(%arg8 : memref<!tpu.dma_semaphore, #tpu.memory_space<semaphore_mem>>) src(%dma_wait3A_225 : memref<100xf32, #tpu.memory_space<vmem>>) dst(%dma_wait3A_230 : memref<10000xf32, #tpu.memory_space<vmem_shared>>)
      %dma_wait3A_231 = arith.constant 2 : i32
      %dma_wait3A_232 = arith.constant 0 : i32
      %dma_wait3A_233 = tpu.memref_slice %arg5[%dma_wait3A_232] : memref<128xf32, #tpu.memory_space<vmem>> -> memref<100xf32, #tpu.memory_space<vmem>>
      %dma_wait3A_234 = arith.constant 0 : i32
      %dma_wait3A_235 = tpu.memref_slice %arg4[%add3A_56, %dma_wait3A_231, %dma_wait3A_234] : memref<5x20x100xi32, #tpu.memory_space<vmem>> -> memref<1x1x100xi32, #tpu.memory_space<vmem>>
      %dma_wait3A_236 = tpu.memref_squeeze %dma_wait3A_235 : memref<1x1x100xi32, #tpu.memory_space<vmem>> -> memref<100xi32, #tpu.memory_space<vmem>>
      %dma_wait3A_237 = arith.constant 0 : i32
      %dma_wait3A_238 = tpu.memref_slice %arg7[%dma_wait3A_237] : memref<10000xf32, #tpu.memory_space<vmem_shared>> -> memref<10000xf32, #tpu.memory_space<vmem_shared>>
      tpu.wait_indirect_dma semaphore(%arg8 : memref<!tpu.dma_semaphore, #tpu.memory_space<semaphore_mem>>) src(%dma_wait3A_233 : memref<100xf32, #tpu.memory_space<vmem>>) dst(%dma_wait3A_238 : memref<10000xf32, #tpu.memory_space<vmem_shared>>)
      %dma_wait3A_239 = arith.constant 3 : i32
      %dma_wait3A_240 = arith.constant 0 : i32
      %dma_wait3A_241 = tpu.memref_slice %arg5[%dma_wait3A_240] : memref<128xf32, #tpu.memory_space<vmem>> -> memref<100xf32, #tpu.memory_space<vmem>>
      %dma_wait3A_242 = arith.constant 0 : i32
      %dma_wait3A_243 = tpu.memref_slice %arg4[%add3A_56, %dma_wait3A_239, %dma_wait3A_242] : memref<5x20x100xi32, #tpu.memory_space<vmem>> -> memref<1x1x100xi32, #tpu.memory_space<vmem>>
      %dma_wait3A_244 = tpu.memref_squeeze %dma_wait3A_243 : memref<1x1x100xi32, #tpu.memory_space<vmem>> -> memref<100xi32, #tpu.memory_space<vmem>>
      %dma_wait3A_245 = arith.constant 0 : i32
      %dma_wait3A_246 = tpu.memref_slice %arg7[%dma_wait3A_245] : memref<10000xf32, #tpu.memory_space<vmem_shared>> -> memref<10000xf32, #tpu.memory_space<vmem_shared>>
      tpu.wait_indirect_dma semaphore(%arg8 : memref<!tpu.dma_semaphore, #tpu.memory_space<semaphore_mem>>) src(%dma_wait3A_241 : memref<100xf32, #tpu.memory_space<vmem>>) dst(%dma_wait3A_246 : memref<10000xf32, #tpu.memory_space<vmem_shared>>)
      %dma_wait3A_247 = arith.constant 4 : i32
      %dma_wait3A_248 = arith.constant 0 : i32
      %dma_wait3A_249 = tpu.memref_slice %arg5[%dma_wait3A_248] : memref<128xf32, #tpu.memory_space<vmem>> -> memref<100xf32, #tpu.memory_space<vmem>>
      %dma_wait3A_250 = arith.constant 0 : i32
      %dma_wait3A_251 = tpu.memref_slice %arg4[%add3A_56, %dma_wait3A_247, %dma_wait3A_250] : memref<5x20x100xi32, #tpu.memory_space<vmem>> -> memref<1x1x100xi32, #tpu.memory_space<vmem>>
      %dma_wait3A_252 = tpu.memref_squeeze %dma_wait3A_251 : memref<1x1x100xi32, #tpu.memory_space<vmem>> -> memref<100xi32, #tpu.memory_space<vmem>>
      %dma_wait3A_253 = arith.constant 0 : i32
      %dma_wait3A_254 = tpu.memref_slice %arg7[%dma_wait3A_253] : memref<10000xf32, #tpu.memory_space<vmem_shared>> -> memref<10000xf32, #tpu.memory_space<vmem_shared>>
      tpu.wait_indirect_dma semaphore(%arg8 : memref<!tpu.dma_semaphore, #tpu.memory_space<semaphore_mem>>) src(%dma_wait3A_249 : memref<100xf32, #tpu.memory_space<vmem>>) dst(%dma_wait3A_254 : memref<10000xf32, #tpu.memory_space<vmem_shared>>)
      %dma_wait3A_255 = arith.constant 5 : i32
      %dma_wait3A_256 = arith.constant 0 : i32
      %dma_wait3A_257 = tpu.memref_slice %arg5[%dma_wait3A_256] : memref<128xf32, #tpu.memory_space<vmem>> -> memref<100xf32, #tpu.memory_space<vmem>>
      %dma_wait3A_258 = arith.constant 0 : i32
      %dma_wait3A_259 = tpu.memref_slice %arg4[%add3A_56, %dma_wait3A_255, %dma_wait3A_258] : memref<5x20x100xi32, #tpu.memory_space<vmem>> -> memref<1x1x100xi32, #tpu.memory_space<vmem>>
      %dma_wait3A_260 = tpu.memref_squeeze %dma_wait3A_259 : memref<1x1x100xi32, #tpu.memory_space<vmem>> -> memref<100xi32, #tpu.memory_space<vmem>>
      %dma_wait3A_261 = arith.constant 0 : i32
      %dma_wait3A_262 = tpu.memref_slice %arg7[%dma_wait3A_261] : memref<10000xf32, #tpu.memory_space<vmem_shared>> -> memref<10000xf32, #tpu.memory_space<vmem_shared>>
      tpu.wait_indirect_dma semaphore(%arg8 : memref<!tpu.dma_semaphore, #tpu.memory_space<semaphore_mem>>) src(%dma_wait3A_257 : memref<100xf32, #tpu.memory_space<vmem>>) dst(%dma_wait3A_262 : memref<10000xf32, #tpu.memory_space<vmem_shared>>)
      %dma_wait3A_263 = arith.constant 6 : i32
      %dma_wait3A_264 = arith.constant 0 : i32
      %dma_wait3A_265 = tpu.memref_slice %arg5[%dma_wait3A_264] : memref<128xf32, #tpu.memory_space<vmem>> -> memref<100xf32, #tpu.memory_space<vmem>>
      %dma_wait3A_266 = arith.constant 0 : i32
      %dma_wait3A_267 = tpu.memref_slice %arg4[%add3A_56, %dma_wait3A_263, %dma_wait3A_266] : memref<5x20x100xi32, #tpu.memory_space<vmem>> -> memref<1x1x100xi32, #tpu.memory_space<vmem>>
      %dma_wait3A_268 = tpu.memref_squeeze %dma_wait3A_267 : memref<1x1x100xi32, #tpu.memory_space<vmem>> -> memref<100xi32, #tpu.memory_space<vmem>>
      %dma_wait3A_269 = arith.constant 0 : i32
      %dma_wait3A_270 = tpu.memref_slice %arg7[%dma_wait3A_269] : memref<10000xf32, #tpu.memory_space<vmem_shared>> -> memref<10000xf32, #tpu.memory_space<vmem_shared>>
      tpu.wait_indirect_dma semaphore(%arg8 : memref<!tpu.dma_semaphore, #tpu.memory_space<semaphore_mem>>) src(%dma_wait3A_265 : memref<100xf32, #tpu.memory_space<vmem>>) dst(%dma_wait3A_270 : memref<10000xf32, #tpu.memory_space<vmem_shared>>)
      %dma_wait3A_271 = arith.constant 7 : i32
      %dma_wait3A_272 = arith.constant 0 : i32
      %dma_wait3A_273 = tpu.memref_slice %arg5[%dma_wait3A_272] : memref<128xf32, #tpu.memory_space<vmem>> -> memref<100xf32, #tpu.memory_space<vmem>>
      %dma_wait3A_274 = arith.constant 0 : i32
      %dma_wait3A_275 = tpu.memref_slice %arg4[%add3A_56, %dma_wait3A_271, %dma_wait3A_274] : memref<5x20x100xi32, #tpu.memory_space<vmem>> -> memref<1x1x100xi32, #tpu.memory_space<vmem>>
      %dma_wait3A_276 = tpu.memref_squeeze %dma_wait3A_275 : memref<1x1x100xi32, #tpu.memory_space<vmem>> -> memref<100xi32, #tpu.memory_space<vmem>>
      %dma_wait3A_277 = arith.constant 0 : i32
      %dma_wait3A_278 = tpu.memref_slice %arg7[%dma_wait3A_277] : memref<10000xf32, #tpu.memory_space<vmem_shared>> -> memref<10000xf32, #tpu.memory_space<vmem_shared>>
      tpu.wait_indirect_dma semaphore(%arg8 : memref<!tpu.dma_semaphore, #tpu.memory_space<semaphore_mem>>) src(%dma_wait3A_273 : memref<100xf32, #tpu.memory_space<vmem>>) dst(%dma_wait3A_278 : memref<10000xf32, #tpu.memory_space<vmem_shared>>)
      %dma_wait3A_279 = arith.constant 8 : i32
      %dma_wait3A_280 = arith.constant 0 : i32
      %dma_wait3A_281 = tpu.memref_slice %arg5[%dma_wait3A_280] : memref<128xf32, #tpu.memory_space<vmem>> -> memref<100xf32, #tpu.memory_space<vmem>>
      %dma_wait3A_282 = arith.constant 0 : i32
      %dma_wait3A_283 = tpu.memref_slice %arg4[%add3A_56, %dma_wait3A_279, %dma_wait3A_282] : memref<5x20x100xi32, #tpu.memory_space<vmem>> -> memref<1x1x100xi32, #tpu.memory_space<vmem>>
      %dma_wait3A_284 = tpu.memref_squeeze %dma_wait3A_283 : memref<1x1x100xi32, #tpu.memory_space<vmem>> -> memref<100xi32, #tpu.memory_space<vmem>>
      %dma_wait3A_285 = arith.constant 0 : i32
      %dma_wait3A_286 = tpu.memref_slice %arg7[%dma_wait3A_285] : memref<10000xf32, #tpu.memory_space<vmem_shared>> -> memref<10000xf32, #tpu.memory_space<vmem_shared>>
      tpu.wait_indirect_dma semaphore(%arg8 : memref<!tpu.dma_semaphore, #tpu.memory_space<semaphore_mem>>) src(%dma_wait3A_281 : memref<100xf32, #tpu.memory_space<vmem>>) dst(%dma_wait3A_286 : memref<10000xf32, #tpu.memory_space<vmem_shared>>)
      %dma_wait3A_287 = arith.constant 9 : i32
      %dma_wait3A_288 = arith.constant 0 : i32
      %dma_wait3A_289 = tpu.memref_slice %arg5[%dma_wait3A_288] : memref<128xf32, #tpu.memory_space<vmem>> -> memref<100xf32, #tpu.memory_space<vmem>>
      %dma_wait3A_290 = arith.constant 0 : i32
      %dma_wait3A_291 = tpu.memref_slice %arg4[%add3A_56, %dma_wait3A_287, %dma_wait3A_290] : memref<5x20x100xi32, #tpu.memory_space<vmem>> -> memref<1x1x100xi32, #tpu.memory_space<vmem>>
      %dma_wait3A_292 = tpu.memref_squeeze %dma_wait3A_291 : memref<1x1x100xi32, #tpu.memory_space<vmem>> -> memref<100xi32, #tpu.memory_space<vmem>>
      %dma_wait3A_293 = arith.constant 0 : i32
      %dma_wait3A_294 = tpu.memref_slice %arg7[%dma_wait3A_293] : memref<10000xf32, #tpu.memory_space<vmem_shared>> -> memref<10000xf32, #tpu.memory_space<vmem_shared>>
      tpu.wait_indirect_dma semaphore(%arg8 : memref<!tpu.dma_semaphore, #tpu.memory_space<semaphore_mem>>) src(%dma_wait3A_289 : memref<100xf32, #tpu.memory_space<vmem>>) dst(%dma_wait3A_294 : memref<10000xf32, #tpu.memory_space<vmem_shared>>)
      %dma_wait3A_295 = arith.constant 10 : i32
      %dma_wait3A_296 = arith.constant 0 : i32
      %dma_wait3A_297 = tpu.memref_slice %arg5[%dma_wait3A_296] : memref<128xf32, #tpu.memory_space<vmem>> -> memref<100xf32, #tpu.memory_space<vmem>>
      %dma_wait3A_298 = arith.constant 0 : i32
      %dma_wait3A_299 = tpu.memref_slice %arg4[%add3A_56, %dma_wait3A_295, %dma_wait3A_298] : memref<5x20x100xi32, #tpu.memory_space<vmem>> -> memref<1x1x100xi32, #tpu.memory_space<vmem>>
      %dma_wait3A_300 = tpu.memref_squeeze %dma_wait3A_299 : memref<1x1x100xi32, #tpu.memory_space<vmem>> -> memref<100xi32, #tpu.memory_space<vmem>>
      %dma_wait3A_301 = arith.constant 0 : i32
      %dma_wait3A_302 = tpu.memref_slice %arg7[%dma_wait3A_301] : memref<10000xf32, #tpu.memory_space<vmem_shared>> -> memref<10000xf32, #tpu.memory_space<vmem_shared>>
      tpu.wait_indirect_dma semaphore(%arg8 : memref<!tpu.dma_semaphore, #tpu.memory_space<semaphore_mem>>) src(%dma_wait3A_297 : memref<100xf32, #tpu.memory_space<vmem>>) dst(%dma_wait3A_302 : memref<10000xf32, #tpu.memory_space<vmem_shared>>)
      %dma_wait3A_303 = arith.constant 11 : i32
      %dma_wait3A_304 = arith.constant 0 : i32
      %dma_wait3A_305 = tpu.memref_slice %arg5[%dma_wait3A_304] : memref<128xf32, #tpu.memory_space<vmem>> -> memref<100xf32, #tpu.memory_space<vmem>>
      %dma_wait3A_306 = arith.constant 0 : i32
      %dma_wait3A_307 = tpu.memref_slice %arg4[%add3A_56, %dma_wait3A_303, %dma_wait3A_306] : memref<5x20x100xi32, #tpu.memory_space<vmem>> -> memref<1x1x100xi32, #tpu.memory_space<vmem>>
      %dma_wait3A_308 = tpu.memref_squeeze %dma_wait3A_307 : memref<1x1x100xi32, #tpu.memory_space<vmem>> -> memref<100xi32, #tpu.memory_space<vmem>>
      %dma_wait3A_309 = arith.constant 0 : i32
      %dma_wait3A_310 = tpu.memref_slice %arg7[%dma_wait3A_309] : memref<10000xf32, #tpu.memory_space<vmem_shared>> -> memref<10000xf32, #tpu.memory_space<vmem_shared>>
      tpu.wait_indirect_dma semaphore(%arg8 : memref<!tpu.dma_semaphore, #tpu.memory_space<semaphore_mem>>) src(%dma_wait3A_305 : memref<100xf32, #tpu.memory_space<vmem>>) dst(%dma_wait3A_310 : memref<10000xf32, #tpu.memory_space<vmem_shared>>)
      %dma_wait3A_311 = arith.constant 12 : i32
      %dma_wait3A_312 = arith.constant 0 : i32
      %dma_wait3A_313 = tpu.memref_slice %arg5[%dma_wait3A_312] : memref<128xf32, #tpu.memory_space<vmem>> -> memref<100xf32, #tpu.memory_space<vmem>>
      %dma_wait3A_314 = arith.constant 0 : i32
      %dma_wait3A_315 = tpu.memref_slice %arg4[%add3A_56, %dma_wait3A_311, %dma_wait3A_314] : memref<5x20x100xi32, #tpu.memory_space<vmem>> -> memref<1x1x100xi32, #tpu.memory_space<vmem>>
      %dma_wait3A_316 = tpu.memref_squeeze %dma_wait3A_315 : memref<1x1x100xi32, #tpu.memory_space<vmem>> -> memref<100xi32, #tpu.memory_space<vmem>>
      %dma_wait3A_317 = arith.constant 0 : i32
      %dma_wait3A_318 = tpu.memref_slice %arg7[%dma_wait3A_317] : memref<10000xf32, #tpu.memory_space<vmem_shared>> -> memref<10000xf32, #tpu.memory_space<vmem_shared>>
      tpu.wait_indirect_dma semaphore(%arg8 : memref<!tpu.dma_semaphore, #tpu.memory_space<semaphore_mem>>) src(%dma_wait3A_313 : memref<100xf32, #tpu.memory_space<vmem>>) dst(%dma_wait3A_318 : memref<10000xf32, #tpu.memory_space<vmem_shared>>)
      %dma_wait3A_319 = arith.constant 13 : i32
      %dma_wait3A_320 = arith.constant 0 : i32
      %dma_wait3A_321 = tpu.memref_slice %arg5[%dma_wait3A_320] : memref<128xf32, #tpu.memory_space<vmem>> -> memref<100xf32, #tpu.memory_space<vmem>>
      %dma_wait3A_322 = arith.constant 0 : i32
      %dma_wait3A_323 = tpu.memref_slice %arg4[%add3A_56, %dma_wait3A_319, %dma_wait3A_322] : memref<5x20x100xi32, #tpu.memory_space<vmem>> -> memref<1x1x100xi32, #tpu.memory_space<vmem>>
      %dma_wait3A_324 = tpu.memref_squeeze %dma_wait3A_323 : memref<1x1x100xi32, #tpu.memory_space<vmem>> -> memref<100xi32, #tpu.memory_space<vmem>>
      %dma_wait3A_325 = arith.constant 0 : i32
      %dma_wait3A_326 = tpu.memref_slice %arg7[%dma_wait3A_325] : memref<10000xf32, #tpu.memory_space<vmem_shared>> -> memref<10000xf32, #tpu.memory_space<vmem_shared>>
      tpu.wait_indirect_dma semaphore(%arg8 : memref<!tpu.dma_semaphore, #tpu.memory_space<semaphore_mem>>) src(%dma_wait3A_321 : memref<100xf32, #tpu.memory_space<vmem>>) dst(%dma_wait3A_326 : memref<10000xf32, #tpu.memory_space<vmem_shared>>)
      %dma_wait3A_327 = arith.constant 14 : i32
      %dma_wait3A_328 = arith.constant 0 : i32
      %dma_wait3A_329 = tpu.memref_slice %arg5[%dma_wait3A_328] : memref<128xf32, #tpu.memory_space<vmem>> -> memref<100xf32, #tpu.memory_space<vmem>>
      %dma_wait3A_330 = arith.constant 0 : i32
      %dma_wait3A_331 = tpu.memref_slice %arg4[%add3A_56, %dma_wait3A_327, %dma_wait3A_330] : memref<5x20x100xi32, #tpu.memory_space<vmem>> -> memref<1x1x100xi32, #tpu.memory_space<vmem>>
      %dma_wait3A_332 = tpu.memref_squeeze %dma_wait3A_331 : memref<1x1x100xi32, #tpu.memory_space<vmem>> -> memref<100xi32, #tpu.memory_space<vmem>>
      %dma_wait3A_333 = arith.constant 0 : i32
      %dma_wait3A_334 = tpu.memref_slice %arg7[%dma_wait3A_333] : memref<10000xf32, #tpu.memory_space<vmem_shared>> -> memref<10000xf32, #tpu.memory_space<vmem_shared>>
      tpu.wait_indirect_dma semaphore(%arg8 : memref<!tpu.dma_semaphore, #tpu.memory_space<semaphore_mem>>) src(%dma_wait3A_329 : memref<100xf32, #tpu.memory_space<vmem>>) dst(%dma_wait3A_334 : memref<10000xf32, #tpu.memory_space<vmem_shared>>)
      %dma_wait3A_335 = arith.constant 15 : i32
      %dma_wait3A_336 = arith.constant 0 : i32
      %dma_wait3A_337 = tpu.memref_slice %arg5[%dma_wait3A_336] : memref<128xf32, #tpu.memory_space<vmem>> -> memref<100xf32, #tpu.memory_space<vmem>>
      %dma_wait3A_338 = arith.constant 0 : i32
      %dma_wait3A_339 = tpu.memref_slice %arg4[%add3A_56, %dma_wait3A_335, %dma_wait3A_338] : memref<5x20x100xi32, #tpu.memory_space<vmem>> -> memref<1x1x100xi32, #tpu.memory_space<vmem>>
      %dma_wait3A_340 = tpu.memref_squeeze %dma_wait3A_339 : memref<1x1x100xi32, #tpu.memory_space<vmem>> -> memref<100xi32, #tpu.memory_space<vmem>>
      %dma_wait3A_341 = arith.constant 0 : i32
      %dma_wait3A_342 = tpu.memref_slice %arg7[%dma_wait3A_341] : memref<10000xf32, #tpu.memory_space<vmem_shared>> -> memref<10000xf32, #tpu.memory_space<vmem_shared>>
      tpu.wait_indirect_dma semaphore(%arg8 : memref<!tpu.dma_semaphore, #tpu.memory_space<semaphore_mem>>) src(%dma_wait3A_337 : memref<100xf32, #tpu.memory_space<vmem>>) dst(%dma_wait3A_342 : memref<10000xf32, #tpu.memory_space<vmem_shared>>)
      %dma_wait3A_343 = arith.constant 16 : i32
      %dma_wait3A_344 = arith.constant 0 : i32
      %dma_wait3A_345 = tpu.memref_slice %arg5[%dma_wait3A_344] : memref<128xf32, #tpu.memory_space<vmem>> -> memref<100xf32, #tpu.memory_space<vmem>>
      %dma_wait3A_346 = arith.constant 0 : i32
      %dma_wait3A_347 = tpu.memref_slice %arg4[%add3A_56, %dma_wait3A_343, %dma_wait3A_346] : memref<5x20x100xi32, #tpu.memory_space<vmem>> -> memref<1x1x100xi32, #tpu.memory_space<vmem>>
      %dma_wait3A_348 = tpu.memref_squeeze %dma_wait3A_347 : memref<1x1x100xi32, #tpu.memory_space<vmem>> -> memref<100xi32, #tpu.memory_space<vmem>>
      %dma_wait3A_349 = arith.constant 0 : i32
      %dma_wait3A_350 = tpu.memref_slice %arg7[%dma_wait3A_349] : memref<10000xf32, #tpu.memory_space<vmem_shared>> -> memref<10000xf32, #tpu.memory_space<vmem_shared>>
      tpu.wait_indirect_dma semaphore(%arg8 : memref<!tpu.dma_semaphore, #tpu.memory_space<semaphore_mem>>) src(%dma_wait3A_345 : memref<100xf32, #tpu.memory_space<vmem>>) dst(%dma_wait3A_350 : memref<10000xf32, #tpu.memory_space<vmem_shared>>)
      %dma_wait3A_351 = arith.constant 17 : i32
      %dma_wait3A_352 = arith.constant 0 : i32
      %dma_wait3A_353 = tpu.memref_slice %arg5[%dma_wait3A_352] : memref<128xf32, #tpu.memory_space<vmem>> -> memref<100xf32, #tpu.memory_space<vmem>>
      %dma_wait3A_354 = arith.constant 0 : i32
      %dma_wait3A_355 = tpu.memref_slice %arg4[%add3A_56, %dma_wait3A_351, %dma_wait3A_354] : memref<5x20x100xi32, #tpu.memory_space<vmem>> -> memref<1x1x100xi32, #tpu.memory_space<vmem>>
      %dma_wait3A_356 = tpu.memref_squeeze %dma_wait3A_355 : memref<1x1x100xi32, #tpu.memory_space<vmem>> -> memref<100xi32, #tpu.memory_space<vmem>>
      %dma_wait3A_357 = arith.constant 0 : i32
      %dma_wait3A_358 = tpu.memref_slice %arg7[%dma_wait3A_357] : memref<10000xf32, #tpu.memory_space<vmem_shared>> -> memref<10000xf32, #tpu.memory_space<vmem_shared>>
      tpu.wait_indirect_dma semaphore(%arg8 : memref<!tpu.dma_semaphore, #tpu.memory_space<semaphore_mem>>) src(%dma_wait3A_353 : memref<100xf32, #tpu.memory_space<vmem>>) dst(%dma_wait3A_358 : memref<10000xf32, #tpu.memory_space<vmem_shared>>)
      %dma_wait3A_359 = arith.constant 18 : i32
      %dma_wait3A_360 = arith.constant 0 : i32
      %dma_wait3A_361 = tpu.memref_slice %arg5[%dma_wait3A_360] : memref<128xf32, #tpu.memory_space<vmem>> -> memref<100xf32, #tpu.memory_space<vmem>>
      %dma_wait3A_362 = arith.constant 0 : i32
      %dma_wait3A_363 = tpu.memref_slice %arg4[%add3A_56, %dma_wait3A_359, %dma_wait3A_362] : memref<5x20x100xi32, #tpu.memory_space<vmem>> -> memref<1x1x100xi32, #tpu.memory_space<vmem>>
      %dma_wait3A_364 = tpu.memref_squeeze %dma_wait3A_363 : memref<1x1x100xi32, #tpu.memory_space<vmem>> -> memref<100xi32, #tpu.memory_space<vmem>>
      %dma_wait3A_365 = arith.constant 0 : i32
      %dma_wait3A_366 = tpu.memref_slice %arg7[%dma_wait3A_365] : memref<10000xf32, #tpu.memory_space<vmem_shared>> -> memref<10000xf32, #tpu.memory_space<vmem_shared>>
      tpu.wait_indirect_dma semaphore(%arg8 : memref<!tpu.dma_semaphore, #tpu.memory_space<semaphore_mem>>) src(%dma_wait3A_361 : memref<100xf32, #tpu.memory_space<vmem>>) dst(%dma_wait3A_366 : memref<10000xf32, #tpu.memory_space<vmem_shared>>)
      %dma_wait3A_367 = arith.constant 19 : i32
      %dma_wait3A_368 = arith.constant 0 : i32
      %dma_wait3A_369 = tpu.memref_slice %arg5[%dma_wait3A_368] : memref<128xf32, #tpu.memory_space<vmem>> -> memref<100xf32, #tpu.memory_space<vmem>>
      %dma_wait3A_370 = arith.constant 0 : i32
      %dma_wait3A_371 = tpu.memref_slice %arg4[%add3A_56, %dma_wait3A_367, %dma_wait3A_370] : memref<5x20x100xi32, #tpu.memory_space<vmem>> -> memref<1x1x100xi32, #tpu.memory_space<vmem>>
      %dma_wait3A_372 = tpu.memref_squeeze %dma_wait3A_371 : memref<1x1x100xi32, #tpu.memory_space<vmem>> -> memref<100xi32, #tpu.memory_space<vmem>>
      %dma_wait3A_373 = arith.constant 0 : i32
      %dma_wait3A_374 = tpu.memref_slice %arg7[%dma_wait3A_373] : memref<10000xf32, #tpu.memory_space<vmem_shared>> -> memref<10000xf32, #tpu.memory_space<vmem_shared>>
      tpu.wait_indirect_dma semaphore(%arg8 : memref<!tpu.dma_semaphore, #tpu.memory_space<semaphore_mem>>) src(%dma_wait3A_369 : memref<100xf32, #tpu.memory_space<vmem>>) dst(%dma_wait3A_374 : memref<10000xf32, #tpu.memory_space<vmem_shared>>)
    }
    %scan3A_45 = arith.constant 5 : i32
    %barrier3A_46 = arith.constant 0 : index
    tpu.barrier barrier_id(%barrier3A_46)
    %lt3A_47 = arith.constant 10 : i32
    %lt3A_48 = arith.cmpi slt, %arg1, %lt3A_47 : i32
    %convert_element_type3A_49 = arith.extui %lt3A_48 : i1 to i32
    %cond3A_50 = arith.constant 0 : i32
    %cond3A_51 = arith.cmpi ne, %convert_element_type3A_49, %cond3A_50 : i32
    scf.if %cond3A_51 {
      %mul3A_52 = arith.constant 1000 : i32
      %mul3A_53 = arith.muli %arg1, %mul3A_52 : i32
      "tpu.region"() ({
        %run_scoped3A_59 = tpu.sem_alloc : memref<!tpu.dma_semaphore, #tpu.memory_space<semaphore_mem>>
        %dma_start3A = arith.constant 0 : i32
        %dma_start3A_60 = tpu.memref_slice %arg6[%dma_start3A] : memref<1024xf32, #tpu.memory_space<vmem>> -> memref<1000xf32, #tpu.memory_space<vmem>>
        %dma_start3A_61 = tpu.memref_slice %arg7[%mul3A_53] : memref<10000xf32, #tpu.memory_space<vmem_shared>> -> memref<1000xf32, #tpu.memory_space<vmem_shared>>
        %dma_start3A_62 = arith.constant 0 : i32
        %dma_start3A_63 = tpu.memref_slice %arg6[%dma_start3A_62] : memref<1024xf32, #tpu.memory_space<vmem>> -> memref<1000xf32, #tpu.memory_space<vmem>>
        %dma_start3A_64 = tpu.memref_slice %arg7[%mul3A_53] : memref<10000xf32, #tpu.memory_space<vmem_shared>> -> memref<1000xf32, #tpu.memory_space<vmem_shared>>
        tpu.enqueue_dma source(%dma_start3A_64 : memref<1000xf32, #tpu.memory_space<vmem_shared>>) target(%dma_start3A_63 : memref<1000xf32, #tpu.memory_space<vmem>>) target_semaphore(%run_scoped3A_59 : memref<!tpu.dma_semaphore, #tpu.memory_space<semaphore_mem>>)
        %dma_wait3A = arith.constant 0 : i32
        %dma_wait3A_65 = tpu.memref_slice %arg6[%dma_wait3A] : memref<1024xf32, #tpu.memory_space<vmem>> -> memref<1000xf32, #tpu.memory_space<vmem>>
        %dma_wait3A_66 = tpu.memref_slice %arg7[%mul3A_53] : memref<10000xf32, #tpu.memory_space<vmem_shared>> -> memref<1000xf32, #tpu.memory_space<vmem_shared>>
        %dma_wait3A_67 = arith.constant 0 : i32
        %dma_wait3A_68 = tpu.memref_slice %arg6[%dma_wait3A_67] : memref<1024xf32, #tpu.memory_space<vmem>> -> memref<1000xf32, #tpu.memory_space<vmem>>
        %dma_wait3A_69 = tpu.memref_slice %arg7[%mul3A_53] : memref<10000xf32, #tpu.memory_space<vmem_shared>> -> memref<1000xf32, #tpu.memory_space<vmem_shared>>
        tpu.wait_dma2 semaphore(%run_scoped3A_59 : memref<!tpu.dma_semaphore, #tpu.memory_space<semaphore_mem>>) src(%dma_wait3A_69 : memref<1000xf32, #tpu.memory_space<vmem_shared>>) dst(%dma_wait3A_68 : memref<1000xf32, #tpu.memory_space<vmem>>)
        tpu.yield
      }) : () -> ()
      %mul3A_54 = arith.constant 10000 : i32
      %mul3A_55 = arith.muli %arg0, %mul3A_54 : i32
      %mul3A_56 = arith.constant 1000 : i32
      %mul3A_57 = arith.muli %arg1, %mul3A_56 : i32
      %add3A_58 = arith.addi %mul3A_55, %mul3A_57 : i32
      "tpu.region"() ({
        %run_scoped3A_59 = tpu.sem_alloc : memref<!tpu.dma_semaphore, #tpu.memory_space<semaphore_mem>>
        %dma_start3A = arith.constant 0 : i32
        %dma_start3A_60 = tpu.memref_slice %arg6[%dma_start3A] : memref<1024xf32, #tpu.memory_space<vmem>> -> memref<1000xf32, #tpu.memory_space<vmem>>
        %dma_start3A_61 = tpu.memref_slice %arg3[%add3A_58] : memref<20000xf32, #tpu.memory_space<hbm>> -> memref<1000xf32, #tpu.memory_space<hbm>>
        %dma_start3A_62 = tpu.memref_slice %arg3[%add3A_58] : memref<20000xf32, #tpu.memory_space<hbm>> -> memref<1000xf32, #tpu.memory_space<hbm>>
        %dma_start3A_63 = arith.constant 0 : i32
        %dma_start3A_64 = tpu.memref_slice %arg6[%dma_start3A_63] : memref<1024xf32, #tpu.memory_space<vmem>> -> memref<1000xf32, #tpu.memory_space<vmem>>
        tpu.enqueue_dma source(%dma_start3A_64 : memref<1000xf32, #tpu.memory_space<vmem>>) target(%dma_start3A_62 : memref<1000xf32, #tpu.memory_space<hbm>>) target_semaphore(%run_scoped3A_59 : memref<!tpu.dma_semaphore, #tpu.memory_space<semaphore_mem>>)
        %dma_wait3A = arith.constant 0 : i32
        %dma_wait3A_65 = tpu.memref_slice %arg6[%dma_wait3A] : memref<1024xf32, #tpu.memory_space<vmem>> -> memref<1000xf32, #tpu.memory_space<vmem>>
        %dma_wait3A_66 = tpu.memref_slice %arg3[%add3A_58] : memref<20000xf32, #tpu.memory_space<hbm>> -> memref<1000xf32, #tpu.memory_space<hbm>>
        %dma_wait3A_67 = tpu.memref_slice %arg3[%add3A_58] : memref<20000xf32, #tpu.memory_space<hbm>> -> memref<1000xf32, #tpu.memory_space<hbm>>
        %dma_wait3A_68 = arith.constant 0 : i32
        %dma_wait3A_69 = tpu.memref_slice %arg6[%dma_wait3A_68] : memref<1024xf32, #tpu.memory_space<vmem>> -> memref<1000xf32, #tpu.memory_space<vmem>>
        tpu.wait_dma2 semaphore(%run_scoped3A_59 : memref<!tpu.dma_semaphore, #tpu.memory_space<semaphore_mem>>) src(%dma_wait3A_69 : memref<1000xf32, #tpu.memory_space<vmem>>) dst(%dma_wait3A_67 : memref<1000xf32, #tpu.memory_space<hbm>>)
        tpu.yield
      }) : () -> ()
    } else {
    }
    return
  }
}

#map = affine_map<(d0, d1) -> (0, 0)>
#map1 = affine_map<(d0, d1) -> (0, 0, 0, 0, 0)>
module attributes {stable_mosaic.version = 14 : i64} {
  func.func @_sc_edge(%arg0: i32, %arg1: i32, %arg2: memref<10000x128xf32, #tpu.memory_space<hbm>>, %arg3: memref<2x32x5x20x100xi32, #tpu.memory_space<hbm>>, %arg4: memref<664x128xf32, #tpu.memory_space<hbm>>, %arg5: memref<20000x128xf32, #tpu.memory_space<hbm>>, %arg6: memref<20x100xi32, #tpu.memory_space<vmem>>, %arg7: memref<20x100xi32, #tpu.memory_space<vmem>>, %arg8: memref<100x128xf32, #tpu.memory_space<vmem>>, %arg9: memref<100x128xf32, #tpu.memory_space<vmem>>, %arg10: memref<100x128xf32, #tpu.memory_space<vmem>>, %arg11: memref<10000x128xf32, #tpu.memory_space<vmem_shared>>, %arg12: memref<!tpu.dma_semaphore, #tpu.memory_space<semaphore_mem>>, %arg13: memref<!tpu.dma_semaphore, #tpu.memory_space<semaphore_mem>>, %arg14: memref<!tpu.dma_semaphore, #tpu.memory_space<semaphore_mem>>) attributes {dimension_semantics = [#tpu.dimension_semantics<core_parallel>, #tpu.dimension_semantics<subcore_parallel>], iteration_bounds = array<i64: 2, 16>, scalar_prefetch = 0 : i64, scratch_operands = 9 : i64, tpu.core_type = #tpu.core_type<sc_vector_subcore>, window_params = [{transform_indices = #map}, {transform_indices = #map1}, {transform_indices = #map}, {transform_indices = #map}]} {
    %mul3A = arith.constant 16 : i32
    %mul3A_0 = arith.muli %arg0, %mul3A : i32
    %add3A = arith.addi %mul3A_0, %arg1 : i32
    %mul3A_1 = arith.constant 664 : i32
    %mul3A_2 = arith.muli %arg1, %mul3A_1 : i32
    %eq3A = arith.constant 0 : i32
    %eq3A_3 = arith.cmpi eq, %arg0, %eq3A : i32
    %convert_element_type3A = arith.extui %eq3A_3 : i1 to i32
    %cond3A = arith.constant 0 : i32
    %cond3A_4 = arith.cmpi ne, %convert_element_type3A, %cond3A : i32
    scf.if %cond3A_4 {
      %lt3A_26 = arith.constant 15 : i32
      %lt3A_27 = arith.cmpi slt, %arg1, %lt3A_26 : i32
      %convert_element_type3A_28 = arith.extui %lt3A_27 : i1 to i32
      %cond3A_29 = arith.constant 0 : i32
      %cond3A_30 = arith.cmpi ne, %convert_element_type3A_28, %cond3A_29 : i32
      scf.if %cond3A_30 {
        "tpu.region"() ({
          %run_scoped3A = tpu.sem_alloc : memref<!tpu.dma_semaphore, #tpu.memory_space<semaphore_mem>>
          %dma_start3A = arith.constant 0 : i32
          %dma_start3A_36 = tpu.memref_slice %arg11[%mul3A_2, %dma_start3A] : memref<10000x128xf32, #tpu.memory_space<vmem_shared>> -> memref<664x128xf32, #tpu.memory_space<vmem_shared>>
          %dma_start3A_37 = arith.constant 0 : i32
          %dma_start3A_38 = tpu.memref_slice %arg2[%mul3A_2, %dma_start3A_37] : memref<10000x128xf32, #tpu.memory_space<hbm>> -> memref<664x128xf32, #tpu.memory_space<hbm>>
          tpu.enqueue_dma source(%dma_start3A_38 : memref<664x128xf32, #tpu.memory_space<hbm>>) target(%dma_start3A_36 : memref<664x128xf32, #tpu.memory_space<vmem_shared>>) target_semaphore(%run_scoped3A : memref<!tpu.dma_semaphore, #tpu.memory_space<semaphore_mem>>)
          %dma_wait3A = arith.constant 0 : i32
          %dma_wait3A_39 = tpu.memref_slice %arg11[%mul3A_2, %dma_wait3A] : memref<10000x128xf32, #tpu.memory_space<vmem_shared>> -> memref<664x128xf32, #tpu.memory_space<vmem_shared>>
          %dma_wait3A_40 = arith.constant 0 : i32
          %dma_wait3A_41 = tpu.memref_slice %arg2[%mul3A_2, %dma_wait3A_40] : memref<10000x128xf32, #tpu.memory_space<hbm>> -> memref<664x128xf32, #tpu.memory_space<hbm>>
          tpu.wait_dma2 semaphore(%run_scoped3A : memref<!tpu.dma_semaphore, #tpu.memory_space<semaphore_mem>>) src(%dma_wait3A_41 : memref<664x128xf32, #tpu.memory_space<hbm>>) dst(%dma_wait3A_39 : memref<664x128xf32, #tpu.memory_space<vmem_shared>>)
          tpu.yield
        }) : () -> ()
      } else {
      }
      %eq3A_31 = arith.constant 15 : i32
      %eq3A_32 = arith.cmpi eq, %arg1, %eq3A_31 : i32
      %convert_element_type3A_33 = arith.extui %eq3A_32 : i1 to i32
      %cond3A_34 = arith.constant 0 : i32
      %cond3A_35 = arith.cmpi ne, %convert_element_type3A_33, %cond3A_34 : i32
      scf.if %cond3A_35 {
        "tpu.region"() ({
          %run_scoped3A = tpu.sem_alloc : memref<!tpu.dma_semaphore, #tpu.memory_space<semaphore_mem>>
          %dma_start3A = arith.constant 0 : i32
          %dma_start3A_36 = tpu.memref_slice %arg11[%mul3A_2, %dma_start3A] : memref<10000x128xf32, #tpu.memory_space<vmem_shared>> -> memref<40x128xf32, #tpu.memory_space<vmem_shared>>
          %dma_start3A_37 = arith.constant 0 : i32
          %dma_start3A_38 = tpu.memref_slice %arg2[%mul3A_2, %dma_start3A_37] : memref<10000x128xf32, #tpu.memory_space<hbm>> -> memref<40x128xf32, #tpu.memory_space<hbm>>
          tpu.enqueue_dma source(%dma_start3A_38 : memref<40x128xf32, #tpu.memory_space<hbm>>) target(%dma_start3A_36 : memref<40x128xf32, #tpu.memory_space<vmem_shared>>) target_semaphore(%run_scoped3A : memref<!tpu.dma_semaphore, #tpu.memory_space<semaphore_mem>>)
          %dma_wait3A = arith.constant 0 : i32
          %dma_wait3A_39 = tpu.memref_slice %arg11[%mul3A_2, %dma_wait3A] : memref<10000x128xf32, #tpu.memory_space<vmem_shared>> -> memref<40x128xf32, #tpu.memory_space<vmem_shared>>
          %dma_wait3A_40 = arith.constant 0 : i32
          %dma_wait3A_41 = tpu.memref_slice %arg2[%mul3A_2, %dma_wait3A_40] : memref<10000x128xf32, #tpu.memory_space<hbm>> -> memref<40x128xf32, #tpu.memory_space<hbm>>
          tpu.wait_dma2 semaphore(%run_scoped3A : memref<!tpu.dma_semaphore, #tpu.memory_space<semaphore_mem>>) src(%dma_wait3A_41 : memref<40x128xf32, #tpu.memory_space<hbm>>) dst(%dma_wait3A_39 : memref<40x128xf32, #tpu.memory_space<vmem_shared>>)
          tpu.yield
        }) : () -> ()
      } else {
      }
    } else {
    }
    %eq3A_5 = arith.constant 1 : i32
    %eq3A_6 = arith.cmpi eq, %arg0, %eq3A_5 : i32
    %convert_element_type3A_7 = arith.extui %eq3A_6 : i1 to i32
    %cond3A_8 = arith.constant 0 : i32
    %cond3A_9 = arith.cmpi ne, %convert_element_type3A_7, %cond3A_8 : i32
    scf.if %cond3A_9 {
      %lt3A_26 = arith.constant 15 : i32
      %lt3A_27 = arith.cmpi slt, %arg1, %lt3A_26 : i32
      %convert_element_type3A_28 = arith.extui %lt3A_27 : i1 to i32
      %cond3A_29 = arith.constant 0 : i32
      %cond3A_30 = arith.cmpi ne, %convert_element_type3A_28, %cond3A_29 : i32
      scf.if %cond3A_30 {
        "tpu.region"() ({
          %run_scoped3A = tpu.sem_alloc : memref<!tpu.dma_semaphore, #tpu.memory_space<semaphore_mem>>
          %dma_start3A = arith.constant 0 : i32
          %dma_start3A_36 = tpu.memref_slice %arg11[%mul3A_2, %dma_start3A] : memref<10000x128xf32, #tpu.memory_space<vmem_shared>> -> memref<664x128xf32, #tpu.memory_space<vmem_shared>>
          tpu.enqueue_dma source(%arg4 : memref<664x128xf32, #tpu.memory_space<hbm>>) target(%dma_start3A_36 : memref<664x128xf32, #tpu.memory_space<vmem_shared>>) target_semaphore(%run_scoped3A : memref<!tpu.dma_semaphore, #tpu.memory_space<semaphore_mem>>)
          %dma_wait3A = arith.constant 0 : i32
          %dma_wait3A_37 = tpu.memref_slice %arg11[%mul3A_2, %dma_wait3A] : memref<10000x128xf32, #tpu.memory_space<vmem_shared>> -> memref<664x128xf32, #tpu.memory_space<vmem_shared>>
          tpu.wait_dma2 semaphore(%run_scoped3A : memref<!tpu.dma_semaphore, #tpu.memory_space<semaphore_mem>>) src(%arg4 : memref<664x128xf32, #tpu.memory_space<hbm>>) dst(%dma_wait3A_37 : memref<664x128xf32, #tpu.memory_space<vmem_shared>>)
          tpu.yield
        }) : () -> ()
      } else {
      }
      %eq3A_31 = arith.constant 15 : i32
      %eq3A_32 = arith.cmpi eq, %arg1, %eq3A_31 : i32
      %convert_element_type3A_33 = arith.extui %eq3A_32 : i1 to i32
      %cond3A_34 = arith.constant 0 : i32
      %cond3A_35 = arith.cmpi ne, %convert_element_type3A_33, %cond3A_34 : i32
      scf.if %cond3A_35 {
        "tpu.region"() ({
          %run_scoped3A = tpu.sem_alloc : memref<!tpu.dma_semaphore, #tpu.memory_space<semaphore_mem>>
          %dma_start3A = arith.constant 0 : i32
          %dma_start3A_36 = tpu.memref_slice %arg11[%mul3A_2, %dma_start3A] : memref<10000x128xf32, #tpu.memory_space<vmem_shared>> -> memref<40x128xf32, #tpu.memory_space<vmem_shared>>
          %dma_start3A_37 = arith.constant 0 : i32
          %dma_start3A_38 = arith.constant 0 : i32
          %dma_start3A_39 = tpu.memref_slice %arg4[%dma_start3A_37, %dma_start3A_38] : memref<664x128xf32, #tpu.memory_space<hbm>> -> memref<40x128xf32, #tpu.memory_space<hbm>>
          tpu.enqueue_dma source(%dma_start3A_39 : memref<40x128xf32, #tpu.memory_space<hbm>>) target(%dma_start3A_36 : memref<40x128xf32, #tpu.memory_space<vmem_shared>>) target_semaphore(%run_scoped3A : memref<!tpu.dma_semaphore, #tpu.memory_space<semaphore_mem>>)
          %dma_wait3A = arith.constant 0 : i32
          %dma_wait3A_40 = tpu.memref_slice %arg11[%mul3A_2, %dma_wait3A] : memref<10000x128xf32, #tpu.memory_space<vmem_shared>> -> memref<40x128xf32, #tpu.memory_space<vmem_shared>>
          %dma_wait3A_41 = arith.constant 0 : i32
          %dma_wait3A_42 = arith.constant 0 : i32
          %dma_wait3A_43 = tpu.memref_slice %arg4[%dma_wait3A_41, %dma_wait3A_42] : memref<664x128xf32, #tpu.memory_space<hbm>> -> memref<40x128xf32, #tpu.memory_space<hbm>>
          tpu.wait_dma2 semaphore(%run_scoped3A : memref<!tpu.dma_semaphore, #tpu.memory_space<semaphore_mem>>) src(%dma_wait3A_43 : memref<40x128xf32, #tpu.memory_space<hbm>>) dst(%dma_wait3A_40 : memref<40x128xf32, #tpu.memory_space<vmem_shared>>)
          tpu.yield
        }) : () -> ()
      } else {
      }
    } else {
    }
    %barrier3A = arith.constant 0 : index
    tpu.barrier barrier_id(%barrier3A)
    %scan3A = arith.constant 0 : i32
    %scan3A_10 = arith.constant 5 : i32
    %scan3A_11 = arith.addi %scan3A, %scan3A_10 : i32
    %scan3A_12 = arith.constant 1 : i32
    scf.for %scan3A_26 = %scan3A to %scan3A_11 step %scan3A_12  : i32 {
      %mul3A_27 = arith.constant 1 : i32
      %mul3A_28 = arith.muli %scan3A_26, %mul3A_27 : i32
      %add3A_29 = arith.constant 0 : i32
      %add3A_30 = arith.addi %add3A_29, %mul3A_28 : i32
      %run_scoped3A = arith.constant 0 : i32
      "tpu.region"() ({
        %run_scoped3A_330 = tpu.sem_alloc : memref<!tpu.dma_semaphore, #tpu.memory_space<semaphore_mem>>
        %dma_start3A_331 = arith.constant 0 : i32
        %dma_start3A_332 = arith.constant 0 : i32
        %dma_start3A_333 = tpu.memref_slice %arg3[%run_scoped3A, %add3A, %add3A_30, %dma_start3A_331, %dma_start3A_332] : memref<2x32x5x20x100xi32, #tpu.memory_space<hbm>> -> memref<1x1x1x20x100xi32, #tpu.memory_space<hbm>>
        %dma_start3A_334 = tpu.memref_squeeze %dma_start3A_333 : memref<1x1x1x20x100xi32, #tpu.memory_space<hbm>> -> memref<20x100xi32, #tpu.memory_space<hbm>>
        %dma_start3A_335 = arith.constant 0 : i32
        %dma_start3A_336 = arith.constant 0 : i32
        %dma_start3A_337 = tpu.memref_slice %arg3[%run_scoped3A, %add3A, %add3A_30, %dma_start3A_335, %dma_start3A_336] : memref<2x32x5x20x100xi32, #tpu.memory_space<hbm>> -> memref<1x1x1x20x100xi32, #tpu.memory_space<hbm>>
        %dma_start3A_338 = tpu.memref_squeeze %dma_start3A_337 : memref<1x1x1x20x100xi32, #tpu.memory_space<hbm>> -> memref<20x100xi32, #tpu.memory_space<hbm>>
        tpu.enqueue_dma source(%dma_start3A_338 : memref<20x100xi32, #tpu.memory_space<hbm>>) target(%arg6 : memref<20x100xi32, #tpu.memory_space<vmem>>) target_semaphore(%run_scoped3A_330 : memref<!tpu.dma_semaphore, #tpu.memory_space<semaphore_mem>>)
        %dma_wait3A_339 = arith.constant 0 : i32
        %dma_wait3A_340 = arith.constant 0 : i32
        %dma_wait3A_341 = tpu.memref_slice %arg3[%run_scoped3A, %add3A, %add3A_30, %dma_wait3A_339, %dma_wait3A_340] : memref<2x32x5x20x100xi32, #tpu.memory_space<hbm>> -> memref<1x1x1x20x100xi32, #tpu.memory_space<hbm>>
        %dma_wait3A_342 = tpu.memref_squeeze %dma_wait3A_341 : memref<1x1x1x20x100xi32, #tpu.memory_space<hbm>> -> memref<20x100xi32, #tpu.memory_space<hbm>>
        %dma_wait3A_343 = arith.constant 0 : i32
        %dma_wait3A_344 = arith.constant 0 : i32
        %dma_wait3A_345 = tpu.memref_slice %arg3[%run_scoped3A, %add3A, %add3A_30, %dma_wait3A_343, %dma_wait3A_344] : memref<2x32x5x20x100xi32, #tpu.memory_space<hbm>> -> memref<1x1x1x20x100xi32, #tpu.memory_space<hbm>>
        %dma_wait3A_346 = tpu.memref_squeeze %dma_wait3A_345 : memref<1x1x1x20x100xi32, #tpu.memory_space<hbm>> -> memref<20x100xi32, #tpu.memory_space<hbm>>
        tpu.wait_dma2 semaphore(%run_scoped3A_330 : memref<!tpu.dma_semaphore, #tpu.memory_space<semaphore_mem>>) src(%dma_wait3A_346 : memref<20x100xi32, #tpu.memory_space<hbm>>) dst(%arg6 : memref<20x100xi32, #tpu.memory_space<vmem>>)
        tpu.yield
      }) : () -> ()
      %run_scoped3A_31 = arith.constant 1 : i32
      "tpu.region"() ({
        %run_scoped3A_330 = tpu.sem_alloc : memref<!tpu.dma_semaphore, #tpu.memory_space<semaphore_mem>>
        %dma_start3A_331 = arith.constant 0 : i32
        %dma_start3A_332 = arith.constant 0 : i32
        %dma_start3A_333 = tpu.memref_slice %arg3[%run_scoped3A_31, %add3A, %add3A_30, %dma_start3A_331, %dma_start3A_332] : memref<2x32x5x20x100xi32, #tpu.memory_space<hbm>> -> memref<1x1x1x20x100xi32, #tpu.memory_space<hbm>>
        %dma_start3A_334 = tpu.memref_squeeze %dma_start3A_333 : memref<1x1x1x20x100xi32, #tpu.memory_space<hbm>> -> memref<20x100xi32, #tpu.memory_space<hbm>>
        %dma_start3A_335 = arith.constant 0 : i32
        %dma_start3A_336 = arith.constant 0 : i32
        %dma_start3A_337 = tpu.memref_slice %arg3[%run_scoped3A_31, %add3A, %add3A_30, %dma_start3A_335, %dma_start3A_336] : memref<2x32x5x20x100xi32, #tpu.memory_space<hbm>> -> memref<1x1x1x20x100xi32, #tpu.memory_space<hbm>>
        %dma_start3A_338 = tpu.memref_squeeze %dma_start3A_337 : memref<1x1x1x20x100xi32, #tpu.memory_space<hbm>> -> memref<20x100xi32, #tpu.memory_space<hbm>>
        tpu.enqueue_dma source(%dma_start3A_338 : memref<20x100xi32, #tpu.memory_space<hbm>>) target(%arg7 : memref<20x100xi32, #tpu.memory_space<vmem>>) target_semaphore(%run_scoped3A_330 : memref<!tpu.dma_semaphore, #tpu.memory_space<semaphore_mem>>)
        %dma_wait3A_339 = arith.constant 0 : i32
        %dma_wait3A_340 = arith.constant 0 : i32
        %dma_wait3A_341 = tpu.memref_slice %arg3[%run_scoped3A_31, %add3A, %add3A_30, %dma_wait3A_339, %dma_wait3A_340] : memref<2x32x5x20x100xi32, #tpu.memory_space<hbm>> -> memref<1x1x1x20x100xi32, #tpu.memory_space<hbm>>
        %dma_wait3A_342 = tpu.memref_squeeze %dma_wait3A_341 : memref<1x1x1x20x100xi32, #tpu.memory_space<hbm>> -> memref<20x100xi32, #tpu.memory_space<hbm>>
        %dma_wait3A_343 = arith.constant 0 : i32
        %dma_wait3A_344 = arith.constant 0 : i32
        %dma_wait3A_345 = tpu.memref_slice %arg3[%run_scoped3A_31, %add3A, %add3A_30, %dma_wait3A_343, %dma_wait3A_344] : memref<2x32x5x20x100xi32, #tpu.memory_space<hbm>> -> memref<1x1x1x20x100xi32, #tpu.memory_space<hbm>>
        %dma_wait3A_346 = tpu.memref_squeeze %dma_wait3A_345 : memref<1x1x1x20x100xi32, #tpu.memory_space<hbm>> -> memref<20x100xi32, #tpu.memory_space<hbm>>
        tpu.wait_dma2 semaphore(%run_scoped3A_330 : memref<!tpu.dma_semaphore, #tpu.memory_space<semaphore_mem>>) src(%dma_wait3A_346 : memref<20x100xi32, #tpu.memory_space<hbm>>) dst(%arg7 : memref<20x100xi32, #tpu.memory_space<vmem>>)
        tpu.yield
      }) : () -> ()
      %dma_start3A = arith.constant 0 : i32
      %dma_start3A_32 = arith.constant 0 : i32
      %dma_start3A_33 = tpu.memref_slice %arg6[%dma_start3A, %dma_start3A_32] : memref<20x100xi32, #tpu.memory_space<vmem>> -> memref<1x100xi32, #tpu.memory_space<vmem>>
      %dma_start3A_34 = tpu.memref_squeeze %dma_start3A_33 : memref<1x100xi32, #tpu.memory_space<vmem>> -> memref<100xi32, #tpu.memory_space<vmem>>
      %dma_start3A_35 = arith.constant 0 : i32
      %dma_start3A_36 = arith.constant 0 : i32
      %dma_start3A_37 = tpu.memref_slice %arg2[%dma_start3A_35, %dma_start3A_36] : memref<10000x128xf32, #tpu.memory_space<hbm>> -> memref<10000x128xf32, #tpu.memory_space<hbm>>
      tpu.enqueue_indirect_dma source(%dma_start3A_37 : memref<10000x128xf32, #tpu.memory_space<hbm>>) target(%arg8 : memref<100x128xf32, #tpu.memory_space<vmem>>) offsets(%dma_start3A_34 : memref<100xi32, #tpu.memory_space<vmem>>) semaphore(%arg12 : memref<!tpu.dma_semaphore, #tpu.memory_space<semaphore_mem>>)
      %dma_start3A_38 = arith.constant 1 : i32
      %dma_start3A_39 = arith.constant 0 : i32
      %dma_start3A_40 = tpu.memref_slice %arg6[%dma_start3A_38, %dma_start3A_39] : memref<20x100xi32, #tpu.memory_space<vmem>> -> memref<1x100xi32, #tpu.memory_space<vmem>>
      %dma_start3A_41 = tpu.memref_squeeze %dma_start3A_40 : memref<1x100xi32, #tpu.memory_space<vmem>> -> memref<100xi32, #tpu.memory_space<vmem>>
      %dma_start3A_42 = arith.constant 0 : i32
      %dma_start3A_43 = arith.constant 0 : i32
      %dma_start3A_44 = tpu.memref_slice %arg2[%dma_start3A_42, %dma_start3A_43] : memref<10000x128xf32, #tpu.memory_space<hbm>> -> memref<10000x128xf32, #tpu.memory_space<hbm>>
      tpu.enqueue_indirect_dma source(%dma_start3A_44 : memref<10000x128xf32, #tpu.memory_space<hbm>>) target(%arg9 : memref<100x128xf32, #tpu.memory_space<vmem>>) offsets(%dma_start3A_41 : memref<100xi32, #tpu.memory_space<vmem>>) semaphore(%arg13 : memref<!tpu.dma_semaphore, #tpu.memory_space<semaphore_mem>>)
      %dma_start3A_45 = arith.constant 2 : i32
      %dma_start3A_46 = arith.constant 0 : i32
      %dma_start3A_47 = tpu.memref_slice %arg6[%dma_start3A_45, %dma_start3A_46] : memref<20x100xi32, #tpu.memory_space<vmem>> -> memref<1x100xi32, #tpu.memory_space<vmem>>
      %dma_start3A_48 = tpu.memref_squeeze %dma_start3A_47 : memref<1x100xi32, #tpu.memory_space<vmem>> -> memref<100xi32, #tpu.memory_space<vmem>>
      %dma_start3A_49 = arith.constant 0 : i32
      %dma_start3A_50 = arith.constant 0 : i32
      %dma_start3A_51 = tpu.memref_slice %arg2[%dma_start3A_49, %dma_start3A_50] : memref<10000x128xf32, #tpu.memory_space<hbm>> -> memref<10000x128xf32, #tpu.memory_space<hbm>>
      tpu.enqueue_indirect_dma source(%dma_start3A_51 : memref<10000x128xf32, #tpu.memory_space<hbm>>) target(%arg10 : memref<100x128xf32, #tpu.memory_space<vmem>>) offsets(%dma_start3A_48 : memref<100xi32, #tpu.memory_space<vmem>>) semaphore(%arg14 : memref<!tpu.dma_semaphore, #tpu.memory_space<semaphore_mem>>)
      %dma_wait3A = arith.constant 0 : i32
      %dma_wait3A_52 = arith.constant 0 : i32
      %dma_wait3A_53 = tpu.memref_slice %arg6[%dma_wait3A, %dma_wait3A_52] : memref<20x100xi32, #tpu.memory_space<vmem>> -> memref<1x100xi32, #tpu.memory_space<vmem>>
      %dma_wait3A_54 = tpu.memref_squeeze %dma_wait3A_53 : memref<1x100xi32, #tpu.memory_space<vmem>> -> memref<100xi32, #tpu.memory_space<vmem>>
      %dma_wait3A_55 = arith.constant 0 : i32
      %dma_wait3A_56 = arith.constant 0 : i32
      %dma_wait3A_57 = tpu.memref_slice %arg2[%dma_wait3A_55, %dma_wait3A_56] : memref<10000x128xf32, #tpu.memory_space<hbm>> -> memref<10000x128xf32, #tpu.memory_space<hbm>>
      tpu.wait_indirect_dma semaphore(%arg12 : memref<!tpu.dma_semaphore, #tpu.memory_space<semaphore_mem>>) src(%dma_wait3A_57 : memref<10000x128xf32, #tpu.memory_space<hbm>>) dst(%arg8 : memref<100x128xf32, #tpu.memory_space<vmem>>)
      %run_scoped3A_58 = arith.constant 0 : i32
      "tpu.region"() ({
        %run_scoped3A_330 = tpu.sem_alloc : memref<!tpu.dma_semaphore, #tpu.memory_space<semaphore_mem>>
        %dma_start3A_331 = arith.constant 0 : i32
        %dma_start3A_332 = tpu.memref_slice %arg7[%run_scoped3A_58, %dma_start3A_331] : memref<20x100xi32, #tpu.memory_space<vmem>> -> memref<1x100xi32, #tpu.memory_space<vmem>>
        %dma_start3A_333 = tpu.memref_squeeze %dma_start3A_332 : memref<1x100xi32, #tpu.memory_space<vmem>> -> memref<100xi32, #tpu.memory_space<vmem>>
        %dma_start3A_334 = arith.constant 0 : i32
        %dma_start3A_335 = arith.constant 0 : i32
        %dma_start3A_336 = tpu.memref_slice %arg11[%dma_start3A_334, %dma_start3A_335] : memref<10000x128xf32, #tpu.memory_space<vmem_shared>> -> memref<10000x128xf32, #tpu.memory_space<vmem_shared>>
        tpu.enqueue_indirect_dma source(%arg8 : memref<100x128xf32, #tpu.memory_space<vmem>>) target(%dma_start3A_336 : memref<10000x128xf32, #tpu.memory_space<vmem_shared>>) offsets(%dma_start3A_333 : memref<100xi32, #tpu.memory_space<vmem>>) semaphore(%run_scoped3A_330 : memref<!tpu.dma_semaphore, #tpu.memory_space<semaphore_mem>>) {add = true}
        %dma_wait3A_337 = arith.constant 0 : i32
        %dma_wait3A_338 = tpu.memref_slice %arg7[%run_scoped3A_58, %dma_wait3A_337] : memref<20x100xi32, #tpu.memory_space<vmem>> -> memref<1x100xi32, #tpu.memory_space<vmem>>
        %dma_wait3A_339 = tpu.memref_squeeze %dma_wait3A_338 : memref<1x100xi32, #tpu.memory_space<vmem>> -> memref<100xi32, #tpu.memory_space<vmem>>
        %dma_wait3A_340 = arith.constant 0 : i32
        %dma_wait3A_341 = arith.constant 0 : i32
        %dma_wait3A_342 = tpu.memref_slice %arg11[%dma_wait3A_340, %dma_wait3A_341] : memref<10000x128xf32, #tpu.memory_space<vmem_shared>> -> memref<10000x128xf32, #tpu.memory_space<vmem_shared>>
        tpu.wait_indirect_dma semaphore(%run_scoped3A_330 : memref<!tpu.dma_semaphore, #tpu.memory_space<semaphore_mem>>) src(%arg8 : memref<100x128xf32, #tpu.memory_space<vmem>>) dst(%dma_wait3A_342 : memref<10000x128xf32, #tpu.memory_space<vmem_shared>>)
        tpu.yield
      }) : () -> ()
      %dma_start3A_59 = arith.constant 3 : i32
      %dma_start3A_60 = arith.constant 0 : i32
      %dma_start3A_61 = tpu.memref_slice %arg6[%dma_start3A_59, %dma_start3A_60] : memref<20x100xi32, #tpu.memory_space<vmem>> -> memref<1x100xi32, #tpu.memory_space<vmem>>
      %dma_start3A_62 = tpu.memref_squeeze %dma_start3A_61 : memref<1x100xi32, #tpu.memory_space<vmem>> -> memref<100xi32, #tpu.memory_space<vmem>>
      %dma_start3A_63 = arith.constant 0 : i32
      %dma_start3A_64 = arith.constant 0 : i32
      %dma_start3A_65 = tpu.memref_slice %arg2[%dma_start3A_63, %dma_start3A_64] : memref<10000x128xf32, #tpu.memory_space<hbm>> -> memref<10000x128xf32, #tpu.memory_space<hbm>>
      tpu.enqueue_indirect_dma source(%dma_start3A_65 : memref<10000x128xf32, #tpu.memory_space<hbm>>) target(%arg8 : memref<100x128xf32, #tpu.memory_space<vmem>>) offsets(%dma_start3A_62 : memref<100xi32, #tpu.memory_space<vmem>>) semaphore(%arg12 : memref<!tpu.dma_semaphore, #tpu.memory_space<semaphore_mem>>)
      %dma_wait3A_66 = arith.constant 1 : i32
      %dma_wait3A_67 = arith.constant 0 : i32
      %dma_wait3A_68 = tpu.memref_slice %arg6[%dma_wait3A_66, %dma_wait3A_67] : memref<20x100xi32, #tpu.memory_space<vmem>> -> memref<1x100xi32, #tpu.memory_space<vmem>>
      %dma_wait3A_69 = tpu.memref_squeeze %dma_wait3A_68 : memref<1x100xi32, #tpu.memory_space<vmem>> -> memref<100xi32, #tpu.memory_space<vmem>>
      %dma_wait3A_70 = arith.constant 0 : i32
      %dma_wait3A_71 = arith.constant 0 : i32
      %dma_wait3A_72 = tpu.memref_slice %arg2[%dma_wait3A_70, %dma_wait3A_71] : memref<10000x128xf32, #tpu.memory_space<hbm>> -> memref<10000x128xf32, #tpu.memory_space<hbm>>
      tpu.wait_indirect_dma semaphore(%arg13 : memref<!tpu.dma_semaphore, #tpu.memory_space<semaphore_mem>>) src(%dma_wait3A_72 : memref<10000x128xf32, #tpu.memory_space<hbm>>) dst(%arg9 : memref<100x128xf32, #tpu.memory_space<vmem>>)
      %run_scoped3A_73 = arith.constant 1 : i32
      "tpu.region"() ({
        %run_scoped3A_330 = tpu.sem_alloc : memref<!tpu.dma_semaphore, #tpu.memory_space<semaphore_mem>>
        %dma_start3A_331 = arith.constant 0 : i32
        %dma_start3A_332 = tpu.memref_slice %arg7[%run_scoped3A_73, %dma_start3A_331] : memref<20x100xi32, #tpu.memory_space<vmem>> -> memref<1x100xi32, #tpu.memory_space<vmem>>
        %dma_start3A_333 = tpu.memref_squeeze %dma_start3A_332 : memref<1x100xi32, #tpu.memory_space<vmem>> -> memref<100xi32, #tpu.memory_space<vmem>>
        %dma_start3A_334 = arith.constant 0 : i32
        %dma_start3A_335 = arith.constant 0 : i32
        %dma_start3A_336 = tpu.memref_slice %arg11[%dma_start3A_334, %dma_start3A_335] : memref<10000x128xf32, #tpu.memory_space<vmem_shared>> -> memref<10000x128xf32, #tpu.memory_space<vmem_shared>>
        tpu.enqueue_indirect_dma source(%arg9 : memref<100x128xf32, #tpu.memory_space<vmem>>) target(%dma_start3A_336 : memref<10000x128xf32, #tpu.memory_space<vmem_shared>>) offsets(%dma_start3A_333 : memref<100xi32, #tpu.memory_space<vmem>>) semaphore(%run_scoped3A_330 : memref<!tpu.dma_semaphore, #tpu.memory_space<semaphore_mem>>) {add = true}
        %dma_wait3A_337 = arith.constant 0 : i32
        %dma_wait3A_338 = tpu.memref_slice %arg7[%run_scoped3A_73, %dma_wait3A_337] : memref<20x100xi32, #tpu.memory_space<vmem>> -> memref<1x100xi32, #tpu.memory_space<vmem>>
        %dma_wait3A_339 = tpu.memref_squeeze %dma_wait3A_338 : memref<1x100xi32, #tpu.memory_space<vmem>> -> memref<100xi32, #tpu.memory_space<vmem>>
        %dma_wait3A_340 = arith.constant 0 : i32
        %dma_wait3A_341 = arith.constant 0 : i32
        %dma_wait3A_342 = tpu.memref_slice %arg11[%dma_wait3A_340, %dma_wait3A_341] : memref<10000x128xf32, #tpu.memory_space<vmem_shared>> -> memref<10000x128xf32, #tpu.memory_space<vmem_shared>>
        tpu.wait_indirect_dma semaphore(%run_scoped3A_330 : memref<!tpu.dma_semaphore, #tpu.memory_space<semaphore_mem>>) src(%arg9 : memref<100x128xf32, #tpu.memory_space<vmem>>) dst(%dma_wait3A_342 : memref<10000x128xf32, #tpu.memory_space<vmem_shared>>)
        tpu.yield
      }) : () -> ()
      %dma_start3A_74 = arith.constant 4 : i32
      %dma_start3A_75 = arith.constant 0 : i32
      %dma_start3A_76 = tpu.memref_slice %arg6[%dma_start3A_74, %dma_start3A_75] : memref<20x100xi32, #tpu.memory_space<vmem>> -> memref<1x100xi32, #tpu.memory_space<vmem>>
      %dma_start3A_77 = tpu.memref_squeeze %dma_start3A_76 : memref<1x100xi32, #tpu.memory_space<vmem>> -> memref<100xi32, #tpu.memory_space<vmem>>
      %dma_start3A_78 = arith.constant 0 : i32
      %dma_start3A_79 = arith.constant 0 : i32
      %dma_start3A_80 = tpu.memref_slice %arg2[%dma_start3A_78, %dma_start3A_79] : memref<10000x128xf32, #tpu.memory_space<hbm>> -> memref<10000x128xf32, #tpu.memory_space<hbm>>
      tpu.enqueue_indirect_dma source(%dma_start3A_80 : memref<10000x128xf32, #tpu.memory_space<hbm>>) target(%arg9 : memref<100x128xf32, #tpu.memory_space<vmem>>) offsets(%dma_start3A_77 : memref<100xi32, #tpu.memory_space<vmem>>) semaphore(%arg13 : memref<!tpu.dma_semaphore, #tpu.memory_space<semaphore_mem>>)
      %dma_wait3A_81 = arith.constant 2 : i32
      %dma_wait3A_82 = arith.constant 0 : i32
      %dma_wait3A_83 = tpu.memref_slice %arg6[%dma_wait3A_81, %dma_wait3A_82] : memref<20x100xi32, #tpu.memory_space<vmem>> -> memref<1x100xi32, #tpu.memory_space<vmem>>
      %dma_wait3A_84 = tpu.memref_squeeze %dma_wait3A_83 : memref<1x100xi32, #tpu.memory_space<vmem>> -> memref<100xi32, #tpu.memory_space<vmem>>
      %dma_wait3A_85 = arith.constant 0 : i32
      %dma_wait3A_86 = arith.constant 0 : i32
      %dma_wait3A_87 = tpu.memref_slice %arg2[%dma_wait3A_85, %dma_wait3A_86] : memref<10000x128xf32, #tpu.memory_space<hbm>> -> memref<10000x128xf32, #tpu.memory_space<hbm>>
      tpu.wait_indirect_dma semaphore(%arg14 : memref<!tpu.dma_semaphore, #tpu.memory_space<semaphore_mem>>) src(%dma_wait3A_87 : memref<10000x128xf32, #tpu.memory_space<hbm>>) dst(%arg10 : memref<100x128xf32, #tpu.memory_space<vmem>>)
      %run_scoped3A_88 = arith.constant 2 : i32
      "tpu.region"() ({
        %run_scoped3A_330 = tpu.sem_alloc : memref<!tpu.dma_semaphore, #tpu.memory_space<semaphore_mem>>
        %dma_start3A_331 = arith.constant 0 : i32
        %dma_start3A_332 = tpu.memref_slice %arg7[%run_scoped3A_88, %dma_start3A_331] : memref<20x100xi32, #tpu.memory_space<vmem>> -> memref<1x100xi32, #tpu.memory_space<vmem>>
        %dma_start3A_333 = tpu.memref_squeeze %dma_start3A_332 : memref<1x100xi32, #tpu.memory_space<vmem>> -> memref<100xi32, #tpu.memory_space<vmem>>
        %dma_start3A_334 = arith.constant 0 : i32
        %dma_start3A_335 = arith.constant 0 : i32
        %dma_start3A_336 = tpu.memref_slice %arg11[%dma_start3A_334, %dma_start3A_335] : memref<10000x128xf32, #tpu.memory_space<vmem_shared>> -> memref<10000x128xf32, #tpu.memory_space<vmem_shared>>
        tpu.enqueue_indirect_dma source(%arg10 : memref<100x128xf32, #tpu.memory_space<vmem>>) target(%dma_start3A_336 : memref<10000x128xf32, #tpu.memory_space<vmem_shared>>) offsets(%dma_start3A_333 : memref<100xi32, #tpu.memory_space<vmem>>) semaphore(%run_scoped3A_330 : memref<!tpu.dma_semaphore, #tpu.memory_space<semaphore_mem>>) {add = true}
        %dma_wait3A_337 = arith.constant 0 : i32
        %dma_wait3A_338 = tpu.memref_slice %arg7[%run_scoped3A_88, %dma_wait3A_337] : memref<20x100xi32, #tpu.memory_space<vmem>> -> memref<1x100xi32, #tpu.memory_space<vmem>>
        %dma_wait3A_339 = tpu.memref_squeeze %dma_wait3A_338 : memref<1x100xi32, #tpu.memory_space<vmem>> -> memref<100xi32, #tpu.memory_space<vmem>>
        %dma_wait3A_340 = arith.constant 0 : i32
        %dma_wait3A_341 = arith.constant 0 : i32
        %dma_wait3A_342 = tpu.memref_slice %arg11[%dma_wait3A_340, %dma_wait3A_341] : memref<10000x128xf32, #tpu.memory_space<vmem_shared>> -> memref<10000x128xf32, #tpu.memory_space<vmem_shared>>
        tpu.wait_indirect_dma semaphore(%run_scoped3A_330 : memref<!tpu.dma_semaphore, #tpu.memory_space<semaphore_mem>>) src(%arg10 : memref<100x128xf32, #tpu.memory_space<vmem>>) dst(%dma_wait3A_342 : memref<10000x128xf32, #tpu.memory_space<vmem_shared>>)
        tpu.yield
      }) : () -> ()
      %dma_start3A_89 = arith.constant 5 : i32
      %dma_start3A_90 = arith.constant 0 : i32
      %dma_start3A_91 = tpu.memref_slice %arg6[%dma_start3A_89, %dma_start3A_90] : memref<20x100xi32, #tpu.memory_space<vmem>> -> memref<1x100xi32, #tpu.memory_space<vmem>>
      %dma_start3A_92 = tpu.memref_squeeze %dma_start3A_91 : memref<1x100xi32, #tpu.memory_space<vmem>> -> memref<100xi32, #tpu.memory_space<vmem>>
      %dma_start3A_93 = arith.constant 0 : i32
      %dma_start3A_94 = arith.constant 0 : i32
      %dma_start3A_95 = tpu.memref_slice %arg2[%dma_start3A_93, %dma_start3A_94] : memref<10000x128xf32, #tpu.memory_space<hbm>> -> memref<10000x128xf32, #tpu.memory_space<hbm>>
      tpu.enqueue_indirect_dma source(%dma_start3A_95 : memref<10000x128xf32, #tpu.memory_space<hbm>>) target(%arg10 : memref<100x128xf32, #tpu.memory_space<vmem>>) offsets(%dma_start3A_92 : memref<100xi32, #tpu.memory_space<vmem>>) semaphore(%arg14 : memref<!tpu.dma_semaphore, #tpu.memory_space<semaphore_mem>>)
      %dma_wait3A_96 = arith.constant 3 : i32
      %dma_wait3A_97 = arith.constant 0 : i32
      %dma_wait3A_98 = tpu.memref_slice %arg6[%dma_wait3A_96, %dma_wait3A_97] : memref<20x100xi32, #tpu.memory_space<vmem>> -> memref<1x100xi32, #tpu.memory_space<vmem>>
      %dma_wait3A_99 = tpu.memref_squeeze %dma_wait3A_98 : memref<1x100xi32, #tpu.memory_space<vmem>> -> memref<100xi32, #tpu.memory_space<vmem>>
      %dma_wait3A_100 = arith.constant 0 : i32
      %dma_wait3A_101 = arith.constant 0 : i32
      %dma_wait3A_102 = tpu.memref_slice %arg2[%dma_wait3A_100, %dma_wait3A_101] : memref<10000x128xf32, #tpu.memory_space<hbm>> -> memref<10000x128xf32, #tpu.memory_space<hbm>>
      tpu.wait_indirect_dma semaphore(%arg12 : memref<!tpu.dma_semaphore, #tpu.memory_space<semaphore_mem>>) src(%dma_wait3A_102 : memref<10000x128xf32, #tpu.memory_space<hbm>>) dst(%arg8 : memref<100x128xf32, #tpu.memory_space<vmem>>)
      %run_scoped3A_103 = arith.constant 3 : i32
      "tpu.region"() ({
        %run_scoped3A_330 = tpu.sem_alloc : memref<!tpu.dma_semaphore, #tpu.memory_space<semaphore_mem>>
        %dma_start3A_331 = arith.constant 0 : i32
        %dma_start3A_332 = tpu.memref_slice %arg7[%run_scoped3A_103, %dma_start3A_331] : memref<20x100xi32, #tpu.memory_space<vmem>> -> memref<1x100xi32, #tpu.memory_space<vmem>>
        %dma_start3A_333 = tpu.memref_squeeze %dma_start3A_332 : memref<1x100xi32, #tpu.memory_space<vmem>> -> memref<100xi32, #tpu.memory_space<vmem>>
        %dma_start3A_334 = arith.constant 0 : i32
        %dma_start3A_335 = arith.constant 0 : i32
        %dma_start3A_336 = tpu.memref_slice %arg11[%dma_start3A_334, %dma_start3A_335] : memref<10000x128xf32, #tpu.memory_space<vmem_shared>> -> memref<10000x128xf32, #tpu.memory_space<vmem_shared>>
        tpu.enqueue_indirect_dma source(%arg8 : memref<100x128xf32, #tpu.memory_space<vmem>>) target(%dma_start3A_336 : memref<10000x128xf32, #tpu.memory_space<vmem_shared>>) offsets(%dma_start3A_333 : memref<100xi32, #tpu.memory_space<vmem>>) semaphore(%run_scoped3A_330 : memref<!tpu.dma_semaphore, #tpu.memory_space<semaphore_mem>>) {add = true}
        %dma_wait3A_337 = arith.constant 0 : i32
        %dma_wait3A_338 = tpu.memref_slice %arg7[%run_scoped3A_103, %dma_wait3A_337] : memref<20x100xi32, #tpu.memory_space<vmem>> -> memref<1x100xi32, #tpu.memory_space<vmem>>
        %dma_wait3A_339 = tpu.memref_squeeze %dma_wait3A_338 : memref<1x100xi32, #tpu.memory_space<vmem>> -> memref<100xi32, #tpu.memory_space<vmem>>
        %dma_wait3A_340 = arith.constant 0 : i32
        %dma_wait3A_341 = arith.constant 0 : i32
        %dma_wait3A_342 = tpu.memref_slice %arg11[%dma_wait3A_340, %dma_wait3A_341] : memref<10000x128xf32, #tpu.memory_space<vmem_shared>> -> memref<10000x128xf32, #tpu.memory_space<vmem_shared>>
        tpu.wait_indirect_dma semaphore(%run_scoped3A_330 : memref<!tpu.dma_semaphore, #tpu.memory_space<semaphore_mem>>) src(%arg8 : memref<100x128xf32, #tpu.memory_space<vmem>>) dst(%dma_wait3A_342 : memref<10000x128xf32, #tpu.memory_space<vmem_shared>>)
        tpu.yield
      }) : () -> ()
      %dma_start3A_104 = arith.constant 6 : i32
      %dma_start3A_105 = arith.constant 0 : i32
      %dma_start3A_106 = tpu.memref_slice %arg6[%dma_start3A_104, %dma_start3A_105] : memref<20x100xi32, #tpu.memory_space<vmem>> -> memref<1x100xi32, #tpu.memory_space<vmem>>
      %dma_start3A_107 = tpu.memref_squeeze %dma_start3A_106 : memref<1x100xi32, #tpu.memory_space<vmem>> -> memref<100xi32, #tpu.memory_space<vmem>>
      %dma_start3A_108 = arith.constant 0 : i32
      %dma_start3A_109 = arith.constant 0 : i32
      %dma_start3A_110 = tpu.memref_slice %arg2[%dma_start3A_108, %dma_start3A_109] : memref<10000x128xf32, #tpu.memory_space<hbm>> -> memref<10000x128xf32, #tpu.memory_space<hbm>>
      tpu.enqueue_indirect_dma source(%dma_start3A_110 : memref<10000x128xf32, #tpu.memory_space<hbm>>) target(%arg8 : memref<100x128xf32, #tpu.memory_space<vmem>>) offsets(%dma_start3A_107 : memref<100xi32, #tpu.memory_space<vmem>>) semaphore(%arg12 : memref<!tpu.dma_semaphore, #tpu.memory_space<semaphore_mem>>)
      %dma_wait3A_111 = arith.constant 4 : i32
      %dma_wait3A_112 = arith.constant 0 : i32
      %dma_wait3A_113 = tpu.memref_slice %arg6[%dma_wait3A_111, %dma_wait3A_112] : memref<20x100xi32, #tpu.memory_space<vmem>> -> memref<1x100xi32, #tpu.memory_space<vmem>>
      %dma_wait3A_114 = tpu.memref_squeeze %dma_wait3A_113 : memref<1x100xi32, #tpu.memory_space<vmem>> -> memref<100xi32, #tpu.memory_space<vmem>>
      %dma_wait3A_115 = arith.constant 0 : i32
      %dma_wait3A_116 = arith.constant 0 : i32
      %dma_wait3A_117 = tpu.memref_slice %arg2[%dma_wait3A_115, %dma_wait3A_116] : memref<10000x128xf32, #tpu.memory_space<hbm>> -> memref<10000x128xf32, #tpu.memory_space<hbm>>
      tpu.wait_indirect_dma semaphore(%arg13 : memref<!tpu.dma_semaphore, #tpu.memory_space<semaphore_mem>>) src(%dma_wait3A_117 : memref<10000x128xf32, #tpu.memory_space<hbm>>) dst(%arg9 : memref<100x128xf32, #tpu.memory_space<vmem>>)
      %run_scoped3A_118 = arith.constant 4 : i32
      "tpu.region"() ({
        %run_scoped3A_330 = tpu.sem_alloc : memref<!tpu.dma_semaphore, #tpu.memory_space<semaphore_mem>>
        %dma_start3A_331 = arith.constant 0 : i32
        %dma_start3A_332 = tpu.memref_slice %arg7[%run_scoped3A_118, %dma_start3A_331] : memref<20x100xi32, #tpu.memory_space<vmem>> -> memref<1x100xi32, #tpu.memory_space<vmem>>
        %dma_start3A_333 = tpu.memref_squeeze %dma_start3A_332 : memref<1x100xi32, #tpu.memory_space<vmem>> -> memref<100xi32, #tpu.memory_space<vmem>>
        %dma_start3A_334 = arith.constant 0 : i32
        %dma_start3A_335 = arith.constant 0 : i32
        %dma_start3A_336 = tpu.memref_slice %arg11[%dma_start3A_334, %dma_start3A_335] : memref<10000x128xf32, #tpu.memory_space<vmem_shared>> -> memref<10000x128xf32, #tpu.memory_space<vmem_shared>>
        tpu.enqueue_indirect_dma source(%arg9 : memref<100x128xf32, #tpu.memory_space<vmem>>) target(%dma_start3A_336 : memref<10000x128xf32, #tpu.memory_space<vmem_shared>>) offsets(%dma_start3A_333 : memref<100xi32, #tpu.memory_space<vmem>>) semaphore(%run_scoped3A_330 : memref<!tpu.dma_semaphore, #tpu.memory_space<semaphore_mem>>) {add = true}
        %dma_wait3A_337 = arith.constant 0 : i32
        %dma_wait3A_338 = tpu.memref_slice %arg7[%run_scoped3A_118, %dma_wait3A_337] : memref<20x100xi32, #tpu.memory_space<vmem>> -> memref<1x100xi32, #tpu.memory_space<vmem>>
        %dma_wait3A_339 = tpu.memref_squeeze %dma_wait3A_338 : memref<1x100xi32, #tpu.memory_space<vmem>> -> memref<100xi32, #tpu.memory_space<vmem>>
        %dma_wait3A_340 = arith.constant 0 : i32
        %dma_wait3A_341 = arith.constant 0 : i32
        %dma_wait3A_342 = tpu.memref_slice %arg11[%dma_wait3A_340, %dma_wait3A_341] : memref<10000x128xf32, #tpu.memory_space<vmem_shared>> -> memref<10000x128xf32, #tpu.memory_space<vmem_shared>>
        tpu.wait_indirect_dma semaphore(%run_scoped3A_330 : memref<!tpu.dma_semaphore, #tpu.memory_space<semaphore_mem>>) src(%arg9 : memref<100x128xf32, #tpu.memory_space<vmem>>) dst(%dma_wait3A_342 : memref<10000x128xf32, #tpu.memory_space<vmem_shared>>)
        tpu.yield
      }) : () -> ()
      %dma_start3A_119 = arith.constant 7 : i32
      %dma_start3A_120 = arith.constant 0 : i32
      %dma_start3A_121 = tpu.memref_slice %arg6[%dma_start3A_119, %dma_start3A_120] : memref<20x100xi32, #tpu.memory_space<vmem>> -> memref<1x100xi32, #tpu.memory_space<vmem>>
      %dma_start3A_122 = tpu.memref_squeeze %dma_start3A_121 : memref<1x100xi32, #tpu.memory_space<vmem>> -> memref<100xi32, #tpu.memory_space<vmem>>
      %dma_start3A_123 = arith.constant 0 : i32
      %dma_start3A_124 = arith.constant 0 : i32
      %dma_start3A_125 = tpu.memref_slice %arg2[%dma_start3A_123, %dma_start3A_124] : memref<10000x128xf32, #tpu.memory_space<hbm>> -> memref<10000x128xf32, #tpu.memory_space<hbm>>
      tpu.enqueue_indirect_dma source(%dma_start3A_125 : memref<10000x128xf32, #tpu.memory_space<hbm>>) target(%arg9 : memref<100x128xf32, #tpu.memory_space<vmem>>) offsets(%dma_start3A_122 : memref<100xi32, #tpu.memory_space<vmem>>) semaphore(%arg13 : memref<!tpu.dma_semaphore, #tpu.memory_space<semaphore_mem>>)
      %dma_wait3A_126 = arith.constant 5 : i32
      %dma_wait3A_127 = arith.constant 0 : i32
      %dma_wait3A_128 = tpu.memref_slice %arg6[%dma_wait3A_126, %dma_wait3A_127] : memref<20x100xi32, #tpu.memory_space<vmem>> -> memref<1x100xi32, #tpu.memory_space<vmem>>
      %dma_wait3A_129 = tpu.memref_squeeze %dma_wait3A_128 : memref<1x100xi32, #tpu.memory_space<vmem>> -> memref<100xi32, #tpu.memory_space<vmem>>
      %dma_wait3A_130 = arith.constant 0 : i32
      %dma_wait3A_131 = arith.constant 0 : i32
      %dma_wait3A_132 = tpu.memref_slice %arg2[%dma_wait3A_130, %dma_wait3A_131] : memref<10000x128xf32, #tpu.memory_space<hbm>> -> memref<10000x128xf32, #tpu.memory_space<hbm>>
      tpu.wait_indirect_dma semaphore(%arg14 : memref<!tpu.dma_semaphore, #tpu.memory_space<semaphore_mem>>) src(%dma_wait3A_132 : memref<10000x128xf32, #tpu.memory_space<hbm>>) dst(%arg10 : memref<100x128xf32, #tpu.memory_space<vmem>>)
      %run_scoped3A_133 = arith.constant 5 : i32
      "tpu.region"() ({
        %run_scoped3A_330 = tpu.sem_alloc : memref<!tpu.dma_semaphore, #tpu.memory_space<semaphore_mem>>
        %dma_start3A_331 = arith.constant 0 : i32
        %dma_start3A_332 = tpu.memref_slice %arg7[%run_scoped3A_133, %dma_start3A_331] : memref<20x100xi32, #tpu.memory_space<vmem>> -> memref<1x100xi32, #tpu.memory_space<vmem>>
        %dma_start3A_333 = tpu.memref_squeeze %dma_start3A_332 : memref<1x100xi32, #tpu.memory_space<vmem>> -> memref<100xi32, #tpu.memory_space<vmem>>
        %dma_start3A_334 = arith.constant 0 : i32
        %dma_start3A_335 = arith.constant 0 : i32
        %dma_start3A_336 = tpu.memref_slice %arg11[%dma_start3A_334, %dma_start3A_335] : memref<10000x128xf32, #tpu.memory_space<vmem_shared>> -> memref<10000x128xf32, #tpu.memory_space<vmem_shared>>
        tpu.enqueue_indirect_dma source(%arg10 : memref<100x128xf32, #tpu.memory_space<vmem>>) target(%dma_start3A_336 : memref<10000x128xf32, #tpu.memory_space<vmem_shared>>) offsets(%dma_start3A_333 : memref<100xi32, #tpu.memory_space<vmem>>) semaphore(%run_scoped3A_330 : memref<!tpu.dma_semaphore, #tpu.memory_space<semaphore_mem>>) {add = true}
        %dma_wait3A_337 = arith.constant 0 : i32
        %dma_wait3A_338 = tpu.memref_slice %arg7[%run_scoped3A_133, %dma_wait3A_337] : memref<20x100xi32, #tpu.memory_space<vmem>> -> memref<1x100xi32, #tpu.memory_space<vmem>>
        %dma_wait3A_339 = tpu.memref_squeeze %dma_wait3A_338 : memref<1x100xi32, #tpu.memory_space<vmem>> -> memref<100xi32, #tpu.memory_space<vmem>>
        %dma_wait3A_340 = arith.constant 0 : i32
        %dma_wait3A_341 = arith.constant 0 : i32
        %dma_wait3A_342 = tpu.memref_slice %arg11[%dma_wait3A_340, %dma_wait3A_341] : memref<10000x128xf32, #tpu.memory_space<vmem_shared>> -> memref<10000x128xf32, #tpu.memory_space<vmem_shared>>
        tpu.wait_indirect_dma semaphore(%run_scoped3A_330 : memref<!tpu.dma_semaphore, #tpu.memory_space<semaphore_mem>>) src(%arg10 : memref<100x128xf32, #tpu.memory_space<vmem>>) dst(%dma_wait3A_342 : memref<10000x128xf32, #tpu.memory_space<vmem_shared>>)
        tpu.yield
      }) : () -> ()
      %dma_start3A_134 = arith.constant 8 : i32
      %dma_start3A_135 = arith.constant 0 : i32
      %dma_start3A_136 = tpu.memref_slice %arg6[%dma_start3A_134, %dma_start3A_135] : memref<20x100xi32, #tpu.memory_space<vmem>> -> memref<1x100xi32, #tpu.memory_space<vmem>>
      %dma_start3A_137 = tpu.memref_squeeze %dma_start3A_136 : memref<1x100xi32, #tpu.memory_space<vmem>> -> memref<100xi32, #tpu.memory_space<vmem>>
      %dma_start3A_138 = arith.constant 0 : i32
      %dma_start3A_139 = arith.constant 0 : i32
      %dma_start3A_140 = tpu.memref_slice %arg2[%dma_start3A_138, %dma_start3A_139] : memref<10000x128xf32, #tpu.memory_space<hbm>> -> memref<10000x128xf32, #tpu.memory_space<hbm>>
      tpu.enqueue_indirect_dma source(%dma_start3A_140 : memref<10000x128xf32, #tpu.memory_space<hbm>>) target(%arg10 : memref<100x128xf32, #tpu.memory_space<vmem>>) offsets(%dma_start3A_137 : memref<100xi32, #tpu.memory_space<vmem>>) semaphore(%arg14 : memref<!tpu.dma_semaphore, #tpu.memory_space<semaphore_mem>>)
      %dma_wait3A_141 = arith.constant 6 : i32
      %dma_wait3A_142 = arith.constant 0 : i32
      %dma_wait3A_143 = tpu.memref_slice %arg6[%dma_wait3A_141, %dma_wait3A_142] : memref<20x100xi32, #tpu.memory_space<vmem>> -> memref<1x100xi32, #tpu.memory_space<vmem>>
      %dma_wait3A_144 = tpu.memref_squeeze %dma_wait3A_143 : memref<1x100xi32, #tpu.memory_space<vmem>> -> memref<100xi32, #tpu.memory_space<vmem>>
      %dma_wait3A_145 = arith.constant 0 : i32
      %dma_wait3A_146 = arith.constant 0 : i32
      %dma_wait3A_147 = tpu.memref_slice %arg2[%dma_wait3A_145, %dma_wait3A_146] : memref<10000x128xf32, #tpu.memory_space<hbm>> -> memref<10000x128xf32, #tpu.memory_space<hbm>>
      tpu.wait_indirect_dma semaphore(%arg12 : memref<!tpu.dma_semaphore, #tpu.memory_space<semaphore_mem>>) src(%dma_wait3A_147 : memref<10000x128xf32, #tpu.memory_space<hbm>>) dst(%arg8 : memref<100x128xf32, #tpu.memory_space<vmem>>)
      %run_scoped3A_148 = arith.constant 6 : i32
      "tpu.region"() ({
        %run_scoped3A_330 = tpu.sem_alloc : memref<!tpu.dma_semaphore, #tpu.memory_space<semaphore_mem>>
        %dma_start3A_331 = arith.constant 0 : i32
        %dma_start3A_332 = tpu.memref_slice %arg7[%run_scoped3A_148, %dma_start3A_331] : memref<20x100xi32, #tpu.memory_space<vmem>> -> memref<1x100xi32, #tpu.memory_space<vmem>>
        %dma_start3A_333 = tpu.memref_squeeze %dma_start3A_332 : memref<1x100xi32, #tpu.memory_space<vmem>> -> memref<100xi32, #tpu.memory_space<vmem>>
        %dma_start3A_334 = arith.constant 0 : i32
        %dma_start3A_335 = arith.constant 0 : i32
        %dma_start3A_336 = tpu.memref_slice %arg11[%dma_start3A_334, %dma_start3A_335] : memref<10000x128xf32, #tpu.memory_space<vmem_shared>> -> memref<10000x128xf32, #tpu.memory_space<vmem_shared>>
        tpu.enqueue_indirect_dma source(%arg8 : memref<100x128xf32, #tpu.memory_space<vmem>>) target(%dma_start3A_336 : memref<10000x128xf32, #tpu.memory_space<vmem_shared>>) offsets(%dma_start3A_333 : memref<100xi32, #tpu.memory_space<vmem>>) semaphore(%run_scoped3A_330 : memref<!tpu.dma_semaphore, #tpu.memory_space<semaphore_mem>>) {add = true}
        %dma_wait3A_337 = arith.constant 0 : i32
        %dma_wait3A_338 = tpu.memref_slice %arg7[%run_scoped3A_148, %dma_wait3A_337] : memref<20x100xi32, #tpu.memory_space<vmem>> -> memref<1x100xi32, #tpu.memory_space<vmem>>
        %dma_wait3A_339 = tpu.memref_squeeze %dma_wait3A_338 : memref<1x100xi32, #tpu.memory_space<vmem>> -> memref<100xi32, #tpu.memory_space<vmem>>
        %dma_wait3A_340 = arith.constant 0 : i32
        %dma_wait3A_341 = arith.constant 0 : i32
        %dma_wait3A_342 = tpu.memref_slice %arg11[%dma_wait3A_340, %dma_wait3A_341] : memref<10000x128xf32, #tpu.memory_space<vmem_shared>> -> memref<10000x128xf32, #tpu.memory_space<vmem_shared>>
        tpu.wait_indirect_dma semaphore(%run_scoped3A_330 : memref<!tpu.dma_semaphore, #tpu.memory_space<semaphore_mem>>) src(%arg8 : memref<100x128xf32, #tpu.memory_space<vmem>>) dst(%dma_wait3A_342 : memref<10000x128xf32, #tpu.memory_space<vmem_shared>>)
        tpu.yield
      }) : () -> ()
      %dma_start3A_149 = arith.constant 9 : i32
      %dma_start3A_150 = arith.constant 0 : i32
      %dma_start3A_151 = tpu.memref_slice %arg6[%dma_start3A_149, %dma_start3A_150] : memref<20x100xi32, #tpu.memory_space<vmem>> -> memref<1x100xi32, #tpu.memory_space<vmem>>
      %dma_start3A_152 = tpu.memref_squeeze %dma_start3A_151 : memref<1x100xi32, #tpu.memory_space<vmem>> -> memref<100xi32, #tpu.memory_space<vmem>>
      %dma_start3A_153 = arith.constant 0 : i32
      %dma_start3A_154 = arith.constant 0 : i32
      %dma_start3A_155 = tpu.memref_slice %arg2[%dma_start3A_153, %dma_start3A_154] : memref<10000x128xf32, #tpu.memory_space<hbm>> -> memref<10000x128xf32, #tpu.memory_space<hbm>>
      tpu.enqueue_indirect_dma source(%dma_start3A_155 : memref<10000x128xf32, #tpu.memory_space<hbm>>) target(%arg8 : memref<100x128xf32, #tpu.memory_space<vmem>>) offsets(%dma_start3A_152 : memref<100xi32, #tpu.memory_space<vmem>>) semaphore(%arg12 : memref<!tpu.dma_semaphore, #tpu.memory_space<semaphore_mem>>)
      %dma_wait3A_156 = arith.constant 7 : i32
      %dma_wait3A_157 = arith.constant 0 : i32
      %dma_wait3A_158 = tpu.memref_slice %arg6[%dma_wait3A_156, %dma_wait3A_157] : memref<20x100xi32, #tpu.memory_space<vmem>> -> memref<1x100xi32, #tpu.memory_space<vmem>>
      %dma_wait3A_159 = tpu.memref_squeeze %dma_wait3A_158 : memref<1x100xi32, #tpu.memory_space<vmem>> -> memref<100xi32, #tpu.memory_space<vmem>>
      %dma_wait3A_160 = arith.constant 0 : i32
      %dma_wait3A_161 = arith.constant 0 : i32
      %dma_wait3A_162 = tpu.memref_slice %arg2[%dma_wait3A_160, %dma_wait3A_161] : memref<10000x128xf32, #tpu.memory_space<hbm>> -> memref<10000x128xf32, #tpu.memory_space<hbm>>
      tpu.wait_indirect_dma semaphore(%arg13 : memref<!tpu.dma_semaphore, #tpu.memory_space<semaphore_mem>>) src(%dma_wait3A_162 : memref<10000x128xf32, #tpu.memory_space<hbm>>) dst(%arg9 : memref<100x128xf32, #tpu.memory_space<vmem>>)
      %run_scoped3A_163 = arith.constant 7 : i32
      "tpu.region"() ({
        %run_scoped3A_330 = tpu.sem_alloc : memref<!tpu.dma_semaphore, #tpu.memory_space<semaphore_mem>>
        %dma_start3A_331 = arith.constant 0 : i32
        %dma_start3A_332 = tpu.memref_slice %arg7[%run_scoped3A_163, %dma_start3A_331] : memref<20x100xi32, #tpu.memory_space<vmem>> -> memref<1x100xi32, #tpu.memory_space<vmem>>
        %dma_start3A_333 = tpu.memref_squeeze %dma_start3A_332 : memref<1x100xi32, #tpu.memory_space<vmem>> -> memref<100xi32, #tpu.memory_space<vmem>>
        %dma_start3A_334 = arith.constant 0 : i32
        %dma_start3A_335 = arith.constant 0 : i32
        %dma_start3A_336 = tpu.memref_slice %arg11[%dma_start3A_334, %dma_start3A_335] : memref<10000x128xf32, #tpu.memory_space<vmem_shared>> -> memref<10000x128xf32, #tpu.memory_space<vmem_shared>>
        tpu.enqueue_indirect_dma source(%arg9 : memref<100x128xf32, #tpu.memory_space<vmem>>) target(%dma_start3A_336 : memref<10000x128xf32, #tpu.memory_space<vmem_shared>>) offsets(%dma_start3A_333 : memref<100xi32, #tpu.memory_space<vmem>>) semaphore(%run_scoped3A_330 : memref<!tpu.dma_semaphore, #tpu.memory_space<semaphore_mem>>) {add = true}
        %dma_wait3A_337 = arith.constant 0 : i32
        %dma_wait3A_338 = tpu.memref_slice %arg7[%run_scoped3A_163, %dma_wait3A_337] : memref<20x100xi32, #tpu.memory_space<vmem>> -> memref<1x100xi32, #tpu.memory_space<vmem>>
        %dma_wait3A_339 = tpu.memref_squeeze %dma_wait3A_338 : memref<1x100xi32, #tpu.memory_space<vmem>> -> memref<100xi32, #tpu.memory_space<vmem>>
        %dma_wait3A_340 = arith.constant 0 : i32
        %dma_wait3A_341 = arith.constant 0 : i32
        %dma_wait3A_342 = tpu.memref_slice %arg11[%dma_wait3A_340, %dma_wait3A_341] : memref<10000x128xf32, #tpu.memory_space<vmem_shared>> -> memref<10000x128xf32, #tpu.memory_space<vmem_shared>>
        tpu.wait_indirect_dma semaphore(%run_scoped3A_330 : memref<!tpu.dma_semaphore, #tpu.memory_space<semaphore_mem>>) src(%arg9 : memref<100x128xf32, #tpu.memory_space<vmem>>) dst(%dma_wait3A_342 : memref<10000x128xf32, #tpu.memory_space<vmem_shared>>)
        tpu.yield
      }) : () -> ()
      %dma_start3A_164 = arith.constant 10 : i32
      %dma_start3A_165 = arith.constant 0 : i32
      %dma_start3A_166 = tpu.memref_slice %arg6[%dma_start3A_164, %dma_start3A_165] : memref<20x100xi32, #tpu.memory_space<vmem>> -> memref<1x100xi32, #tpu.memory_space<vmem>>
      %dma_start3A_167 = tpu.memref_squeeze %dma_start3A_166 : memref<1x100xi32, #tpu.memory_space<vmem>> -> memref<100xi32, #tpu.memory_space<vmem>>
      %dma_start3A_168 = arith.constant 0 : i32
      %dma_start3A_169 = arith.constant 0 : i32
      %dma_start3A_170 = tpu.memref_slice %arg2[%dma_start3A_168, %dma_start3A_169] : memref<10000x128xf32, #tpu.memory_space<hbm>> -> memref<10000x128xf32, #tpu.memory_space<hbm>>
      tpu.enqueue_indirect_dma source(%dma_start3A_170 : memref<10000x128xf32, #tpu.memory_space<hbm>>) target(%arg9 : memref<100x128xf32, #tpu.memory_space<vmem>>) offsets(%dma_start3A_167 : memref<100xi32, #tpu.memory_space<vmem>>) semaphore(%arg13 : memref<!tpu.dma_semaphore, #tpu.memory_space<semaphore_mem>>)
      %dma_wait3A_171 = arith.constant 8 : i32
      %dma_wait3A_172 = arith.constant 0 : i32
      %dma_wait3A_173 = tpu.memref_slice %arg6[%dma_wait3A_171, %dma_wait3A_172] : memref<20x100xi32, #tpu.memory_space<vmem>> -> memref<1x100xi32, #tpu.memory_space<vmem>>
      %dma_wait3A_174 = tpu.memref_squeeze %dma_wait3A_173 : memref<1x100xi32, #tpu.memory_space<vmem>> -> memref<100xi32, #tpu.memory_space<vmem>>
      %dma_wait3A_175 = arith.constant 0 : i32
      %dma_wait3A_176 = arith.constant 0 : i32
      %dma_wait3A_177 = tpu.memref_slice %arg2[%dma_wait3A_175, %dma_wait3A_176] : memref<10000x128xf32, #tpu.memory_space<hbm>> -> memref<10000x128xf32, #tpu.memory_space<hbm>>
      tpu.wait_indirect_dma semaphore(%arg14 : memref<!tpu.dma_semaphore, #tpu.memory_space<semaphore_mem>>) src(%dma_wait3A_177 : memref<10000x128xf32, #tpu.memory_space<hbm>>) dst(%arg10 : memref<100x128xf32, #tpu.memory_space<vmem>>)
      %run_scoped3A_178 = arith.constant 8 : i32
      "tpu.region"() ({
        %run_scoped3A_330 = tpu.sem_alloc : memref<!tpu.dma_semaphore, #tpu.memory_space<semaphore_mem>>
        %dma_start3A_331 = arith.constant 0 : i32
        %dma_start3A_332 = tpu.memref_slice %arg7[%run_scoped3A_178, %dma_start3A_331] : memref<20x100xi32, #tpu.memory_space<vmem>> -> memref<1x100xi32, #tpu.memory_space<vmem>>
        %dma_start3A_333 = tpu.memref_squeeze %dma_start3A_332 : memref<1x100xi32, #tpu.memory_space<vmem>> -> memref<100xi32, #tpu.memory_space<vmem>>
        %dma_start3A_334 = arith.constant 0 : i32
        %dma_start3A_335 = arith.constant 0 : i32
        %dma_start3A_336 = tpu.memref_slice %arg11[%dma_start3A_334, %dma_start3A_335] : memref<10000x128xf32, #tpu.memory_space<vmem_shared>> -> memref<10000x128xf32, #tpu.memory_space<vmem_shared>>
        tpu.enqueue_indirect_dma source(%arg10 : memref<100x128xf32, #tpu.memory_space<vmem>>) target(%dma_start3A_336 : memref<10000x128xf32, #tpu.memory_space<vmem_shared>>) offsets(%dma_start3A_333 : memref<100xi32, #tpu.memory_space<vmem>>) semaphore(%run_scoped3A_330 : memref<!tpu.dma_semaphore, #tpu.memory_space<semaphore_mem>>) {add = true}
        %dma_wait3A_337 = arith.constant 0 : i32
        %dma_wait3A_338 = tpu.memref_slice %arg7[%run_scoped3A_178, %dma_wait3A_337] : memref<20x100xi32, #tpu.memory_space<vmem>> -> memref<1x100xi32, #tpu.memory_space<vmem>>
        %dma_wait3A_339 = tpu.memref_squeeze %dma_wait3A_338 : memref<1x100xi32, #tpu.memory_space<vmem>> -> memref<100xi32, #tpu.memory_space<vmem>>
        %dma_wait3A_340 = arith.constant 0 : i32
        %dma_wait3A_341 = arith.constant 0 : i32
        %dma_wait3A_342 = tpu.memref_slice %arg11[%dma_wait3A_340, %dma_wait3A_341] : memref<10000x128xf32, #tpu.memory_space<vmem_shared>> -> memref<10000x128xf32, #tpu.memory_space<vmem_shared>>
        tpu.wait_indirect_dma semaphore(%run_scoped3A_330 : memref<!tpu.dma_semaphore, #tpu.memory_space<semaphore_mem>>) src(%arg10 : memref<100x128xf32, #tpu.memory_space<vmem>>) dst(%dma_wait3A_342 : memref<10000x128xf32, #tpu.memory_space<vmem_shared>>)
        tpu.yield
      }) : () -> ()
      %dma_start3A_179 = arith.constant 11 : i32
      %dma_start3A_180 = arith.constant 0 : i32
      %dma_start3A_181 = tpu.memref_slice %arg6[%dma_start3A_179, %dma_start3A_180] : memref<20x100xi32, #tpu.memory_space<vmem>> -> memref<1x100xi32, #tpu.memory_space<vmem>>
      %dma_start3A_182 = tpu.memref_squeeze %dma_start3A_181 : memref<1x100xi32, #tpu.memory_space<vmem>> -> memref<100xi32, #tpu.memory_space<vmem>>
      %dma_start3A_183 = arith.constant 0 : i32
      %dma_start3A_184 = arith.constant 0 : i32
      %dma_start3A_185 = tpu.memref_slice %arg2[%dma_start3A_183, %dma_start3A_184] : memref<10000x128xf32, #tpu.memory_space<hbm>> -> memref<10000x128xf32, #tpu.memory_space<hbm>>
      tpu.enqueue_indirect_dma source(%dma_start3A_185 : memref<10000x128xf32, #tpu.memory_space<hbm>>) target(%arg10 : memref<100x128xf32, #tpu.memory_space<vmem>>) offsets(%dma_start3A_182 : memref<100xi32, #tpu.memory_space<vmem>>) semaphore(%arg14 : memref<!tpu.dma_semaphore, #tpu.memory_space<semaphore_mem>>)
      %dma_wait3A_186 = arith.constant 9 : i32
      %dma_wait3A_187 = arith.constant 0 : i32
      %dma_wait3A_188 = tpu.memref_slice %arg6[%dma_wait3A_186, %dma_wait3A_187] : memref<20x100xi32, #tpu.memory_space<vmem>> -> memref<1x100xi32, #tpu.memory_space<vmem>>
      %dma_wait3A_189 = tpu.memref_squeeze %dma_wait3A_188 : memref<1x100xi32, #tpu.memory_space<vmem>> -> memref<100xi32, #tpu.memory_space<vmem>>
      %dma_wait3A_190 = arith.constant 0 : i32
      %dma_wait3A_191 = arith.constant 0 : i32
      %dma_wait3A_192 = tpu.memref_slice %arg2[%dma_wait3A_190, %dma_wait3A_191] : memref<10000x128xf32, #tpu.memory_space<hbm>> -> memref<10000x128xf32, #tpu.memory_space<hbm>>
      tpu.wait_indirect_dma semaphore(%arg12 : memref<!tpu.dma_semaphore, #tpu.memory_space<semaphore_mem>>) src(%dma_wait3A_192 : memref<10000x128xf32, #tpu.memory_space<hbm>>) dst(%arg8 : memref<100x128xf32, #tpu.memory_space<vmem>>)
      %run_scoped3A_193 = arith.constant 9 : i32
      "tpu.region"() ({
        %run_scoped3A_330 = tpu.sem_alloc : memref<!tpu.dma_semaphore, #tpu.memory_space<semaphore_mem>>
        %dma_start3A_331 = arith.constant 0 : i32
        %dma_start3A_332 = tpu.memref_slice %arg7[%run_scoped3A_193, %dma_start3A_331] : memref<20x100xi32, #tpu.memory_space<vmem>> -> memref<1x100xi32, #tpu.memory_space<vmem>>
        %dma_start3A_333 = tpu.memref_squeeze %dma_start3A_332 : memref<1x100xi32, #tpu.memory_space<vmem>> -> memref<100xi32, #tpu.memory_space<vmem>>
        %dma_start3A_334 = arith.constant 0 : i32
        %dma_start3A_335 = arith.constant 0 : i32
        %dma_start3A_336 = tpu.memref_slice %arg11[%dma_start3A_334, %dma_start3A_335] : memref<10000x128xf32, #tpu.memory_space<vmem_shared>> -> memref<10000x128xf32, #tpu.memory_space<vmem_shared>>
        tpu.enqueue_indirect_dma source(%arg8 : memref<100x128xf32, #tpu.memory_space<vmem>>) target(%dma_start3A_336 : memref<10000x128xf32, #tpu.memory_space<vmem_shared>>) offsets(%dma_start3A_333 : memref<100xi32, #tpu.memory_space<vmem>>) semaphore(%run_scoped3A_330 : memref<!tpu.dma_semaphore, #tpu.memory_space<semaphore_mem>>) {add = true}
        %dma_wait3A_337 = arith.constant 0 : i32
        %dma_wait3A_338 = tpu.memref_slice %arg7[%run_scoped3A_193, %dma_wait3A_337] : memref<20x100xi32, #tpu.memory_space<vmem>> -> memref<1x100xi32, #tpu.memory_space<vmem>>
        %dma_wait3A_339 = tpu.memref_squeeze %dma_wait3A_338 : memref<1x100xi32, #tpu.memory_space<vmem>> -> memref<100xi32, #tpu.memory_space<vmem>>
        %dma_wait3A_340 = arith.constant 0 : i32
        %dma_wait3A_341 = arith.constant 0 : i32
        %dma_wait3A_342 = tpu.memref_slice %arg11[%dma_wait3A_340, %dma_wait3A_341] : memref<10000x128xf32, #tpu.memory_space<vmem_shared>> -> memref<10000x128xf32, #tpu.memory_space<vmem_shared>>
        tpu.wait_indirect_dma semaphore(%run_scoped3A_330 : memref<!tpu.dma_semaphore, #tpu.memory_space<semaphore_mem>>) src(%arg8 : memref<100x128xf32, #tpu.memory_space<vmem>>) dst(%dma_wait3A_342 : memref<10000x128xf32, #tpu.memory_space<vmem_shared>>)
        tpu.yield
      }) : () -> ()
      %dma_start3A_194 = arith.constant 12 : i32
      %dma_start3A_195 = arith.constant 0 : i32
      %dma_start3A_196 = tpu.memref_slice %arg6[%dma_start3A_194, %dma_start3A_195] : memref<20x100xi32, #tpu.memory_space<vmem>> -> memref<1x100xi32, #tpu.memory_space<vmem>>
      %dma_start3A_197 = tpu.memref_squeeze %dma_start3A_196 : memref<1x100xi32, #tpu.memory_space<vmem>> -> memref<100xi32, #tpu.memory_space<vmem>>
      %dma_start3A_198 = arith.constant 0 : i32
      %dma_start3A_199 = arith.constant 0 : i32
      %dma_start3A_200 = tpu.memref_slice %arg2[%dma_start3A_198, %dma_start3A_199] : memref<10000x128xf32, #tpu.memory_space<hbm>> -> memref<10000x128xf32, #tpu.memory_space<hbm>>
      tpu.enqueue_indirect_dma source(%dma_start3A_200 : memref<10000x128xf32, #tpu.memory_space<hbm>>) target(%arg8 : memref<100x128xf32, #tpu.memory_space<vmem>>) offsets(%dma_start3A_197 : memref<100xi32, #tpu.memory_space<vmem>>) semaphore(%arg12 : memref<!tpu.dma_semaphore, #tpu.memory_space<semaphore_mem>>)
      %dma_wait3A_201 = arith.constant 10 : i32
      %dma_wait3A_202 = arith.constant 0 : i32
      %dma_wait3A_203 = tpu.memref_slice %arg6[%dma_wait3A_201, %dma_wait3A_202] : memref<20x100xi32, #tpu.memory_space<vmem>> -> memref<1x100xi32, #tpu.memory_space<vmem>>
      %dma_wait3A_204 = tpu.memref_squeeze %dma_wait3A_203 : memref<1x100xi32, #tpu.memory_space<vmem>> -> memref<100xi32, #tpu.memory_space<vmem>>
      %dma_wait3A_205 = arith.constant 0 : i32
      %dma_wait3A_206 = arith.constant 0 : i32
      %dma_wait3A_207 = tpu.memref_slice %arg2[%dma_wait3A_205, %dma_wait3A_206] : memref<10000x128xf32, #tpu.memory_space<hbm>> -> memref<10000x128xf32, #tpu.memory_space<hbm>>
      tpu.wait_indirect_dma semaphore(%arg13 : memref<!tpu.dma_semaphore, #tpu.memory_space<semaphore_mem>>) src(%dma_wait3A_207 : memref<10000x128xf32, #tpu.memory_space<hbm>>) dst(%arg9 : memref<100x128xf32, #tpu.memory_space<vmem>>)
      %run_scoped3A_208 = arith.constant 10 : i32
      "tpu.region"() ({
        %run_scoped3A_330 = tpu.sem_alloc : memref<!tpu.dma_semaphore, #tpu.memory_space<semaphore_mem>>
        %dma_start3A_331 = arith.constant 0 : i32
        %dma_start3A_332 = tpu.memref_slice %arg7[%run_scoped3A_208, %dma_start3A_331] : memref<20x100xi32, #tpu.memory_space<vmem>> -> memref<1x100xi32, #tpu.memory_space<vmem>>
        %dma_start3A_333 = tpu.memref_squeeze %dma_start3A_332 : memref<1x100xi32, #tpu.memory_space<vmem>> -> memref<100xi32, #tpu.memory_space<vmem>>
        %dma_start3A_334 = arith.constant 0 : i32
        %dma_start3A_335 = arith.constant 0 : i32
        %dma_start3A_336 = tpu.memref_slice %arg11[%dma_start3A_334, %dma_start3A_335] : memref<10000x128xf32, #tpu.memory_space<vmem_shared>> -> memref<10000x128xf32, #tpu.memory_space<vmem_shared>>
        tpu.enqueue_indirect_dma source(%arg9 : memref<100x128xf32, #tpu.memory_space<vmem>>) target(%dma_start3A_336 : memref<10000x128xf32, #tpu.memory_space<vmem_shared>>) offsets(%dma_start3A_333 : memref<100xi32, #tpu.memory_space<vmem>>) semaphore(%run_scoped3A_330 : memref<!tpu.dma_semaphore, #tpu.memory_space<semaphore_mem>>) {add = true}
        %dma_wait3A_337 = arith.constant 0 : i32
        %dma_wait3A_338 = tpu.memref_slice %arg7[%run_scoped3A_208, %dma_wait3A_337] : memref<20x100xi32, #tpu.memory_space<vmem>> -> memref<1x100xi32, #tpu.memory_space<vmem>>
        %dma_wait3A_339 = tpu.memref_squeeze %dma_wait3A_338 : memref<1x100xi32, #tpu.memory_space<vmem>> -> memref<100xi32, #tpu.memory_space<vmem>>
        %dma_wait3A_340 = arith.constant 0 : i32
        %dma_wait3A_341 = arith.constant 0 : i32
        %dma_wait3A_342 = tpu.memref_slice %arg11[%dma_wait3A_340, %dma_wait3A_341] : memref<10000x128xf32, #tpu.memory_space<vmem_shared>> -> memref<10000x128xf32, #tpu.memory_space<vmem_shared>>
        tpu.wait_indirect_dma semaphore(%run_scoped3A_330 : memref<!tpu.dma_semaphore, #tpu.memory_space<semaphore_mem>>) src(%arg9 : memref<100x128xf32, #tpu.memory_space<vmem>>) dst(%dma_wait3A_342 : memref<10000x128xf32, #tpu.memory_space<vmem_shared>>)
        tpu.yield
      }) : () -> ()
      %dma_start3A_209 = arith.constant 13 : i32
      %dma_start3A_210 = arith.constant 0 : i32
      %dma_start3A_211 = tpu.memref_slice %arg6[%dma_start3A_209, %dma_start3A_210] : memref<20x100xi32, #tpu.memory_space<vmem>> -> memref<1x100xi32, #tpu.memory_space<vmem>>
      %dma_start3A_212 = tpu.memref_squeeze %dma_start3A_211 : memref<1x100xi32, #tpu.memory_space<vmem>> -> memref<100xi32, #tpu.memory_space<vmem>>
      %dma_start3A_213 = arith.constant 0 : i32
      %dma_start3A_214 = arith.constant 0 : i32
      %dma_start3A_215 = tpu.memref_slice %arg2[%dma_start3A_213, %dma_start3A_214] : memref<10000x128xf32, #tpu.memory_space<hbm>> -> memref<10000x128xf32, #tpu.memory_space<hbm>>
      tpu.enqueue_indirect_dma source(%dma_start3A_215 : memref<10000x128xf32, #tpu.memory_space<hbm>>) target(%arg9 : memref<100x128xf32, #tpu.memory_space<vmem>>) offsets(%dma_start3A_212 : memref<100xi32, #tpu.memory_space<vmem>>) semaphore(%arg13 : memref<!tpu.dma_semaphore, #tpu.memory_space<semaphore_mem>>)
      %dma_wait3A_216 = arith.constant 11 : i32
      %dma_wait3A_217 = arith.constant 0 : i32
      %dma_wait3A_218 = tpu.memref_slice %arg6[%dma_wait3A_216, %dma_wait3A_217] : memref<20x100xi32, #tpu.memory_space<vmem>> -> memref<1x100xi32, #tpu.memory_space<vmem>>
      %dma_wait3A_219 = tpu.memref_squeeze %dma_wait3A_218 : memref<1x100xi32, #tpu.memory_space<vmem>> -> memref<100xi32, #tpu.memory_space<vmem>>
      %dma_wait3A_220 = arith.constant 0 : i32
      %dma_wait3A_221 = arith.constant 0 : i32
      %dma_wait3A_222 = tpu.memref_slice %arg2[%dma_wait3A_220, %dma_wait3A_221] : memref<10000x128xf32, #tpu.memory_space<hbm>> -> memref<10000x128xf32, #tpu.memory_space<hbm>>
      tpu.wait_indirect_dma semaphore(%arg14 : memref<!tpu.dma_semaphore, #tpu.memory_space<semaphore_mem>>) src(%dma_wait3A_222 : memref<10000x128xf32, #tpu.memory_space<hbm>>) dst(%arg10 : memref<100x128xf32, #tpu.memory_space<vmem>>)
      %run_scoped3A_223 = arith.constant 11 : i32
      "tpu.region"() ({
        %run_scoped3A_330 = tpu.sem_alloc : memref<!tpu.dma_semaphore, #tpu.memory_space<semaphore_mem>>
        %dma_start3A_331 = arith.constant 0 : i32
        %dma_start3A_332 = tpu.memref_slice %arg7[%run_scoped3A_223, %dma_start3A_331] : memref<20x100xi32, #tpu.memory_space<vmem>> -> memref<1x100xi32, #tpu.memory_space<vmem>>
        %dma_start3A_333 = tpu.memref_squeeze %dma_start3A_332 : memref<1x100xi32, #tpu.memory_space<vmem>> -> memref<100xi32, #tpu.memory_space<vmem>>
        %dma_start3A_334 = arith.constant 0 : i32
        %dma_start3A_335 = arith.constant 0 : i32
        %dma_start3A_336 = tpu.memref_slice %arg11[%dma_start3A_334, %dma_start3A_335] : memref<10000x128xf32, #tpu.memory_space<vmem_shared>> -> memref<10000x128xf32, #tpu.memory_space<vmem_shared>>
        tpu.enqueue_indirect_dma source(%arg10 : memref<100x128xf32, #tpu.memory_space<vmem>>) target(%dma_start3A_336 : memref<10000x128xf32, #tpu.memory_space<vmem_shared>>) offsets(%dma_start3A_333 : memref<100xi32, #tpu.memory_space<vmem>>) semaphore(%run_scoped3A_330 : memref<!tpu.dma_semaphore, #tpu.memory_space<semaphore_mem>>) {add = true}
        %dma_wait3A_337 = arith.constant 0 : i32
        %dma_wait3A_338 = tpu.memref_slice %arg7[%run_scoped3A_223, %dma_wait3A_337] : memref<20x100xi32, #tpu.memory_space<vmem>> -> memref<1x100xi32, #tpu.memory_space<vmem>>
        %dma_wait3A_339 = tpu.memref_squeeze %dma_wait3A_338 : memref<1x100xi32, #tpu.memory_space<vmem>> -> memref<100xi32, #tpu.memory_space<vmem>>
        %dma_wait3A_340 = arith.constant 0 : i32
        %dma_wait3A_341 = arith.constant 0 : i32
        %dma_wait3A_342 = tpu.memref_slice %arg11[%dma_wait3A_340, %dma_wait3A_341] : memref<10000x128xf32, #tpu.memory_space<vmem_shared>> -> memref<10000x128xf32, #tpu.memory_space<vmem_shared>>
        tpu.wait_indirect_dma semaphore(%run_scoped3A_330 : memref<!tpu.dma_semaphore, #tpu.memory_space<semaphore_mem>>) src(%arg10 : memref<100x128xf32, #tpu.memory_space<vmem>>) dst(%dma_wait3A_342 : memref<10000x128xf32, #tpu.memory_space<vmem_shared>>)
        tpu.yield
      }) : () -> ()
      %dma_start3A_224 = arith.constant 14 : i32
      %dma_start3A_225 = arith.constant 0 : i32
      %dma_start3A_226 = tpu.memref_slice %arg6[%dma_start3A_224, %dma_start3A_225] : memref<20x100xi32, #tpu.memory_space<vmem>> -> memref<1x100xi32, #tpu.memory_space<vmem>>
      %dma_start3A_227 = tpu.memref_squeeze %dma_start3A_226 : memref<1x100xi32, #tpu.memory_space<vmem>> -> memref<100xi32, #tpu.memory_space<vmem>>
      %dma_start3A_228 = arith.constant 0 : i32
      %dma_start3A_229 = arith.constant 0 : i32
      %dma_start3A_230 = tpu.memref_slice %arg2[%dma_start3A_228, %dma_start3A_229] : memref<10000x128xf32, #tpu.memory_space<hbm>> -> memref<10000x128xf32, #tpu.memory_space<hbm>>
      tpu.enqueue_indirect_dma source(%dma_start3A_230 : memref<10000x128xf32, #tpu.memory_space<hbm>>) target(%arg10 : memref<100x128xf32, #tpu.memory_space<vmem>>) offsets(%dma_start3A_227 : memref<100xi32, #tpu.memory_space<vmem>>) semaphore(%arg14 : memref<!tpu.dma_semaphore, #tpu.memory_space<semaphore_mem>>)
      %dma_wait3A_231 = arith.constant 12 : i32
      %dma_wait3A_232 = arith.constant 0 : i32
      %dma_wait3A_233 = tpu.memref_slice %arg6[%dma_wait3A_231, %dma_wait3A_232] : memref<20x100xi32, #tpu.memory_space<vmem>> -> memref<1x100xi32, #tpu.memory_space<vmem>>
      %dma_wait3A_234 = tpu.memref_squeeze %dma_wait3A_233 : memref<1x100xi32, #tpu.memory_space<vmem>> -> memref<100xi32, #tpu.memory_space<vmem>>
      %dma_wait3A_235 = arith.constant 0 : i32
      %dma_wait3A_236 = arith.constant 0 : i32
      %dma_wait3A_237 = tpu.memref_slice %arg2[%dma_wait3A_235, %dma_wait3A_236] : memref<10000x128xf32, #tpu.memory_space<hbm>> -> memref<10000x128xf32, #tpu.memory_space<hbm>>
      tpu.wait_indirect_dma semaphore(%arg12 : memref<!tpu.dma_semaphore, #tpu.memory_space<semaphore_mem>>) src(%dma_wait3A_237 : memref<10000x128xf32, #tpu.memory_space<hbm>>) dst(%arg8 : memref<100x128xf32, #tpu.memory_space<vmem>>)
      %run_scoped3A_238 = arith.constant 12 : i32
      "tpu.region"() ({
        %run_scoped3A_330 = tpu.sem_alloc : memref<!tpu.dma_semaphore, #tpu.memory_space<semaphore_mem>>
        %dma_start3A_331 = arith.constant 0 : i32
        %dma_start3A_332 = tpu.memref_slice %arg7[%run_scoped3A_238, %dma_start3A_331] : memref<20x100xi32, #tpu.memory_space<vmem>> -> memref<1x100xi32, #tpu.memory_space<vmem>>
        %dma_start3A_333 = tpu.memref_squeeze %dma_start3A_332 : memref<1x100xi32, #tpu.memory_space<vmem>> -> memref<100xi32, #tpu.memory_space<vmem>>
        %dma_start3A_334 = arith.constant 0 : i32
        %dma_start3A_335 = arith.constant 0 : i32
        %dma_start3A_336 = tpu.memref_slice %arg11[%dma_start3A_334, %dma_start3A_335] : memref<10000x128xf32, #tpu.memory_space<vmem_shared>> -> memref<10000x128xf32, #tpu.memory_space<vmem_shared>>
        tpu.enqueue_indirect_dma source(%arg8 : memref<100x128xf32, #tpu.memory_space<vmem>>) target(%dma_start3A_336 : memref<10000x128xf32, #tpu.memory_space<vmem_shared>>) offsets(%dma_start3A_333 : memref<100xi32, #tpu.memory_space<vmem>>) semaphore(%run_scoped3A_330 : memref<!tpu.dma_semaphore, #tpu.memory_space<semaphore_mem>>) {add = true}
        %dma_wait3A_337 = arith.constant 0 : i32
        %dma_wait3A_338 = tpu.memref_slice %arg7[%run_scoped3A_238, %dma_wait3A_337] : memref<20x100xi32, #tpu.memory_space<vmem>> -> memref<1x100xi32, #tpu.memory_space<vmem>>
        %dma_wait3A_339 = tpu.memref_squeeze %dma_wait3A_338 : memref<1x100xi32, #tpu.memory_space<vmem>> -> memref<100xi32, #tpu.memory_space<vmem>>
        %dma_wait3A_340 = arith.constant 0 : i32
        %dma_wait3A_341 = arith.constant 0 : i32
        %dma_wait3A_342 = tpu.memref_slice %arg11[%dma_wait3A_340, %dma_wait3A_341] : memref<10000x128xf32, #tpu.memory_space<vmem_shared>> -> memref<10000x128xf32, #tpu.memory_space<vmem_shared>>
        tpu.wait_indirect_dma semaphore(%run_scoped3A_330 : memref<!tpu.dma_semaphore, #tpu.memory_space<semaphore_mem>>) src(%arg8 : memref<100x128xf32, #tpu.memory_space<vmem>>) dst(%dma_wait3A_342 : memref<10000x128xf32, #tpu.memory_space<vmem_shared>>)
        tpu.yield
      }) : () -> ()
      %dma_start3A_239 = arith.constant 15 : i32
      %dma_start3A_240 = arith.constant 0 : i32
      %dma_start3A_241 = tpu.memref_slice %arg6[%dma_start3A_239, %dma_start3A_240] : memref<20x100xi32, #tpu.memory_space<vmem>> -> memref<1x100xi32, #tpu.memory_space<vmem>>
      %dma_start3A_242 = tpu.memref_squeeze %dma_start3A_241 : memref<1x100xi32, #tpu.memory_space<vmem>> -> memref<100xi32, #tpu.memory_space<vmem>>
      %dma_start3A_243 = arith.constant 0 : i32
      %dma_start3A_244 = arith.constant 0 : i32
      %dma_start3A_245 = tpu.memref_slice %arg2[%dma_start3A_243, %dma_start3A_244] : memref<10000x128xf32, #tpu.memory_space<hbm>> -> memref<10000x128xf32, #tpu.memory_space<hbm>>
      tpu.enqueue_indirect_dma source(%dma_start3A_245 : memref<10000x128xf32, #tpu.memory_space<hbm>>) target(%arg8 : memref<100x128xf32, #tpu.memory_space<vmem>>) offsets(%dma_start3A_242 : memref<100xi32, #tpu.memory_space<vmem>>) semaphore(%arg12 : memref<!tpu.dma_semaphore, #tpu.memory_space<semaphore_mem>>)
      %dma_wait3A_246 = arith.constant 13 : i32
      %dma_wait3A_247 = arith.constant 0 : i32
      %dma_wait3A_248 = tpu.memref_slice %arg6[%dma_wait3A_246, %dma_wait3A_247] : memref<20x100xi32, #tpu.memory_space<vmem>> -> memref<1x100xi32, #tpu.memory_space<vmem>>
      %dma_wait3A_249 = tpu.memref_squeeze %dma_wait3A_248 : memref<1x100xi32, #tpu.memory_space<vmem>> -> memref<100xi32, #tpu.memory_space<vmem>>
      %dma_wait3A_250 = arith.constant 0 : i32
      %dma_wait3A_251 = arith.constant 0 : i32
      %dma_wait3A_252 = tpu.memref_slice %arg2[%dma_wait3A_250, %dma_wait3A_251] : memref<10000x128xf32, #tpu.memory_space<hbm>> -> memref<10000x128xf32, #tpu.memory_space<hbm>>
      tpu.wait_indirect_dma semaphore(%arg13 : memref<!tpu.dma_semaphore, #tpu.memory_space<semaphore_mem>>) src(%dma_wait3A_252 : memref<10000x128xf32, #tpu.memory_space<hbm>>) dst(%arg9 : memref<100x128xf32, #tpu.memory_space<vmem>>)
      %run_scoped3A_253 = arith.constant 13 : i32
      "tpu.region"() ({
        %run_scoped3A_330 = tpu.sem_alloc : memref<!tpu.dma_semaphore, #tpu.memory_space<semaphore_mem>>
        %dma_start3A_331 = arith.constant 0 : i32
        %dma_start3A_332 = tpu.memref_slice %arg7[%run_scoped3A_253, %dma_start3A_331] : memref<20x100xi32, #tpu.memory_space<vmem>> -> memref<1x100xi32, #tpu.memory_space<vmem>>
        %dma_start3A_333 = tpu.memref_squeeze %dma_start3A_332 : memref<1x100xi32, #tpu.memory_space<vmem>> -> memref<100xi32, #tpu.memory_space<vmem>>
        %dma_start3A_334 = arith.constant 0 : i32
        %dma_start3A_335 = arith.constant 0 : i32
        %dma_start3A_336 = tpu.memref_slice %arg11[%dma_start3A_334, %dma_start3A_335] : memref<10000x128xf32, #tpu.memory_space<vmem_shared>> -> memref<10000x128xf32, #tpu.memory_space<vmem_shared>>
        tpu.enqueue_indirect_dma source(%arg9 : memref<100x128xf32, #tpu.memory_space<vmem>>) target(%dma_start3A_336 : memref<10000x128xf32, #tpu.memory_space<vmem_shared>>) offsets(%dma_start3A_333 : memref<100xi32, #tpu.memory_space<vmem>>) semaphore(%run_scoped3A_330 : memref<!tpu.dma_semaphore, #tpu.memory_space<semaphore_mem>>) {add = true}
        %dma_wait3A_337 = arith.constant 0 : i32
        %dma_wait3A_338 = tpu.memref_slice %arg7[%run_scoped3A_253, %dma_wait3A_337] : memref<20x100xi32, #tpu.memory_space<vmem>> -> memref<1x100xi32, #tpu.memory_space<vmem>>
        %dma_wait3A_339 = tpu.memref_squeeze %dma_wait3A_338 : memref<1x100xi32, #tpu.memory_space<vmem>> -> memref<100xi32, #tpu.memory_space<vmem>>
        %dma_wait3A_340 = arith.constant 0 : i32
        %dma_wait3A_341 = arith.constant 0 : i32
        %dma_wait3A_342 = tpu.memref_slice %arg11[%dma_wait3A_340, %dma_wait3A_341] : memref<10000x128xf32, #tpu.memory_space<vmem_shared>> -> memref<10000x128xf32, #tpu.memory_space<vmem_shared>>
        tpu.wait_indirect_dma semaphore(%run_scoped3A_330 : memref<!tpu.dma_semaphore, #tpu.memory_space<semaphore_mem>>) src(%arg9 : memref<100x128xf32, #tpu.memory_space<vmem>>) dst(%dma_wait3A_342 : memref<10000x128xf32, #tpu.memory_space<vmem_shared>>)
        tpu.yield
      }) : () -> ()
      %dma_start3A_254 = arith.constant 16 : i32
      %dma_start3A_255 = arith.constant 0 : i32
      %dma_start3A_256 = tpu.memref_slice %arg6[%dma_start3A_254, %dma_start3A_255] : memref<20x100xi32, #tpu.memory_space<vmem>> -> memref<1x100xi32, #tpu.memory_space<vmem>>
      %dma_start3A_257 = tpu.memref_squeeze %dma_start3A_256 : memref<1x100xi32, #tpu.memory_space<vmem>> -> memref<100xi32, #tpu.memory_space<vmem>>
      %dma_start3A_258 = arith.constant 0 : i32
      %dma_start3A_259 = arith.constant 0 : i32
      %dma_start3A_260 = tpu.memref_slice %arg2[%dma_start3A_258, %dma_start3A_259] : memref<10000x128xf32, #tpu.memory_space<hbm>> -> memref<10000x128xf32, #tpu.memory_space<hbm>>
      tpu.enqueue_indirect_dma source(%dma_start3A_260 : memref<10000x128xf32, #tpu.memory_space<hbm>>) target(%arg9 : memref<100x128xf32, #tpu.memory_space<vmem>>) offsets(%dma_start3A_257 : memref<100xi32, #tpu.memory_space<vmem>>) semaphore(%arg13 : memref<!tpu.dma_semaphore, #tpu.memory_space<semaphore_mem>>)
      %dma_wait3A_261 = arith.constant 14 : i32
      %dma_wait3A_262 = arith.constant 0 : i32
      %dma_wait3A_263 = tpu.memref_slice %arg6[%dma_wait3A_261, %dma_wait3A_262] : memref<20x100xi32, #tpu.memory_space<vmem>> -> memref<1x100xi32, #tpu.memory_space<vmem>>
      %dma_wait3A_264 = tpu.memref_squeeze %dma_wait3A_263 : memref<1x100xi32, #tpu.memory_space<vmem>> -> memref<100xi32, #tpu.memory_space<vmem>>
      %dma_wait3A_265 = arith.constant 0 : i32
      %dma_wait3A_266 = arith.constant 0 : i32
      %dma_wait3A_267 = tpu.memref_slice %arg2[%dma_wait3A_265, %dma_wait3A_266] : memref<10000x128xf32, #tpu.memory_space<hbm>> -> memref<10000x128xf32, #tpu.memory_space<hbm>>
      tpu.wait_indirect_dma semaphore(%arg14 : memref<!tpu.dma_semaphore, #tpu.memory_space<semaphore_mem>>) src(%dma_wait3A_267 : memref<10000x128xf32, #tpu.memory_space<hbm>>) dst(%arg10 : memref<100x128xf32, #tpu.memory_space<vmem>>)
      %run_scoped3A_268 = arith.constant 14 : i32
      "tpu.region"() ({
        %run_scoped3A_330 = tpu.sem_alloc : memref<!tpu.dma_semaphore, #tpu.memory_space<semaphore_mem>>
        %dma_start3A_331 = arith.constant 0 : i32
        %dma_start3A_332 = tpu.memref_slice %arg7[%run_scoped3A_268, %dma_start3A_331] : memref<20x100xi32, #tpu.memory_space<vmem>> -> memref<1x100xi32, #tpu.memory_space<vmem>>
        %dma_start3A_333 = tpu.memref_squeeze %dma_start3A_332 : memref<1x100xi32, #tpu.memory_space<vmem>> -> memref<100xi32, #tpu.memory_space<vmem>>
        %dma_start3A_334 = arith.constant 0 : i32
        %dma_start3A_335 = arith.constant 0 : i32
        %dma_start3A_336 = tpu.memref_slice %arg11[%dma_start3A_334, %dma_start3A_335] : memref<10000x128xf32, #tpu.memory_space<vmem_shared>> -> memref<10000x128xf32, #tpu.memory_space<vmem_shared>>
        tpu.enqueue_indirect_dma source(%arg10 : memref<100x128xf32, #tpu.memory_space<vmem>>) target(%dma_start3A_336 : memref<10000x128xf32, #tpu.memory_space<vmem_shared>>) offsets(%dma_start3A_333 : memref<100xi32, #tpu.memory_space<vmem>>) semaphore(%run_scoped3A_330 : memref<!tpu.dma_semaphore, #tpu.memory_space<semaphore_mem>>) {add = true}
        %dma_wait3A_337 = arith.constant 0 : i32
        %dma_wait3A_338 = tpu.memref_slice %arg7[%run_scoped3A_268, %dma_wait3A_337] : memref<20x100xi32, #tpu.memory_space<vmem>> -> memref<1x100xi32, #tpu.memory_space<vmem>>
        %dma_wait3A_339 = tpu.memref_squeeze %dma_wait3A_338 : memref<1x100xi32, #tpu.memory_space<vmem>> -> memref<100xi32, #tpu.memory_space<vmem>>
        %dma_wait3A_340 = arith.constant 0 : i32
        %dma_wait3A_341 = arith.constant 0 : i32
        %dma_wait3A_342 = tpu.memref_slice %arg11[%dma_wait3A_340, %dma_wait3A_341] : memref<10000x128xf32, #tpu.memory_space<vmem_shared>> -> memref<10000x128xf32, #tpu.memory_space<vmem_shared>>
        tpu.wait_indirect_dma semaphore(%run_scoped3A_330 : memref<!tpu.dma_semaphore, #tpu.memory_space<semaphore_mem>>) src(%arg10 : memref<100x128xf32, #tpu.memory_space<vmem>>) dst(%dma_wait3A_342 : memref<10000x128xf32, #tpu.memory_space<vmem_shared>>)
        tpu.yield
      }) : () -> ()
      %dma_start3A_269 = arith.constant 17 : i32
      %dma_start3A_270 = arith.constant 0 : i32
      %dma_start3A_271 = tpu.memref_slice %arg6[%dma_start3A_269, %dma_start3A_270] : memref<20x100xi32, #tpu.memory_space<vmem>> -> memref<1x100xi32, #tpu.memory_space<vmem>>
      %dma_start3A_272 = tpu.memref_squeeze %dma_start3A_271 : memref<1x100xi32, #tpu.memory_space<vmem>> -> memref<100xi32, #tpu.memory_space<vmem>>
      %dma_start3A_273 = arith.constant 0 : i32
      %dma_start3A_274 = arith.constant 0 : i32
      %dma_start3A_275 = tpu.memref_slice %arg2[%dma_start3A_273, %dma_start3A_274] : memref<10000x128xf32, #tpu.memory_space<hbm>> -> memref<10000x128xf32, #tpu.memory_space<hbm>>
      tpu.enqueue_indirect_dma source(%dma_start3A_275 : memref<10000x128xf32, #tpu.memory_space<hbm>>) target(%arg10 : memref<100x128xf32, #tpu.memory_space<vmem>>) offsets(%dma_start3A_272 : memref<100xi32, #tpu.memory_space<vmem>>) semaphore(%arg14 : memref<!tpu.dma_semaphore, #tpu.memory_space<semaphore_mem>>)
      %dma_wait3A_276 = arith.constant 15 : i32
      %dma_wait3A_277 = arith.constant 0 : i32
      %dma_wait3A_278 = tpu.memref_slice %arg6[%dma_wait3A_276, %dma_wait3A_277] : memref<20x100xi32, #tpu.memory_space<vmem>> -> memref<1x100xi32, #tpu.memory_space<vmem>>
      %dma_wait3A_279 = tpu.memref_squeeze %dma_wait3A_278 : memref<1x100xi32, #tpu.memory_space<vmem>> -> memref<100xi32, #tpu.memory_space<vmem>>
      %dma_wait3A_280 = arith.constant 0 : i32
      %dma_wait3A_281 = arith.constant 0 : i32
      %dma_wait3A_282 = tpu.memref_slice %arg2[%dma_wait3A_280, %dma_wait3A_281] : memref<10000x128xf32, #tpu.memory_space<hbm>> -> memref<10000x128xf32, #tpu.memory_space<hbm>>
      tpu.wait_indirect_dma semaphore(%arg12 : memref<!tpu.dma_semaphore, #tpu.memory_space<semaphore_mem>>) src(%dma_wait3A_282 : memref<10000x128xf32, #tpu.memory_space<hbm>>) dst(%arg8 : memref<100x128xf32, #tpu.memory_space<vmem>>)
      %run_scoped3A_283 = arith.constant 15 : i32
      "tpu.region"() ({
        %run_scoped3A_330 = tpu.sem_alloc : memref<!tpu.dma_semaphore, #tpu.memory_space<semaphore_mem>>
        %dma_start3A_331 = arith.constant 0 : i32
        %dma_start3A_332 = tpu.memref_slice %arg7[%run_scoped3A_283, %dma_start3A_331] : memref<20x100xi32, #tpu.memory_space<vmem>> -> memref<1x100xi32, #tpu.memory_space<vmem>>
        %dma_start3A_333 = tpu.memref_squeeze %dma_start3A_332 : memref<1x100xi32, #tpu.memory_space<vmem>> -> memref<100xi32, #tpu.memory_space<vmem>>
        %dma_start3A_334 = arith.constant 0 : i32
        %dma_start3A_335 = arith.constant 0 : i32
        %dma_start3A_336 = tpu.memref_slice %arg11[%dma_start3A_334, %dma_start3A_335] : memref<10000x128xf32, #tpu.memory_space<vmem_shared>> -> memref<10000x128xf32, #tpu.memory_space<vmem_shared>>
        tpu.enqueue_indirect_dma source(%arg8 : memref<100x128xf32, #tpu.memory_space<vmem>>) target(%dma_start3A_336 : memref<10000x128xf32, #tpu.memory_space<vmem_shared>>) offsets(%dma_start3A_333 : memref<100xi32, #tpu.memory_space<vmem>>) semaphore(%run_scoped3A_330 : memref<!tpu.dma_semaphore, #tpu.memory_space<semaphore_mem>>) {add = true}
        %dma_wait3A_337 = arith.constant 0 : i32
        %dma_wait3A_338 = tpu.memref_slice %arg7[%run_scoped3A_283, %dma_wait3A_337] : memref<20x100xi32, #tpu.memory_space<vmem>> -> memref<1x100xi32, #tpu.memory_space<vmem>>
        %dma_wait3A_339 = tpu.memref_squeeze %dma_wait3A_338 : memref<1x100xi32, #tpu.memory_space<vmem>> -> memref<100xi32, #tpu.memory_space<vmem>>
        %dma_wait3A_340 = arith.constant 0 : i32
        %dma_wait3A_341 = arith.constant 0 : i32
        %dma_wait3A_342 = tpu.memref_slice %arg11[%dma_wait3A_340, %dma_wait3A_341] : memref<10000x128xf32, #tpu.memory_space<vmem_shared>> -> memref<10000x128xf32, #tpu.memory_space<vmem_shared>>
        tpu.wait_indirect_dma semaphore(%run_scoped3A_330 : memref<!tpu.dma_semaphore, #tpu.memory_space<semaphore_mem>>) src(%arg8 : memref<100x128xf32, #tpu.memory_space<vmem>>) dst(%dma_wait3A_342 : memref<10000x128xf32, #tpu.memory_space<vmem_shared>>)
        tpu.yield
      }) : () -> ()
      %dma_start3A_284 = arith.constant 18 : i32
      %dma_start3A_285 = arith.constant 0 : i32
      %dma_start3A_286 = tpu.memref_slice %arg6[%dma_start3A_284, %dma_start3A_285] : memref<20x100xi32, #tpu.memory_space<vmem>> -> memref<1x100xi32, #tpu.memory_space<vmem>>
      %dma_start3A_287 = tpu.memref_squeeze %dma_start3A_286 : memref<1x100xi32, #tpu.memory_space<vmem>> -> memref<100xi32, #tpu.memory_space<vmem>>
      %dma_start3A_288 = arith.constant 0 : i32
      %dma_start3A_289 = arith.constant 0 : i32
      %dma_start3A_290 = tpu.memref_slice %arg2[%dma_start3A_288, %dma_start3A_289] : memref<10000x128xf32, #tpu.memory_space<hbm>> -> memref<10000x128xf32, #tpu.memory_space<hbm>>
      tpu.enqueue_indirect_dma source(%dma_start3A_290 : memref<10000x128xf32, #tpu.memory_space<hbm>>) target(%arg8 : memref<100x128xf32, #tpu.memory_space<vmem>>) offsets(%dma_start3A_287 : memref<100xi32, #tpu.memory_space<vmem>>) semaphore(%arg12 : memref<!tpu.dma_semaphore, #tpu.memory_space<semaphore_mem>>)
      %dma_wait3A_291 = arith.constant 16 : i32
      %dma_wait3A_292 = arith.constant 0 : i32
      %dma_wait3A_293 = tpu.memref_slice %arg6[%dma_wait3A_291, %dma_wait3A_292] : memref<20x100xi32, #tpu.memory_space<vmem>> -> memref<1x100xi32, #tpu.memory_space<vmem>>
      %dma_wait3A_294 = tpu.memref_squeeze %dma_wait3A_293 : memref<1x100xi32, #tpu.memory_space<vmem>> -> memref<100xi32, #tpu.memory_space<vmem>>
      %dma_wait3A_295 = arith.constant 0 : i32
      %dma_wait3A_296 = arith.constant 0 : i32
      %dma_wait3A_297 = tpu.memref_slice %arg2[%dma_wait3A_295, %dma_wait3A_296] : memref<10000x128xf32, #tpu.memory_space<hbm>> -> memref<10000x128xf32, #tpu.memory_space<hbm>>
      tpu.wait_indirect_dma semaphore(%arg13 : memref<!tpu.dma_semaphore, #tpu.memory_space<semaphore_mem>>) src(%dma_wait3A_297 : memref<10000x128xf32, #tpu.memory_space<hbm>>) dst(%arg9 : memref<100x128xf32, #tpu.memory_space<vmem>>)
      %run_scoped3A_298 = arith.constant 16 : i32
      "tpu.region"() ({
        %run_scoped3A_330 = tpu.sem_alloc : memref<!tpu.dma_semaphore, #tpu.memory_space<semaphore_mem>>
        %dma_start3A_331 = arith.constant 0 : i32
        %dma_start3A_332 = tpu.memref_slice %arg7[%run_scoped3A_298, %dma_start3A_331] : memref<20x100xi32, #tpu.memory_space<vmem>> -> memref<1x100xi32, #tpu.memory_space<vmem>>
        %dma_start3A_333 = tpu.memref_squeeze %dma_start3A_332 : memref<1x100xi32, #tpu.memory_space<vmem>> -> memref<100xi32, #tpu.memory_space<vmem>>
        %dma_start3A_334 = arith.constant 0 : i32
        %dma_start3A_335 = arith.constant 0 : i32
        %dma_start3A_336 = tpu.memref_slice %arg11[%dma_start3A_334, %dma_start3A_335] : memref<10000x128xf32, #tpu.memory_space<vmem_shared>> -> memref<10000x128xf32, #tpu.memory_space<vmem_shared>>
        tpu.enqueue_indirect_dma source(%arg9 : memref<100x128xf32, #tpu.memory_space<vmem>>) target(%dma_start3A_336 : memref<10000x128xf32, #tpu.memory_space<vmem_shared>>) offsets(%dma_start3A_333 : memref<100xi32, #tpu.memory_space<vmem>>) semaphore(%run_scoped3A_330 : memref<!tpu.dma_semaphore, #tpu.memory_space<semaphore_mem>>) {add = true}
        %dma_wait3A_337 = arith.constant 0 : i32
        %dma_wait3A_338 = tpu.memref_slice %arg7[%run_scoped3A_298, %dma_wait3A_337] : memref<20x100xi32, #tpu.memory_space<vmem>> -> memref<1x100xi32, #tpu.memory_space<vmem>>
        %dma_wait3A_339 = tpu.memref_squeeze %dma_wait3A_338 : memref<1x100xi32, #tpu.memory_space<vmem>> -> memref<100xi32, #tpu.memory_space<vmem>>
        %dma_wait3A_340 = arith.constant 0 : i32
        %dma_wait3A_341 = arith.constant 0 : i32
        %dma_wait3A_342 = tpu.memref_slice %arg11[%dma_wait3A_340, %dma_wait3A_341] : memref<10000x128xf32, #tpu.memory_space<vmem_shared>> -> memref<10000x128xf32, #tpu.memory_space<vmem_shared>>
        tpu.wait_indirect_dma semaphore(%run_scoped3A_330 : memref<!tpu.dma_semaphore, #tpu.memory_space<semaphore_mem>>) src(%arg9 : memref<100x128xf32, #tpu.memory_space<vmem>>) dst(%dma_wait3A_342 : memref<10000x128xf32, #tpu.memory_space<vmem_shared>>)
        tpu.yield
      }) : () -> ()
      %dma_start3A_299 = arith.constant 19 : i32
      %dma_start3A_300 = arith.constant 0 : i32
      %dma_start3A_301 = tpu.memref_slice %arg6[%dma_start3A_299, %dma_start3A_300] : memref<20x100xi32, #tpu.memory_space<vmem>> -> memref<1x100xi32, #tpu.memory_space<vmem>>
      %dma_start3A_302 = tpu.memref_squeeze %dma_start3A_301 : memref<1x100xi32, #tpu.memory_space<vmem>> -> memref<100xi32, #tpu.memory_space<vmem>>
      %dma_start3A_303 = arith.constant 0 : i32
      %dma_start3A_304 = arith.constant 0 : i32
      %dma_start3A_305 = tpu.memref_slice %arg2[%dma_start3A_303, %dma_start3A_304] : memref<10000x128xf32, #tpu.memory_space<hbm>> -> memref<10000x128xf32, #tpu.memory_space<hbm>>
      tpu.enqueue_indirect_dma source(%dma_start3A_305 : memref<10000x128xf32, #tpu.memory_space<hbm>>) target(%arg9 : memref<100x128xf32, #tpu.memory_space<vmem>>) offsets(%dma_start3A_302 : memref<100xi32, #tpu.memory_space<vmem>>) semaphore(%arg13 : memref<!tpu.dma_semaphore, #tpu.memory_space<semaphore_mem>>)
      %dma_wait3A_306 = arith.constant 17 : i32
      %dma_wait3A_307 = arith.constant 0 : i32
      %dma_wait3A_308 = tpu.memref_slice %arg6[%dma_wait3A_306, %dma_wait3A_307] : memref<20x100xi32, #tpu.memory_space<vmem>> -> memref<1x100xi32, #tpu.memory_space<vmem>>
      %dma_wait3A_309 = tpu.memref_squeeze %dma_wait3A_308 : memref<1x100xi32, #tpu.memory_space<vmem>> -> memref<100xi32, #tpu.memory_space<vmem>>
      %dma_wait3A_310 = arith.constant 0 : i32
      %dma_wait3A_311 = arith.constant 0 : i32
      %dma_wait3A_312 = tpu.memref_slice %arg2[%dma_wait3A_310, %dma_wait3A_311] : memref<10000x128xf32, #tpu.memory_space<hbm>> -> memref<10000x128xf32, #tpu.memory_space<hbm>>
      tpu.wait_indirect_dma semaphore(%arg14 : memref<!tpu.dma_semaphore, #tpu.memory_space<semaphore_mem>>) src(%dma_wait3A_312 : memref<10000x128xf32, #tpu.memory_space<hbm>>) dst(%arg10 : memref<100x128xf32, #tpu.memory_space<vmem>>)
      %run_scoped3A_313 = arith.constant 17 : i32
      "tpu.region"() ({
        %run_scoped3A_330 = tpu.sem_alloc : memref<!tpu.dma_semaphore, #tpu.memory_space<semaphore_mem>>
        %dma_start3A_331 = arith.constant 0 : i32
        %dma_start3A_332 = tpu.memref_slice %arg7[%run_scoped3A_313, %dma_start3A_331] : memref<20x100xi32, #tpu.memory_space<vmem>> -> memref<1x100xi32, #tpu.memory_space<vmem>>
        %dma_start3A_333 = tpu.memref_squeeze %dma_start3A_332 : memref<1x100xi32, #tpu.memory_space<vmem>> -> memref<100xi32, #tpu.memory_space<vmem>>
        %dma_start3A_334 = arith.constant 0 : i32
        %dma_start3A_335 = arith.constant 0 : i32
        %dma_start3A_336 = tpu.memref_slice %arg11[%dma_start3A_334, %dma_start3A_335] : memref<10000x128xf32, #tpu.memory_space<vmem_shared>> -> memref<10000x128xf32, #tpu.memory_space<vmem_shared>>
        tpu.enqueue_indirect_dma source(%arg10 : memref<100x128xf32, #tpu.memory_space<vmem>>) target(%dma_start3A_336 : memref<10000x128xf32, #tpu.memory_space<vmem_shared>>) offsets(%dma_start3A_333 : memref<100xi32, #tpu.memory_space<vmem>>) semaphore(%run_scoped3A_330 : memref<!tpu.dma_semaphore, #tpu.memory_space<semaphore_mem>>) {add = true}
        %dma_wait3A_337 = arith.constant 0 : i32
        %dma_wait3A_338 = tpu.memref_slice %arg7[%run_scoped3A_313, %dma_wait3A_337] : memref<20x100xi32, #tpu.memory_space<vmem>> -> memref<1x100xi32, #tpu.memory_space<vmem>>
        %dma_wait3A_339 = tpu.memref_squeeze %dma_wait3A_338 : memref<1x100xi32, #tpu.memory_space<vmem>> -> memref<100xi32, #tpu.memory_space<vmem>>
        %dma_wait3A_340 = arith.constant 0 : i32
        %dma_wait3A_341 = arith.constant 0 : i32
        %dma_wait3A_342 = tpu.memref_slice %arg11[%dma_wait3A_340, %dma_wait3A_341] : memref<10000x128xf32, #tpu.memory_space<vmem_shared>> -> memref<10000x128xf32, #tpu.memory_space<vmem_shared>>
        tpu.wait_indirect_dma semaphore(%run_scoped3A_330 : memref<!tpu.dma_semaphore, #tpu.memory_space<semaphore_mem>>) src(%arg10 : memref<100x128xf32, #tpu.memory_space<vmem>>) dst(%dma_wait3A_342 : memref<10000x128xf32, #tpu.memory_space<vmem_shared>>)
        tpu.yield
      }) : () -> ()
      %dma_wait3A_314 = arith.constant 18 : i32
      %dma_wait3A_315 = arith.constant 0 : i32
      %dma_wait3A_316 = tpu.memref_slice %arg6[%dma_wait3A_314, %dma_wait3A_315] : memref<20x100xi32, #tpu.memory_space<vmem>> -> memref<1x100xi32, #tpu.memory_space<vmem>>
      %dma_wait3A_317 = tpu.memref_squeeze %dma_wait3A_316 : memref<1x100xi32, #tpu.memory_space<vmem>> -> memref<100xi32, #tpu.memory_space<vmem>>
      %dma_wait3A_318 = arith.constant 0 : i32
      %dma_wait3A_319 = arith.constant 0 : i32
      %dma_wait3A_320 = tpu.memref_slice %arg2[%dma_wait3A_318, %dma_wait3A_319] : memref<10000x128xf32, #tpu.memory_space<hbm>> -> memref<10000x128xf32, #tpu.memory_space<hbm>>
      tpu.wait_indirect_dma semaphore(%arg12 : memref<!tpu.dma_semaphore, #tpu.memory_space<semaphore_mem>>) src(%dma_wait3A_320 : memref<10000x128xf32, #tpu.memory_space<hbm>>) dst(%arg8 : memref<100x128xf32, #tpu.memory_space<vmem>>)
      %run_scoped3A_321 = arith.constant 18 : i32
      "tpu.region"() ({
        %run_scoped3A_330 = tpu.sem_alloc : memref<!tpu.dma_semaphore, #tpu.memory_space<semaphore_mem>>
        %dma_start3A_331 = arith.constant 0 : i32
        %dma_start3A_332 = tpu.memref_slice %arg7[%run_scoped3A_321, %dma_start3A_331] : memref<20x100xi32, #tpu.memory_space<vmem>> -> memref<1x100xi32, #tpu.memory_space<vmem>>
        %dma_start3A_333 = tpu.memref_squeeze %dma_start3A_332 : memref<1x100xi32, #tpu.memory_space<vmem>> -> memref<100xi32, #tpu.memory_space<vmem>>
        %dma_start3A_334 = arith.constant 0 : i32
        %dma_start3A_335 = arith.constant 0 : i32
        %dma_start3A_336 = tpu.memref_slice %arg11[%dma_start3A_334, %dma_start3A_335] : memref<10000x128xf32, #tpu.memory_space<vmem_shared>> -> memref<10000x128xf32, #tpu.memory_space<vmem_shared>>
        tpu.enqueue_indirect_dma source(%arg8 : memref<100x128xf32, #tpu.memory_space<vmem>>) target(%dma_start3A_336 : memref<10000x128xf32, #tpu.memory_space<vmem_shared>>) offsets(%dma_start3A_333 : memref<100xi32, #tpu.memory_space<vmem>>) semaphore(%run_scoped3A_330 : memref<!tpu.dma_semaphore, #tpu.memory_space<semaphore_mem>>) {add = true}
        %dma_wait3A_337 = arith.constant 0 : i32
        %dma_wait3A_338 = tpu.memref_slice %arg7[%run_scoped3A_321, %dma_wait3A_337] : memref<20x100xi32, #tpu.memory_space<vmem>> -> memref<1x100xi32, #tpu.memory_space<vmem>>
        %dma_wait3A_339 = tpu.memref_squeeze %dma_wait3A_338 : memref<1x100xi32, #tpu.memory_space<vmem>> -> memref<100xi32, #tpu.memory_space<vmem>>
        %dma_wait3A_340 = arith.constant 0 : i32
        %dma_wait3A_341 = arith.constant 0 : i32
        %dma_wait3A_342 = tpu.memref_slice %arg11[%dma_wait3A_340, %dma_wait3A_341] : memref<10000x128xf32, #tpu.memory_space<vmem_shared>> -> memref<10000x128xf32, #tpu.memory_space<vmem_shared>>
        tpu.wait_indirect_dma semaphore(%run_scoped3A_330 : memref<!tpu.dma_semaphore, #tpu.memory_space<semaphore_mem>>) src(%arg8 : memref<100x128xf32, #tpu.memory_space<vmem>>) dst(%dma_wait3A_342 : memref<10000x128xf32, #tpu.memory_space<vmem_shared>>)
        tpu.yield
      }) : () -> ()
      %dma_wait3A_322 = arith.constant 19 : i32
      %dma_wait3A_323 = arith.constant 0 : i32
      %dma_wait3A_324 = tpu.memref_slice %arg6[%dma_wait3A_322, %dma_wait3A_323] : memref<20x100xi32, #tpu.memory_space<vmem>> -> memref<1x100xi32, #tpu.memory_space<vmem>>
      %dma_wait3A_325 = tpu.memref_squeeze %dma_wait3A_324 : memref<1x100xi32, #tpu.memory_space<vmem>> -> memref<100xi32, #tpu.memory_space<vmem>>
      %dma_wait3A_326 = arith.constant 0 : i32
      %dma_wait3A_327 = arith.constant 0 : i32
      %dma_wait3A_328 = tpu.memref_slice %arg2[%dma_wait3A_326, %dma_wait3A_327] : memref<10000x128xf32, #tpu.memory_space<hbm>> -> memref<10000x128xf32, #tpu.memory_space<hbm>>
      tpu.wait_indirect_dma semaphore(%arg13 : memref<!tpu.dma_semaphore, #tpu.memory_space<semaphore_mem>>) src(%dma_wait3A_328 : memref<10000x128xf32, #tpu.memory_space<hbm>>) dst(%arg9 : memref<100x128xf32, #tpu.memory_space<vmem>>)
      %run_scoped3A_329 = arith.constant 19 : i32
      "tpu.region"() ({
        %run_scoped3A_330 = tpu.sem_alloc : memref<!tpu.dma_semaphore, #tpu.memory_space<semaphore_mem>>
        %dma_start3A_331 = arith.constant 0 : i32
        %dma_start3A_332 = tpu.memref_slice %arg7[%run_scoped3A_329, %dma_start3A_331] : memref<20x100xi32, #tpu.memory_space<vmem>> -> memref<1x100xi32, #tpu.memory_space<vmem>>
        %dma_start3A_333 = tpu.memref_squeeze %dma_start3A_332 : memref<1x100xi32, #tpu.memory_space<vmem>> -> memref<100xi32, #tpu.memory_space<vmem>>
        %dma_start3A_334 = arith.constant 0 : i32
        %dma_start3A_335 = arith.constant 0 : i32
        %dma_start3A_336 = tpu.memref_slice %arg11[%dma_start3A_334, %dma_start3A_335] : memref<10000x128xf32, #tpu.memory_space<vmem_shared>> -> memref<10000x128xf32, #tpu.memory_space<vmem_shared>>
        tpu.enqueue_indirect_dma source(%arg9 : memref<100x128xf32, #tpu.memory_space<vmem>>) target(%dma_start3A_336 : memref<10000x128xf32, #tpu.memory_space<vmem_shared>>) offsets(%dma_start3A_333 : memref<100xi32, #tpu.memory_space<vmem>>) semaphore(%run_scoped3A_330 : memref<!tpu.dma_semaphore, #tpu.memory_space<semaphore_mem>>) {add = true}
        %dma_wait3A_337 = arith.constant 0 : i32
        %dma_wait3A_338 = tpu.memref_slice %arg7[%run_scoped3A_329, %dma_wait3A_337] : memref<20x100xi32, #tpu.memory_space<vmem>> -> memref<1x100xi32, #tpu.memory_space<vmem>>
        %dma_wait3A_339 = tpu.memref_squeeze %dma_wait3A_338 : memref<1x100xi32, #tpu.memory_space<vmem>> -> memref<100xi32, #tpu.memory_space<vmem>>
        %dma_wait3A_340 = arith.constant 0 : i32
        %dma_wait3A_341 = arith.constant 0 : i32
        %dma_wait3A_342 = tpu.memref_slice %arg11[%dma_wait3A_340, %dma_wait3A_341] : memref<10000x128xf32, #tpu.memory_space<vmem_shared>> -> memref<10000x128xf32, #tpu.memory_space<vmem_shared>>
        tpu.wait_indirect_dma semaphore(%run_scoped3A_330 : memref<!tpu.dma_semaphore, #tpu.memory_space<semaphore_mem>>) src(%arg9 : memref<100x128xf32, #tpu.memory_space<vmem>>) dst(%dma_wait3A_342 : memref<10000x128xf32, #tpu.memory_space<vmem_shared>>)
        tpu.yield
      }) : () -> ()
    }
    %scan3A_13 = arith.constant 5 : i32
    %barrier3A_14 = arith.constant 0 : index
    tpu.barrier barrier_id(%barrier3A_14)
    %mul3A_15 = arith.constant 664 : i32
    %mul3A_16 = arith.muli %arg1, %mul3A_15 : i32
    %lt3A = arith.constant 15 : i32
    %lt3A_17 = arith.cmpi slt, %arg1, %lt3A : i32
    %convert_element_type3A_18 = arith.extui %lt3A_17 : i1 to i32
    %cond3A_19 = arith.constant 0 : i32
    %cond3A_20 = arith.cmpi ne, %convert_element_type3A_18, %cond3A_19 : i32
    scf.if %cond3A_20 {
      %mul3A_26 = arith.constant 10000 : i32
      %mul3A_27 = arith.muli %arg0, %mul3A_26 : i32
      %add3A_28 = arith.addi %mul3A_27, %mul3A_16 : i32
      "tpu.region"() ({
        %run_scoped3A = tpu.sem_alloc : memref<!tpu.dma_semaphore, #tpu.memory_space<semaphore_mem>>
        %dma_start3A = arith.constant 0 : i32
        %dma_start3A_29 = tpu.memref_slice %arg5[%add3A_28, %dma_start3A] : memref<20000x128xf32, #tpu.memory_space<hbm>> -> memref<664x128xf32, #tpu.memory_space<hbm>>
        %dma_start3A_30 = arith.constant 0 : i32
        %dma_start3A_31 = tpu.memref_slice %arg11[%mul3A_16, %dma_start3A_30] : memref<10000x128xf32, #tpu.memory_space<vmem_shared>> -> memref<664x128xf32, #tpu.memory_space<vmem_shared>>
        tpu.enqueue_dma source(%dma_start3A_31 : memref<664x128xf32, #tpu.memory_space<vmem_shared>>) target(%dma_start3A_29 : memref<664x128xf32, #tpu.memory_space<hbm>>) target_semaphore(%run_scoped3A : memref<!tpu.dma_semaphore, #tpu.memory_space<semaphore_mem>>)
        %dma_wait3A = arith.constant 0 : i32
        %dma_wait3A_32 = tpu.memref_slice %arg5[%add3A_28, %dma_wait3A] : memref<20000x128xf32, #tpu.memory_space<hbm>> -> memref<664x128xf32, #tpu.memory_space<hbm>>
        %dma_wait3A_33 = arith.constant 0 : i32
        %dma_wait3A_34 = tpu.memref_slice %arg11[%mul3A_16, %dma_wait3A_33] : memref<10000x128xf32, #tpu.memory_space<vmem_shared>> -> memref<664x128xf32, #tpu.memory_space<vmem_shared>>
        tpu.wait_dma2 semaphore(%run_scoped3A : memref<!tpu.dma_semaphore, #tpu.memory_space<semaphore_mem>>) src(%dma_wait3A_34 : memref<664x128xf32, #tpu.memory_space<vmem_shared>>) dst(%dma_wait3A_32 : memref<664x128xf32, #tpu.memory_space<hbm>>)
        tpu.yield
      }) : () -> ()
    } else {
    }
    %eq3A_21 = arith.constant 15 : i32
    %eq3A_22 = arith.cmpi eq, %arg1, %eq3A_21 : i32
    %convert_element_type3A_23 = arith.extui %eq3A_22 : i1 to i32
    %cond3A_24 = arith.constant 0 : i32
    %cond3A_25 = arith.cmpi ne, %convert_element_type3A_23, %cond3A_24 : i32
    scf.if %cond3A_25 {
      %mul3A_26 = arith.constant 10000 : i32
      %mul3A_27 = arith.muli %arg0, %mul3A_26 : i32
      %add3A_28 = arith.addi %mul3A_27, %mul3A_16 : i32
      "tpu.region"() ({
        %run_scoped3A = tpu.sem_alloc : memref<!tpu.dma_semaphore, #tpu.memory_space<semaphore_mem>>
        %dma_start3A = arith.constant 0 : i32
        %dma_start3A_29 = tpu.memref_slice %arg5[%add3A_28, %dma_start3A] : memref<20000x128xf32, #tpu.memory_space<hbm>> -> memref<40x128xf32, #tpu.memory_space<hbm>>
        %dma_start3A_30 = arith.constant 0 : i32
        %dma_start3A_31 = tpu.memref_slice %arg11[%mul3A_16, %dma_start3A_30] : memref<10000x128xf32, #tpu.memory_space<vmem_shared>> -> memref<40x128xf32, #tpu.memory_space<vmem_shared>>
        tpu.enqueue_dma source(%dma_start3A_31 : memref<40x128xf32, #tpu.memory_space<vmem_shared>>) target(%dma_start3A_29 : memref<40x128xf32, #tpu.memory_space<hbm>>) target_semaphore(%run_scoped3A : memref<!tpu.dma_semaphore, #tpu.memory_space<semaphore_mem>>)
        %dma_wait3A = arith.constant 0 : i32
        %dma_wait3A_32 = tpu.memref_slice %arg5[%add3A_28, %dma_wait3A] : memref<20000x128xf32, #tpu.memory_space<hbm>> -> memref<40x128xf32, #tpu.memory_space<hbm>>
        %dma_wait3A_33 = arith.constant 0 : i32
        %dma_wait3A_34 = tpu.memref_slice %arg11[%mul3A_16, %dma_wait3A_33] : memref<10000x128xf32, #tpu.memory_space<vmem_shared>> -> memref<40x128xf32, #tpu.memory_space<vmem_shared>>
        tpu.wait_dma2 semaphore(%run_scoped3A : memref<!tpu.dma_semaphore, #tpu.memory_space<semaphore_mem>>) src(%dma_wait3A_34 : memref<40x128xf32, #tpu.memory_space<vmem_shared>>) dst(%dma_wait3A_32 : memref<40x128xf32, #tpu.memory_space<hbm>>)
        tpu.yield
      }) : () -> ()
    } else {
    }
    return
  }
}

module attributes {stable_mosaic.version = 14 : i64} {
  func.func @_tc1a_body(%arg0: i32, %arg1: memref<5000x128xf32, #tpu.memory_space<vmem>>, %arg2: memref<128x128xf32, #tpu.memory_space<vmem>>, %arg3: memref<1x128xf32, #tpu.memory_space<vmem>>, %arg4: memref<5000x128xf32, #tpu.memory_space<vmem>>) attributes {dimension_semantics = [#tpu.dimension_semantics<arbitrary>], iteration_bounds = array<i64: 2>, scalar_prefetch = 0 : i64, scratch_operands = 0 : i64, tpu.core_type = #tpu.core_type<tc>, window_params = [{transform_indices = @transform_0, window_bounds = array<i64: 5000, 128>}, {pipeline_mode = #tpu.pipeline_mode<synchronous>, transform_indices = @transform_1, window_bounds = array<i64: 128, 128>}, {pipeline_mode = #tpu.pipeline_mode<synchronous>, transform_indices = @transform_2, window_bounds = array<i64: 1, 128>}, {transform_indices = @transform_3, window_bounds = array<i64: 5000, 128>}]} {
    %get3A = arith.constant 0 : index
    %get3A_0 = arith.constant 0 : index
    %get3A_1 = vector.load %arg1[%get3A, %get3A_0] : memref<5000x128xf32, #tpu.memory_space<vmem>>, vector<5000x128xf32>
    %get3A_2 = arith.constant 0 : index
    %get3A_3 = arith.constant 0 : index
    %get3A_4 = vector.load %arg2[%get3A_2, %get3A_3] : memref<128x128xf32, #tpu.memory_space<vmem>>, vector<128x128xf32>
    %dot_general3A = arith.constant dense<0.000000e+00> : vector<5000x128xf32>
    %dot_general3A_5 = tpu.matmul %get3A_1, %get3A_4, %dot_general3A {dimension_numbers = #tpu.dot_dimension_numbers<[1], [0], [0], [1], [0, 0, 1, 1], [], []>, transpose_lhs_hint = false} : vector<5000x128xf32>, vector<128x128xf32>, vector<5000x128xf32> -> vector<5000x128xf32>
    %get3A_6 = arith.constant 0 : index
    %get3A_7 = arith.constant 0 : index
    %get3A_8 = vector.load %arg3[%get3A_6, %get3A_7] : memref<1x128xf32, #tpu.memory_space<vmem>>, vector<1x128xf32>
    %add3A = vector.broadcast %get3A_8 : vector<1x128xf32> to vector<5000x128xf32>
    %add3A_9 = arith.addf %dot_general3A_5, %add3A : vector<5000x128xf32>
    %swap3A = arith.constant 0 : index
    %swap3A_10 = arith.constant 0 : index
    %swap3A_11 = vector.load %arg4[%swap3A, %swap3A_10] : memref<5000x128xf32, #tpu.memory_space<vmem>>, vector<5000x128xf32>
    tpu.vector_store %arg4[%swap3A, %swap3A_10], %add3A_9 {strides = array<i32>} : memref<5000x128xf32, #tpu.memory_space<vmem>>, vector<5000x128xf32>,
    return
  }
  func.func @transform_0(%arg0: i32) -> (i32, i32) {
    %c0_i32 = arith.constant 0 : i32
    %c0_i32_0 = arith.constant 0 : i32
    return %arg0, %c0_i32 : i32, i32
  }
  func.func @transform_1(%arg0: i32) -> (i32, i32) {
    %c0_i32 = arith.constant 0 : i32
    %c0_i32_0 = arith.constant 0 : i32
    %c0_i32_1 = arith.constant 0 : i32
    return %c0_i32, %c0_i32_0 : i32, i32
  }
  func.func @transform_2(%arg0: i32) -> (i32, i32) {
    %c0_i32 = arith.constant 0 : i32
    %c0_i32_0 = arith.constant 0 : i32
    %c0_i32_1 = arith.constant 0 : i32
    return %c0_i32, %c0_i32_0 : i32, i32
  }
  func.func @transform_3(%arg0: i32) -> (i32, i32) {
    %c0_i32 = arith.constant 0 : i32
    %c0_i32_0 = arith.constant 0 : i32
    return %arg0, %c0_i32 : i32, i32
  }
}

module attributes {stable_mosaic.version = 14 : i64} {
  func.func @_tc1b_body(%arg0: i32, %arg1: memref<5000x128xf32, #tpu.memory_space<vmem>>, %arg2: memref<5000x1xf32, #tpu.memory_space<vmem>>, %arg3: memref<5000x1xf32, #tpu.memory_space<vmem>>, %arg4: memref<5000x128xf32, #tpu.memory_space<vmem>>, %arg5: memref<5000x128xf32, #tpu.memory_space<vmem>>) attributes {dimension_semantics = [#tpu.dimension_semantics<arbitrary>], iteration_bounds = array<i64: 2>, scalar_prefetch = 0 : i64, scratch_operands = 0 : i64, tpu.core_type = #tpu.core_type<tc>, window_params = [{transform_indices = @transform_0, window_bounds = array<i64: 5000, 128>}, {transform_indices = @transform_1, window_bounds = array<i64: 5000, 1>}, {transform_indices = @transform_2, window_bounds = array<i64: 5000, 1>}, {transform_indices = @transform_3, window_bounds = array<i64: 5000, 128>}, {transform_indices = @transform_4, window_bounds = array<i64: 5000, 128>}]} {
    %get3A = arith.constant 0 : index
    %get3A_0 = arith.constant 0 : index
    %get3A_1 = vector.load %arg2[%get3A, %get3A_0] : memref<5000x1xf32, #tpu.memory_space<vmem>>, vector<5000x1xf32>
    %get3A_2 = arith.constant 0 : index
    %get3A_3 = arith.constant 0 : index
    %get3A_4 = vector.load %arg3[%get3A_2, %get3A_3] : memref<5000x1xf32, #tpu.memory_space<vmem>>, vector<5000x1xf32>
    %add3A = arith.addf %get3A_1, %get3A_4 : vector<5000x1xf32>
    %add3A_5 = arith.constant 1.000000e+00 : f32
    %add3A_6 = vector.broadcast %add3A_5 : f32 to vector<5000x1xf32>
    %add3A_7 = arith.addf %add3A, %add3A_6 : vector<5000x1xf32>
    %rsqrt3A = math.rsqrt %add3A_7 : vector<5000x1xf32>
    %get3A_8 = arith.constant 0 : index
    %get3A_9 = arith.constant 0 : index
    %get3A_10 = vector.load %arg1[%get3A_8, %get3A_9] : memref<5000x128xf32, #tpu.memory_space<vmem>>, vector<5000x128xf32>
    %mul3A = vector.broadcast %rsqrt3A : vector<5000x1xf32> to vector<5000x128xf32>
    %mul3A_11 = arith.mulf %get3A_10, %mul3A : vector<5000x128xf32>
    %swap3A = arith.constant 0 : index
    %swap3A_12 = arith.constant 0 : index
    %swap3A_13 = vector.load %arg4[%swap3A, %swap3A_12] : memref<5000x128xf32, #tpu.memory_space<vmem>>, vector<5000x128xf32>
    tpu.vector_store %arg4[%swap3A, %swap3A_12], %mul3A_11 {strides = array<i32>} : memref<5000x128xf32, #tpu.memory_space<vmem>>, vector<5000x128xf32>,
    %broadcast_in_dim3A = vector.shape_cast %rsqrt3A : vector<5000x1xf32> to vector<5000x1xf32>
    %broadcast_in_dim3A_14 = vector.broadcast %broadcast_in_dim3A : vector<5000x1xf32> to vector<5000x128xf32>
    %swap3A_15 = arith.constant 0 : index
    %swap3A_16 = arith.constant 0 : index
    %swap3A_17 = vector.load %arg5[%swap3A_15, %swap3A_16] : memref<5000x128xf32, #tpu.memory_space<vmem>>, vector<5000x128xf32>
    tpu.vector_store %arg5[%swap3A_15, %swap3A_16], %broadcast_in_dim3A_14 {strides = array<i32>} : memref<5000x128xf32, #tpu.memory_space<vmem>>, vector<5000x128xf32>,
    return
  }
  func.func @transform_0(%arg0: i32) -> (i32, i32) {
    %c0_i32 = arith.constant 0 : i32
    %c0_i32_0 = arith.constant 0 : i32
    return %arg0, %c0_i32 : i32, i32
  }
  func.func @transform_1(%arg0: i32) -> (i32, i32) {
    %c0_i32 = arith.constant 0 : i32
    %c0_i32_0 = arith.constant 0 : i32
    return %arg0, %c0_i32 : i32, i32
  }
  func.func @transform_2(%arg0: i32) -> (i32, i32) {
    %c0_i32 = arith.constant 0 : i32
    %c0_i32_0 = arith.constant 0 : i32
    return %arg0, %c0_i32 : i32, i32
  }
  func.func @transform_3(%arg0: i32) -> (i32, i32) {
    %c0_i32 = arith.constant 0 : i32
    %c0_i32_0 = arith.constant 0 : i32
    return %arg0, %c0_i32 : i32, i32
  }
  func.func @transform_4(%arg0: i32) -> (i32, i32) {
    %c0_i32 = arith.constant 0 : i32
    %c0_i32_0 = arith.constant 0 : i32
    return %arg0, %c0_i32 : i32, i32
  }
}

module attributes {stable_mosaic.version = 14 : i64} {
  func.func @_tc2_body(%arg0: i32, %arg1: memref<5000x128xf32, #tpu.memory_space<vmem>>, %arg2: memref<5000x128xf32, #tpu.memory_space<vmem>>, %arg3: memref<5000x128xf32, #tpu.memory_space<vmem>>, %arg4: memref<128x128xf32, #tpu.memory_space<vmem>>, %arg5: memref<1x128xf32, #tpu.memory_space<vmem>>, %arg6: memref<5000x128xf32, #tpu.memory_space<vmem>>) attributes {dimension_semantics = [#tpu.dimension_semantics<arbitrary>], iteration_bounds = array<i64: 2>, scalar_prefetch = 0 : i64, scratch_operands = 0 : i64, tpu.core_type = #tpu.core_type<tc>, window_params = [{transform_indices = @transform_0, window_bounds = array<i64: 5000, 128>}, {transform_indices = @transform_1, window_bounds = array<i64: 5000, 128>}, {transform_indices = @transform_2, window_bounds = array<i64: 5000, 128>}, {pipeline_mode = #tpu.pipeline_mode<synchronous>, transform_indices = @transform_3, window_bounds = array<i64: 128, 128>}, {pipeline_mode = #tpu.pipeline_mode<synchronous>, transform_indices = @transform_4, window_bounds = array<i64: 1, 128>}, {transform_indices = @transform_5, window_bounds = array<i64: 5000, 128>}]} {
    %get3A = arith.constant 0 : index
    %get3A_0 = arith.constant 0 : index
    %get3A_1 = vector.load %arg3[%get3A, %get3A_0] : memref<5000x128xf32, #tpu.memory_space<vmem>>, vector<5000x128xf32>
    %get3A_2 = arith.constant 0 : index
    %get3A_3 = arith.constant 0 : index
    %get3A_4 = vector.load %arg1[%get3A_2, %get3A_3] : memref<5000x128xf32, #tpu.memory_space<vmem>>, vector<5000x128xf32>
    %get3A_5 = arith.constant 0 : index
    %get3A_6 = arith.constant 0 : index
    %get3A_7 = vector.load %arg2[%get3A_5, %get3A_6] : memref<5000x128xf32, #tpu.memory_space<vmem>>, vector<5000x128xf32>
    %add3A = arith.addf %get3A_4, %get3A_7 : vector<5000x128xf32>
    %mul3A = arith.mulf %add3A, %get3A_1 : vector<5000x128xf32>
    %max3A = arith.constant 0.000000e+00 : f32
    %max3A_8 = vector.broadcast %max3A : f32 to vector<5000x128xf32>
    %max3A_9 = arith.maximumf %mul3A, %max3A_8 : vector<5000x128xf32>
    %get3A_10 = arith.constant 0 : index
    %get3A_11 = arith.constant 0 : index
    %get3A_12 = vector.load %arg4[%get3A_10, %get3A_11] : memref<128x128xf32, #tpu.memory_space<vmem>>, vector<128x128xf32>
    %dot_general3A = arith.constant dense<0.000000e+00> : vector<5000x128xf32>
    %dot_general3A_13 = tpu.matmul %max3A_9, %get3A_12, %dot_general3A {dimension_numbers = #tpu.dot_dimension_numbers<[1], [0], [0], [1], [0, 0, 1, 1], [], []>, transpose_lhs_hint = false} : vector<5000x128xf32>, vector<128x128xf32>, vector<5000x128xf32> -> vector<5000x128xf32>
    %get3A_14 = arith.constant 0 : index
    %get3A_15 = arith.constant 0 : index
    %get3A_16 = vector.load %arg5[%get3A_14, %get3A_15] : memref<1x128xf32, #tpu.memory_space<vmem>>, vector<1x128xf32>
    %add3A_17 = vector.broadcast %get3A_16 : vector<1x128xf32> to vector<5000x128xf32>
    %add3A_18 = arith.addf %dot_general3A_13, %add3A_17 : vector<5000x128xf32>
    %mul3A_19 = arith.mulf %add3A_18, %get3A_1 : vector<5000x128xf32>
    %swap3A = arith.constant 0 : index
    %swap3A_20 = arith.constant 0 : index
    %swap3A_21 = vector.load %arg6[%swap3A, %swap3A_20] : memref<5000x128xf32, #tpu.memory_space<vmem>>, vector<5000x128xf32>
    tpu.vector_store %arg6[%swap3A, %swap3A_20], %mul3A_19 {strides = array<i32>} : memref<5000x128xf32, #tpu.memory_space<vmem>>, vector<5000x128xf32>,
    return
  }
  func.func @transform_0(%arg0: i32) -> (i32, i32) {
    %c0_i32 = arith.constant 0 : i32
    %c0_i32_0 = arith.constant 0 : i32
    return %arg0, %c0_i32 : i32, i32
  }
  func.func @transform_1(%arg0: i32) -> (i32, i32) {
    %add3A = arith.constant 2 : i32
    %add3A_0 = arith.addi %add3A, %arg0 : i32
    %c0_i32 = arith.constant 0 : i32
    %c0_i32_1 = arith.constant 0 : i32
    return %add3A_0, %c0_i32 : i32, i32
  }
  func.func @transform_2(%arg0: i32) -> (i32, i32) {
    %c0_i32 = arith.constant 0 : i32
    %c0_i32_0 = arith.constant 0 : i32
    return %arg0, %c0_i32 : i32, i32
  }
  func.func @transform_3(%arg0: i32) -> (i32, i32) {
    %c0_i32 = arith.constant 0 : i32
    %c0_i32_0 = arith.constant 0 : i32
    %c0_i32_1 = arith.constant 0 : i32
    return %c0_i32, %c0_i32_0 : i32, i32
  }
  func.func @transform_4(%arg0: i32) -> (i32, i32) {
    %c0_i32 = arith.constant 0 : i32
    %c0_i32_0 = arith.constant 0 : i32
    %c0_i32_1 = arith.constant 0 : i32
    return %c0_i32, %c0_i32_0 : i32, i32
  }
  func.func @transform_5(%arg0: i32) -> (i32, i32) {
    %c0_i32 = arith.constant 0 : i32
    %c0_i32_0 = arith.constant 0 : i32
    return %arg0, %c0_i32 : i32, i32
  }
}

module attributes {stable_mosaic.version = 14 : i64} {
  func.func @_tc3_body(%arg0: i32, %arg1: memref<5000x128xf32, #tpu.memory_space<vmem>>, %arg2: memref<5000x128xf32, #tpu.memory_space<vmem>>, %arg3: memref<5000x128xf32, #tpu.memory_space<vmem>>, %arg4: memref<128x64xf32, #tpu.memory_space<vmem>>, %arg5: memref<1x64xf32, #tpu.memory_space<vmem>>, %arg6: memref<64x64xf32, #tpu.memory_space<vmem>>, %arg7: memref<1x64xf32, #tpu.memory_space<vmem>>, %arg8: memref<64x10xf32, #tpu.memory_space<vmem>>, %arg9: memref<1x10xf32, #tpu.memory_space<vmem>>, %arg10: memref<5000x10xf32, #tpu.memory_space<vmem>>) attributes {dimension_semantics = [#tpu.dimension_semantics<arbitrary>], iteration_bounds = array<i64: 2>, scalar_prefetch = 0 : i64, scratch_operands = 0 : i64, tpu.core_type = #tpu.core_type<tc>, window_params = [{transform_indices = @transform_0, window_bounds = array<i64: 5000, 128>}, {transform_indices = @transform_1, window_bounds = array<i64: 5000, 128>}, {transform_indices = @transform_2, window_bounds = array<i64: 5000, 128>}, {pipeline_mode = #tpu.pipeline_mode<synchronous>, transform_indices = @transform_3, window_bounds = array<i64: 128, 64>}, {pipeline_mode = #tpu.pipeline_mode<synchronous>, transform_indices = @transform_4, window_bounds = array<i64: 1, 64>}, {pipeline_mode = #tpu.pipeline_mode<synchronous>, transform_indices = @transform_5, window_bounds = array<i64: 64, 64>}, {pipeline_mode = #tpu.pipeline_mode<synchronous>, transform_indices = @transform_6, window_bounds = array<i64: 1, 64>}, {pipeline_mode = #tpu.pipeline_mode<synchronous>, transform_indices = @transform_7, window_bounds = array<i64: 64, 10>}, {pipeline_mode = #tpu.pipeline_mode<synchronous>, transform_indices = @transform_8, window_bounds = array<i64: 1, 10>}, {transform_indices = @transform_9, window_bounds = array<i64: 5000, 10>}]} {
    %get3A = arith.constant 0 : index
    %get3A_0 = arith.constant 0 : index
    %get3A_1 = vector.load %arg1[%get3A, %get3A_0] : memref<5000x128xf32, #tpu.memory_space<vmem>>, vector<5000x128xf32>
    %get3A_2 = arith.constant 0 : index
    %get3A_3 = arith.constant 0 : index
    %get3A_4 = vector.load %arg2[%get3A_2, %get3A_3] : memref<5000x128xf32, #tpu.memory_space<vmem>>, vector<5000x128xf32>
    %add3A = arith.addf %get3A_1, %get3A_4 : vector<5000x128xf32>
    %get3A_5 = arith.constant 0 : index
    %get3A_6 = arith.constant 0 : index
    %get3A_7 = vector.load %arg3[%get3A_5, %get3A_6] : memref<5000x128xf32, #tpu.memory_space<vmem>>, vector<5000x128xf32>
    %mul3A = arith.mulf %add3A, %get3A_7 : vector<5000x128xf32>
    %get3A_8 = arith.constant 0 : index
    %get3A_9 = arith.constant 0 : index
    %get3A_10 = vector.load %arg4[%get3A_8, %get3A_9] : memref<128x64xf32, #tpu.memory_space<vmem>>, vector<128x64xf32>
    %dot_general3A = arith.constant dense<0.000000e+00> : vector<5000x64xf32>
    %dot_general3A_11 = tpu.matmul %mul3A, %get3A_10, %dot_general3A {dimension_numbers = #tpu.dot_dimension_numbers<[1], [0], [0], [1], [0, 0, 1, 1], [], []>, transpose_lhs_hint = false} : vector<5000x128xf32>, vector<128x64xf32>, vector<5000x64xf32> -> vector<5000x64xf32>
    %get3A_12 = arith.constant 0 : index
    %get3A_13 = arith.constant 0 : index
    %get3A_14 = vector.load %arg5[%get3A_12, %get3A_13] : memref<1x64xf32, #tpu.memory_space<vmem>>, vector<1x64xf32>
    %add3A_15 = vector.broadcast %get3A_14 : vector<1x64xf32> to vector<5000x64xf32>
    %add3A_16 = arith.addf %dot_general3A_11, %add3A_15 : vector<5000x64xf32>
    %max3A = arith.constant 0.000000e+00 : f32
    %max3A_17 = vector.broadcast %max3A : f32 to vector<5000x64xf32>
    %max3A_18 = arith.maximumf %add3A_16, %max3A_17 : vector<5000x64xf32>
    %get3A_19 = arith.constant 0 : index
    %get3A_20 = arith.constant 0 : index
    %get3A_21 = vector.load %arg6[%get3A_19, %get3A_20] : memref<64x64xf32, #tpu.memory_space<vmem>>, vector<64x64xf32>
    %dot_general3A_22 = arith.constant dense<0.000000e+00> : vector<5000x64xf32>
    %dot_general3A_23 = tpu.matmul %max3A_18, %get3A_21, %dot_general3A_22 {dimension_numbers = #tpu.dot_dimension_numbers<[1], [0], [0], [1], [0, 0, 1, 1], [], []>, transpose_lhs_hint = false} : vector<5000x64xf32>, vector<64x64xf32>, vector<5000x64xf32> -> vector<5000x64xf32>
    %get3A_24 = arith.constant 0 : index
    %get3A_25 = arith.constant 0 : index
    %get3A_26 = vector.load %arg7[%get3A_24, %get3A_25] : memref<1x64xf32, #tpu.memory_space<vmem>>, vector<1x64xf32>
    %add3A_27 = vector.broadcast %get3A_26 : vector<1x64xf32> to vector<5000x64xf32>
    %add3A_28 = arith.addf %dot_general3A_23, %add3A_27 : vector<5000x64xf32>
    %get3A_29 = arith.constant 0 : index
    %get3A_30 = arith.constant 0 : index
    %get3A_31 = vector.load %arg8[%get3A_29, %get3A_30] : memref<64x10xf32, #tpu.memory_space<vmem>>, vector<64x10xf32>
    %dot_general3A_32 = arith.constant dense<0.000000e+00> : vector<5000x10xf32>
    %dot_general3A_33 = tpu.matmul %add3A_28, %get3A_31, %dot_general3A_32 {dimension_numbers = #tpu.dot_dimension_numbers<[1], [0], [0], [1], [0, 0, 1, 1], [], []>, transpose_lhs_hint = false} : vector<5000x64xf32>, vector<64x10xf32>, vector<5000x10xf32> -> vector<5000x10xf32>
    %get3A_34 = arith.constant 0 : index
    %get3A_35 = arith.constant 0 : index
    %get3A_36 = vector.load %arg9[%get3A_34, %get3A_35] : memref<1x10xf32, #tpu.memory_space<vmem>>, vector<1x10xf32>
    %add3A_37 = vector.broadcast %get3A_36 : vector<1x10xf32> to vector<5000x10xf32>
    %add3A_38 = arith.addf %dot_general3A_33, %add3A_37 : vector<5000x10xf32>
    %swap3A = arith.constant 0 : index
    %swap3A_39 = arith.constant 0 : index
    %swap3A_40 = vector.load %arg10[%swap3A, %swap3A_39] : memref<5000x10xf32, #tpu.memory_space<vmem>>, vector<5000x10xf32>
    tpu.vector_store %arg10[%swap3A, %swap3A_39], %add3A_38 {strides = array<i32>} : memref<5000x10xf32, #tpu.memory_space<vmem>>, vector<5000x10xf32>,
    return
  }
  func.func @transform_0(%arg0: i32) -> (i32, i32) {
    %c0_i32 = arith.constant 0 : i32
    %c0_i32_0 = arith.constant 0 : i32
    return %arg0, %c0_i32 : i32, i32
  }
  func.func @transform_1(%arg0: i32) -> (i32, i32) {
    %add3A = arith.constant 2 : i32
    %add3A_0 = arith.addi %add3A, %arg0 : i32
    %c0_i32 = arith.constant 0 : i32
    %c0_i32_1 = arith.constant 0 : i32
    return %add3A_0, %c0_i32 : i32, i32
  }
  func.func @transform_2(%arg0: i32) -> (i32, i32) {
    %c0_i32 = arith.constant 0 : i32
    %c0_i32_0 = arith.constant 0 : i32
    return %arg0, %c0_i32 : i32, i32
  }
  func.func @transform_3(%arg0: i32) -> (i32, i32) {
    %c0_i32 = arith.constant 0 : i32
    %c0_i32_0 = arith.constant 0 : i32
    %c0_i32_1 = arith.constant 0 : i32
    return %c0_i32, %c0_i32_0 : i32, i32
  }
  func.func @transform_4(%arg0: i32) -> (i32, i32) {
    %c0_i32 = arith.constant 0 : i32
    %c0_i32_0 = arith.constant 0 : i32
    %c0_i32_1 = arith.constant 0 : i32
    return %c0_i32, %c0_i32_0 : i32, i32
  }
  func.func @transform_5(%arg0: i32) -> (i32, i32) {
    %c0_i32 = arith.constant 0 : i32
    %c0_i32_0 = arith.constant 0 : i32
    %c0_i32_1 = arith.constant 0 : i32
    return %c0_i32, %c0_i32_0 : i32, i32
  }
  func.func @transform_6(%arg0: i32) -> (i32, i32) {
    %c0_i32 = arith.constant 0 : i32
    %c0_i32_0 = arith.constant 0 : i32
    %c0_i32_1 = arith.constant 0 : i32
    return %c0_i32, %c0_i32_0 : i32, i32
  }
  func.func @transform_7(%arg0: i32) -> (i32, i32) {
    %c0_i32 = arith.constant 0 : i32
    %c0_i32_0 = arith.constant 0 : i32
    %c0_i32_1 = arith.constant 0 : i32
    return %c0_i32, %c0_i32_0 : i32, i32
  }
  func.func @transform_8(%arg0: i32) -> (i32, i32) {
    %c0_i32 = arith.constant 0 : i32
    %c0_i32_0 = arith.constant 0 : i32
    %c0_i32_1 = arith.constant 0 : i32
    return %c0_i32, %c0_i32_0 : i32, i32
  }
  func.func @transform_9(%arg0: i32) -> (i32, i32) {
    %c0_i32 = arith.constant 0 : i32
    %c0_i32_0 = arith.constant 0 : i32
    return %arg0, %c0_i32 : i32, i32
  }
}

</mosaic_0001>

<sc_bundles>
// kernel: kernel.12.cloned.1.call-start
scs
__scs_entry_jumppad:
0x0: {  	(pc) =	sbr.rel $0x88, $3  }
0x1: {  	(tag) =	ssettag $0x0;
	lr =	simm.s32 $0x1  }
0x2: {  	[smem:$0x3F95] =	sst lr;
	_ =	strace $0xD0000000  }
0x3: {  	_ = 	snop  }
0x4: {  	_ = 	snop  }
0x5: {  	_ = 	snop  }
0x6: {  	_ = 	snop  }
0x7: {  	_ = 	snop  }
__scs_overlays_trampoline_lowered:
0x8: {  	[smem:$0x3FA4] =	sst s0  }
0x9: {  	[smem:$0x3FA5] =	sst s1  }
0xa: {  	[smem:$0x3FA6] =	sst s2  }
0xb: {  	[smem:$0x3FA7] =	sst s3  }
0xc: {  	[smem:$0x3FA8] =	sst s4  }
0xd: {  	[smem:$0x3FA9] =	sst s5  }
0xe: {  	[smem:$0x3FAA] =	sst s6  }
0xf: {  	[smem:$0x3FAB] =	sst s7  }
0x10: {  	[smem:$0x3FAC] =	sst s8  }
0x11: {  	[smem:$0x3FAD] =	sst s9;
	s0 =	simm.s32 @!p0 $0x0  }
0x12: {  	s1 =	sld [smem:$0x3F93];
	s0 =	simm.s32 @p0 $0x1  }
0x13: {  	[smem:$0x3FAE] =	sst s0;
	s0 =	simm.s32 @!p1 $0x0  }
0x14: {  	s2 =	sld [smem:$0x3F92];
	s0 =	simm.s32 @p1 $0x1  }
0x15: {  	[smem:$0x3FAF] =	sst s0;
	s0 =	simm.s32 @!p2 $0x0  }
0x16: {  	s3 =	sld [smem:$0x3FDB];
	s0 =	simm.s32 @p2 $0x1  }
0x17: {  	s4 =	simm.s32 $0x1BF5;
	[smem:$0x3FB1] =	sst s0  }
0x18: {  	s0 =	sld [smem:$0x3F94];
	_ =	swait.ge [sflag:s4], $0x0  }
0x19: {  	s7 =	sld [smem:$0x3F95]  }
0x1a: {  	s8 =	sadd.s32 $0xFFFFE003, lr  }
0x1b: {  	s9 =	sadd.s32 $0xFFFFFEF7, lr;
	s5 =	simm.s32 $0xFFFFFFFF;
	p2 =	slt.u32 s8, $0xFFFFF086  }
0x1c: {  	p1 =	slt.u32 s9, $0xF7A;
	s5 =	simm.s32 @!p2 $0x0  }
0x1d: {  	s5 =	simm.s32 @p1 $0x1;
	p0 =	seq.s32 s7, s2  }
0x1e: {  	s7 =	smul.u32 @!p0 $0xF7A, s2;
	p2 =	seq.s32 @!p0 s5, $0x0  }
0x1f: {  	s9 =	smul.u32 $0xF7A, s1;
	s8 =	simm.s32 @!p0 $0x1BF5;
	p2 =	por !p2, p0  }
0x20: {  	[sflag:s8] =	ssyncset.s32 @!p0 $0xFFFFF086;
	s6 =	sadd.s32 @!p0 s3, s7;
	s7 =	simm.s32 @!p0 $0x108  }
0x21: {  	s3 =	sadd.s32 s3, s9;
	s6 =	sadd.s32 @!p0 $0x88, s6;
	s7 =	simm.s32 @p2 $0x1082  }
0x22: {  	[simem:s7], [sflag:s8] =	dma.local @!p0 [hbm:s6], $0xF7A  }
0x23: {  	s9 =	sor.u32 $0xD0000000, s2;
	s6 =	simm.s32 $0x108;
	_ =	swait.ge @!p0 [sflag:s8], $0x0  }
0x24: {  	s3 =	sadd.s32 $0x88, s3;
	s6 =	simm.s32 @!p1 $0x1082;
	[sflag:s4] =	ssyncset.s32 $0xFFFFF086  }
0x25: {  	[simem:s6], [sflag:s4] =	dma.local [hbm:s3], $0xF7A  }
0x26: {  	[smem:$0x3F95] =	sst s1;
	(tag) =	ssettag s2;
	_ =	strace s9  }
0x27: {  	s1 =	sld [smem:$0x3FA5]  }
0x28: {  	s2 =	sld [smem:$0x3FA6]  }
0x29: {  	s4 =	sld [smem:$0x3FA8]  }
0x2a: {  	p0 =	seq.s32 s5, $0x0;
	s5 =	sld [smem:$0x3FA9]  }
0x2b: {  	s6 =	sld [smem:$0x3FAA]  }
0x2c: {  	s7 =	sld [smem:$0x3FAB]  }
0x2d: {  	s3 =	simm.s32 $0x108;
	s8 =	sld [smem:$0x3FAC]  }
0x2e: {  	s3 =	simm.s32 @!p0 $0x1082;
	s9 =	sld [smem:$0x3FAD]  }
0x2f: {  	lr =	sadd.s32 s0, s3;
	s0 =	sld [smem:$0x3FA4]  }
0x30: {  	s3 =	sld [smem:$0x3FA7]  }
0x31: {  	[smem:$0x3FB0] =	sst s10  }
0x32: {  	s10 =	sld [smem:$0x3FAE];
	_ =	sdelay $0x3  }
0x33: {  	p0 =	seq.s32 s10, $0x1;
	s10 =	sld [smem:$0x3FB0];
	_ =	sdelay $0x3  }
0x34: {  	[smem:$0x3FB0] =	sst s10  }
0x35: {  	s10 =	sld [smem:$0x3FAF];
	_ =	sdelay $0x3  }
0x36: {  	p1 =	seq.s32 s10, $0x1;
	s10 =	sld [smem:$0x3FB0];
	_ =	sdelay $0x3  }
0x37: {  	[smem:$0x3FB0] =	sst s10  }
0x38: {  	s10 =	sld [smem:$0x3FB1]  }
0x39: {  	_ = 	snop;
	(pc) =	sbr.ind lr, $3  }
0x3a: {  	_ = 	snop  }
0x3b: {  	_ = 	snop  }
0x3c: {  	p2 =	seq.s32 s10, $0x1;
	s10 =	sld [smem:$0x3FB0]  }
0x3d: {  	_ =	shalt  }
0x3e: {  	_ =	shalt  }
0x3f: {  	_ =	shalt  }
0x40: {  	_ =	shalt  }
0x41: {  	_ =	shalt  }
0x42: {  	_ =	shalt  }
0x43: {  	_ =	shalt  }
0x44: {  	_ =	shalt  }
0x45: {  	_ =	shalt  }
0x46: {  	_ =	shalt  }
0x47: {  	_ =	shalt  }
0x48: {  	_ =	shalt  }
0x49: {  	_ =	shalt  }
0x4a: {  	_ =	shalt  }
0x4b: {  	_ =	shalt  }
0x4c: {  	_ =	shalt  }
0x4d: {  	_ =	shalt  }
0x4e: {  	_ =	shalt  }
0x4f: {  	_ =	shalt  }
0x50: {  	_ =	shalt  }
0x51: {  	_ =	shalt  }
0x52: {  	_ =	shalt  }
0x53: {  	_ =	shalt  }
0x54: {  	_ =	shalt  }
0x55: {  	_ =	shalt  }
0x56: {  	_ =	shalt  }
0x57: {  	_ =	shalt  }
0x58: {  	_ =	shalt  }
0x59: {  	_ =	shalt  }
0x5a: {  	_ =	shalt  }
0x5b: {  	_ =	shalt  }
0x5c: {  	_ =	shalt  }
0x5d: {  	_ =	shalt  }
0x5e: {  	_ =	shalt  }
0x5f: {  	_ =	shalt  }
0x60: {  	_ =	shalt  }
0x61: {  	_ =	shalt  }
0x62: {  	_ =	shalt  }
0x63: {  	_ =	shalt  }
0x64: {  	_ =	shalt  }
0x65: {  	_ =	shalt  }
0x66: {  	_ =	shalt  }
0x67: {  	_ =	shalt  }
0x68: {  	_ =	shalt  }
0x69: {  	_ =	shalt  }
0x6a: {  	_ =	shalt  }
0x6b: {  	_ =	shalt  }
0x6c: {  	_ =	shalt  }
0x6d: {  	_ =	shalt  }
0x6e: {  	_ =	shalt  }
0x6f: {  	_ =	shalt  }
0x70: {  	_ =	shalt  }
0x71: {  	_ =	shalt  }
0x72: {  	_ =	shalt  }
0x73: {  	_ =	shalt  }
0x74: {  	_ =	shalt  }
0x75: {  	_ =	shalt  }
0x76: {  	_ =	shalt  }
0x77: {  	_ =	shalt  }
0x78: {  	_ =	shalt  }
0x79: {  	_ =	shalt  }
0x7a: {  	_ =	shalt  }
0x7b: {  	_ =	shalt  }
0x7c: {  	_ =	shalt  }
0x7d: {  	_ =	shalt  }
0x7e: {  	_ =	shalt  }
0x7f: {  	_ =	shalt  }
0x80: {  	_ =	shalt  }
0x81: {  	_ =	shalt  }
0x82: {  	_ =	shalt  }
0x83: {  	_ =	shalt  }
0x84: {  	_ =	shalt  }
0x85: {  	_ =	shalt  }
0x86: {  	_ =	shalt  }
0x87: {  	_ =	shalt  }
.Lfunc_end0:
.L_simem_size_0:
called_computation.1_lowered:
.L_overlay_start_0:
0x88: {  	s2 =	sld [smem:$0x3FD9]  }
0x89: {  	s3 =	sld [smem:$0x3FFE];
	_ =	sdelay $0x1  }
0x8a: {  	s1 =	srdreg.scid  }
0x8b: {  	s0 =	sand.u32 $0x1, s1  }
0x8c: {  	s17 =	sshll.u32 s0, $0xA;
	s2 =	sadd.s32 s3, s2  }
0x8d: {  	s2 =	sadd.s32 s2, s17  }
0x8e: {  	[smem:$0x3FBC] =	sst s2  }
0x8f: {  	_ = 	snop  }
0x90: {  	s2 =	sld [smem:$0x3FD0];
	(tm) =	ssettm $0x1  }
0x91: {  	s18 =	sld [smem:$0x3FFB];
	_ =	sdelay $0x3  }
0x92: {  	_ =	strace s18  }
0x93: {  	s3 =	sld [smem:$0x3FFC];
	_ =	sdelay $0x3  }
0x94: {  	_ =	strace s3  }
0x95: {  	s3 =	sld [smem:$0x3FFD];
	_ =	sdelay $0x3  }
0x96: {  	_ =	strace s3  }
0x97: {  	_ =	strace $0x8FFFFFFF  }
0x98: {  	s19 =	sld [smem:$0x3FDB];
	_ =	sdelay $0x1  }
0x99: {  	s4 =	simm.s32 $_scs_section_size  }
0x9a: {  	s5 =	simm.s32 $_size__tile_overlayer_lowered;
	s6 =	simm.s32 $_tile_overlayer_lowered  }
0x9b: {  	s22 =	simm.s32 $0x1BFF;
	s21 =	sshll.u32 s6, $0x1;
	s3 =	sadd.s32 s4, s19  }
0x9c: {  	s7 =	simm.s32 $0x0;
	s20 =	sshll.u32 s5, $0x1;
	s5 =	sadd.s32 s21, s3  }
0x9d: {  	[timem:s7], [sflag:s22] =	dma.local [hbm:s5], s20  }
0x9e: {  	_ =	swait.ge [sflag:s22], s20  }
0x9f: {  	s4 =	ssub.s32 $0x0, s20;
	[sflag:s22] =	ssyncset.done $0x0  }
0xa0: {  	[sflag:s22] =	ssyncadd.s32 s4;
	_ =	sdelay $0x1  }
0xa1: {  	s23 =	simm.s32 $0x1B8B  }
0xa2: {  	_ =	swait.ge [sflag:s23], $0x1  }
0xa3: {  	[sflag:s23] =	ssyncset.done $0x0  }
0xa4: {  	s25 =	simm.s32 $0x1B8E;
	s24 =	sld [smem:$0x3FFE];
	[sflag:s23] =	ssyncadd.s32 $0xFFFFFFFF  }
0xa5: {  	s26 =	simm.s32 $execute0_lowered;
	[smem:$0x3FD2] =	sst s25  }
0xa6: {  	s5 =	sshll.u32 s26, $0x1;
	_ =	strace $0x80000049;
	[dreg:$0x1] =	wrdreg $0xFFFFFFFF  }
0xa7: {  	s28 =	simm.s32 $_size_execute0_lowered;
	s3 =	sadd.s32 s3, s5;
	[dreg:$0x0] =	wrdreg $0x0  }
0xa8: {  	s5 =	sshll.u32 s28, $0x1;
	[dreg:$0x2] =	wrdreg s3  }
0xa9: {  	[dreg:$0x3] =	wrdreg s5  }
0xaa: {  	[dreg:$0x4] =	wrdreg $0xC0  }
0xab: {  	_ =	task [dreg:s7], $0x5FFFF  }
0xac: {  	[dreg:$0x1] =	wrdreg $0xFFFFFFFF  }
0xad: {  	[dreg:$0x0] =	wrdreg $0x60  }
0xae: {  	[dreg:$0x2] =	wrdreg s24  }
0xaf: {  	[dreg:$0x3] =	wrdreg s2  }
0xb0: {  	[dreg:$0x4] =	wrdreg $0xB4000  }
0xb1: {  	[dreg:$0x5] =	wrdreg $0x9  }
0xb2: {  	_ =	task.clear_ibuf [dreg:s7], $0x6FFFF;
	_ =	strace $0x90000049  }
0xb3: {  	s29 =	simm.s32 $0x9;
	_ =	strace $0x8000004B  }
0xb4: {  	_ =	swait.ge [sflag:s29], $0x1  }
0xb5: {  	[sflag:s29] =	ssyncadd.s32 $0xFFFFFFFF  }
0xb6: {  	_ =	strace $0x9000004B  }
0xb7: {  	_ =	sfence  }
0xb8: {  	s30 =	sld [smem:$0x0];
	_ =	sdelay $0x2  }
0xb9: {  	s31 =	sshll.u32 s1, $0xD;
	s1 =	sshrl.u32 s1, $0x2  }
0xba: {  	s3 =	sand.u32 $0x4000, s31;
	s1 =	sadd.s32 s1, s30  }
0xbb: {  	s0 =	sor.u32 s3, s0;
	s1 =	sshll.u32 s1, $0x11  }
0xbc: {  	s0 =	sor.u32 s1, s0  }
0xbd: {  	s0 =	sadd.s32 $0x8F2B, s0  }
0xbe: {  	[sflag:s0] =	ssyncadd.remote.s32 $0x1  }
0xbf: {  	_ =	sfence.sel $0xFFFF  }
0xc0: {  	[dreg:$0x0] =	wrdreg $0xFFFFFFFF;
	(pc) =	sbr.abs _section_cstart, $3  }
0xc1: {  	[dreg:$0x1] =	wrdreg $0xFFFFFFFF  }
0xc2: {  	_ =	task.clear_ibuf [dreg:s7], $0x2FFFF;
	_ =	strace $0x9FFFFFFF  }
0xc3: {  	(tm) =	ssettm $0x7FFFFFFF  }
tec
execute0_lowered:
.L_overlay_start_1:
0x0: {  	(tag) =	ssettag $0x1  }
0x1: {  	s0 =	rddreg [dreg:$0x0]  }
0x2: {  	s2 =	rddreg [dreg:$0x2];
	s4 =	simm.s32 $0x0;
	s13 =	stileid.u32  }
0x3: {  	s1 =	srdreg.scid;
	s23 =	simm.s32 $0x80;
	s24 =	simm.s32 $0x100  }
0x4: {  	s26 =	simm.s32 $0x180;
	s14 =	simm.s32 $0x380;
	s15 =	simm.s32 $0xE80  }
0x5: {  	s16 =	simm.s32 $0x400;
	[smem:$0x7FF] =	sst s4;
	s5 =	sadd.s32 $0x21400, s0  }
0x6: {  	s6 =	sadd.s32 $0x3400, s0;
	s8 =	sadd.s32 $0x48600, s0;
	s0 =	sadd.s32 $0x48280, s0  }
0x7: {  	s17 =	simm.s32 $0xF00;
	_ =	strace $0x8000004A;
	[smem:$0x7F4] =	sst s0  }
0x8: {  	s28 =	simm.s32 $0x3;
	s29 =	simm.s32 $0x1180;
	[dreg:$0x6] =	wrdreg s23  }
0x9: {  	s30 =	simm.s32 $0x700;
	s3 =	smul.u32 $0x2980, s13;
	[dreg:$0x7] =	wrdreg s24  }
0xa: {  	s31 =	simm.s32 $0x1200;
	s7 =	smul.u32 $0x53000, s13;
	[dreg:$0x8] =	wrdreg s26  }
0xb: {  	s1 =	sand.u32 $0x1, s1;
	s12 =	smul.u32 $0x3C00, s13;
	[dreg:$0x10] =	wrdreg s14  }
0xc: {  	s9 =	ssub.s32 $0x2, s1;
	s10 =	smul.u32 $0x3C000, s1;
	[dreg:$0x11] =	wrdreg s15  }
0xd: {  	p3 =	seq.s32 s1, $0x1;
	s19 =	smul.u32 $0x27100, s1;
	[dreg:$0x12] =	wrdreg s16  }
0xe: {  	s1 =	smul.u32 $0x138800, s1;
	[dreg:$0x13] =	wrdreg s17;
	s23 =	simm.s32 $0x1080  }
0xf: {  	s24 =	simm.s32 $0x600;
	s26 =	simm.s32 $0x680;
	s14 =	simm.s32 $0x1480  }
0x10: {  	s15 =	simm.s32 $0x1500;
	s16 =	simm.s32 $0x1580;
	s17 =	simm.s32 $0x0  }
0x11: {  	s11 =	sshrl.u32 s9, $0x1;
	s7 =	sshrl.u32 s7, $0x2;
	[dreg:$0x19] =	wrdreg s23  }
0x12: {  	s18 =	sadd.s32 s5, s3;
	p1 =	seq.s32 @p3 s13, $0xF;
	[dreg:$0x1a] =	wrdreg s24  }
0x13: {  	p4 =	seq.s32 @!p3 s13, $0xF;
	[dreg:$0x1c] =	wrdreg s26;
	s9 =	ssub.s32 s9, s11  }
0x14: {  	s11 =	sadd.s32 s7, s2;
	[dreg:$0x1e] =	wrdreg s18;
	s7 =	simm.s32 $0x280  }
0x15: {  	s10 =	sadd.s32 s12, s10;
	s12 =	sadd.s32 $0x137400, s2;
	[dreg:$0xc] =	wrdreg s7  }
0x16: {  	s23 =	simm.s32 $0x4C00;
	s18 =	simm.s32 $0x480;
	[dreg:$0x1f] =	wrdreg s12  }
0x17: {  	s24 =	simm.s32 $0x8000;
	s26 =	simm.s32 $0x2;
	[dreg:$0x14] =	wrdreg s18  }
0x18: {  	s3 =	sadd.s32 s3, s19;
	s19 =	simm.s32 $0xF80;
	[dreg:$0x1d] =	wrdreg s11  }
0x19: {  	s1 =	sshrl.u32 s1, $0x3;
	s3 =	sadd.s32 s8, s3;
	[dreg:$0x15] =	wrdreg s19  }
0x1a: {  	p0 =	por !p1, !p3;
	s25 =	smax.u32 s9, $0x1;
	[smem:$0x7F5] =	sst s3  }
0x1b: {  	s1 =	sadd.s32 s8, s1;
	s8 =	simm.s32 $0xD80;
	[smem:$0x7F7] =	sst s25  }
0x1c: {  	s20 =	sadd.s32 $0x78000, s10;
	s9 =	simm.s32 $0x300;
	[dreg:$0xd] =	wrdreg s8  }
0x1d: {  	s21 =	sshrl.u32 s10, $0x3;
	s10 =	simm.s32 $0xE00;
	[dreg:$0xe] =	wrdreg s9  }
0x1e: {  	p1 =	por p1, !p3;
	s22 =	sadd.s32 s21, s6;
	[dreg:$0xf] =	wrdreg s10  }
0x1f: {  	p2 =	por !p4, p3;
	s1 =	sadd.s32 $0x26E80, s1;
	[dreg:$0x5] =	wrdreg s22  }
0x20: {  	p3 =	por p4, p3;
	s3 =	simm.s32 $0x200;
	[smem:$0x7F6] =	sst s1  }
0x21: {  	s0 =	sshrl.u32 s20, $0x3;
	s20 =	simm.s32 $0x500;
	[dreg:$0xa] =	wrdreg s3  }
0x22: {  	p4 =	seq.s32 s13, $0xF;
	s21 =	simm.s32 $0x1000;
	[dreg:$0x16] =	wrdreg s20  }
0x23: {  	s19 =	simm.s32 $0x4;
	s25 =	simm.s32 $0x1100;
	[dreg:$0x17] =	wrdreg s21  }
0x24: {  	s7 =	simm.s32 $0x1300;
	s0 =	sadd.s32 s0, s6;
	[dreg:$0x1b] =	wrdreg s25  }
0x25: {  	s9 =	simm.s32 $0x880;
	s1 =	simm.s32 $0xC80;
	[dreg:$0x4] =	wrdreg s0  }
0x26: {  	s10 =	simm.s32 $0x1380;
	s6 =	simm.s32 $0xD00;
	[dreg:$0x9] =	wrdreg s1  }
0x27: {  	s20 =	simm.s32 $0xC00;
	s1 =	sshrl.u32 @!p0 s12, $0x3;
	[dreg:$0xb] =	wrdreg s6  }
0x28: {  	s22 =	simm.s32 $0x580;
	[smem:$0x7F8] =	sst s1;
	s1 =	sshll.u32 @!p1 s13, $0x6  }
0x29: {  	s21 =	simm.s32 $0x64;
	[dreg:$0x18] =	wrdreg s22;
	s1 =	sor.u32 @!p1 $0x1C04, s1  }
0x2a: {  	s25 =	simm.s32 $0x1;
	[smem:$0x7F9] =	sst s1;
	s1 =	sshrl.u32 @!p1 s11, $0x3  }
0x2b: {  	s3 =	simm.s32 $0x1280;
	[smem:$0x7FA] =	sst s1;
	s1 =	sshrl.u32 @!p2 s12, $0x3  }
0x2c: {  	s22 =	simm.s32 $0x1800;
	[smem:$0x7FB] =	sst s1;
	s1 =	sshll.u32 @!p3 s13, $0x6  }
0x2d: {  	s0 =	simm.s32 $0x780;
	s12 =	simm.s32 $0x1400;
	s1 =	sor.u32 @!p3 $0x1C04, s1  }
0x2e: {  	s13 =	simm.s32 $0x980;
	[smem:$0x7FC] =	sst s1;
	s1 =	sshrl.u32 @!p3 s11, $0x3  }
0x2f: {  	s11 =	simm.s32 $0x900;
	[smem:$0x7FD] =	sst s1;
	s1 =	simm.s32 $0x800  }
.LBB2_1:
0x30: {  	[smem:$0x7F3] =	sst s17  }
0x31: {  	s17 =	sld [smem:$0x7F8];
	_ =	sdelay $0x1  }
0x32: {  	s8 =	simm.s32 @!p0 $0x1FC4;
	s6 =	rddreg [dreg:$0x1]  }
0x33: {  	[spmem:s17], [sflag:s8] =	dma.local @!p0 [hbm:s6], $0x280  }
0x34: {  	s8 =	simm.s32 @!p0 $0x4  }
0x35: {  	_ =	swait.ge @!p0 [sflag:s8], $0x280  }
0x36: {  	[sflag:s8] =	ssyncset.done @!p0 $0x0;
	s17 =	sld [smem:$0x7FA]  }
0x37: {  	[sflag:s8] =	ssyncadd.s32 @!p0 $0xFFFFFD80;
	s8 =	sld [smem:$0x7F9];
	_ =	sdelay $0x2  }
0x38: {  	[spmem:s17], [sflag:s8] =	dma.local @!p1 [hbm:s6], $0x2980  }
0x39: {  	s8 =	simm.s32 @!p1 $0x4  }
0x3a: {  	_ =	swait.ge @!p1 [sflag:s8], $0x2980  }
0x3b: {  	s6 =	sld [smem:$0x7F4]  }
0x3c: {  	s17 =	sld [smem:$0x7FB]  }
0x3d: {  	[sflag:s8] =	ssyncset.done @!p1 $0x0  }
0x3e: {  	[sflag:s8] =	ssyncadd.s32 @!p1 $0xFFFFD680;
	s8 =	simm.s32 @!p2 $0x1FC4  }
0x3f: {  	[spmem:s17], [sflag:s8] =	dma.local @!p2 [hbm:s6], $0x280  }
0x40: {  	s8 =	simm.s32 @!p2 $0x4  }
0x41: {  	_ =	swait.ge @!p2 [sflag:s8], $0x280  }
0x42: {  	[sflag:s8] =	ssyncset.done @!p2 $0x0;
	s17 =	sld [smem:$0x7FD]  }
0x43: {  	[sflag:s8] =	ssyncadd.s32 @!p2 $0xFFFFFD80;
	s8 =	sld [smem:$0x7FC];
	_ =	sdelay $0x1  }
0x44: {  	s6 =	rddreg [dreg:$0x1e]  }
0x45: {  	[spmem:s17], [sflag:s8] =	dma.local @!p3 [hbm:s6], $0x2980  }
0x46: {  	s8 =	simm.s32 @!p3 $0x4  }
0x47: {  	_ =	swait.ge @!p3 [sflag:s8], $0x2980  }
0x48: {  	[sflag:s8] =	ssyncset.done @!p3 $0x0  }
0x49: {  	[sflag:s8] =	ssyncadd.s32 @!p3 $0xFFFFD680  }
0x4a: {  	[bflag:$0x0] =	sbarrier.arrive $0xFFFF  }
0x4b: {  	s18 =	rddreg [dreg:$0x5]  }
0x4c: {  	s8 =	sadd.s32 $0x0, s18  }
0x4d: {  	[tilespmem:s4], [sflag:$0x4] =	stream.linear.gather [hbm4b:s8+s4], $0xA00, $0x38;
	[tilespmem:$0x1EC80] =	vst v63  }
0x4e: {  	_ =	swait.ge [sflag:s19], $0xA00  }
0x4f: {  	s6 =	rddreg [dreg:$0x4];
	[sflag:s19] =	ssyncset.done $0x0  }
0x50: {  	[sflag:s19] =	ssyncadd.s32 $0xFFFFF600;
	s8 =	sadd.s32 $0x0, s6  }
0x51: {  	[tilespmem:s20], [sflag:$0x4] =	stream.linear.gather [hbm4b:s8+s4], $0xA00, $0x38;
	[tilespmem:$0x1EC80] =	vst v63  }
0x52: {  	_ =	swait.ge [sflag:s19], $0xA00  }
0x53: {  	[sflag:s19] =	ssyncset.done $0x0  }
0x54: {  	[sflag:s19] =	ssyncadd.s32 $0xFFFFF600  }
0x55: {  	[tilespmem:s22], [sflag:$0x1] =	stream.indirect.gather [hbm4b:s5+s21], $0x80, s4, s21, $0xb8;
	[tilespmem:$0x1EC80] =	vst v63  }
0x56: {  	s17 =	rddreg [dreg:$0x6]  }
0x57: {  	[tilespmem:s23], [sflag:$0x2] =	stream.indirect.gather [hbm4b:s5+s21], $0x80, s17, s21, $0xb8;
	[tilespmem:$0x1EC80] =	vst v63  }
0x58: {  	s18 =	rddreg [dreg:$0x7]  }
0x59: {  	[tilespmem:s24], [sflag:$0x3] =	stream.indirect.gather [hbm4b:s5+s21], $0x80, s18, s21, $0xb8;
	[tilespmem:$0x1EC80] =	vst v63  }
0x5a: {  	_ =	swait.ge [sflag:s25], $0x3200  }
0x5b: {  	[sflag:s25] =	ssyncset.done $0x0  }
0x5c: {  	[sflag:s25] =	ssyncadd.s32 $0xFFFFCE00  }
0x5d: {  	[spmem:s2] =	stream.indirect.scatter.add.f32 [tilespmem:s22], [sflag:$0x4], $0x80, s20, s21, $0xb8;
	[tilespmem:$0x1EC80] =	vst v63  }
0x5e: {  	_ =	swait.ge [sflag:s19], $0x3200  }
0x5f: {  	[sflag:s19] =	ssyncset.done $0x0  }
0x60: {  	s6 =	rddreg [dreg:$0x8];
	[sflag:s19] =	ssyncadd.s32 $0xFFFFCE00  }
0x61: {  	[tilespmem:s22], [sflag:$0x1] =	stream.indirect.gather [hbm4b:s5+s21], $0x80, s6, s21, $0xb8;
	[tilespmem:$0x1EC80] =	vst v63  }
0x62: {  	_ =	swait.ge [sflag:s26], $0x3200  }
0x63: {  	[sflag:s26] =	ssyncset.done $0x0  }
0x64: {  	s17 =	rddreg [dreg:$0x9];
	[sflag:s26] =	ssyncadd.s32 $0xFFFFCE00  }
0x65: {  	[spmem:s2] =	stream.indirect.scatter.add.f32 [tilespmem:s23], [sflag:$0x4], $0x80, s17, s21, $0xb8;
	[tilespmem:$0x1EC80] =	vst v63  }
0x66: {  	_ =	swait.ge [sflag:s19], $0x3200  }
0x67: {  	[sflag:s19] =	ssyncset.done $0x0  }
0x68: {  	s18 =	rddreg [dreg:$0xa];
	[sflag:s19] =	ssyncadd.s32 $0xFFFFCE00  }
0x69: {  	[tilespmem:s23], [sflag:$0x2] =	stream.indirect.gather [hbm4b:s5+s21], $0x80, s18, s21, $0xb8;
	[tilespmem:$0x1EC80] =	vst v63  }
0x6a: {  	_ =	swait.ge [sflag:s28], $0x3200  }
0x6b: {  	[sflag:s28] =	ssyncset.done $0x0  }
0x6c: {  	s6 =	rddreg [dreg:$0xb];
	[sflag:s28] =	ssyncadd.s32 $0xFFFFCE00  }
0x6d: {  	[spmem:s2] =	stream.indirect.scatter.add.f32 [tilespmem:s24], [sflag:$0x4], $0x80, s6, s21, $0xb8;
	[tilespmem:$0x1EC80] =	vst v63  }
0x6e: {  	_ =	swait.ge [sflag:s19], $0x3200  }
0x6f: {  	[sflag:s19] =	ssyncset.done $0x0  }
0x70: {  	s17 =	rddreg [dreg:$0xc];
	[sflag:s19] =	ssyncadd.s32 $0xFFFFCE00  }
0x71: {  	[tilespmem:s24], [sflag:$0x3] =	stream.indirect.gather [hbm4b:s5+s21], $0x80, s17, s21, $0xb8;
	[tilespmem:$0x1EC80] =	vst v63  }
0x72: {  	_ =	swait.ge [sflag:s25], $0x3200  }
0x73: {  	[sflag:s25] =	ssyncset.done $0x0  }
0x74: {  	s18 =	rddreg [dreg:$0xd];
	[sflag:s25] =	ssyncadd.s32 $0xFFFFCE00  }
0x75: {  	[spmem:s2] =	stream.indirect.scatter.add.f32 [tilespmem:s22], [sflag:$0x4], $0x80, s18, s21, $0xb8;
	[tilespmem:$0x1EC80] =	vst v63  }
0x76: {  	_ =	swait.ge [sflag:s19], $0x3200  }
0x77: {  	[sflag:s19] =	ssyncset.done $0x0  }
0x78: {  	s6 =	rddreg [dreg:$0xe];
	[sflag:s19] =	ssyncadd.s32 $0xFFFFCE00  }
0x79: {  	[tilespmem:s22], [sflag:$0x1] =	stream.indirect.gather [hbm4b:s5+s21], $0x80, s6, s21, $0xb8;
	[tilespmem:$0x1EC80] =	vst v63  }
0x7a: {  	_ =	swait.ge [sflag:s26], $0x3200  }
0x7b: {  	[sflag:s26] =	ssyncset.done $0x0  }
0x7c: {  	s17 =	rddreg [dreg:$0xf];
	[sflag:s26] =	ssyncadd.s32 $0xFFFFCE00  }
0x7d: {  	[spmem:s2] =	stream.indirect.scatter.add.f32 [tilespmem:s23], [sflag:$0x4], $0x80, s17, s21, $0xb8;
	[tilespmem:$0x1EC80] =	vst v63  }
0x7e: {  	_ =	swait.ge [sflag:s19], $0x3200  }
0x7f: {  	[sflag:s19] =	ssyncset.done $0x0  }
0x80: {  	s18 =	rddreg [dreg:$0x10];
	[sflag:s19] =	ssyncadd.s32 $0xFFFFCE00  }
0x81: {  	[tilespmem:s23], [sflag:$0x2] =	stream.indirect.gather [hbm4b:s5+s21], $0x80, s18, s21, $0xb8;
	[tilespmem:$0x1EC80] =	vst v63  }
0x82: {  	_ =	swait.ge [sflag:s28], $0x3200  }
0x83: {  	[sflag:s28] =	ssyncset.done $0x0  }
0x84: {  	s6 =	rddreg [dreg:$0x11];
	[sflag:s28] =	ssyncadd.s32 $0xFFFFCE00  }
0x85: {  	[spmem:s2] =	stream.indirect.scatter.add.f32 [tilespmem:s24], [sflag:$0x4], $0x80, s6, s21, $0xb8;
	[tilespmem:$0x1EC80] =	vst v63  }
0x86: {  	_ =	swait.ge [sflag:s19], $0x3200  }
0x87: {  	[sflag:s19] =	ssyncset.done $0x0  }
0x88: {  	s17 =	rddreg [dreg:$0x12];
	[sflag:s19] =	ssyncadd.s32 $0xFFFFCE00  }
0x89: {  	[tilespmem:s24], [sflag:$0x3] =	stream.indirect.gather [hbm4b:s5+s21], $0x80, s17, s21, $0xb8;
	[tilespmem:$0x1EC80] =	vst v63  }
0x8a: {  	_ =	swait.ge [sflag:s25], $0x3200  }
0x8b: {  	[sflag:s25] =	ssyncset.done $0x0  }
0x8c: {  	s18 =	rddreg [dreg:$0x13];
	[sflag:s25] =	ssyncadd.s32 $0xFFFFCE00  }
0x8d: {  	[spmem:s2] =	stream.indirect.scatter.add.f32 [tilespmem:s22], [sflag:$0x4], $0x80, s18, s21, $0xb8;
	[tilespmem:$0x1EC80] =	vst v63  }
0x8e: {  	_ =	swait.ge [sflag:s19], $0x3200  }
0x8f: {  	[sflag:s19] =	ssyncset.done $0x0  }
0x90: {  	s6 =	rddreg [dreg:$0x14];
	[sflag:s19] =	ssyncadd.s32 $0xFFFFCE00  }
0x91: {  	[tilespmem:s22], [sflag:$0x1] =	stream.indirect.gather [hbm4b:s5+s21], $0x80, s6, s21, $0xb8;
	[tilespmem:$0x1EC80] =	vst v63  }
0x92: {  	_ =	swait.ge [sflag:s26], $0x3200  }
0x93: {  	[sflag:s26] =	ssyncset.done $0x0  }
0x94: {  	s17 =	rddreg [dreg:$0x15];
	[sflag:s26] =	ssyncadd.s32 $0xFFFFCE00  }
0x95: {  	[spmem:s2] =	stream.indirect.scatter.add.f32 [tilespmem:s23], [sflag:$0x4], $0x80, s17, s21, $0xb8;
	[tilespmem:$0x1EC80] =	vst v63  }
0x96: {  	_ =	swait.ge [sflag:s19], $0x3200  }
0x97: {  	[sflag:s19] =	ssyncset.done $0x0  }
0x98: {  	s18 =	rddreg [dreg:$0x16];
	[sflag:s19] =	ssyncadd.s32 $0xFFFFCE00  }
0x99: {  	[tilespmem:s23], [sflag:$0x2] =	stream.indirect.gather [hbm4b:s5+s21], $0x80, s18, s21, $0xb8;
	[tilespmem:$0x1EC80] =	vst v63  }
0x9a: {  	_ =	swait.ge [sflag:s28], $0x3200  }
0x9b: {  	[sflag:s28] =	ssyncset.done $0x0  }
0x9c: {  	s6 =	rddreg [dreg:$0x17];
	[sflag:s28] =	ssyncadd.s32 $0xFFFFCE00  }
0x9d: {  	[spmem:s2] =	stream.indirect.scatter.add.f32 [tilespmem:s24], [sflag:$0x4], $0x80, s6, s21, $0xb8;
	[tilespmem:$0x1EC80] =	vst v63  }
0x9e: {  	_ =	swait.ge [sflag:s19], $0x3200  }
0x9f: {  	[sflag:s19] =	ssyncset.done $0x0  }
0xa0: {  	s17 =	rddreg [dreg:$0x18];
	[sflag:s19] =	ssyncadd.s32 $0xFFFFCE00  }
0xa1: {  	[tilespmem:s24], [sflag:$0x3] =	stream.indirect.gather [hbm4b:s5+s21], $0x80, s17, s21, $0xb8;
	[tilespmem:$0x1EC80] =	vst v63  }
0xa2: {  	_ =	swait.ge [sflag:s25], $0x3200  }
0xa3: {  	[sflag:s25] =	ssyncset.done $0x0  }
0xa4: {  	s18 =	rddreg [dreg:$0x19];
	[sflag:s25] =	ssyncadd.s32 $0xFFFFCE00  }
0xa5: {  	[spmem:s2] =	stream.indirect.scatter.add.f32 [tilespmem:s22], [sflag:$0x4], $0x80, s18, s21, $0xb8;
	[tilespmem:$0x1EC80] =	vst v63  }
0xa6: {  	_ =	swait.ge [sflag:s19], $0x3200  }
0xa7: {  	[sflag:s19] =	ssyncset.done $0x0  }
0xa8: {  	s6 =	rddreg [dreg:$0x1a];
	[sflag:s19] =	ssyncadd.s32 $0xFFFFCE00  }
0xa9: {  	[tilespmem:s22], [sflag:$0x1] =	stream.indirect.gather [hbm4b:s5+s21], $0x80, s6, s21, $0xb8;
	[tilespmem:$0x1EC80] =	vst v63  }
0xaa: {  	_ =	swait.ge [sflag:s26], $0x3200  }
0xab: {  	[sflag:s26] =	ssyncset.done $0x0  }
0xac: {  	s17 =	rddreg [dreg:$0x1b];
	[sflag:s26] =	ssyncadd.s32 $0xFFFFCE00  }
0xad: {  	[spmem:s2] =	stream.indirect.scatter.add.f32 [tilespmem:s23], [sflag:$0x4], $0x80, s17, s21, $0xb8;
	[tilespmem:$0x1EC80] =	vst v63  }
0xae: {  	_ =	swait.ge [sflag:s19], $0x3200  }
0xaf: {  	[sflag:s19] =	ssyncset.done $0x0  }
0xb0: {  	s18 =	rddreg [dreg:$0x1c];
	[sflag:s19] =	ssyncadd.s32 $0xFFFFCE00  }
0xb1: {  	[tilespmem:s23], [sflag:$0x2] =	stream.indirect.gather [hbm4b:s5+s21], $0x80, s18, s21, $0xb8;
	[tilespmem:$0x1EC80] =	vst v63  }
0xb2: {  	_ =	swait.ge [sflag:s28], $0x3200  }
0xb3: {  	[sflag:s28] =	ssyncset.done $0x0  }
0xb4: {  	[sflag:s28] =	ssyncadd.s32 $0xFFFFCE00  }
0xb5: {  	[spmem:s2] =	stream.indirect.scatter.add.f32 [tilespmem:s24], [sflag:$0x4], $0x80, s29, s21, $0xb8;
	[tilespmem:$0x1EC80] =	vst v63  }
0xb6: {  	_ =	swait.ge [sflag:s19], $0x3200  }
0xb7: {  	[sflag:s19] =	ssyncset.done $0x0  }
0xb8: {  	[sflag:s19] =	ssyncadd.s32 $0xFFFFCE00  }
0xb9: {  	[tilespmem:s24], [sflag:$0x3] =	stream.indirect.gather [hbm4b:s5+s21], $0x80, s30, s21, $0xb8;
	[tilespmem:$0x1EC80] =	vst v63  }
0xba: {  	_ =	swait.ge [sflag:s25], $0x3200  }
0xbb: {  	[sflag:s25] =	ssyncset.done $0x0  }
0xbc: {  	[sflag:s25] =	ssyncadd.s32 $0xFFFFCE00  }
0xbd: {  	[spmem:s2] =	stream.indirect.scatter.add.f32 [tilespmem:s22], [sflag:$0x4], $0x80, s31, s21, $0xb8;
	[tilespmem:$0x1EC80] =	vst v63  }
0xbe: {  	_ =	swait.ge [sflag:s19], $0x3200  }
0xbf: {  	[sflag:s19] =	ssyncset.done $0x0  }
0xc0: {  	[sflag:s19] =	ssyncadd.s32 $0xFFFFCE00  }
0xc1: {  	[tilespmem:s22], [sflag:$0x1] =	stream.indirect.gather [hbm4b:s5+s21], $0x80, s0, s21, $0xb8;
	[tilespmem:$0x1EC80] =	vst v63  }
0xc2: {  	_ =	swait.ge [sflag:s26], $0x3200  }
0xc3: {  	[sflag:s26] =	ssyncset.done $0x0  }
0xc4: {  	[sflag:s26] =	ssyncadd.s32 $0xFFFFCE00  }
0xc5: {  	[spmem:s2] =	stream.indirect.scatter.add.f32 [tilespmem:s23], [sflag:$0x4], $0x80, s3, s21, $0xb8;
	[tilespmem:$0x1EC80] =	vst v63  }
0xc6: {  	_ =	swait.ge [sflag:s19], $0x3200  }
0xc7: {  	[sflag:s19] =	ssyncset.done $0x0  }
0xc8: {  	[sflag:s19] =	ssyncadd.s32 $0xFFFFCE00  }
0xc9: {  	[tilespmem:s23], [sflag:$0x2] =	stream.indirect.gather [hbm4b:s5+s21], $0x80, s1, s21, $0xb8;
	[tilespmem:$0x1EC80] =	vst v63  }
0xca: {  	_ =	swait.ge [sflag:s28], $0x3200  }
0xcb: {  	[sflag:s28] =	ssyncset.done $0x0  }
0xcc: {  	[sflag:s28] =	ssyncadd.s32 $0xFFFFCE00  }
0xcd: {  	[spmem:s2] =	stream.indirect.scatter.add.f32 [tilespmem:s24], [sflag:$0x4], $0x80, s7, s21, $0xb8;
	[tilespmem:$0x1EC80] =	vst v63  }
0xce: {  	_ =	swait.ge [sflag:s19], $0x3200  }
0xcf: {  	[sflag:s19] =	ssyncset.done $0x0  }
0xd0: {  	[sflag:s19] =	ssyncadd.s32 $0xFFFFCE00  }
0xd1: {  	[tilespmem:s24], [sflag:$0x3] =	stream.indirect.gather [hbm4b:s5+s21], $0x80, s9, s21, $0xb8;
	[tilespmem:$0x1EC80] =	vst v63  }
0xd2: {  	_ =	swait.ge [sflag:s25], $0x3200  }
0xd3: {  	[sflag:s25] =	ssyncset.done $0x0  }
0xd4: {  	[sflag:s25] =	ssyncadd.s32 $0xFFFFCE00  }
0xd5: {  	[spmem:s2] =	stream.indirect.scatter.add.f32 [tilespmem:s22], [sflag:$0x4], $0x80, s10, s21, $0xb8;
	[tilespmem:$0x1EC80] =	vst v63  }
0xd6: {  	_ =	swait.ge [sflag:s19], $0x3200  }
0xd7: {  	[sflag:s19] =	ssyncset.done $0x0  }
0xd8: {  	[sflag:s19] =	ssyncadd.s32 $0xFFFFCE00  }
0xd9: {  	[tilespmem:s22], [sflag:$0x1] =	stream.indirect.gather [hbm4b:s5+s21], $0x80, s11, s21, $0xb8;
	[tilespmem:$0x1EC80] =	vst v63  }
0xda: {  	_ =	swait.ge [sflag:s26], $0x3200  }
0xdb: {  	[sflag:s26] =	ssyncset.done $0x0  }
0xdc: {  	[sflag:s26] =	ssyncadd.s32 $0xFFFFCE00  }
0xdd: {  	[spmem:s2] =	stream.indirect.scatter.add.f32 [tilespmem:s23], [sflag:$0x4], $0x80, s12, s21, $0xb8;
	[tilespmem:$0x1EC80] =	vst v63  }
0xde: {  	_ =	swait.ge [sflag:s19], $0x3200  }
0xdf: {  	[sflag:s19] =	ssyncset.done $0x0  }
0xe0: {  	[sflag:s19] =	ssyncadd.s32 $0xFFFFCE00  }
0xe1: {  	[tilespmem:s23], [sflag:$0x2] =	stream.indirect.gather [hbm4b:s5+s21], $0x80, s13, s21, $0xb8;
	[tilespmem:$0x1EC80] =	vst v63  }
0xe2: {  	_ =	swait.ge [sflag:s28], $0x3200  }
0xe3: {  	[sflag:s28] =	ssyncset.done $0x0  }
0xe4: {  	[sflag:s28] =	ssyncadd.s32 $0xFFFFCE00  }
0xe5: {  	[spmem:s2] =	stream.indirect.scatter.add.f32 [tilespmem:s24], [sflag:$0x4], $0x80, s14, s21, $0xb8;
	[tilespmem:$0x1EC80] =	vst v63  }
0xe6: {  	_ =	swait.ge [sflag:s19], $0x3200  }
0xe7: {  	[sflag:s19] =	ssyncset.done $0x0  }
0xe8: {  	[sflag:s19] =	ssyncadd.s32 $0xFFFFCE00  }
0xe9: {  	_ =	swait.ge [sflag:s25], $0x3200  }
0xea: {  	[sflag:s25] =	ssyncset.done $0x0  }
0xeb: {  	[sflag:s25] =	ssyncadd.s32 $0xFFFFCE00  }
0xec: {  	[spmem:s2] =	stream.indirect.scatter.add.f32 [tilespmem:s22], [sflag:$0x4], $0x80, s15, s21, $0xb8;
	[tilespmem:$0x1EC80] =	vst v63  }
0xed: {  	_ =	swait.ge [sflag:s19], $0x3200  }
0xee: {  	[sflag:s19] =	ssyncset.done $0x0  }
0xef: {  	[sflag:s19] =	ssyncadd.s32 $0xFFFFCE00  }
0xf0: {  	_ =	swait.ge [sflag:s26], $0x3200  }
0xf1: {  	[sflag:s26] =	ssyncset.done $0x0  }
0xf2: {  	[sflag:s26] =	ssyncadd.s32 $0xFFFFCE00  }
0xf3: {  	[spmem:s2] =	stream.indirect.scatter.add.f32 [tilespmem:s23], [sflag:$0x4], $0x80, s16, s21, $0xb8;
	[tilespmem:$0x1EC80] =	vst v63  }
0xf4: {  	s8 =	simm.s32 $0x180;
	_ =	swait.ge [sflag:s19], $0x3200  }
0xf5: {  	s17 =	simm.s32 $0x300;
	s18 =	rddreg [dreg:$0x5];
	[sflag:s19] =	ssyncset.done $0x0  }
.LBB2_2:
0xf6: {  	[sflag:s19] =	ssyncadd.s32 $0xFFFFCE00;
	s18 =	sadd.s32 s8, s18  }
0xf7: {  	[tilespmem:s4], [sflag:$0x4] =	stream.linear.gather [hbm4b:s18+s4], $0xA00, $0x38;
	[tilespmem:$0x1EC80] =	vst v63  }
0xf8: {  	_ =	swait.ge [sflag:s19], $0xA00  }
0xf9: {  	s18 =	rddreg [dreg:$0x4];
	[sflag:s19] =	ssyncset.done $0x0  }
0xfa: {  	[sflag:s19] =	ssyncadd.s32 $0xFFFFF600;
	s18 =	sadd.s32 s8, s18  }
0xfb: {  	[tilespmem:s20], [sflag:$0x4] =	stream.linear.gather [hbm4b:s18+s4], $0xA00, $0x38;
	[tilespmem:$0x1EC80] =	vst v63  }
0xfc: {  	_ =	swait.ge [sflag:s19], $0xA00  }
0xfd: {  	[sflag:s19] =	ssyncset.done $0x0  }
0xfe: {  	s6 =	smov.u32 s17;
	[sflag:s19] =	ssyncadd.s32 $0xFFFFF600  }
0xff: {  	[tilespmem:s22], [sflag:$0x1] =	stream.indirect.gather [hbm4b:s5+s21], $0x80, s4, s21, $0xb8;
	[tilespmem:$0x1EC80] =	vst v63  }
0x100: {  	s8 =	smov.u32 s6;
	s6 =	rddreg [dreg:$0x6]  }
0x101: {  	[tilespmem:s23], [sflag:$0x2] =	stream.indirect.gather [hbm4b:s5+s21], $0x80, s6, s21, $0xb8;
	[tilespmem:$0x1EC80] =	vst v63  }
0x102: {  	s18 =	rddreg [dreg:$0x7]  }
0x103: {  	[tilespmem:s24], [sflag:$0x3] =	stream.indirect.gather [hbm4b:s5+s21], $0x80, s18, s21, $0xb8;
	[tilespmem:$0x1EC80] =	vst v63  }
0x104: {  	_ =	swait.ge [sflag:s25], $0x3200  }
0x105: {  	[sflag:s25] =	ssyncset.done $0x0  }
0x106: {  	[sflag:s25] =	ssyncadd.s32 $0xFFFFCE00  }
0x107: {  	[spmem:s2] =	stream.indirect.scatter.add.f32 [tilespmem:s22], [sflag:$0x4], $0x80, s20, s21, $0xb8;
	[tilespmem:$0x1EC80] =	vst v63  }
0x108: {  	_ =	swait.ge [sflag:s19], $0x3200  }
0x109: {  	[sflag:s19] =	ssyncset.done $0x0  }
0x10a: {  	s18 =	rddreg [dreg:$0x8];
	[sflag:s19] =	ssyncadd.s32 $0xFFFFCE00  }
0x10b: {  	[tilespmem:s22], [sflag:$0x1] =	stream.indirect.gather [hbm4b:s5+s21], $0x80, s18, s21, $0xb8;
	[tilespmem:$0x1EC80] =	vst v63  }
0x10c: {  	_ =	swait.ge [sflag:s26], $0x3200  }
0x10d: {  	[sflag:s26] =	ssyncset.done $0x0  }
0x10e: {  	s18 =	rddreg [dreg:$0x9];
	[sflag:s26] =	ssyncadd.s32 $0xFFFFCE00  }
0x10f: {  	[spmem:s2] =	stream.indirect.scatter.add.f32 [tilespmem:s23], [sflag:$0x4], $0x80, s18, s21, $0xb8;
	[tilespmem:$0x1EC80] =	vst v63  }
0x110: {  	_ =	swait.ge [sflag:s19], $0x3200  }
0x111: {  	[sflag:s19] =	ssyncset.done $0x0  }
0x112: {  	s18 =	rddreg [dreg:$0xa];
	[sflag:s19] =	ssyncadd.s32 $0xFFFFCE00  }
0x113: {  	[tilespmem:s23], [sflag:$0x2] =	stream.indirect.gather [hbm4b:s5+s21], $0x80, s18, s21, $0xb8;
	[tilespmem:$0x1EC80] =	vst v63  }
0x114: {  	_ =	swait.ge [sflag:s28], $0x3200  }
0x115: {  	[sflag:s28] =	ssyncset.done $0x0  }
0x116: {  	s18 =	rddreg [dreg:$0xb];
	[sflag:s28] =	ssyncadd.s32 $0xFFFFCE00  }
0x117: {  	[spmem:s2] =	stream.indirect.scatter.add.f32 [tilespmem:s24], [sflag:$0x4], $0x80, s18, s21, $0xb8;
	[tilespmem:$0x1EC80] =	vst v63  }
0x118: {  	_ =	swait.ge [sflag:s19], $0x3200  }
0x119: {  	[sflag:s19] =	ssyncset.done $0x0  }
0x11a: {  	s18 =	rddreg [dreg:$0xc];
	[sflag:s19] =	ssyncadd.s32 $0xFFFFCE00  }
0x11b: {  	[tilespmem:s24], [sflag:$0x3] =	stream.indirect.gather [hbm4b:s5+s21], $0x80, s18, s21, $0xb8;
	[tilespmem:$0x1EC80] =	vst v63  }
0x11c: {  	_ =	swait.ge [sflag:s25], $0x3200  }
0x11d: {  	[sflag:s25] =	ssyncset.done $0x0  }
0x11e: {  	s18 =	rddreg [dreg:$0xd];
	[sflag:s25] =	ssyncadd.s32 $0xFFFFCE00  }
0x11f: {  	[spmem:s2] =	stream.indirect.scatter.add.f32 [tilespmem:s22], [sflag:$0x4], $0x80, s18, s21, $0xb8;
	[tilespmem:$0x1EC80] =	vst v63  }
0x120: {  	_ =	swait.ge [sflag:s19], $0x3200  }
0x121: {  	[sflag:s19] =	ssyncset.done $0x0  }
0x122: {  	s18 =	rddreg [dreg:$0xe];
	[sflag:s19] =	ssyncadd.s32 $0xFFFFCE00  }
0x123: {  	[tilespmem:s22], [sflag:$0x1] =	stream.indirect.gather [hbm4b:s5+s21], $0x80, s18, s21, $0xb8;
	[tilespmem:$0x1EC80] =	vst v63  }
0x124: {  	_ =	swait.ge [sflag:s26], $0x3200  }
0x125: {  	[sflag:s26] =	ssyncset.done $0x0  }
0x126: {  	s18 =	rddreg [dreg:$0xf];
	[sflag:s26] =	ssyncadd.s32 $0xFFFFCE00  }
0x127: {  	[spmem:s2] =	stream.indirect.scatter.add.f32 [tilespmem:s23], [sflag:$0x4], $0x80, s18, s21, $0xb8;
	[tilespmem:$0x1EC80] =	vst v63  }
0x128: {  	_ =	swait.ge [sflag:s19], $0x3200  }
0x129: {  	[sflag:s19] =	ssyncset.done $0x0  }
0x12a: {  	s18 =	rddreg [dreg:$0x10];
	[sflag:s19] =	ssyncadd.s32 $0xFFFFCE00  }
0x12b: {  	[tilespmem:s23], [sflag:$0x2] =	stream.indirect.gather [hbm4b:s5+s21], $0x80, s18, s21, $0xb8;
	[tilespmem:$0x1EC80] =	vst v63  }
0x12c: {  	_ =	swait.ge [sflag:s28], $0x3200  }
0x12d: {  	[sflag:s28] =	ssyncset.done $0x0  }
0x12e: {  	s18 =	rddreg [dreg:$0x11];
	[sflag:s28] =	ssyncadd.s32 $0xFFFFCE00  }
0x12f: {  	[spmem:s2] =	stream.indirect.scatter.add.f32 [tilespmem:s24], [sflag:$0x4], $0x80, s18, s21, $0xb8;
	[tilespmem:$0x1EC80] =	vst v63  }
0x130: {  	_ =	swait.ge [sflag:s19], $0x3200  }
0x131: {  	[sflag:s19] =	ssyncset.done $0x0  }
0x132: {  	s18 =	rddreg [dreg:$0x12];
	[sflag:s19] =	ssyncadd.s32 $0xFFFFCE00  }
0x133: {  	[tilespmem:s24], [sflag:$0x3] =	stream.indirect.gather [hbm4b:s5+s21], $0x80, s18, s21, $0xb8;
	[tilespmem:$0x1EC80] =	vst v63  }
0x134: {  	_ =	swait.ge [sflag:s25], $0x3200  }
0x135: {  	[sflag:s25] =	ssyncset.done $0x0  }
0x136: {  	s18 =	rddreg [dreg:$0x13];
	[sflag:s25] =	ssyncadd.s32 $0xFFFFCE00  }
0x137: {  	[spmem:s2] =	stream.indirect.scatter.add.f32 [tilespmem:s22], [sflag:$0x4], $0x80, s18, s21, $0xb8;
	[tilespmem:$0x1EC80] =	vst v63  }
0x138: {  	_ =	swait.ge [sflag:s19], $0x3200  }
0x139: {  	[sflag:s19] =	ssyncset.done $0x0  }
0x13a: {  	s18 =	rddreg [dreg:$0x14];
	[sflag:s19] =	ssyncadd.s32 $0xFFFFCE00  }
0x13b: {  	[tilespmem:s22], [sflag:$0x1] =	stream.indirect.gather [hbm4b:s5+s21], $0x80, s18, s21, $0xb8;
	[tilespmem:$0x1EC80] =	vst v63  }
0x13c: {  	_ =	swait.ge [sflag:s26], $0x3200  }
0x13d: {  	[sflag:s26] =	ssyncset.done $0x0  }
0x13e: {  	s18 =	rddreg [dreg:$0x15];
	[sflag:s26] =	ssyncadd.s32 $0xFFFFCE00  }
0x13f: {  	[spmem:s2] =	stream.indirect.scatter.add.f32 [tilespmem:s23], [sflag:$0x4], $0x80, s18, s21, $0xb8;
	[tilespmem:$0x1EC80] =	vst v63  }
0x140: {  	_ =	swait.ge [sflag:s19], $0x3200  }
0x141: {  	[sflag:s19] =	ssyncset.done $0x0  }
0x142: {  	s18 =	rddreg [dreg:$0x16];
	[sflag:s19] =	ssyncadd.s32 $0xFFFFCE00  }
0x143: {  	[tilespmem:s23], [sflag:$0x2] =	stream.indirect.gather [hbm4b:s5+s21], $0x80, s18, s21, $0xb8;
	[tilespmem:$0x1EC80] =	vst v63  }
0x144: {  	_ =	swait.ge [sflag:s28], $0x3200  }
0x145: {  	[sflag:s28] =	ssyncset.done $0x0  }
0x146: {  	s18 =	rddreg [dreg:$0x17];
	[sflag:s28] =	ssyncadd.s32 $0xFFFFCE00  }
0x147: {  	[spmem:s2] =	stream.indirect.scatter.add.f32 [tilespmem:s24], [sflag:$0x4], $0x80, s18, s21, $0xb8;
	[tilespmem:$0x1EC80] =	vst v63  }
0x148: {  	_ =	swait.ge [sflag:s19], $0x3200  }
0x149: {  	[sflag:s19] =	ssyncset.done $0x0  }
0x14a: {  	s18 =	rddreg [dreg:$0x18];
	[sflag:s19] =	ssyncadd.s32 $0xFFFFCE00  }
0x14b: {  	[tilespmem:s24], [sflag:$0x3] =	stream.indirect.gather [hbm4b:s5+s21], $0x80, s18, s21, $0xb8;
	[tilespmem:$0x1EC80] =	vst v63  }
0x14c: {  	_ =	swait.ge [sflag:s25], $0x3200  }
0x14d: {  	[sflag:s25] =	ssyncset.done $0x0  }
0x14e: {  	s18 =	rddreg [dreg:$0x19];
	[sflag:s25] =	ssyncadd.s32 $0xFFFFCE00  }
0x14f: {  	[spmem:s2] =	stream.indirect.scatter.add.f32 [tilespmem:s22], [sflag:$0x4], $0x80, s18, s21, $0xb8;
	[tilespmem:$0x1EC80] =	vst v63  }
0x150: {  	_ =	swait.ge [sflag:s19], $0x3200  }
0x151: {  	[sflag:s19] =	ssyncset.done $0x0  }
0x152: {  	s18 =	rddreg [dreg:$0x1a];
	[sflag:s19] =	ssyncadd.s32 $0xFFFFCE00  }
0x153: {  	[tilespmem:s22], [sflag:$0x1] =	stream.indirect.gather [hbm4b:s5+s21], $0x80, s18, s21, $0xb8;
	[tilespmem:$0x1EC80] =	vst v63  }
0x154: {  	_ =	swait.ge [sflag:s26], $0x3200  }
0x155: {  	[sflag:s26] =	ssyncset.done $0x0  }
0x156: {  	s18 =	rddreg [dreg:$0x1b];
	[sflag:s26] =	ssyncadd.s32 $0xFFFFCE00  }
0x157: {  	[spmem:s2] =	stream.indirect.scatter.add.f32 [tilespmem:s23], [sflag:$0x4], $0x80, s18, s21, $0xb8;
	[tilespmem:$0x1EC80] =	vst v63  }
0x158: {  	_ =	swait.ge [sflag:s19], $0x3200  }
0x159: {  	[sflag:s19] =	ssyncset.done $0x0  }
0x15a: {  	s18 =	rddreg [dreg:$0x1c];
	[sflag:s19] =	ssyncadd.s32 $0xFFFFCE00  }
0x15b: {  	[tilespmem:s23], [sflag:$0x2] =	stream.indirect.gather [hbm4b:s5+s21], $0x80, s18, s21, $0xb8;
	[tilespmem:$0x1EC80] =	vst v63  }
0x15c: {  	_ =	swait.ge [sflag:s28], $0x3200  }
0x15d: {  	[sflag:s28] =	ssyncset.done $0x0  }
0x15e: {  	[sflag:s28] =	ssyncadd.s32 $0xFFFFCE00  }
0x15f: {  	[spmem:s2] =	stream.indirect.scatter.add.f32 [tilespmem:s24], [sflag:$0x4], $0x80, s29, s21, $0xb8;
	[tilespmem:$0x1EC80] =	vst v63  }
0x160: {  	_ =	swait.ge [sflag:s19], $0x3200  }
0x161: {  	[sflag:s19] =	ssyncset.done $0x0  }
0x162: {  	[sflag:s19] =	ssyncadd.s32 $0xFFFFCE00  }
0x163: {  	[tilespmem:s24], [sflag:$0x3] =	stream.indirect.gather [hbm4b:s5+s21], $0x80, s30, s21, $0xb8;
	[tilespmem:$0x1EC80] =	vst v63  }
0x164: {  	_ =	swait.ge [sflag:s25], $0x3200  }
0x165: {  	[sflag:s25] =	ssyncset.done $0x0  }
0x166: {  	[sflag:s25] =	ssyncadd.s32 $0xFFFFCE00  }
0x167: {  	[spmem:s2] =	stream.indirect.scatter.add.f32 [tilespmem:s22], [sflag:$0x4], $0x80, s31, s21, $0xb8;
	[tilespmem:$0x1EC80] =	vst v63  }
0x168: {  	_ =	swait.ge [sflag:s19], $0x3200  }
0x169: {  	[sflag:s19] =	ssyncset.done $0x0  }
0x16a: {  	[sflag:s19] =	ssyncadd.s32 $0xFFFFCE00  }
0x16b: {  	[tilespmem:s22], [sflag:$0x1] =	stream.indirect.gather [hbm4b:s5+s21], $0x80, s0, s21, $0xb8;
	[tilespmem:$0x1EC80] =	vst v63  }
0x16c: {  	_ =	swait.ge [sflag:s26], $0x3200  }
0x16d: {  	[sflag:s26] =	ssyncset.done $0x0  }
0x16e: {  	[sflag:s26] =	ssyncadd.s32 $0xFFFFCE00  }
0x16f: {  	[spmem:s2] =	stream.indirect.scatter.add.f32 [tilespmem:s23], [sflag:$0x4], $0x80, s3, s21, $0xb8;
	[tilespmem:$0x1EC80] =	vst v63  }
0x170: {  	_ =	swait.ge [sflag:s19], $0x3200  }
0x171: {  	[sflag:s19] =	ssyncset.done $0x0  }
0x172: {  	[sflag:s19] =	ssyncadd.s32 $0xFFFFCE00  }
0x173: {  	[tilespmem:s23], [sflag:$0x2] =	stream.indirect.gather [hbm4b:s5+s21], $0x80, s1, s21, $0xb8;
	[tilespmem:$0x1EC80] =	vst v63  }
0x174: {  	_ =	swait.ge [sflag:s28], $0x3200  }
0x175: {  	[sflag:s28] =	ssyncset.done $0x0  }
0x176: {  	[sflag:s28] =	ssyncadd.s32 $0xFFFFCE00  }
0x177: {  	[spmem:s2] =	stream.indirect.scatter.add.f32 [tilespmem:s24], [sflag:$0x4], $0x80, s7, s21, $0xb8;
	[tilespmem:$0x1EC80] =	vst v63  }
0x178: {  	_ =	swait.ge [sflag:s19], $0x3200  }
0x179: {  	[sflag:s19] =	ssyncset.done $0x0  }
0x17a: {  	[sflag:s19] =	ssyncadd.s32 $0xFFFFCE00  }
0x17b: {  	[tilespmem:s24], [sflag:$0x3] =	stream.indirect.gather [hbm4b:s5+s21], $0x80, s9, s21, $0xb8;
	[tilespmem:$0x1EC80] =	vst v63  }
0x17c: {  	_ =	swait.ge [sflag:s25], $0x3200  }
0x17d: {  	[sflag:s25] =	ssyncset.done $0x0  }
0x17e: {  	[sflag:s25] =	ssyncadd.s32 $0xFFFFCE00  }
0x17f: {  	[spmem:s2] =	stream.indirect.scatter.add.f32 [tilespmem:s22], [sflag:$0x4], $0x80, s10, s21, $0xb8;
	[tilespmem:$0x1EC80] =	vst v63  }
0x180: {  	_ =	swait.ge [sflag:s19], $0x3200  }
0x181: {  	[sflag:s19] =	ssyncset.done $0x0  }
0x182: {  	[sflag:s19] =	ssyncadd.s32 $0xFFFFCE00  }
0x183: {  	[tilespmem:s22], [sflag:$0x1] =	stream.indirect.gather [hbm4b:s5+s21], $0x80, s11, s21, $0xb8;
	[tilespmem:$0x1EC80] =	vst v63  }
0x184: {  	_ =	swait.ge [sflag:s26], $0x3200  }
0x185: {  	[sflag:s26] =	ssyncset.done $0x0  }
0x186: {  	[sflag:s26] =	ssyncadd.s32 $0xFFFFCE00  }
0x187: {  	[spmem:s2] =	stream.indirect.scatter.add.f32 [tilespmem:s23], [sflag:$0x4], $0x80, s12, s21, $0xb8;
	[tilespmem:$0x1EC80] =	vst v63  }
0x188: {  	_ =	swait.ge [sflag:s19], $0x3200  }
0x189: {  	[sflag:s19] =	ssyncset.done $0x0  }
0x18a: {  	[sflag:s19] =	ssyncadd.s32 $0xFFFFCE00  }
0x18b: {  	[tilespmem:s23], [sflag:$0x2] =	stream.indirect.gather [hbm4b:s5+s21], $0x80, s13, s21, $0xb8;
	[tilespmem:$0x1EC80] =	vst v63  }
0x18c: {  	_ =	swait.ge [sflag:s28], $0x3200  }
0x18d: {  	[sflag:s28] =	ssyncset.done $0x0  }
0x18e: {  	[sflag:s28] =	ssyncadd.s32 $0xFFFFCE00  }
0x18f: {  	[spmem:s2] =	stream.indirect.scatter.add.f32 [tilespmem:s24], [sflag:$0x4], $0x80, s14, s21, $0xb8;
	[tilespmem:$0x1EC80] =	vst v63  }
0x190: {  	_ =	swait.ge [sflag:s19], $0x3200  }
0x191: {  	[sflag:s19] =	ssyncset.done $0x0  }
0x192: {  	[sflag:s19] =	ssyncadd.s32 $0xFFFFCE00  }
0x193: {  	_ =	swait.ge [sflag:s25], $0x3200  }
0x194: {  	[sflag:s25] =	ssyncset.done $0x0  }
0x195: {  	[sflag:s25] =	ssyncadd.s32 $0xFFFFCE00  }
0x196: {  	[spmem:s2] =	stream.indirect.scatter.add.f32 [tilespmem:s22], [sflag:$0x4], $0x80, s15, s21, $0xb8;
	[tilespmem:$0x1EC80] =	vst v63  }
0x197: {  	_ =	swait.ge [sflag:s19], $0x3200  }
0x198: {  	[sflag:s19] =	ssyncset.done $0x0  }
0x199: {  	[sflag:s19] =	ssyncadd.s32 $0xFFFFCE00  }
0x19a: {  	p5 =	sne.s32 s17, $0x600;
	_ =	swait.ge [sflag:s26], $0x3200  }
.Ltmp0:
0x19b: {  	[sflag:s26] =	ssyncset.done $0x0;
	(pc) =	sbr.rel @p5 .LBB2_2-.Ltmp0, $4  }
0x19c: {  	[sflag:s26] =	ssyncadd.s32 $0xFFFFCE00  }
0x19d: {  	[spmem:s2] =	stream.indirect.scatter.add.f32 [tilespmem:s23], [sflag:$0x4], $0x80, s16, s21, $0xb8;
	[tilespmem:$0x1EC80] =	vst v63  }
0x19e: {  	_ =	swait.ge [sflag:s19], $0x3200  }
0x19f: {  	s17 =	sadd.s32 $0x180, s17;
	s18 =	rddreg [dreg:$0x5];
	[sflag:s19] =	ssyncset.done $0x0  }
0x1a0: {  	[sflag:s19] =	ssyncadd.s32 $0xFFFFCE00;
	s6 =	sadd.s32 s8, s18  }
0x1a1: {  	[tilespmem:s4], [sflag:$0x4] =	stream.linear.gather [hbm4b:s6+s4], $0xA00, $0x38;
	[tilespmem:$0x1EC80] =	vst v63  }
0x1a2: {  	_ =	swait.ge [sflag:s19], $0xA00  }
0x1a3: {  	s18 =	rddreg [dreg:$0x4];
	[sflag:s19] =	ssyncset.done $0x0  }
0x1a4: {  	[sflag:s19] =	ssyncadd.s32 $0xFFFFF600;
	s6 =	sadd.s32 s8, s18  }
0x1a5: {  	[tilespmem:s20], [sflag:$0x4] =	stream.linear.gather [hbm4b:s6+s4], $0xA00, $0x38;
	[tilespmem:$0x1EC80] =	vst v63  }
0x1a6: {  	_ =	swait.ge [sflag:s19], $0xA00  }
0x1a7: {  	[sflag:s19] =	ssyncset.done $0x0  }
0x1a8: {  	[sflag:s19] =	ssyncadd.s32 $0xFFFFF600  }
0x1a9: {  	[tilespmem:s22], [sflag:$0x1] =	stream.indirect.gather [hbm4b:s5+s21], $0x80, s4, s21, $0xb8;
	[tilespmem:$0x1EC80] =	vst v63  }
0x1aa: {  	s17 =	rddreg [dreg:$0x6]  }
0x1ab: {  	[tilespmem:s23], [sflag:$0x2] =	stream.indirect.gather [hbm4b:s5+s21], $0x80, s17, s21, $0xb8;
	[tilespmem:$0x1EC80] =	vst v63  }
0x1ac: {  	s18 =	rddreg [dreg:$0x7]  }
0x1ad: {  	[tilespmem:s24], [sflag:$0x3] =	stream.indirect.gather [hbm4b:s5+s21], $0x80, s18, s21, $0xb8;
	[tilespmem:$0x1EC80] =	vst v63  }
0x1ae: {  	_ =	swait.ge [sflag:s25], $0x3200  }
0x1af: {  	[sflag:s25] =	ssyncset.done $0x0  }
0x1b0: {  	[sflag:s25] =	ssyncadd.s32 $0xFFFFCE00  }
0x1b1: {  	[spmem:s2] =	stream.indirect.scatter.add.f32 [tilespmem:s22], [sflag:$0x4], $0x80, s20, s21, $0xb8;
	[tilespmem:$0x1EC80] =	vst v63  }
0x1b2: {  	_ =	swait.ge [sflag:s19], $0x3200  }
0x1b3: {  	[sflag:s19] =	ssyncset.done $0x0  }
0x1b4: {  	s8 =	rddreg [dreg:$0x8];
	[sflag:s19] =	ssyncadd.s32 $0xFFFFCE00  }
0x1b5: {  	[tilespmem:s22], [sflag:$0x1] =	stream.indirect.gather [hbm4b:s5+s21], $0x80, s8, s21, $0xb8;
	[tilespmem:$0x1EC80] =	vst v63  }
0x1b6: {  	_ =	swait.ge [sflag:s26], $0x3200  }
0x1b7: {  	[sflag:s26] =	ssyncset.done $0x0  }
0x1b8: {  	s17 =	rddreg [dreg:$0x9];
	[sflag:s26] =	ssyncadd.s32 $0xFFFFCE00  }
0x1b9: {  	[spmem:s2] =	stream.indirect.scatter.add.f32 [tilespmem:s23], [sflag:$0x4], $0x80, s17, s21, $0xb8;
	[tilespmem:$0x1EC80] =	vst v63  }
0x1ba: {  	_ =	swait.ge [sflag:s19], $0x3200  }
0x1bb: {  	[sflag:s19] =	ssyncset.done $0x0  }
0x1bc: {  	s18 =	rddreg [dreg:$0xa];
	[sflag:s19] =	ssyncadd.s32 $0xFFFFCE00  }
0x1bd: {  	[tilespmem:s23], [sflag:$0x2] =	stream.indirect.gather [hbm4b:s5+s21], $0x80, s18, s21, $0xb8;
	[tilespmem:$0x1EC80] =	vst v63  }
0x1be: {  	_ =	swait.ge [sflag:s28], $0x3200  }
0x1bf: {  	[sflag:s28] =	ssyncset.done $0x0  }
0x1c0: {  	s8 =	rddreg [dreg:$0xb];
	[sflag:s28] =	ssyncadd.s32 $0xFFFFCE00  }
0x1c1: {  	[spmem:s2] =	stream.indirect.scatter.add.f32 [tilespmem:s24], [sflag:$0x4], $0x80, s8, s21, $0xb8;
	[tilespmem:$0x1EC80] =	vst v63  }
0x1c2: {  	_ =	swait.ge [sflag:s19], $0x3200  }
0x1c3: {  	[sflag:s19] =	ssyncset.done $0x0  }
0x1c4: {  	s17 =	rddreg [dreg:$0xc];
	[sflag:s19] =	ssyncadd.s32 $0xFFFFCE00  }
0x1c5: {  	[tilespmem:s24], [sflag:$0x3] =	stream.indirect.gather [hbm4b:s5+s21], $0x80, s17, s21, $0xb8;
	[tilespmem:$0x1EC80] =	vst v63  }
0x1c6: {  	_ =	swait.ge [sflag:s25], $0x3200  }
0x1c7: {  	[sflag:s25] =	ssyncset.done $0x0  }
0x1c8: {  	s18 =	rddreg [dreg:$0xd];
	[sflag:s25] =	ssyncadd.s32 $0xFFFFCE00  }
0x1c9: {  	[spmem:s2] =	stream.indirect.scatter.add.f32 [tilespmem:s22], [sflag:$0x4], $0x80, s18, s21, $0xb8;
	[tilespmem:$0x1EC80] =	vst v63  }
0x1ca: {  	_ =	swait.ge [sflag:s19], $0x3200  }
0x1cb: {  	[sflag:s19] =	ssyncset.done $0x0  }
0x1cc: {  	s8 =	rddreg [dreg:$0xe];
	[sflag:s19] =	ssyncadd.s32 $0xFFFFCE00  }
0x1cd: {  	[tilespmem:s22], [sflag:$0x1] =	stream.indirect.gather [hbm4b:s5+s21], $0x80, s8, s21, $0xb8;
	[tilespmem:$0x1EC80] =	vst v63  }
0x1ce: {  	_ =	swait.ge [sflag:s26], $0x3200  }
0x1cf: {  	[sflag:s26] =	ssyncset.done $0x0  }
0x1d0: {  	s17 =	rddreg [dreg:$0xf];
	[sflag:s26] =	ssyncadd.s32 $0xFFFFCE00  }
0x1d1: {  	[spmem:s2] =	stream.indirect.scatter.add.f32 [tilespmem:s23], [sflag:$0x4], $0x80, s17, s21, $0xb8;
	[tilespmem:$0x1EC80] =	vst v63  }
0x1d2: {  	_ =	swait.ge [sflag:s19], $0x3200  }
0x1d3: {  	[sflag:s19] =	ssyncset.done $0x0  }
0x1d4: {  	s18 =	rddreg [dreg:$0x10];
	[sflag:s19] =	ssyncadd.s32 $0xFFFFCE00  }
0x1d5: {  	[tilespmem:s23], [sflag:$0x2] =	stream.indirect.gather [hbm4b:s5+s21], $0x80, s18, s21, $0xb8;
	[tilespmem:$0x1EC80] =	vst v63  }
0x1d6: {  	_ =	swait.ge [sflag:s28], $0x3200  }
0x1d7: {  	[sflag:s28] =	ssyncset.done $0x0  }
0x1d8: {  	s8 =	rddreg [dreg:$0x11];
	[sflag:s28] =	ssyncadd.s32 $0xFFFFCE00  }
0x1d9: {  	[spmem:s2] =	stream.indirect.scatter.add.f32 [tilespmem:s24], [sflag:$0x4], $0x80, s8, s21, $0xb8;
	[tilespmem:$0x1EC80] =	vst v63  }
0x1da: {  	_ =	swait.ge [sflag:s19], $0x3200  }
0x1db: {  	[sflag:s19] =	ssyncset.done $0x0  }
0x1dc: {  	s17 =	rddreg [dreg:$0x12];
	[sflag:s19] =	ssyncadd.s32 $0xFFFFCE00  }
0x1dd: {  	[tilespmem:s24], [sflag:$0x3] =	stream.indirect.gather [hbm4b:s5+s21], $0x80, s17, s21, $0xb8;
	[tilespmem:$0x1EC80] =	vst v63  }
0x1de: {  	_ =	swait.ge [sflag:s25], $0x3200  }
0x1df: {  	[sflag:s25] =	ssyncset.done $0x0  }
0x1e0: {  	s18 =	rddreg [dreg:$0x13];
	[sflag:s25] =	ssyncadd.s32 $0xFFFFCE00  }
0x1e1: {  	[spmem:s2] =	stream.indirect.scatter.add.f32 [tilespmem:s22], [sflag:$0x4], $0x80, s18, s21, $0xb8;
	[tilespmem:$0x1EC80] =	vst v63  }
0x1e2: {  	_ =	swait.ge [sflag:s19], $0x3200  }
0x1e3: {  	[sflag:s19] =	ssyncset.done $0x0  }
0x1e4: {  	s8 =	rddreg [dreg:$0x14];
	[sflag:s19] =	ssyncadd.s32 $0xFFFFCE00  }
0x1e5: {  	[tilespmem:s22], [sflag:$0x1] =	stream.indirect.gather [hbm4b:s5+s21], $0x80, s8, s21, $0xb8;
	[tilespmem:$0x1EC80] =	vst v63  }
0x1e6: {  	_ =	swait.ge [sflag:s26], $0x3200  }
0x1e7: {  	[sflag:s26] =	ssyncset.done $0x0  }
0x1e8: {  	s17 =	rddreg [dreg:$0x15];
	[sflag:s26] =	ssyncadd.s32 $0xFFFFCE00  }
0x1e9: {  	[spmem:s2] =	stream.indirect.scatter.add.f32 [tilespmem:s23], [sflag:$0x4], $0x80, s17, s21, $0xb8;
	[tilespmem:$0x1EC80] =	vst v63  }
0x1ea: {  	_ =	swait.ge [sflag:s19], $0x3200  }
0x1eb: {  	[sflag:s19] =	ssyncset.done $0x0  }
0x1ec: {  	s18 =	rddreg [dreg:$0x16];
	[sflag:s19] =	ssyncadd.s32 $0xFFFFCE00  }
0x1ed: {  	[tilespmem:s23], [sflag:$0x2] =	stream.indirect.gather [hbm4b:s5+s21], $0x80, s18, s21, $0xb8;
	[tilespmem:$0x1EC80] =	vst v63  }
0x1ee: {  	_ =	swait.ge [sflag:s28], $0x3200  }
0x1ef: {  	[sflag:s28] =	ssyncset.done $0x0  }
0x1f0: {  	s8 =	rddreg [dreg:$0x17];
	[sflag:s28] =	ssyncadd.s32 $0xFFFFCE00  }
0x1f1: {  	[spmem:s2] =	stream.indirect.scatter.add.f32 [tilespmem:s24], [sflag:$0x4], $0x80, s8, s21, $0xb8;
	[tilespmem:$0x1EC80] =	vst v63  }
0x1f2: {  	_ =	swait.ge [sflag:s19], $0x3200  }
0x1f3: {  	[sflag:s19] =	ssyncset.done $0x0  }
0x1f4: {  	s17 =	rddreg [dreg:$0x18];
	[sflag:s19] =	ssyncadd.s32 $0xFFFFCE00  }
0x1f5: {  	[tilespmem:s24], [sflag:$0x3] =	stream.indirect.gather [hbm4b:s5+s21], $0x80, s17, s21, $0xb8;
	[tilespmem:$0x1EC80] =	vst v63  }
0x1f6: {  	_ =	swait.ge [sflag:s25], $0x3200  }
0x1f7: {  	[sflag:s25] =	ssyncset.done $0x0  }
0x1f8: {  	s18 =	rddreg [dreg:$0x19];
	[sflag:s25] =	ssyncadd.s32 $0xFFFFCE00  }
0x1f9: {  	[spmem:s2] =	stream.indirect.scatter.add.f32 [tilespmem:s22], [sflag:$0x4], $0x80, s18, s21, $0xb8;
	[tilespmem:$0x1EC80] =	vst v63  }
0x1fa: {  	_ =	swait.ge [sflag:s19], $0x3200  }
0x1fb: {  	[sflag:s19] =	ssyncset.done $0x0  }
0x1fc: {  	s8 =	rddreg [dreg:$0x1a];
	[sflag:s19] =	ssyncadd.s32 $0xFFFFCE00  }
0x1fd: {  	[tilespmem:s22], [sflag:$0x1] =	stream.indirect.gather [hbm4b:s5+s21], $0x80, s8, s21, $0xb8;
	[tilespmem:$0x1EC80] =	vst v63  }
0x1fe: {  	_ =	swait.ge [sflag:s26], $0x3200  }
0x1ff: {  	[sflag:s26] =	ssyncset.done $0x0  }
0x200: {  	s17 =	rddreg [dreg:$0x1b];
	[sflag:s26] =	ssyncadd.s32 $0xFFFFCE00  }
0x201: {  	[spmem:s2] =	stream.indirect.scatter.add.f32 [tilespmem:s23], [sflag:$0x4], $0x80, s17, s21, $0xb8;
	[tilespmem:$0x1EC80] =	vst v63  }
0x202: {  	_ =	swait.ge [sflag:s19], $0x3200  }
0x203: {  	[sflag:s19] =	ssyncset.done $0x0  }
0x204: {  	s18 =	rddreg [dreg:$0x1c];
	[sflag:s19] =	ssyncadd.s32 $0xFFFFCE00  }
0x205: {  	[tilespmem:s23], [sflag:$0x2] =	stream.indirect.gather [hbm4b:s5+s21], $0x80, s18, s21, $0xb8;
	[tilespmem:$0x1EC80] =	vst v63  }
0x206: {  	_ =	swait.ge [sflag:s28], $0x3200  }
0x207: {  	[sflag:s28] =	ssyncset.done $0x0  }
0x208: {  	[sflag:s28] =	ssyncadd.s32 $0xFFFFCE00  }
0x209: {  	[spmem:s2] =	stream.indirect.scatter.add.f32 [tilespmem:s24], [sflag:$0x4], $0x80, s29, s21, $0xb8;
	[tilespmem:$0x1EC80] =	vst v63  }
0x20a: {  	_ =	swait.ge [sflag:s19], $0x3200  }
0x20b: {  	[sflag:s19] =	ssyncset.done $0x0  }
0x20c: {  	[sflag:s19] =	ssyncadd.s32 $0xFFFFCE00  }
0x20d: {  	[tilespmem:s24], [sflag:$0x3] =	stream.indirect.gather [hbm4b:s5+s21], $0x80, s30, s21, $0xb8;
	[tilespmem:$0x1EC80] =	vst v63  }
0x20e: {  	_ =	swait.ge [sflag:s25], $0x3200  }
0x20f: {  	[sflag:s25] =	ssyncset.done $0x0  }
0x210: {  	[sflag:s25] =	ssyncadd.s32 $0xFFFFCE00  }
0x211: {  	[spmem:s2] =	stream.indirect.scatter.add.f32 [tilespmem:s22], [sflag:$0x4], $0x80, s31, s21, $0xb8;
	[tilespmem:$0x1EC80] =	vst v63  }
0x212: {  	_ =	swait.ge [sflag:s19], $0x3200  }
0x213: {  	[sflag:s19] =	ssyncset.done $0x0  }
0x214: {  	[sflag:s19] =	ssyncadd.s32 $0xFFFFCE00  }
0x215: {  	[tilespmem:s22], [sflag:$0x1] =	stream.indirect.gather [hbm4b:s5+s21], $0x80, s0, s21, $0xb8;
	[tilespmem:$0x1EC80] =	vst v63  }
0x216: {  	_ =	swait.ge [sflag:s26], $0x3200  }
0x217: {  	[sflag:s26] =	ssyncset.done $0x0  }
0x218: {  	[sflag:s26] =	ssyncadd.s32 $0xFFFFCE00  }
0x219: {  	[spmem:s2] =	stream.indirect.scatter.add.f32 [tilespmem:s23], [sflag:$0x4], $0x80, s3, s21, $0xb8;
	[tilespmem:$0x1EC80] =	vst v63  }
0x21a: {  	_ =	swait.ge [sflag:s19], $0x3200  }
0x21b: {  	[sflag:s19] =	ssyncset.done $0x0  }
0x21c: {  	[sflag:s19] =	ssyncadd.s32 $0xFFFFCE00  }
0x21d: {  	[tilespmem:s23], [sflag:$0x2] =	stream.indirect.gather [hbm4b:s5+s21], $0x80, s1, s21, $0xb8;
	[tilespmem:$0x1EC80] =	vst v63  }
0x21e: {  	_ =	swait.ge [sflag:s28], $0x3200  }
0x21f: {  	[sflag:s28] =	ssyncset.done $0x0  }
0x220: {  	[sflag:s28] =	ssyncadd.s32 $0xFFFFCE00  }
0x221: {  	[spmem:s2] =	stream.indirect.scatter.add.f32 [tilespmem:s24], [sflag:$0x4], $0x80, s7, s21, $0xb8;
	[tilespmem:$0x1EC80] =	vst v63  }
0x222: {  	_ =	swait.ge [sflag:s19], $0x3200  }
0x223: {  	[sflag:s19] =	ssyncset.done $0x0  }
0x224: {  	[sflag:s19] =	ssyncadd.s32 $0xFFFFCE00  }
0x225: {  	[tilespmem:s24], [sflag:$0x3] =	stream.indirect.gather [hbm4b:s5+s21], $0x80, s9, s21, $0xb8;
	[tilespmem:$0x1EC80] =	vst v63  }
0x226: {  	_ =	swait.ge [sflag:s25], $0x3200  }
0x227: {  	[sflag:s25] =	ssyncset.done $0x0  }
0x228: {  	[sflag:s25] =	ssyncadd.s32 $0xFFFFCE00  }
0x229: {  	[spmem:s2] =	stream.indirect.scatter.add.f32 [tilespmem:s22], [sflag:$0x4], $0x80, s10, s21, $0xb8;
	[tilespmem:$0x1EC80] =	vst v63  }
0x22a: {  	_ =	swait.ge [sflag:s19], $0x3200  }
0x22b: {  	[sflag:s19] =	ssyncset.done $0x0  }
0x22c: {  	[sflag:s19] =	ssyncadd.s32 $0xFFFFCE00  }
0x22d: {  	[tilespmem:s22], [sflag:$0x1] =	stream.indirect.gather [hbm4b:s5+s21], $0x80, s11, s21, $0xb8;
	[tilespmem:$0x1EC80] =	vst v63  }
0x22e: {  	_ =	swait.ge [sflag:s26], $0x3200  }
0x22f: {  	[sflag:s26] =	ssyncset.done $0x0  }
0x230: {  	[sflag:s26] =	ssyncadd.s32 $0xFFFFCE00  }
0x231: {  	[spmem:s2] =	stream.indirect.scatter.add.f32 [tilespmem:s23], [sflag:$0x4], $0x80, s12, s21, $0xb8;
	[tilespmem:$0x1EC80] =	vst v63  }
0x232: {  	_ =	swait.ge [sflag:s19], $0x3200  }
0x233: {  	[sflag:s19] =	ssyncset.done $0x0  }
0x234: {  	[sflag:s19] =	ssyncadd.s32 $0xFFFFCE00  }
0x235: {  	[tilespmem:s23], [sflag:$0x2] =	stream.indirect.gather [hbm4b:s5+s21], $0x80, s13, s21, $0xb8;
	[tilespmem:$0x1EC80] =	vst v63  }
0x236: {  	_ =	swait.ge [sflag:s28], $0x3200  }
0x237: {  	[sflag:s28] =	ssyncset.done $0x0  }
0x238: {  	[sflag:s28] =	ssyncadd.s32 $0xFFFFCE00  }
0x239: {  	[spmem:s2] =	stream.indirect.scatter.add.f32 [tilespmem:s24], [sflag:$0x4], $0x80, s14, s21, $0xb8;
	[tilespmem:$0x1EC80] =	vst v63  }
0x23a: {  	_ =	swait.ge [sflag:s19], $0x3200  }
0x23b: {  	[sflag:s19] =	ssyncset.done $0x0  }
0x23c: {  	[sflag:s19] =	ssyncadd.s32 $0xFFFFCE00  }
0x23d: {  	_ =	swait.ge [sflag:s25], $0x3200  }
0x23e: {  	[sflag:s25] =	ssyncset.done $0x0  }
0x23f: {  	[sflag:s25] =	ssyncadd.s32 $0xFFFFCE00  }
0x240: {  	[spmem:s2] =	stream.indirect.scatter.add.f32 [tilespmem:s22], [sflag:$0x4], $0x80, s15, s21, $0xb8;
	[tilespmem:$0x1EC80] =	vst v63  }
0x241: {  	_ =	swait.ge [sflag:s19], $0x3200  }
0x242: {  	[sflag:s19] =	ssyncset.done $0x0  }
0x243: {  	[sflag:s19] =	ssyncadd.s32 $0xFFFFCE00  }
0x244: {  	_ =	swait.ge [sflag:s26], $0x3200  }
0x245: {  	[sflag:s26] =	ssyncset.done $0x0  }
0x246: {  	[sflag:s26] =	ssyncadd.s32 $0xFFFFCE00  }
0x247: {  	[spmem:s2] =	stream.indirect.scatter.add.f32 [tilespmem:s23], [sflag:$0x4], $0x80, s16, s21, $0xb8;
	[tilespmem:$0x1EC80] =	vst v63  }
0x248: {  	_ =	swait.ge [sflag:s19], $0x3200  }
0x249: {  	[sflag:s19] =	ssyncset.done $0x0  }
0x24a: {  	[sflag:s19] =	ssyncadd.s32 $0xFFFFCE00  }
0x24b: {  	[bflag:$0x0] =	sbarrier.arrive $0xFFFF  }
0x24c: {  	s17 =	sld [smem:$0x7F6]  }
0x24d: {  	s6 =	rddreg [dreg:$0x1f]  }
0x24e: {  	s8 =	simm.s32 @p4 $0x1FC4;
	s6 =	sshrl.u32 @p4 s6, $0x3  }
0x24f: {  	[hbm:s17], [sflag:s8] =	dma.local @p4 [spmem:s6], $0x280  }
0x250: {  	s6 =	simm.s32 @p4 $0x4  }
0x251: {  	s8 =	stileid.u32;
	_ =	swait.ge @p4 [sflag:s6], $0x280  }
0x252: {  	s8 =	sshll.u32 @!p4 s8, $0x6;
	[sflag:s6] =	ssyncset.done @p4 $0x0;
	s17 =	sld [smem:$0x7F5]  }
0x253: {  	[sflag:s6] =	ssyncadd.s32 @p4 $0xFFFFFD80;
	s6 =	sor.u32 @!p4 $0x1C04, s8;
	s8 =	rddreg [dreg:$0x1d]  }
0x254: {  	s8 =	sshrl.u32 @!p4 s8, $0x3  }
0x255: {  	[hbm:s17], [sflag:s6] =	dma.local @!p4 [spmem:s8], $0x2980  }
0x256: {  	s6 =	simm.s32 @!p4 $0x4  }
0x257: {  	_ =	swait.ge @!p4 [sflag:s6], $0x2980  }
0x258: {  	s8 =	sld [smem:$0x7F3]  }
0x259: {  	s18 =	sld [smem:$0x7F7];
	_ =	sdelay $0x1  }
0x25a: {  	s17 =	sadd.s32 $0x1, s8  }
0x25b: {  	p5 =	sne.s32 s17, s18  }
.Ltmp1:
0x25c: {  	_ = 	snop;
	(pc) =	sbr.rel @p5 .LBB2_1-.Ltmp1, $3  }
0x25d: {  	_ =	sdelay $0x1  }
0x25e: {  	[sflag:s6] =	ssyncset.done @!p4 $0x0  }
0x25f: {  	[sflag:s6] =	ssyncadd.s32 @!p4 $0xFFFFD680  }
0x260: {  	_ =	sfence.sel $0x180000  }
0x261: {  	[bflag:$0x0] =	sbarrier.arrive $0xFFFF  }
0x262: {  	_ =	strace $0x9000004A  }
0x263: {  	s0 =	stileid.u32;
	[bflag:$0x2] =	sbarrier.arrive $0xFFFF  }
0x264: {  	p0 =	sne.s32 s0, $0x0;
	s0 =	rddreg [dreg:$0x3]  }
0x265: {  	s0 =	sadd.s32 @!p0 $0x100000, s0  }
0x266: {  	[sflag:s0] =	ssyncadd.tile.s32 @!p0 $0x1;
	_ =	shalt  }
.Lfunc_end2:
_tile_overlayer_lowered:
.L_overlay_start_2:
0x267: {  	(tag) =	ssettag $0x2  }
0x268: {  	s0 =	rddreg [dreg:$0x0];
	s2 =	stileid.u32  }
0x269: {  	s1 =	rddreg [dreg:$0x1];
	p0 =	sne.s32 s2, $0x0  }
0x26a: {  	s3 =	rddreg [dreg:$0x2];
	[bflag:$0x3] =	sbarrier.arrive $0xFFFF;
	s2 =	simm.s32 @!p0 $0x1C04  }
0x26b: {  	[timem:s3], [sflag:s2] =	dma.local @!p0 [hbm:s0], s1  }
0x26c: {  	s0 =	simm.s32 @!p0 $0x4  }
0x26d: {  	_ =	swait.ge @!p0 [sflag:s0], s1  }
0x26e: {  	s1 =	ssub.s32 @!p0 $0x0, s1;
	[sflag:s0] =	ssyncset.done @!p0 $0x0  }
0x26f: {  	[sflag:s0] =	ssyncadd.s32 @!p0 s1  }
0x270: {  	[bflag:$0x3] =	sbarrier.arrive $0xFFFF  }
0x271: {  	_ =	shalt  }

// kernel: kernel.15.cloned.1.call-start
scs
__scs_entry_jumppad:
0x0: {  	(pc) =	sbr.rel $0x88, $3  }
0x1: {  	(tag) =	ssettag $0x0;
	lr =	simm.s32 $0x1  }
0x2: {  	[smem:$0x3F95] =	sst lr;
	_ =	strace $0xD0000000  }
0x3: {  	_ = 	snop  }
0x4: {  	_ = 	snop  }
0x5: {  	_ = 	snop  }
0x6: {  	_ = 	snop  }
0x7: {  	_ = 	snop  }
__scs_overlays_trampoline_lowered:
0x8: {  	[smem:$0x3FA4] =	sst s0  }
0x9: {  	[smem:$0x3FA5] =	sst s1  }
0xa: {  	[smem:$0x3FA6] =	sst s2  }
0xb: {  	[smem:$0x3FA7] =	sst s3  }
0xc: {  	[smem:$0x3FA8] =	sst s4  }
0xd: {  	[smem:$0x3FA9] =	sst s5  }
0xe: {  	[smem:$0x3FAA] =	sst s6  }
0xf: {  	[smem:$0x3FAB] =	sst s7  }
0x10: {  	[smem:$0x3FAC] =	sst s8  }
0x11: {  	[smem:$0x3FAD] =	sst s9;
	s0 =	simm.s32 @!p0 $0x0  }
0x12: {  	s1 =	sld [smem:$0x3F93];
	s0 =	simm.s32 @p0 $0x1  }
0x13: {  	[smem:$0x3FAE] =	sst s0;
	s0 =	simm.s32 @!p1 $0x0  }
0x14: {  	s2 =	sld [smem:$0x3F92];
	s0 =	simm.s32 @p1 $0x1  }
0x15: {  	[smem:$0x3FAF] =	sst s0;
	s0 =	simm.s32 @!p2 $0x0  }
0x16: {  	s3 =	sld [smem:$0x3FDB];
	s0 =	simm.s32 @p2 $0x1  }
0x17: {  	s4 =	simm.s32 $0x1BF5;
	[smem:$0x3FB1] =	sst s0  }
0x18: {  	s0 =	sld [smem:$0x3F94];
	_ =	swait.ge [sflag:s4], $0x0  }
0x19: {  	s7 =	sld [smem:$0x3F95]  }
0x1a: {  	s8 =	sadd.s32 $0xFFFFE003, lr  }
0x1b: {  	s9 =	sadd.s32 $0xFFFFFEF7, lr;
	s5 =	simm.s32 $0xFFFFFFFF;
	p2 =	slt.u32 s8, $0xFFFFF086  }
0x1c: {  	p1 =	slt.u32 s9, $0xF7A;
	s5 =	simm.s32 @!p2 $0x0  }
0x1d: {  	s5 =	simm.s32 @p1 $0x1;
	p0 =	seq.s32 s7, s2  }
0x1e: {  	s7 =	smul.u32 @!p0 $0xF7A, s2;
	p2 =	seq.s32 @!p0 s5, $0x0  }
0x1f: {  	s9 =	smul.u32 $0xF7A, s1;
	s8 =	simm.s32 @!p0 $0x1BF5;
	p2 =	por !p2, p0  }
0x20: {  	[sflag:s8] =	ssyncset.s32 @!p0 $0xFFFFF086;
	s6 =	sadd.s32 @!p0 s3, s7;
	s7 =	simm.s32 @!p0 $0x108  }
0x21: {  	s3 =	sadd.s32 s3, s9;
	s6 =	sadd.s32 @!p0 $0x88, s6;
	s7 =	simm.s32 @p2 $0x1082  }
0x22: {  	[simem:s7], [sflag:s8] =	dma.local @!p0 [hbm:s6], $0xF7A  }
0x23: {  	s9 =	sor.u32 $0xD0000000, s2;
	s6 =	simm.s32 $0x108;
	_ =	swait.ge @!p0 [sflag:s8], $0x0  }
0x24: {  	s3 =	sadd.s32 $0x88, s3;
	s6 =	simm.s32 @!p1 $0x1082;
	[sflag:s4] =	ssyncset.s32 $0xFFFFF086  }
0x25: {  	[simem:s6], [sflag:s4] =	dma.local [hbm:s3], $0xF7A  }
0x26: {  	[smem:$0x3F95] =	sst s1;
	(tag) =	ssettag s2;
	_ =	strace s9  }
0x27: {  	s1 =	sld [smem:$0x3FA5]  }
0x28: {  	s2 =	sld [smem:$0x3FA6]  }
0x29: {  	s4 =	sld [smem:$0x3FA8]  }
0x2a: {  	p0 =	seq.s32 s5, $0x0;
	s5 =	sld [smem:$0x3FA9]  }
0x2b: {  	s6 =	sld [smem:$0x3FAA]  }
0x2c: {  	s7 =	sld [smem:$0x3FAB]  }
0x2d: {  	s3 =	simm.s32 $0x108;
	s8 =	sld [smem:$0x3FAC]  }
0x2e: {  	s3 =	simm.s32 @!p0 $0x1082;
	s9 =	sld [smem:$0x3FAD]  }
0x2f: {  	lr =	sadd.s32 s0, s3;
	s0 =	sld [smem:$0x3FA4]  }
0x30: {  	s3 =	sld [smem:$0x3FA7]  }
0x31: {  	[smem:$0x3FB0] =	sst s10  }
0x32: {  	s10 =	sld [smem:$0x3FAE];
	_ =	sdelay $0x3  }
0x33: {  	p0 =	seq.s32 s10, $0x1;
	s10 =	sld [smem:$0x3FB0];
	_ =	sdelay $0x3  }
0x34: {  	[smem:$0x3FB0] =	sst s10  }
0x35: {  	s10 =	sld [smem:$0x3FAF];
	_ =	sdelay $0x3  }
0x36: {  	p1 =	seq.s32 s10, $0x1;
	s10 =	sld [smem:$0x3FB0];
	_ =	sdelay $0x3  }
0x37: {  	[smem:$0x3FB0] =	sst s10  }
0x38: {  	s10 =	sld [smem:$0x3FB1]  }
0x39: {  	_ = 	snop;
	(pc) =	sbr.ind lr, $3  }
0x3a: {  	_ = 	snop  }
0x3b: {  	_ = 	snop  }
0x3c: {  	p2 =	seq.s32 s10, $0x1;
	s10 =	sld [smem:$0x3FB0]  }
0x3d: {  	_ =	shalt  }
0x3e: {  	_ =	shalt  }
0x3f: {  	_ =	shalt  }
0x40: {  	_ =	shalt  }
0x41: {  	_ =	shalt  }
0x42: {  	_ =	shalt  }
0x43: {  	_ =	shalt  }
0x44: {  	_ =	shalt  }
0x45: {  	_ =	shalt  }
0x46: {  	_ =	shalt  }
0x47: {  	_ =	shalt  }
0x48: {  	_ =	shalt  }
0x49: {  	_ =	shalt  }
0x4a: {  	_ =	shalt  }
0x4b: {  	_ =	shalt  }
0x4c: {  	_ =	shalt  }
0x4d: {  	_ =	shalt  }
0x4e: {  	_ =	shalt  }
0x4f: {  	_ =	shalt  }
0x50: {  	_ =	shalt  }
0x51: {  	_ =	shalt  }
0x52: {  	_ =	shalt  }
0x53: {  	_ =	shalt  }
0x54: {  	_ =	shalt  }
0x55: {  	_ =	shalt  }
0x56: {  	_ =	shalt  }
0x57: {  	_ =	shalt  }
0x58: {  	_ =	shalt  }
0x59: {  	_ =	shalt  }
0x5a: {  	_ =	shalt  }
0x5b: {  	_ =	shalt  }
0x5c: {  	_ =	shalt  }
0x5d: {  	_ =	shalt  }
0x5e: {  	_ =	shalt  }
0x5f: {  	_ =	shalt  }
0x60: {  	_ =	shalt  }
0x61: {  	_ =	shalt  }
0x62: {  	_ =	shalt  }
0x63: {  	_ =	shalt  }
0x64: {  	_ =	shalt  }
0x65: {  	_ =	shalt  }
0x66: {  	_ =	shalt  }
0x67: {  	_ =	shalt  }
0x68: {  	_ =	shalt  }
0x69: {  	_ =	shalt  }
0x6a: {  	_ =	shalt  }
0x6b: {  	_ =	shalt  }
0x6c: {  	_ =	shalt  }
0x6d: {  	_ =	shalt  }
0x6e: {  	_ =	shalt  }
0x6f: {  	_ =	shalt  }
0x70: {  	_ =	shalt  }
0x71: {  	_ =	shalt  }
0x72: {  	_ =	shalt  }
0x73: {  	_ =	shalt  }
0x74: {  	_ =	shalt  }
0x75: {  	_ =	shalt  }
0x76: {  	_ =	shalt  }
0x77: {  	_ =	shalt  }
0x78: {  	_ =	shalt  }
0x79: {  	_ =	shalt  }
0x7a: {  	_ =	shalt  }
0x7b: {  	_ =	shalt  }
0x7c: {  	_ =	shalt  }
0x7d: {  	_ =	shalt  }
0x7e: {  	_ =	shalt  }
0x7f: {  	_ =	shalt  }
0x80: {  	_ =	shalt  }
0x81: {  	_ =	shalt  }
0x82: {  	_ =	shalt  }
0x83: {  	_ =	shalt  }
0x84: {  	_ =	shalt  }
0x85: {  	_ =	shalt  }
0x86: {  	_ =	shalt  }
0x87: {  	_ =	shalt  }
.Lfunc_end0:
.L_simem_size_0:
called_computation.2_lowered:
.L_overlay_start_0:
0x88: {  	s2 =	sld [smem:$0x3FD9]  }
0x89: {  	s3 =	sld [smem:$0x3FFE];
	_ =	sdelay $0x1  }
0x8a: {  	s1 =	srdreg.scid  }
0x8b: {  	s0 =	sand.u32 $0x1, s1  }
0x8c: {  	s17 =	sshll.u32 s0, $0xA;
	s2 =	sadd.s32 s3, s2  }
0x8d: {  	s2 =	sadd.s32 s2, s17  }
0x8e: {  	[smem:$0x3FBC] =	sst s2  }
0x8f: {  	_ = 	snop  }
0x90: {  	s2 =	sld [smem:$0x3FD0];
	(tm) =	ssettm $0x1  }
0x91: {  	s18 =	sld [smem:$0x3FFB];
	_ =	sdelay $0x3  }
0x92: {  	_ =	strace s18  }
0x93: {  	s3 =	sld [smem:$0x3FFC];
	_ =	sdelay $0x3  }
0x94: {  	_ =	strace s3  }
0x95: {  	s3 =	sld [smem:$0x3FFD];
	_ =	sdelay $0x3  }
0x96: {  	_ =	strace s3  }
0x97: {  	_ =	strace $0x8FFFFFFF  }
0x98: {  	s19 =	sld [smem:$0x3FDB];
	_ =	sdelay $0x1  }
0x99: {  	s4 =	simm.s32 $_scs_section_size  }
0x9a: {  	s5 =	simm.s32 $_size__tile_overlayer_lowered;
	s6 =	simm.s32 $_tile_overlayer_lowered  }
0x9b: {  	s22 =	simm.s32 $0x1BFF;
	s21 =	sshll.u32 s6, $0x1;
	s3 =	sadd.s32 s4, s19  }
0x9c: {  	s7 =	simm.s32 $0x0;
	s20 =	sshll.u32 s5, $0x1;
	s5 =	sadd.s32 s21, s3  }
0x9d: {  	[timem:s7], [sflag:s22] =	dma.local [hbm:s5], s20  }
0x9e: {  	_ =	swait.ge [sflag:s22], s20  }
0x9f: {  	s4 =	ssub.s32 $0x0, s20;
	[sflag:s22] =	ssyncset.done $0x0  }
0xa0: {  	[sflag:s22] =	ssyncadd.s32 s4;
	_ =	sdelay $0x1  }
0xa1: {  	s23 =	simm.s32 $0x1B8B  }
0xa2: {  	_ =	swait.ge [sflag:s23], $0x1  }
0xa3: {  	[sflag:s23] =	ssyncset.done $0x0  }
0xa4: {  	s25 =	simm.s32 $0x1B8E;
	s24 =	sld [smem:$0x3FFE];
	[sflag:s23] =	ssyncadd.s32 $0xFFFFFFFF  }
0xa5: {  	s26 =	simm.s32 $execute0_lowered;
	[smem:$0x3FD2] =	sst s25  }
0xa6: {  	s5 =	sshll.u32 s26, $0x1;
	_ =	strace $0x8000004C;
	[dreg:$0x1] =	wrdreg $0xFFFFFFFF  }
0xa7: {  	s28 =	simm.s32 $_size_execute0_lowered;
	s3 =	sadd.s32 s3, s5;
	[dreg:$0x0] =	wrdreg $0x0  }
0xa8: {  	s5 =	sshll.u32 s28, $0x1;
	[dreg:$0x2] =	wrdreg s3  }
0xa9: {  	[dreg:$0x3] =	wrdreg s5  }
0xaa: {  	[dreg:$0x4] =	wrdreg $0xC0  }
0xab: {  	_ =	task [dreg:s7], $0x5FFFF  }
0xac: {  	[dreg:$0x1] =	wrdreg $0xFFFFFFFF  }
0xad: {  	[dreg:$0x0] =	wrdreg $0x60  }
0xae: {  	[dreg:$0x2] =	wrdreg s24  }
0xaf: {  	[dreg:$0x3] =	wrdreg s2  }
0xb0: {  	[dreg:$0x4] =	wrdreg $0xB4000  }
0xb1: {  	[dreg:$0x5] =	wrdreg $0x9  }
0xb2: {  	_ =	task.clear_ibuf [dreg:s7], $0x6FFFF;
	_ =	strace $0x9000004C  }
0xb3: {  	s29 =	simm.s32 $0x9;
	_ =	strace $0x8000004E  }
0xb4: {  	_ =	swait.ge [sflag:s29], $0x1  }
0xb5: {  	[sflag:s29] =	ssyncadd.s32 $0xFFFFFFFF  }
0xb6: {  	_ =	strace $0x9000004E  }
0xb7: {  	_ =	sfence  }
0xb8: {  	s30 =	sld [smem:$0x0];
	_ =	sdelay $0x2  }
0xb9: {  	s31 =	sshll.u32 s1, $0xD;
	s1 =	sshrl.u32 s1, $0x2  }
0xba: {  	s3 =	sand.u32 $0x4000, s31;
	s1 =	sadd.s32 s1, s30  }
0xbb: {  	s0 =	sor.u32 s3, s0;
	s1 =	sshll.u32 s1, $0x11  }
0xbc: {  	s0 =	sor.u32 s1, s0  }
0xbd: {  	s0 =	sadd.s32 $0x8F2B, s0  }
0xbe: {  	[sflag:s0] =	ssyncadd.remote.s32 $0x1  }
0xbf: {  	_ =	sfence.sel $0xFFFF  }
0xc0: {  	[dreg:$0x0] =	wrdreg $0xFFFFFFFF;
	(pc) =	sbr.abs _section_cstart, $3  }
0xc1: {  	[dreg:$0x1] =	wrdreg $0xFFFFFFFF  }
0xc2: {  	_ =	task.clear_ibuf [dreg:s7], $0x2FFFF;
	_ =	strace $0x9FFFFFFF  }
0xc3: {  	(tm) =	ssettm $0x7FFFFFFF  }
tec
execute0_lowered:
.L_overlay_start_1:
0x0: {  	(tag) =	ssettag $0x1  }
0x1: {  	s0 =	rddreg [dreg:$0x0]  }
0x2: {  	s2 =	rddreg [dreg:$0x2];
	s4 =	simm.s32 $0x0;
	s13 =	stileid.u32  }
0x3: {  	s1 =	srdreg.scid;
	s23 =	simm.s32 $0x80;
	s24 =	simm.s32 $0x100  }
0x4: {  	s26 =	simm.s32 $0x180;
	s14 =	simm.s32 $0x380;
	s15 =	simm.s32 $0xE80  }
0x5: {  	s16 =	simm.s32 $0x400;
	[smem:$0x7FF] =	sst s4;
	s5 =	sadd.s32 $0x21400, s0  }
0x6: {  	s6 =	sadd.s32 $0x3400, s0;
	s8 =	sadd.s32 $0x48600, s0;
	s0 =	sadd.s32 $0x48280, s0  }
0x7: {  	s17 =	simm.s32 $0xF00;
	_ =	strace $0x8000004D;
	[smem:$0x7F4] =	sst s0  }
0x8: {  	s28 =	simm.s32 $0x3;
	s29 =	simm.s32 $0x1180;
	[dreg:$0x6] =	wrdreg s23  }
0x9: {  	s30 =	simm.s32 $0x700;
	s3 =	smul.u32 $0x2980, s13;
	[dreg:$0x7] =	wrdreg s24  }
0xa: {  	s31 =	simm.s32 $0x1200;
	s7 =	smul.u32 $0x53000, s13;
	[dreg:$0x8] =	wrdreg s26  }
0xb: {  	s1 =	sand.u32 $0x1, s1;
	s12 =	smul.u32 $0x3C00, s13;
	[dreg:$0x10] =	wrdreg s14  }
0xc: {  	s9 =	ssub.s32 $0x2, s1;
	s10 =	smul.u32 $0x3C000, s1;
	[dreg:$0x11] =	wrdreg s15  }
0xd: {  	p3 =	seq.s32 s1, $0x1;
	s19 =	smul.u32 $0x27100, s1;
	[dreg:$0x12] =	wrdreg s16  }
0xe: {  	s1 =	smul.u32 $0x138800, s1;
	[dreg:$0x13] =	wrdreg s17;
	s23 =	simm.s32 $0x1080  }
0xf: {  	s24 =	simm.s32 $0x600;
	s26 =	simm.s32 $0x680;
	s14 =	simm.s32 $0x1480  }
0x10: {  	s15 =	simm.s32 $0x1500;
	s16 =	simm.s32 $0x1580;
	s17 =	simm.s32 $0x0  }
0x11: {  	s11 =	sshrl.u32 s9, $0x1;
	s7 =	sshrl.u32 s7, $0x2;
	[dreg:$0x19] =	wrdreg s23  }
0x12: {  	s18 =	sadd.s32 s5, s3;
	p1 =	seq.s32 @p3 s13, $0xF;
	[dreg:$0x1a] =	wrdreg s24  }
0x13: {  	p4 =	seq.s32 @!p3 s13, $0xF;
	[dreg:$0x1c] =	wrdreg s26;
	s9 =	ssub.s32 s9, s11  }
0x14: {  	s11 =	sadd.s32 s7, s2;
	[dreg:$0x1e] =	wrdreg s18;
	s7 =	simm.s32 $0x280  }
0x15: {  	s10 =	sadd.s32 s12, s10;
	s12 =	sadd.s32 $0x137400, s2;
	[dreg:$0xc] =	wrdreg s7  }
0x16: {  	s23 =	simm.s32 $0x4C00;
	s18 =	simm.s32 $0x480;
	[dreg:$0x1f] =	wrdreg s12  }
0x17: {  	s24 =	simm.s32 $0x8000;
	s26 =	simm.s32 $0x2;
	[dreg:$0x14] =	wrdreg s18  }
0x18: {  	s3 =	sadd.s32 s3, s19;
	s19 =	simm.s32 $0xF80;
	[dreg:$0x1d] =	wrdreg s11  }
0x19: {  	s1 =	sshrl.u32 s1, $0x3;
	s3 =	sadd.s32 s8, s3;
	[dreg:$0x15] =	wrdreg s19  }
0x1a: {  	p0 =	por !p1, !p3;
	s25 =	smax.u32 s9, $0x1;
	[smem:$0x7F5] =	sst s3  }
0x1b: {  	s1 =	sadd.s32 s8, s1;
	s8 =	simm.s32 $0xD80;
	[smem:$0x7F7] =	sst s25  }
0x1c: {  	s20 =	sadd.s32 $0x78000, s10;
	s9 =	simm.s32 $0x300;
	[dreg:$0xd] =	wrdreg s8  }
0x1d: {  	s21 =	sshrl.u32 s10, $0x3;
	s10 =	simm.s32 $0xE00;
	[dreg:$0xe] =	wrdreg s9  }
0x1e: {  	p1 =	por p1, !p3;
	s22 =	sadd.s32 s21, s6;
	[dreg:$0xf] =	wrdreg s10  }
0x1f: {  	p2 =	por !p4, p3;
	s1 =	sadd.s32 $0x26E80, s1;
	[dreg:$0x5] =	wrdreg s22  }
0x20: {  	p3 =	por p4, p3;
	s3 =	simm.s32 $0x200;
	[smem:$0x7F6] =	sst s1  }
0x21: {  	s0 =	sshrl.u32 s20, $0x3;
	s20 =	simm.s32 $0x500;
	[dreg:$0xa] =	wrdreg s3  }
0x22: {  	p4 =	seq.s32 s13, $0xF;
	s21 =	simm.s32 $0x1000;
	[dreg:$0x16] =	wrdreg s20  }
0x23: {  	s19 =	simm.s32 $0x4;
	s25 =	simm.s32 $0x1100;
	[dreg:$0x17] =	wrdreg s21  }
0x24: {  	s7 =	simm.s32 $0x1300;
	s0 =	sadd.s32 s0, s6;
	[dreg:$0x1b] =	wrdreg s25  }
0x25: {  	s9 =	simm.s32 $0x880;
	s1 =	simm.s32 $0xC80;
	[dreg:$0x4] =	wrdreg s0  }
0x26: {  	s10 =	simm.s32 $0x1380;
	s6 =	simm.s32 $0xD00;
	[dreg:$0x9] =	wrdreg s1  }
0x27: {  	s20 =	simm.s32 $0xC00;
	s1 =	sshrl.u32 @!p0 s12, $0x3;
	[dreg:$0xb] =	wrdreg s6  }
0x28: {  	s22 =	simm.s32 $0x580;
	[smem:$0x7F8] =	sst s1;
	s1 =	sshll.u32 @!p1 s13, $0x6  }
0x29: {  	s21 =	simm.s32 $0x64;
	[dreg:$0x18] =	wrdreg s22;
	s1 =	sor.u32 @!p1 $0x1C04, s1  }
0x2a: {  	s25 =	simm.s32 $0x1;
	[smem:$0x7F9] =	sst s1;
	s1 =	sshrl.u32 @!p1 s11, $0x3  }
0x2b: {  	s3 =	simm.s32 $0x1280;
	[smem:$0x7FA] =	sst s1;
	s1 =	sshrl.u32 @!p2 s12, $0x3  }
0x2c: {  	s22 =	simm.s32 $0x1800;
	[smem:$0x7FB] =	sst s1;
	s1 =	sshll.u32 @!p3 s13, $0x6  }
0x2d: {  	s0 =	simm.s32 $0x780;
	s12 =	simm.s32 $0x1400;
	s1 =	sor.u32 @!p3 $0x1C04, s1  }
0x2e: {  	s13 =	simm.s32 $0x980;
	[smem:$0x7FC] =	sst s1;
	s1 =	sshrl.u32 @!p3 s11, $0x3  }
0x2f: {  	s11 =	simm.s32 $0x900;
	[smem:$0x7FD] =	sst s1;
	s1 =	simm.s32 $0x800  }
.LBB2_1:
0x30: {  	[smem:$0x7F3] =	sst s17  }
0x31: {  	s17 =	sld [smem:$0x7F8];
	_ =	sdelay $0x1  }
0x32: {  	s8 =	simm.s32 @!p0 $0x1FC4;
	s6 =	rddreg [dreg:$0x1]  }
0x33: {  	[spmem:s17], [sflag:s8] =	dma.local @!p0 [hbm:s6], $0x280  }
0x34: {  	s8 =	simm.s32 @!p0 $0x4  }
0x35: {  	_ =	swait.ge @!p0 [sflag:s8], $0x280  }
0x36: {  	[sflag:s8] =	ssyncset.done @!p0 $0x0;
	s17 =	sld [smem:$0x7FA]  }
0x37: {  	[sflag:s8] =	ssyncadd.s32 @!p0 $0xFFFFFD80;
	s8 =	sld [smem:$0x7F9];
	_ =	sdelay $0x2  }
0x38: {  	[spmem:s17], [sflag:s8] =	dma.local @!p1 [hbm:s6], $0x2980  }
0x39: {  	s8 =	simm.s32 @!p1 $0x4  }
0x3a: {  	_ =	swait.ge @!p1 [sflag:s8], $0x2980  }
0x3b: {  	s6 =	sld [smem:$0x7F4]  }
0x3c: {  	s17 =	sld [smem:$0x7FB]  }
0x3d: {  	[sflag:s8] =	ssyncset.done @!p1 $0x0  }
0x3e: {  	[sflag:s8] =	ssyncadd.s32 @!p1 $0xFFFFD680;
	s8 =	simm.s32 @!p2 $0x1FC4  }
0x3f: {  	[spmem:s17], [sflag:s8] =	dma.local @!p2 [hbm:s6], $0x280  }
0x40: {  	s8 =	simm.s32 @!p2 $0x4  }
0x41: {  	_ =	swait.ge @!p2 [sflag:s8], $0x280  }
0x42: {  	[sflag:s8] =	ssyncset.done @!p2 $0x0;
	s17 =	sld [smem:$0x7FD]  }
0x43: {  	[sflag:s8] =	ssyncadd.s32 @!p2 $0xFFFFFD80;
	s8 =	sld [smem:$0x7FC];
	_ =	sdelay $0x1  }
0x44: {  	s6 =	rddreg [dreg:$0x1e]  }
0x45: {  	[spmem:s17], [sflag:s8] =	dma.local @!p3 [hbm:s6], $0x2980  }
0x46: {  	s8 =	simm.s32 @!p3 $0x4  }
0x47: {  	_ =	swait.ge @!p3 [sflag:s8], $0x2980  }
0x48: {  	[sflag:s8] =	ssyncset.done @!p3 $0x0  }
0x49: {  	[sflag:s8] =	ssyncadd.s32 @!p3 $0xFFFFD680  }
0x4a: {  	[bflag:$0x0] =	sbarrier.arrive $0xFFFF  }
0x4b: {  	s18 =	rddreg [dreg:$0x5]  }
0x4c: {  	s8 =	sadd.s32 $0x0, s18  }
0x4d: {  	[tilespmem:s4], [sflag:$0x4] =	stream.linear.gather [hbm4b:s8+s4], $0xA00, $0x38;
	[tilespmem:$0x1EC80] =	vst v63  }
0x4e: {  	_ =	swait.ge [sflag:s19], $0xA00  }
0x4f: {  	s6 =	rddreg [dreg:$0x4];
	[sflag:s19] =	ssyncset.done $0x0  }
0x50: {  	[sflag:s19] =	ssyncadd.s32 $0xFFFFF600;
	s8 =	sadd.s32 $0x0, s6  }
0x51: {  	[tilespmem:s20], [sflag:$0x4] =	stream.linear.gather [hbm4b:s8+s4], $0xA00, $0x38;
	[tilespmem:$0x1EC80] =	vst v63  }
0x52: {  	_ =	swait.ge [sflag:s19], $0xA00  }
0x53: {  	[sflag:s19] =	ssyncset.done $0x0  }
0x54: {  	[sflag:s19] =	ssyncadd.s32 $0xFFFFF600  }
0x55: {  	[tilespmem:s22], [sflag:$0x1] =	stream.indirect.gather [hbm4b:s5+s21], $0x80, s4, s21, $0xb8;
	[tilespmem:$0x1EC80] =	vst v63  }
0x56: {  	s17 =	rddreg [dreg:$0x6]  }
0x57: {  	[tilespmem:s23], [sflag:$0x2] =	stream.indirect.gather [hbm4b:s5+s21], $0x80, s17, s21, $0xb8;
	[tilespmem:$0x1EC80] =	vst v63  }
0x58: {  	s18 =	rddreg [dreg:$0x7]  }
0x59: {  	[tilespmem:s24], [sflag:$0x3] =	stream.indirect.gather [hbm4b:s5+s21], $0x80, s18, s21, $0xb8;
	[tilespmem:$0x1EC80] =	vst v63  }
0x5a: {  	_ =	swait.ge [sflag:s25], $0x3200  }
0x5b: {  	[sflag:s25] =	ssyncset.done $0x0  }
0x5c: {  	[sflag:s25] =	ssyncadd.s32 $0xFFFFCE00  }
0x5d: {  	[spmem:s2] =	stream.indirect.scatter.add.f32 [tilespmem:s22], [sflag:$0x4], $0x80, s20, s21, $0xb8;
	[tilespmem:$0x1EC80] =	vst v63  }
0x5e: {  	_ =	swait.ge [sflag:s19], $0x3200  }
0x5f: {  	[sflag:s19] =	ssyncset.done $0x0  }
0x60: {  	s6 =	rddreg [dreg:$0x8];
	[sflag:s19] =	ssyncadd.s32 $0xFFFFCE00  }
0x61: {  	[tilespmem:s22], [sflag:$0x1] =	stream.indirect.gather [hbm4b:s5+s21], $0x80, s6, s21, $0xb8;
	[tilespmem:$0x1EC80] =	vst v63  }
0x62: {  	_ =	swait.ge [sflag:s26], $0x3200  }
0x63: {  	[sflag:s26] =	ssyncset.done $0x0  }
0x64: {  	s17 =	rddreg [dreg:$0x9];
	[sflag:s26] =	ssyncadd.s32 $0xFFFFCE00  }
0x65: {  	[spmem:s2] =	stream.indirect.scatter.add.f32 [tilespmem:s23], [sflag:$0x4], $0x80, s17, s21, $0xb8;
	[tilespmem:$0x1EC80] =	vst v63  }
0x66: {  	_ =	swait.ge [sflag:s19], $0x3200  }
0x67: {  	[sflag:s19] =	ssyncset.done $0x0  }
0x68: {  	s18 =	rddreg [dreg:$0xa];
	[sflag:s19] =	ssyncadd.s32 $0xFFFFCE00  }
0x69: {  	[tilespmem:s23], [sflag:$0x2] =	stream.indirect.gather [hbm4b:s5+s21], $0x80, s18, s21, $0xb8;
	[tilespmem:$0x1EC80] =	vst v63  }
0x6a: {  	_ =	swait.ge [sflag:s28], $0x3200  }
0x6b: {  	[sflag:s28] =	ssyncset.done $0x0  }
0x6c: {  	s6 =	rddreg [dreg:$0xb];
	[sflag:s28] =	ssyncadd.s32 $0xFFFFCE00  }
0x6d: {  	[spmem:s2] =	stream.indirect.scatter.add.f32 [tilespmem:s24], [sflag:$0x4], $0x80, s6, s21, $0xb8;
	[tilespmem:$0x1EC80] =	vst v63  }
0x6e: {  	_ =	swait.ge [sflag:s19], $0x3200  }
0x6f: {  	[sflag:s19] =	ssyncset.done $0x0  }
0x70: {  	s17 =	rddreg [dreg:$0xc];
	[sflag:s19] =	ssyncadd.s32 $0xFFFFCE00  }
0x71: {  	[tilespmem:s24], [sflag:$0x3] =	stream.indirect.gather [hbm4b:s5+s21], $0x80, s17, s21, $0xb8;
	[tilespmem:$0x1EC80] =	vst v63  }
0x72: {  	_ =	swait.ge [sflag:s25], $0x3200  }
0x73: {  	[sflag:s25] =	ssyncset.done $0x0  }
0x74: {  	s18 =	rddreg [dreg:$0xd];
	[sflag:s25] =	ssyncadd.s32 $0xFFFFCE00  }
0x75: {  	[spmem:s2] =	stream.indirect.scatter.add.f32 [tilespmem:s22], [sflag:$0x4], $0x80, s18, s21, $0xb8;
	[tilespmem:$0x1EC80] =	vst v63  }
0x76: {  	_ =	swait.ge [sflag:s19], $0x3200  }
0x77: {  	[sflag:s19] =	ssyncset.done $0x0  }
0x78: {  	s6 =	rddreg [dreg:$0xe];
	[sflag:s19] =	ssyncadd.s32 $0xFFFFCE00  }
0x79: {  	[tilespmem:s22], [sflag:$0x1] =	stream.indirect.gather [hbm4b:s5+s21], $0x80, s6, s21, $0xb8;
	[tilespmem:$0x1EC80] =	vst v63  }
0x7a: {  	_ =	swait.ge [sflag:s26], $0x3200  }
0x7b: {  	[sflag:s26] =	ssyncset.done $0x0  }
0x7c: {  	s17 =	rddreg [dreg:$0xf];
	[sflag:s26] =	ssyncadd.s32 $0xFFFFCE00  }
0x7d: {  	[spmem:s2] =	stream.indirect.scatter.add.f32 [tilespmem:s23], [sflag:$0x4], $0x80, s17, s21, $0xb8;
	[tilespmem:$0x1EC80] =	vst v63  }
0x7e: {  	_ =	swait.ge [sflag:s19], $0x3200  }
0x7f: {  	[sflag:s19] =	ssyncset.done $0x0  }
0x80: {  	s18 =	rddreg [dreg:$0x10];
	[sflag:s19] =	ssyncadd.s32 $0xFFFFCE00  }
0x81: {  	[tilespmem:s23], [sflag:$0x2] =	stream.indirect.gather [hbm4b:s5+s21], $0x80, s18, s21, $0xb8;
	[tilespmem:$0x1EC80] =	vst v63  }
0x82: {  	_ =	swait.ge [sflag:s28], $0x3200  }
0x83: {  	[sflag:s28] =	ssyncset.done $0x0  }
0x84: {  	s6 =	rddreg [dreg:$0x11];
	[sflag:s28] =	ssyncadd.s32 $0xFFFFCE00  }
0x85: {  	[spmem:s2] =	stream.indirect.scatter.add.f32 [tilespmem:s24], [sflag:$0x4], $0x80, s6, s21, $0xb8;
	[tilespmem:$0x1EC80] =	vst v63  }
0x86: {  	_ =	swait.ge [sflag:s19], $0x3200  }
0x87: {  	[sflag:s19] =	ssyncset.done $0x0  }
0x88: {  	s17 =	rddreg [dreg:$0x12];
	[sflag:s19] =	ssyncadd.s32 $0xFFFFCE00  }
0x89: {  	[tilespmem:s24], [sflag:$0x3] =	stream.indirect.gather [hbm4b:s5+s21], $0x80, s17, s21, $0xb8;
	[tilespmem:$0x1EC80] =	vst v63  }
0x8a: {  	_ =	swait.ge [sflag:s25], $0x3200  }
0x8b: {  	[sflag:s25] =	ssyncset.done $0x0  }
0x8c: {  	s18 =	rddreg [dreg:$0x13];
	[sflag:s25] =	ssyncadd.s32 $0xFFFFCE00  }
0x8d: {  	[spmem:s2] =	stream.indirect.scatter.add.f32 [tilespmem:s22], [sflag:$0x4], $0x80, s18, s21, $0xb8;
	[tilespmem:$0x1EC80] =	vst v63  }
0x8e: {  	_ =	swait.ge [sflag:s19], $0x3200  }
0x8f: {  	[sflag:s19] =	ssyncset.done $0x0  }
0x90: {  	s6 =	rddreg [dreg:$0x14];
	[sflag:s19] =	ssyncadd.s32 $0xFFFFCE00  }
0x91: {  	[tilespmem:s22], [sflag:$0x1] =	stream.indirect.gather [hbm4b:s5+s21], $0x80, s6, s21, $0xb8;
	[tilespmem:$0x1EC80] =	vst v63  }
0x92: {  	_ =	swait.ge [sflag:s26], $0x3200  }
0x93: {  	[sflag:s26] =	ssyncset.done $0x0  }
0x94: {  	s17 =	rddreg [dreg:$0x15];
	[sflag:s26] =	ssyncadd.s32 $0xFFFFCE00  }
0x95: {  	[spmem:s2] =	stream.indirect.scatter.add.f32 [tilespmem:s23], [sflag:$0x4], $0x80, s17, s21, $0xb8;
	[tilespmem:$0x1EC80] =	vst v63  }
0x96: {  	_ =	swait.ge [sflag:s19], $0x3200  }
0x97: {  	[sflag:s19] =	ssyncset.done $0x0  }
0x98: {  	s18 =	rddreg [dreg:$0x16];
	[sflag:s19] =	ssyncadd.s32 $0xFFFFCE00  }
0x99: {  	[tilespmem:s23], [sflag:$0x2] =	stream.indirect.gather [hbm4b:s5+s21], $0x80, s18, s21, $0xb8;
	[tilespmem:$0x1EC80] =	vst v63  }
0x9a: {  	_ =	swait.ge [sflag:s28], $0x3200  }
0x9b: {  	[sflag:s28] =	ssyncset.done $0x0  }
0x9c: {  	s6 =	rddreg [dreg:$0x17];
	[sflag:s28] =	ssyncadd.s32 $0xFFFFCE00  }
0x9d: {  	[spmem:s2] =	stream.indirect.scatter.add.f32 [tilespmem:s24], [sflag:$0x4], $0x80, s6, s21, $0xb8;
	[tilespmem:$0x1EC80] =	vst v63  }
0x9e: {  	_ =	swait.ge [sflag:s19], $0x3200  }
0x9f: {  	[sflag:s19] =	ssyncset.done $0x0  }
0xa0: {  	s17 =	rddreg [dreg:$0x18];
	[sflag:s19] =	ssyncadd.s32 $0xFFFFCE00  }
0xa1: {  	[tilespmem:s24], [sflag:$0x3] =	stream.indirect.gather [hbm4b:s5+s21], $0x80, s17, s21, $0xb8;
	[tilespmem:$0x1EC80] =	vst v63  }
0xa2: {  	_ =	swait.ge [sflag:s25], $0x3200  }
0xa3: {  	[sflag:s25] =	ssyncset.done $0x0  }
0xa4: {  	s18 =	rddreg [dreg:$0x19];
	[sflag:s25] =	ssyncadd.s32 $0xFFFFCE00  }
0xa5: {  	[spmem:s2] =	stream.indirect.scatter.add.f32 [tilespmem:s22], [sflag:$0x4], $0x80, s18, s21, $0xb8;
	[tilespmem:$0x1EC80] =	vst v63  }
0xa6: {  	_ =	swait.ge [sflag:s19], $0x3200  }
0xa7: {  	[sflag:s19] =	ssyncset.done $0x0  }
0xa8: {  	s6 =	rddreg [dreg:$0x1a];
	[sflag:s19] =	ssyncadd.s32 $0xFFFFCE00  }
0xa9: {  	[tilespmem:s22], [sflag:$0x1] =	stream.indirect.gather [hbm4b:s5+s21], $0x80, s6, s21, $0xb8;
	[tilespmem:$0x1EC80] =	vst v63  }
0xaa: {  	_ =	swait.ge [sflag:s26], $0x3200  }
0xab: {  	[sflag:s26] =	ssyncset.done $0x0  }
0xac: {  	s17 =	rddreg [dreg:$0x1b];
	[sflag:s26] =	ssyncadd.s32 $0xFFFFCE00  }
0xad: {  	[spmem:s2] =	stream.indirect.scatter.add.f32 [tilespmem:s23], [sflag:$0x4], $0x80, s17, s21, $0xb8;
	[tilespmem:$0x1EC80] =	vst v63  }
0xae: {  	_ =	swait.ge [sflag:s19], $0x3200  }
0xaf: {  	[sflag:s19] =	ssyncset.done $0x0  }
0xb0: {  	s18 =	rddreg [dreg:$0x1c];
	[sflag:s19] =	ssyncadd.s32 $0xFFFFCE00  }
0xb1: {  	[tilespmem:s23], [sflag:$0x2] =	stream.indirect.gather [hbm4b:s5+s21], $0x80, s18, s21, $0xb8;
	[tilespmem:$0x1EC80] =	vst v63  }
0xb2: {  	_ =	swait.ge [sflag:s28], $0x3200  }
0xb3: {  	[sflag:s28] =	ssyncset.done $0x0  }
0xb4: {  	[sflag:s28] =	ssyncadd.s32 $0xFFFFCE00  }
0xb5: {  	[spmem:s2] =	stream.indirect.scatter.add.f32 [tilespmem:s24], [sflag:$0x4], $0x80, s29, s21, $0xb8;
	[tilespmem:$0x1EC80] =	vst v63  }
0xb6: {  	_ =	swait.ge [sflag:s19], $0x3200  }
0xb7: {  	[sflag:s19] =	ssyncset.done $0x0  }
0xb8: {  	[sflag:s19] =	ssyncadd.s32 $0xFFFFCE00  }
0xb9: {  	[tilespmem:s24], [sflag:$0x3] =	stream.indirect.gather [hbm4b:s5+s21], $0x80, s30, s21, $0xb8;
	[tilespmem:$0x1EC80] =	vst v63  }
0xba: {  	_ =	swait.ge [sflag:s25], $0x3200  }
0xbb: {  	[sflag:s25] =	ssyncset.done $0x0  }
0xbc: {  	[sflag:s25] =	ssyncadd.s32 $0xFFFFCE00  }
0xbd: {  	[spmem:s2] =	stream.indirect.scatter.add.f32 [tilespmem:s22], [sflag:$0x4], $0x80, s31, s21, $0xb8;
	[tilespmem:$0x1EC80] =	vst v63  }
0xbe: {  	_ =	swait.ge [sflag:s19], $0x3200  }
0xbf: {  	[sflag:s19] =	ssyncset.done $0x0  }
0xc0: {  	[sflag:s19] =	ssyncadd.s32 $0xFFFFCE00  }
0xc1: {  	[tilespmem:s22], [sflag:$0x1] =	stream.indirect.gather [hbm4b:s5+s21], $0x80, s0, s21, $0xb8;
	[tilespmem:$0x1EC80] =	vst v63  }
0xc2: {  	_ =	swait.ge [sflag:s26], $0x3200  }
0xc3: {  	[sflag:s26] =	ssyncset.done $0x0  }
0xc4: {  	[sflag:s26] =	ssyncadd.s32 $0xFFFFCE00  }
0xc5: {  	[spmem:s2] =	stream.indirect.scatter.add.f32 [tilespmem:s23], [sflag:$0x4], $0x80, s3, s21, $0xb8;
	[tilespmem:$0x1EC80] =	vst v63  }
0xc6: {  	_ =	swait.ge [sflag:s19], $0x3200  }
0xc7: {  	[sflag:s19] =	ssyncset.done $0x0  }
0xc8: {  	[sflag:s19] =	ssyncadd.s32 $0xFFFFCE00  }
0xc9: {  	[tilespmem:s23], [sflag:$0x2] =	stream.indirect.gather [hbm4b:s5+s21], $0x80, s1, s21, $0xb8;
	[tilespmem:$0x1EC80] =	vst v63  }
0xca: {  	_ =	swait.ge [sflag:s28], $0x3200  }
0xcb: {  	[sflag:s28] =	ssyncset.done $0x0  }
0xcc: {  	[sflag:s28] =	ssyncadd.s32 $0xFFFFCE00  }
0xcd: {  	[spmem:s2] =	stream.indirect.scatter.add.f32 [tilespmem:s24], [sflag:$0x4], $0x80, s7, s21, $0xb8;
	[tilespmem:$0x1EC80] =	vst v63  }
0xce: {  	_ =	swait.ge [sflag:s19], $0x3200  }
0xcf: {  	[sflag:s19] =	ssyncset.done $0x0  }
0xd0: {  	[sflag:s19] =	ssyncadd.s32 $0xFFFFCE00  }
0xd1: {  	[tilespmem:s24], [sflag:$0x3] =	stream.indirect.gather [hbm4b:s5+s21], $0x80, s9, s21, $0xb8;
	[tilespmem:$0x1EC80] =	vst v63  }
0xd2: {  	_ =	swait.ge [sflag:s25], $0x3200  }
0xd3: {  	[sflag:s25] =	ssyncset.done $0x0  }
0xd4: {  	[sflag:s25] =	ssyncadd.s32 $0xFFFFCE00  }
0xd5: {  	[spmem:s2] =	stream.indirect.scatter.add.f32 [tilespmem:s22], [sflag:$0x4], $0x80, s10, s21, $0xb8;
	[tilespmem:$0x1EC80] =	vst v63  }
0xd6: {  	_ =	swait.ge [sflag:s19], $0x3200  }
0xd7: {  	[sflag:s19] =	ssyncset.done $0x0  }
0xd8: {  	[sflag:s19] =	ssyncadd.s32 $0xFFFFCE00  }
0xd9: {  	[tilespmem:s22], [sflag:$0x1] =	stream.indirect.gather [hbm4b:s5+s21], $0x80, s11, s21, $0xb8;
	[tilespmem:$0x1EC80] =	vst v63  }
0xda: {  	_ =	swait.ge [sflag:s26], $0x3200  }
0xdb: {  	[sflag:s26] =	ssyncset.done $0x0  }
0xdc: {  	[sflag:s26] =	ssyncadd.s32 $0xFFFFCE00  }
0xdd: {  	[spmem:s2] =	stream.indirect.scatter.add.f32 [tilespmem:s23], [sflag:$0x4], $0x80, s12, s21, $0xb8;
	[tilespmem:$0x1EC80] =	vst v63  }
0xde: {  	_ =	swait.ge [sflag:s19], $0x3200  }
0xdf: {  	[sflag:s19] =	ssyncset.done $0x0  }
0xe0: {  	[sflag:s19] =	ssyncadd.s32 $0xFFFFCE00  }
0xe1: {  	[tilespmem:s23], [sflag:$0x2] =	stream.indirect.gather [hbm4b:s5+s21], $0x80, s13, s21, $0xb8;
	[tilespmem:$0x1EC80] =	vst v63  }
0xe2: {  	_ =	swait.ge [sflag:s28], $0x3200  }
0xe3: {  	[sflag:s28] =	ssyncset.done $0x0  }
0xe4: {  	[sflag:s28] =	ssyncadd.s32 $0xFFFFCE00  }
0xe5: {  	[spmem:s2] =	stream.indirect.scatter.add.f32 [tilespmem:s24], [sflag:$0x4], $0x80, s14, s21, $0xb8;
	[tilespmem:$0x1EC80] =	vst v63  }
0xe6: {  	_ =	swait.ge [sflag:s19], $0x3200  }
0xe7: {  	[sflag:s19] =	ssyncset.done $0x0  }
0xe8: {  	[sflag:s19] =	ssyncadd.s32 $0xFFFFCE00  }
0xe9: {  	_ =	swait.ge [sflag:s25], $0x3200  }
0xea: {  	[sflag:s25] =	ssyncset.done $0x0  }
0xeb: {  	[sflag:s25] =	ssyncadd.s32 $0xFFFFCE00  }
0xec: {  	[spmem:s2] =	stream.indirect.scatter.add.f32 [tilespmem:s22], [sflag:$0x4], $0x80, s15, s21, $0xb8;
	[tilespmem:$0x1EC80] =	vst v63  }
0xed: {  	_ =	swait.ge [sflag:s19], $0x3200  }
0xee: {  	[sflag:s19] =	ssyncset.done $0x0  }
0xef: {  	[sflag:s19] =	ssyncadd.s32 $0xFFFFCE00  }
0xf0: {  	_ =	swait.ge [sflag:s26], $0x3200  }
0xf1: {  	[sflag:s26] =	ssyncset.done $0x0  }
0xf2: {  	[sflag:s26] =	ssyncadd.s32 $0xFFFFCE00  }
0xf3: {  	[spmem:s2] =	stream.indirect.scatter.add.f32 [tilespmem:s23], [sflag:$0x4], $0x80, s16, s21, $0xb8;
	[tilespmem:$0x1EC80] =	vst v63  }
0xf4: {  	s8 =	simm.s32 $0x180;
	_ =	swait.ge [sflag:s19], $0x3200  }
0xf5: {  	s17 =	simm.s32 $0x300;
	s18 =	rddreg [dreg:$0x5];
	[sflag:s19] =	ssyncset.done $0x0  }
.LBB2_2:
0xf6: {  	[sflag:s19] =	ssyncadd.s32 $0xFFFFCE00;
	s18 =	sadd.s32 s8, s18  }
0xf7: {  	[tilespmem:s4], [sflag:$0x4] =	stream.linear.gather [hbm4b:s18+s4], $0xA00, $0x38;
	[tilespmem:$0x1EC80] =	vst v63  }
0xf8: {  	_ =	swait.ge [sflag:s19], $0xA00  }
0xf9: {  	s18 =	rddreg [dreg:$0x4];
	[sflag:s19] =	ssyncset.done $0x0  }
0xfa: {  	[sflag:s19] =	ssyncadd.s32 $0xFFFFF600;
	s18 =	sadd.s32 s8, s18  }
0xfb: {  	[tilespmem:s20], [sflag:$0x4] =	stream.linear.gather [hbm4b:s18+s4], $0xA00, $0x38;
	[tilespmem:$0x1EC80] =	vst v63  }
0xfc: {  	_ =	swait.ge [sflag:s19], $0xA00  }
0xfd: {  	[sflag:s19] =	ssyncset.done $0x0  }
0xfe: {  	s6 =	smov.u32 s17;
	[sflag:s19] =	ssyncadd.s32 $0xFFFFF600  }
0xff: {  	[tilespmem:s22], [sflag:$0x1] =	stream.indirect.gather [hbm4b:s5+s21], $0x80, s4, s21, $0xb8;
	[tilespmem:$0x1EC80] =	vst v63  }
0x100: {  	s8 =	smov.u32 s6;
	s6 =	rddreg [dreg:$0x6]  }
0x101: {  	[tilespmem:s23], [sflag:$0x2] =	stream.indirect.gather [hbm4b:s5+s21], $0x80, s6, s21, $0xb8;
	[tilespmem:$0x1EC80] =	vst v63  }
0x102: {  	s18 =	rddreg [dreg:$0x7]  }
0x103: {  	[tilespmem:s24], [sflag:$0x3] =	stream.indirect.gather [hbm4b:s5+s21], $0x80, s18, s21, $0xb8;
	[tilespmem:$0x1EC80] =	vst v63  }
0x104: {  	_ =	swait.ge [sflag:s25], $0x3200  }
0x105: {  	[sflag:s25] =	ssyncset.done $0x0  }
0x106: {  	[sflag:s25] =	ssyncadd.s32 $0xFFFFCE00  }
0x107: {  	[spmem:s2] =	stream.indirect.scatter.add.f32 [tilespmem:s22], [sflag:$0x4], $0x80, s20, s21, $0xb8;
	[tilespmem:$0x1EC80] =	vst v63  }
0x108: {  	_ =	swait.ge [sflag:s19], $0x3200  }
0x109: {  	[sflag:s19] =	ssyncset.done $0x0  }
0x10a: {  	s18 =	rddreg [dreg:$0x8];
	[sflag:s19] =	ssyncadd.s32 $0xFFFFCE00  }
0x10b: {  	[tilespmem:s22], [sflag:$0x1] =	stream.indirect.gather [hbm4b:s5+s21], $0x80, s18, s21, $0xb8;
	[tilespmem:$0x1EC80] =	vst v63  }
0x10c: {  	_ =	swait.ge [sflag:s26], $0x3200  }
0x10d: {  	[sflag:s26] =	ssyncset.done $0x0  }
0x10e: {  	s18 =	rddreg [dreg:$0x9];
	[sflag:s26] =	ssyncadd.s32 $0xFFFFCE00  }
0x10f: {  	[spmem:s2] =	stream.indirect.scatter.add.f32 [tilespmem:s23], [sflag:$0x4], $0x80, s18, s21, $0xb8;
	[tilespmem:$0x1EC80] =	vst v63  }
0x110: {  	_ =	swait.ge [sflag:s19], $0x3200  }
0x111: {  	[sflag:s19] =	ssyncset.done $0x0  }
0x112: {  	s18 =	rddreg [dreg:$0xa];
	[sflag:s19] =	ssyncadd.s32 $0xFFFFCE00  }
0x113: {  	[tilespmem:s23], [sflag:$0x2] =	stream.indirect.gather [hbm4b:s5+s21], $0x80, s18, s21, $0xb8;
	[tilespmem:$0x1EC80] =	vst v63  }
0x114: {  	_ =	swait.ge [sflag:s28], $0x3200  }
0x115: {  	[sflag:s28] =	ssyncset.done $0x0  }
0x116: {  	s18 =	rddreg [dreg:$0xb];
	[sflag:s28] =	ssyncadd.s32 $0xFFFFCE00  }
0x117: {  	[spmem:s2] =	stream.indirect.scatter.add.f32 [tilespmem:s24], [sflag:$0x4], $0x80, s18, s21, $0xb8;
	[tilespmem:$0x1EC80] =	vst v63  }
0x118: {  	_ =	swait.ge [sflag:s19], $0x3200  }
0x119: {  	[sflag:s19] =	ssyncset.done $0x0  }
0x11a: {  	s18 =	rddreg [dreg:$0xc];
	[sflag:s19] =	ssyncadd.s32 $0xFFFFCE00  }
0x11b: {  	[tilespmem:s24], [sflag:$0x3] =	stream.indirect.gather [hbm4b:s5+s21], $0x80, s18, s21, $0xb8;
	[tilespmem:$0x1EC80] =	vst v63  }
0x11c: {  	_ =	swait.ge [sflag:s25], $0x3200  }
0x11d: {  	[sflag:s25] =	ssyncset.done $0x0  }
0x11e: {  	s18 =	rddreg [dreg:$0xd];
	[sflag:s25] =	ssyncadd.s32 $0xFFFFCE00  }
0x11f: {  	[spmem:s2] =	stream.indirect.scatter.add.f32 [tilespmem:s22], [sflag:$0x4], $0x80, s18, s21, $0xb8;
	[tilespmem:$0x1EC80] =	vst v63  }
0x120: {  	_ =	swait.ge [sflag:s19], $0x3200  }
0x121: {  	[sflag:s19] =	ssyncset.done $0x0  }
0x122: {  	s18 =	rddreg [dreg:$0xe];
	[sflag:s19] =	ssyncadd.s32 $0xFFFFCE00  }
0x123: {  	[tilespmem:s22], [sflag:$0x1] =	stream.indirect.gather [hbm4b:s5+s21], $0x80, s18, s21, $0xb8;
	[tilespmem:$0x1EC80] =	vst v63  }
0x124: {  	_ =	swait.ge [sflag:s26], $0x3200  }
0x125: {  	[sflag:s26] =	ssyncset.done $0x0  }
0x126: {  	s18 =	rddreg [dreg:$0xf];
	[sflag:s26] =	ssyncadd.s32 $0xFFFFCE00  }
0x127: {  	[spmem:s2] =	stream.indirect.scatter.add.f32 [tilespmem:s23], [sflag:$0x4], $0x80, s18, s21, $0xb8;
	[tilespmem:$0x1EC80] =	vst v63  }
0x128: {  	_ =	swait.ge [sflag:s19], $0x3200  }
0x129: {  	[sflag:s19] =	ssyncset.done $0x0  }
0x12a: {  	s18 =	rddreg [dreg:$0x10];
	[sflag:s19] =	ssyncadd.s32 $0xFFFFCE00  }
0x12b: {  	[tilespmem:s23], [sflag:$0x2] =	stream.indirect.gather [hbm4b:s5+s21], $0x80, s18, s21, $0xb8;
	[tilespmem:$0x1EC80] =	vst v63  }
0x12c: {  	_ =	swait.ge [sflag:s28], $0x3200  }
0x12d: {  	[sflag:s28] =	ssyncset.done $0x0  }
0x12e: {  	s18 =	rddreg [dreg:$0x11];
	[sflag:s28] =	ssyncadd.s32 $0xFFFFCE00  }
0x12f: {  	[spmem:s2] =	stream.indirect.scatter.add.f32 [tilespmem:s24], [sflag:$0x4], $0x80, s18, s21, $0xb8;
	[tilespmem:$0x1EC80] =	vst v63  }
0x130: {  	_ =	swait.ge [sflag:s19], $0x3200  }
0x131: {  	[sflag:s19] =	ssyncset.done $0x0  }
0x132: {  	s18 =	rddreg [dreg:$0x12];
	[sflag:s19] =	ssyncadd.s32 $0xFFFFCE00  }
0x133: {  	[tilespmem:s24], [sflag:$0x3] =	stream.indirect.gather [hbm4b:s5+s21], $0x80, s18, s21, $0xb8;
	[tilespmem:$0x1EC80] =	vst v63  }
0x134: {  	_ =	swait.ge [sflag:s25], $0x3200  }
0x135: {  	[sflag:s25] =	ssyncset.done $0x0  }
0x136: {  	s18 =	rddreg [dreg:$0x13];
	[sflag:s25] =	ssyncadd.s32 $0xFFFFCE00  }
0x137: {  	[spmem:s2] =	stream.indirect.scatter.add.f32 [tilespmem:s22], [sflag:$0x4], $0x80, s18, s21, $0xb8;
	[tilespmem:$0x1EC80] =	vst v63  }
0x138: {  	_ =	swait.ge [sflag:s19], $0x3200  }
0x139: {  	[sflag:s19] =	ssyncset.done $0x0  }
0x13a: {  	s18 =	rddreg [dreg:$0x14];
	[sflag:s19] =	ssyncadd.s32 $0xFFFFCE00  }
0x13b: {  	[tilespmem:s22], [sflag:$0x1] =	stream.indirect.gather [hbm4b:s5+s21], $0x80, s18, s21, $0xb8;
	[tilespmem:$0x1EC80] =	vst v63  }
0x13c: {  	_ =	swait.ge [sflag:s26], $0x3200  }
0x13d: {  	[sflag:s26] =	ssyncset.done $0x0  }
0x13e: {  	s18 =	rddreg [dreg:$0x15];
	[sflag:s26] =	ssyncadd.s32 $0xFFFFCE00  }
0x13f: {  	[spmem:s2] =	stream.indirect.scatter.add.f32 [tilespmem:s23], [sflag:$0x4], $0x80, s18, s21, $0xb8;
	[tilespmem:$0x1EC80] =	vst v63  }
0x140: {  	_ =	swait.ge [sflag:s19], $0x3200  }
0x141: {  	[sflag:s19] =	ssyncset.done $0x0  }
0x142: {  	s18 =	rddreg [dreg:$0x16];
	[sflag:s19] =	ssyncadd.s32 $0xFFFFCE00  }
0x143: {  	[tilespmem:s23], [sflag:$0x2] =	stream.indirect.gather [hbm4b:s5+s21], $0x80, s18, s21, $0xb8;
	[tilespmem:$0x1EC80] =	vst v63  }
0x144: {  	_ =	swait.ge [sflag:s28], $0x3200  }
0x145: {  	[sflag:s28] =	ssyncset.done $0x0  }
0x146: {  	s18 =	rddreg [dreg:$0x17];
	[sflag:s28] =	ssyncadd.s32 $0xFFFFCE00  }
0x147: {  	[spmem:s2] =	stream.indirect.scatter.add.f32 [tilespmem:s24], [sflag:$0x4], $0x80, s18, s21, $0xb8;
	[tilespmem:$0x1EC80] =	vst v63  }
0x148: {  	_ =	swait.ge [sflag:s19], $0x3200  }
0x149: {  	[sflag:s19] =	ssyncset.done $0x0  }
0x14a: {  	s18 =	rddreg [dreg:$0x18];
	[sflag:s19] =	ssyncadd.s32 $0xFFFFCE00  }
0x14b: {  	[tilespmem:s24], [sflag:$0x3] =	stream.indirect.gather [hbm4b:s5+s21], $0x80, s18, s21, $0xb8;
	[tilespmem:$0x1EC80] =	vst v63  }
0x14c: {  	_ =	swait.ge [sflag:s25], $0x3200  }
0x14d: {  	[sflag:s25] =	ssyncset.done $0x0  }
0x14e: {  	s18 =	rddreg [dreg:$0x19];
	[sflag:s25] =	ssyncadd.s32 $0xFFFFCE00  }
0x14f: {  	[spmem:s2] =	stream.indirect.scatter.add.f32 [tilespmem:s22], [sflag:$0x4], $0x80, s18, s21, $0xb8;
	[tilespmem:$0x1EC80] =	vst v63  }
0x150: {  	_ =	swait.ge [sflag:s19], $0x3200  }
0x151: {  	[sflag:s19] =	ssyncset.done $0x0  }
0x152: {  	s18 =	rddreg [dreg:$0x1a];
	[sflag:s19] =	ssyncadd.s32 $0xFFFFCE00  }
0x153: {  	[tilespmem:s22], [sflag:$0x1] =	stream.indirect.gather [hbm4b:s5+s21], $0x80, s18, s21, $0xb8;
	[tilespmem:$0x1EC80] =	vst v63  }
0x154: {  	_ =	swait.ge [sflag:s26], $0x3200  }
0x155: {  	[sflag:s26] =	ssyncset.done $0x0  }
0x156: {  	s18 =	rddreg [dreg:$0x1b];
	[sflag:s26] =	ssyncadd.s32 $0xFFFFCE00  }
0x157: {  	[spmem:s2] =	stream.indirect.scatter.add.f32 [tilespmem:s23], [sflag:$0x4], $0x80, s18, s21, $0xb8;
	[tilespmem:$0x1EC80] =	vst v63  }
0x158: {  	_ =	swait.ge [sflag:s19], $0x3200  }
0x159: {  	[sflag:s19] =	ssyncset.done $0x0  }
0x15a: {  	s18 =	rddreg [dreg:$0x1c];
	[sflag:s19] =	ssyncadd.s32 $0xFFFFCE00  }
0x15b: {  	[tilespmem:s23], [sflag:$0x2] =	stream.indirect.gather [hbm4b:s5+s21], $0x80, s18, s21, $0xb8;
	[tilespmem:$0x1EC80] =	vst v63  }
0x15c: {  	_ =	swait.ge [sflag:s28], $0x3200  }
0x15d: {  	[sflag:s28] =	ssyncset.done $0x0  }
0x15e: {  	[sflag:s28] =	ssyncadd.s32 $0xFFFFCE00  }
0x15f: {  	[spmem:s2] =	stream.indirect.scatter.add.f32 [tilespmem:s24], [sflag:$0x4], $0x80, s29, s21, $0xb8;
	[tilespmem:$0x1EC80] =	vst v63  }
0x160: {  	_ =	swait.ge [sflag:s19], $0x3200  }
0x161: {  	[sflag:s19] =	ssyncset.done $0x0  }
0x162: {  	[sflag:s19] =	ssyncadd.s32 $0xFFFFCE00  }
0x163: {  	[tilespmem:s24], [sflag:$0x3] =	stream.indirect.gather [hbm4b:s5+s21], $0x80, s30, s21, $0xb8;
	[tilespmem:$0x1EC80] =	vst v63  }
0x164: {  	_ =	swait.ge [sflag:s25], $0x3200  }
0x165: {  	[sflag:s25] =	ssyncset.done $0x0  }
0x166: {  	[sflag:s25] =	ssyncadd.s32 $0xFFFFCE00  }
0x167: {  	[spmem:s2] =	stream.indirect.scatter.add.f32 [tilespmem:s22], [sflag:$0x4], $0x80, s31, s21, $0xb8;
	[tilespmem:$0x1EC80] =	vst v63  }
0x168: {  	_ =	swait.ge [sflag:s19], $0x3200  }
0x169: {  	[sflag:s19] =	ssyncset.done $0x0  }
0x16a: {  	[sflag:s19] =	ssyncadd.s32 $0xFFFFCE00  }
0x16b: {  	[tilespmem:s22], [sflag:$0x1] =	stream.indirect.gather [hbm4b:s5+s21], $0x80, s0, s21, $0xb8;
	[tilespmem:$0x1EC80] =	vst v63  }
0x16c: {  	_ =	swait.ge [sflag:s26], $0x3200  }
0x16d: {  	[sflag:s26] =	ssyncset.done $0x0  }
0x16e: {  	[sflag:s26] =	ssyncadd.s32 $0xFFFFCE00  }
0x16f: {  	[spmem:s2] =	stream.indirect.scatter.add.f32 [tilespmem:s23], [sflag:$0x4], $0x80, s3, s21, $0xb8;
	[tilespmem:$0x1EC80] =	vst v63  }
0x170: {  	_ =	swait.ge [sflag:s19], $0x3200  }
0x171: {  	[sflag:s19] =	ssyncset.done $0x0  }
0x172: {  	[sflag:s19] =	ssyncadd.s32 $0xFFFFCE00  }
0x173: {  	[tilespmem:s23], [sflag:$0x2] =	stream.indirect.gather [hbm4b:s5+s21], $0x80, s1, s21, $0xb8;
	[tilespmem:$0x1EC80] =	vst v63  }
0x174: {  	_ =	swait.ge [sflag:s28], $0x3200  }
0x175: {  	[sflag:s28] =	ssyncset.done $0x0  }
0x176: {  	[sflag:s28] =	ssyncadd.s32 $0xFFFFCE00  }
0x177: {  	[spmem:s2] =	stream.indirect.scatter.add.f32 [tilespmem:s24], [sflag:$0x4], $0x80, s7, s21, $0xb8;
	[tilespmem:$0x1EC80] =	vst v63  }
0x178: {  	_ =	swait.ge [sflag:s19], $0x3200  }
0x179: {  	[sflag:s19] =	ssyncset.done $0x0  }
0x17a: {  	[sflag:s19] =	ssyncadd.s32 $0xFFFFCE00  }
0x17b: {  	[tilespmem:s24], [sflag:$0x3] =	stream.indirect.gather [hbm4b:s5+s21], $0x80, s9, s21, $0xb8;
	[tilespmem:$0x1EC80] =	vst v63  }
0x17c: {  	_ =	swait.ge [sflag:s25], $0x3200  }
0x17d: {  	[sflag:s25] =	ssyncset.done $0x0  }
0x17e: {  	[sflag:s25] =	ssyncadd.s32 $0xFFFFCE00  }
0x17f: {  	[spmem:s2] =	stream.indirect.scatter.add.f32 [tilespmem:s22], [sflag:$0x4], $0x80, s10, s21, $0xb8;
	[tilespmem:$0x1EC80] =	vst v63  }
0x180: {  	_ =	swait.ge [sflag:s19], $0x3200  }
0x181: {  	[sflag:s19] =	ssyncset.done $0x0  }
0x182: {  	[sflag:s19] =	ssyncadd.s32 $0xFFFFCE00  }
0x183: {  	[tilespmem:s22], [sflag:$0x1] =	stream.indirect.gather [hbm4b:s5+s21], $0x80, s11, s21, $0xb8;
	[tilespmem:$0x1EC80] =	vst v63  }
0x184: {  	_ =	swait.ge [sflag:s26], $0x3200  }
0x185: {  	[sflag:s26] =	ssyncset.done $0x0  }
0x186: {  	[sflag:s26] =	ssyncadd.s32 $0xFFFFCE00  }
0x187: {  	[spmem:s2] =	stream.indirect.scatter.add.f32 [tilespmem:s23], [sflag:$0x4], $0x80, s12, s21, $0xb8;
	[tilespmem:$0x1EC80] =	vst v63  }
0x188: {  	_ =	swait.ge [sflag:s19], $0x3200  }
0x189: {  	[sflag:s19] =	ssyncset.done $0x0  }
0x18a: {  	[sflag:s19] =	ssyncadd.s32 $0xFFFFCE00  }
0x18b: {  	[tilespmem:s23], [sflag:$0x2] =	stream.indirect.gather [hbm4b:s5+s21], $0x80, s13, s21, $0xb8;
	[tilespmem:$0x1EC80] =	vst v63  }
0x18c: {  	_ =	swait.ge [sflag:s28], $0x3200  }
0x18d: {  	[sflag:s28] =	ssyncset.done $0x0  }
0x18e: {  	[sflag:s28] =	ssyncadd.s32 $0xFFFFCE00  }
0x18f: {  	[spmem:s2] =	stream.indirect.scatter.add.f32 [tilespmem:s24], [sflag:$0x4], $0x80, s14, s21, $0xb8;
	[tilespmem:$0x1EC80] =	vst v63  }
0x190: {  	_ =	swait.ge [sflag:s19], $0x3200  }
0x191: {  	[sflag:s19] =	ssyncset.done $0x0  }
0x192: {  	[sflag:s19] =	ssyncadd.s32 $0xFFFFCE00  }
0x193: {  	_ =	swait.ge [sflag:s25], $0x3200  }
0x194: {  	[sflag:s25] =	ssyncset.done $0x0  }
0x195: {  	[sflag:s25] =	ssyncadd.s32 $0xFFFFCE00  }
0x196: {  	[spmem:s2] =	stream.indirect.scatter.add.f32 [tilespmem:s22], [sflag:$0x4], $0x80, s15, s21, $0xb8;
	[tilespmem:$0x1EC80] =	vst v63  }
0x197: {  	_ =	swait.ge [sflag:s19], $0x3200  }
0x198: {  	[sflag:s19] =	ssyncset.done $0x0  }
0x199: {  	[sflag:s19] =	ssyncadd.s32 $0xFFFFCE00  }
0x19a: {  	p5 =	sne.s32 s17, $0x600;
	_ =	swait.ge [sflag:s26], $0x3200  }
.Ltmp0:
0x19b: {  	[sflag:s26] =	ssyncset.done $0x0;
	(pc) =	sbr.rel @p5 .LBB2_2-.Ltmp0, $4  }
0x19c: {  	[sflag:s26] =	ssyncadd.s32 $0xFFFFCE00  }
0x19d: {  	[spmem:s2] =	stream.indirect.scatter.add.f32 [tilespmem:s23], [sflag:$0x4], $0x80, s16, s21, $0xb8;
	[tilespmem:$0x1EC80] =	vst v63  }
0x19e: {  	_ =	swait.ge [sflag:s19], $0x3200  }
0x19f: {  	s17 =	sadd.s32 $0x180, s17;
	s18 =	rddreg [dreg:$0x5];
	[sflag:s19] =	ssyncset.done $0x0  }
0x1a0: {  	[sflag:s19] =	ssyncadd.s32 $0xFFFFCE00;
	s6 =	sadd.s32 s8, s18  }
0x1a1: {  	[tilespmem:s4], [sflag:$0x4] =	stream.linear.gather [hbm4b:s6+s4], $0xA00, $0x38;
	[tilespmem:$0x1EC80] =	vst v63  }
0x1a2: {  	_ =	swait.ge [sflag:s19], $0xA00  }
0x1a3: {  	s18 =	rddreg [dreg:$0x4];
	[sflag:s19] =	ssyncset.done $0x0  }
0x1a4: {  	[sflag:s19] =	ssyncadd.s32 $0xFFFFF600;
	s6 =	sadd.s32 s8, s18  }
0x1a5: {  	[tilespmem:s20], [sflag:$0x4] =	stream.linear.gather [hbm4b:s6+s4], $0xA00, $0x38;
	[tilespmem:$0x1EC80] =	vst v63  }
0x1a6: {  	_ =	swait.ge [sflag:s19], $0xA00  }
0x1a7: {  	[sflag:s19] =	ssyncset.done $0x0  }
0x1a8: {  	[sflag:s19] =	ssyncadd.s32 $0xFFFFF600  }
0x1a9: {  	[tilespmem:s22], [sflag:$0x1] =	stream.indirect.gather [hbm4b:s5+s21], $0x80, s4, s21, $0xb8;
	[tilespmem:$0x1EC80] =	vst v63  }
0x1aa: {  	s17 =	rddreg [dreg:$0x6]  }
0x1ab: {  	[tilespmem:s23], [sflag:$0x2] =	stream.indirect.gather [hbm4b:s5+s21], $0x80, s17, s21, $0xb8;
	[tilespmem:$0x1EC80] =	vst v63  }
0x1ac: {  	s18 =	rddreg [dreg:$0x7]  }
0x1ad: {  	[tilespmem:s24], [sflag:$0x3] =	stream.indirect.gather [hbm4b:s5+s21], $0x80, s18, s21, $0xb8;
	[tilespmem:$0x1EC80] =	vst v63  }
0x1ae: {  	_ =	swait.ge [sflag:s25], $0x3200  }
0x1af: {  	[sflag:s25] =	ssyncset.done $0x0  }
0x1b0: {  	[sflag:s25] =	ssyncadd.s32 $0xFFFFCE00  }
0x1b1: {  	[spmem:s2] =	stream.indirect.scatter.add.f32 [tilespmem:s22], [sflag:$0x4], $0x80, s20, s21, $0xb8;
	[tilespmem:$0x1EC80] =	vst v63  }
0x1b2: {  	_ =	swait.ge [sflag:s19], $0x3200  }
0x1b3: {  	[sflag:s19] =	ssyncset.done $0x0  }
0x1b4: {  	s8 =	rddreg [dreg:$0x8];
	[sflag:s19] =	ssyncadd.s32 $0xFFFFCE00  }
0x1b5: {  	[tilespmem:s22], [sflag:$0x1] =	stream.indirect.gather [hbm4b:s5+s21], $0x80, s8, s21, $0xb8;
	[tilespmem:$0x1EC80] =	vst v63  }
0x1b6: {  	_ =	swait.ge [sflag:s26], $0x3200  }
0x1b7: {  	[sflag:s26] =	ssyncset.done $0x0  }
0x1b8: {  	s17 =	rddreg [dreg:$0x9];
	[sflag:s26] =	ssyncadd.s32 $0xFFFFCE00  }
0x1b9: {  	[spmem:s2] =	stream.indirect.scatter.add.f32 [tilespmem:s23], [sflag:$0x4], $0x80, s17, s21, $0xb8;
	[tilespmem:$0x1EC80] =	vst v63  }
0x1ba: {  	_ =	swait.ge [sflag:s19], $0x3200  }
0x1bb: {  	[sflag:s19] =	ssyncset.done $0x0  }
0x1bc: {  	s18 =	rddreg [dreg:$0xa];
	[sflag:s19] =	ssyncadd.s32 $0xFFFFCE00  }
0x1bd: {  	[tilespmem:s23], [sflag:$0x2] =	stream.indirect.gather [hbm4b:s5+s21], $0x80, s18, s21, $0xb8;
	[tilespmem:$0x1EC80] =	vst v63  }
0x1be: {  	_ =	swait.ge [sflag:s28], $0x3200  }
0x1bf: {  	[sflag:s28] =	ssyncset.done $0x0  }
0x1c0: {  	s8 =	rddreg [dreg:$0xb];
	[sflag:s28] =	ssyncadd.s32 $0xFFFFCE00  }
0x1c1: {  	[spmem:s2] =	stream.indirect.scatter.add.f32 [tilespmem:s24], [sflag:$0x4], $0x80, s8, s21, $0xb8;
	[tilespmem:$0x1EC80] =	vst v63  }
0x1c2: {  	_ =	swait.ge [sflag:s19], $0x3200  }
0x1c3: {  	[sflag:s19] =	ssyncset.done $0x0  }
0x1c4: {  	s17 =	rddreg [dreg:$0xc];
	[sflag:s19] =	ssyncadd.s32 $0xFFFFCE00  }
0x1c5: {  	[tilespmem:s24], [sflag:$0x3] =	stream.indirect.gather [hbm4b:s5+s21], $0x80, s17, s21, $0xb8;
	[tilespmem:$0x1EC80] =	vst v63  }
0x1c6: {  	_ =	swait.ge [sflag:s25], $0x3200  }
0x1c7: {  	[sflag:s25] =	ssyncset.done $0x0  }
0x1c8: {  	s18 =	rddreg [dreg:$0xd];
	[sflag:s25] =	ssyncadd.s32 $0xFFFFCE00  }
0x1c9: {  	[spmem:s2] =	stream.indirect.scatter.add.f32 [tilespmem:s22], [sflag:$0x4], $0x80, s18, s21, $0xb8;
	[tilespmem:$0x1EC80] =	vst v63  }
0x1ca: {  	_ =	swait.ge [sflag:s19], $0x3200  }
0x1cb: {  	[sflag:s19] =	ssyncset.done $0x0  }
0x1cc: {  	s8 =	rddreg [dreg:$0xe];
	[sflag:s19] =	ssyncadd.s32 $0xFFFFCE00  }
0x1cd: {  	[tilespmem:s22], [sflag:$0x1] =	stream.indirect.gather [hbm4b:s5+s21], $0x80, s8, s21, $0xb8;
	[tilespmem:$0x1EC80] =	vst v63  }
0x1ce: {  	_ =	swait.ge [sflag:s26], $0x3200  }
0x1cf: {  	[sflag:s26] =	ssyncset.done $0x0  }
0x1d0: {  	s17 =	rddreg [dreg:$0xf];
	[sflag:s26] =	ssyncadd.s32 $0xFFFFCE00  }
0x1d1: {  	[spmem:s2] =	stream.indirect.scatter.add.f32 [tilespmem:s23], [sflag:$0x4], $0x80, s17, s21, $0xb8;
	[tilespmem:$0x1EC80] =	vst v63  }
0x1d2: {  	_ =	swait.ge [sflag:s19], $0x3200  }
0x1d3: {  	[sflag:s19] =	ssyncset.done $0x0  }
0x1d4: {  	s18 =	rddreg [dreg:$0x10];
	[sflag:s19] =	ssyncadd.s32 $0xFFFFCE00  }
0x1d5: {  	[tilespmem:s23], [sflag:$0x2] =	stream.indirect.gather [hbm4b:s5+s21], $0x80, s18, s21, $0xb8;
	[tilespmem:$0x1EC80] =	vst v63  }
0x1d6: {  	_ =	swait.ge [sflag:s28], $0x3200  }
0x1d7: {  	[sflag:s28] =	ssyncset.done $0x0  }
0x1d8: {  	s8 =	rddreg [dreg:$0x11];
	[sflag:s28] =	ssyncadd.s32 $0xFFFFCE00  }
0x1d9: {  	[spmem:s2] =	stream.indirect.scatter.add.f32 [tilespmem:s24], [sflag:$0x4], $0x80, s8, s21, $0xb8;
	[tilespmem:$0x1EC80] =	vst v63  }
0x1da: {  	_ =	swait.ge [sflag:s19], $0x3200  }
0x1db: {  	[sflag:s19] =	ssyncset.done $0x0  }
0x1dc: {  	s17 =	rddreg [dreg:$0x12];
	[sflag:s19] =	ssyncadd.s32 $0xFFFFCE00  }
0x1dd: {  	[tilespmem:s24], [sflag:$0x3] =	stream.indirect.gather [hbm4b:s5+s21], $0x80, s17, s21, $0xb8;
	[tilespmem:$0x1EC80] =	vst v63  }
0x1de: {  	_ =	swait.ge [sflag:s25], $0x3200  }
0x1df: {  	[sflag:s25] =	ssyncset.done $0x0  }
0x1e0: {  	s18 =	rddreg [dreg:$0x13];
	[sflag:s25] =	ssyncadd.s32 $0xFFFFCE00  }
0x1e1: {  	[spmem:s2] =	stream.indirect.scatter.add.f32 [tilespmem:s22], [sflag:$0x4], $0x80, s18, s21, $0xb8;
	[tilespmem:$0x1EC80] =	vst v63  }
0x1e2: {  	_ =	swait.ge [sflag:s19], $0x3200  }
0x1e3: {  	[sflag:s19] =	ssyncset.done $0x0  }
0x1e4: {  	s8 =	rddreg [dreg:$0x14];
	[sflag:s19] =	ssyncadd.s32 $0xFFFFCE00  }
0x1e5: {  	[tilespmem:s22], [sflag:$0x1] =	stream.indirect.gather [hbm4b:s5+s21], $0x80, s8, s21, $0xb8;
	[tilespmem:$0x1EC80] =	vst v63  }
0x1e6: {  	_ =	swait.ge [sflag:s26], $0x3200  }
0x1e7: {  	[sflag:s26] =	ssyncset.done $0x0  }
0x1e8: {  	s17 =	rddreg [dreg:$0x15];
	[sflag:s26] =	ssyncadd.s32 $0xFFFFCE00  }
0x1e9: {  	[spmem:s2] =	stream.indirect.scatter.add.f32 [tilespmem:s23], [sflag:$0x4], $0x80, s17, s21, $0xb8;
	[tilespmem:$0x1EC80] =	vst v63  }
0x1ea: {  	_ =	swait.ge [sflag:s19], $0x3200  }
0x1eb: {  	[sflag:s19] =	ssyncset.done $0x0  }
0x1ec: {  	s18 =	rddreg [dreg:$0x16];
	[sflag:s19] =	ssyncadd.s32 $0xFFFFCE00  }
0x1ed: {  	[tilespmem:s23], [sflag:$0x2] =	stream.indirect.gather [hbm4b:s5+s21], $0x80, s18, s21, $0xb8;
	[tilespmem:$0x1EC80] =	vst v63  }
0x1ee: {  	_ =	swait.ge [sflag:s28], $0x3200  }
0x1ef: {  	[sflag:s28] =	ssyncset.done $0x0  }
0x1f0: {  	s8 =	rddreg [dreg:$0x17];
	[sflag:s28] =	ssyncadd.s32 $0xFFFFCE00  }
0x1f1: {  	[spmem:s2] =	stream.indirect.scatter.add.f32 [tilespmem:s24], [sflag:$0x4], $0x80, s8, s21, $0xb8;
	[tilespmem:$0x1EC80] =	vst v63  }
0x1f2: {  	_ =	swait.ge [sflag:s19], $0x3200  }
0x1f3: {  	[sflag:s19] =	ssyncset.done $0x0  }
0x1f4: {  	s17 =	rddreg [dreg:$0x18];
	[sflag:s19] =	ssyncadd.s32 $0xFFFFCE00  }
0x1f5: {  	[tilespmem:s24], [sflag:$0x3] =	stream.indirect.gather [hbm4b:s5+s21], $0x80, s17, s21, $0xb8;
	[tilespmem:$0x1EC80] =	vst v63  }
0x1f6: {  	_ =	swait.ge [sflag:s25], $0x3200  }
0x1f7: {  	[sflag:s25] =	ssyncset.done $0x0  }
0x1f8: {  	s18 =	rddreg [dreg:$0x19];
	[sflag:s25] =	ssyncadd.s32 $0xFFFFCE00  }
0x1f9: {  	[spmem:s2] =	stream.indirect.scatter.add.f32 [tilespmem:s22], [sflag:$0x4], $0x80, s18, s21, $0xb8;
	[tilespmem:$0x1EC80] =	vst v63  }
0x1fa: {  	_ =	swait.ge [sflag:s19], $0x3200  }
0x1fb: {  	[sflag:s19] =	ssyncset.done $0x0  }
0x1fc: {  	s8 =	rddreg [dreg:$0x1a];
	[sflag:s19] =	ssyncadd.s32 $0xFFFFCE00  }
0x1fd: {  	[tilespmem:s22], [sflag:$0x1] =	stream.indirect.gather [hbm4b:s5+s21], $0x80, s8, s21, $0xb8;
	[tilespmem:$0x1EC80] =	vst v63  }
0x1fe: {  	_ =	swait.ge [sflag:s26], $0x3200  }
0x1ff: {  	[sflag:s26] =	ssyncset.done $0x0  }
0x200: {  	s17 =	rddreg [dreg:$0x1b];
	[sflag:s26] =	ssyncadd.s32 $0xFFFFCE00  }
0x201: {  	[spmem:s2] =	stream.indirect.scatter.add.f32 [tilespmem:s23], [sflag:$0x4], $0x80, s17, s21, $0xb8;
	[tilespmem:$0x1EC80] =	vst v63  }
0x202: {  	_ =	swait.ge [sflag:s19], $0x3200  }
0x203: {  	[sflag:s19] =	ssyncset.done $0x0  }
0x204: {  	s18 =	rddreg [dreg:$0x1c];
	[sflag:s19] =	ssyncadd.s32 $0xFFFFCE00  }
0x205: {  	[tilespmem:s23], [sflag:$0x2] =	stream.indirect.gather [hbm4b:s5+s21], $0x80, s18, s21, $0xb8;
	[tilespmem:$0x1EC80] =	vst v63  }
0x206: {  	_ =	swait.ge [sflag:s28], $0x3200  }
0x207: {  	[sflag:s28] =	ssyncset.done $0x0  }
0x208: {  	[sflag:s28] =	ssyncadd.s32 $0xFFFFCE00  }
0x209: {  	[spmem:s2] =	stream.indirect.scatter.add.f32 [tilespmem:s24], [sflag:$0x4], $0x80, s29, s21, $0xb8;
	[tilespmem:$0x1EC80] =	vst v63  }
0x20a: {  	_ =	swait.ge [sflag:s19], $0x3200  }
0x20b: {  	[sflag:s19] =	ssyncset.done $0x0  }
0x20c: {  	[sflag:s19] =	ssyncadd.s32 $0xFFFFCE00  }
0x20d: {  	[tilespmem:s24], [sflag:$0x3] =	stream.indirect.gather [hbm4b:s5+s21], $0x80, s30, s21, $0xb8;
	[tilespmem:$0x1EC80] =	vst v63  }
0x20e: {  	_ =	swait.ge [sflag:s25], $0x3200  }
0x20f: {  	[sflag:s25] =	ssyncset.done $0x0  }
0x210: {  	[sflag:s25] =	ssyncadd.s32 $0xFFFFCE00  }
0x211: {  	[spmem:s2] =	stream.indirect.scatter.add.f32 [tilespmem:s22], [sflag:$0x4], $0x80, s31, s21, $0xb8;
	[tilespmem:$0x1EC80] =	vst v63  }
0x212: {  	_ =	swait.ge [sflag:s19], $0x3200  }
0x213: {  	[sflag:s19] =	ssyncset.done $0x0  }
0x214: {  	[sflag:s19] =	ssyncadd.s32 $0xFFFFCE00  }
0x215: {  	[tilespmem:s22], [sflag:$0x1] =	stream.indirect.gather [hbm4b:s5+s21], $0x80, s0, s21, $0xb8;
	[tilespmem:$0x1EC80] =	vst v63  }
0x216: {  	_ =	swait.ge [sflag:s26], $0x3200  }
0x217: {  	[sflag:s26] =	ssyncset.done $0x0  }
0x218: {  	[sflag:s26] =	ssyncadd.s32 $0xFFFFCE00  }
0x219: {  	[spmem:s2] =	stream.indirect.scatter.add.f32 [tilespmem:s23], [sflag:$0x4], $0x80, s3, s21, $0xb8;
	[tilespmem:$0x1EC80] =	vst v63  }
0x21a: {  	_ =	swait.ge [sflag:s19], $0x3200  }
0x21b: {  	[sflag:s19] =	ssyncset.done $0x0  }
0x21c: {  	[sflag:s19] =	ssyncadd.s32 $0xFFFFCE00  }
0x21d: {  	[tilespmem:s23], [sflag:$0x2] =	stream.indirect.gather [hbm4b:s5+s21], $0x80, s1, s21, $0xb8;
	[tilespmem:$0x1EC80] =	vst v63  }
0x21e: {  	_ =	swait.ge [sflag:s28], $0x3200  }
0x21f: {  	[sflag:s28] =	ssyncset.done $0x0  }
0x220: {  	[sflag:s28] =	ssyncadd.s32 $0xFFFFCE00  }
0x221: {  	[spmem:s2] =	stream.indirect.scatter.add.f32 [tilespmem:s24], [sflag:$0x4], $0x80, s7, s21, $0xb8;
	[tilespmem:$0x1EC80] =	vst v63  }
0x222: {  	_ =	swait.ge [sflag:s19], $0x3200  }
0x223: {  	[sflag:s19] =	ssyncset.done $0x0  }
0x224: {  	[sflag:s19] =	ssyncadd.s32 $0xFFFFCE00  }
0x225: {  	[tilespmem:s24], [sflag:$0x3] =	stream.indirect.gather [hbm4b:s5+s21], $0x80, s9, s21, $0xb8;
	[tilespmem:$0x1EC80] =	vst v63  }
0x226: {  	_ =	swait.ge [sflag:s25], $0x3200  }
0x227: {  	[sflag:s25] =	ssyncset.done $0x0  }
0x228: {  	[sflag:s25] =	ssyncadd.s32 $0xFFFFCE00  }
0x229: {  	[spmem:s2] =	stream.indirect.scatter.add.f32 [tilespmem:s22], [sflag:$0x4], $0x80, s10, s21, $0xb8;
	[tilespmem:$0x1EC80] =	vst v63  }
0x22a: {  	_ =	swait.ge [sflag:s19], $0x3200  }
0x22b: {  	[sflag:s19] =	ssyncset.done $0x0  }
0x22c: {  	[sflag:s19] =	ssyncadd.s32 $0xFFFFCE00  }
0x22d: {  	[tilespmem:s22], [sflag:$0x1] =	stream.indirect.gather [hbm4b:s5+s21], $0x80, s11, s21, $0xb8;
	[tilespmem:$0x1EC80] =	vst v63  }
0x22e: {  	_ =	swait.ge [sflag:s26], $0x3200  }
0x22f: {  	[sflag:s26] =	ssyncset.done $0x0  }
0x230: {  	[sflag:s26] =	ssyncadd.s32 $0xFFFFCE00  }
0x231: {  	[spmem:s2] =	stream.indirect.scatter.add.f32 [tilespmem:s23], [sflag:$0x4], $0x80, s12, s21, $0xb8;
	[tilespmem:$0x1EC80] =	vst v63  }
0x232: {  	_ =	swait.ge [sflag:s19], $0x3200  }
0x233: {  	[sflag:s19] =	ssyncset.done $0x0  }
0x234: {  	[sflag:s19] =	ssyncadd.s32 $0xFFFFCE00  }
0x235: {  	[tilespmem:s23], [sflag:$0x2] =	stream.indirect.gather [hbm4b:s5+s21], $0x80, s13, s21, $0xb8;
	[tilespmem:$0x1EC80] =	vst v63  }
0x236: {  	_ =	swait.ge [sflag:s28], $0x3200  }
0x237: {  	[sflag:s28] =	ssyncset.done $0x0  }
0x238: {  	[sflag:s28] =	ssyncadd.s32 $0xFFFFCE00  }
0x239: {  	[spmem:s2] =	stream.indirect.scatter.add.f32 [tilespmem:s24], [sflag:$0x4], $0x80, s14, s21, $0xb8;
	[tilespmem:$0x1EC80] =	vst v63  }
0x23a: {  	_ =	swait.ge [sflag:s19], $0x3200  }
0x23b: {  	[sflag:s19] =	ssyncset.done $0x0  }
0x23c: {  	[sflag:s19] =	ssyncadd.s32 $0xFFFFCE00  }
0x23d: {  	_ =	swait.ge [sflag:s25], $0x3200  }
0x23e: {  	[sflag:s25] =	ssyncset.done $0x0  }
0x23f: {  	[sflag:s25] =	ssyncadd.s32 $0xFFFFCE00  }
0x240: {  	[spmem:s2] =	stream.indirect.scatter.add.f32 [tilespmem:s22], [sflag:$0x4], $0x80, s15, s21, $0xb8;
	[tilespmem:$0x1EC80] =	vst v63  }
0x241: {  	_ =	swait.ge [sflag:s19], $0x3200  }
0x242: {  	[sflag:s19] =	ssyncset.done $0x0  }
0x243: {  	[sflag:s19] =	ssyncadd.s32 $0xFFFFCE00  }
0x244: {  	_ =	swait.ge [sflag:s26], $0x3200  }
0x245: {  	[sflag:s26] =	ssyncset.done $0x0  }
0x246: {  	[sflag:s26] =	ssyncadd.s32 $0xFFFFCE00  }
0x247: {  	[spmem:s2] =	stream.indirect.scatter.add.f32 [tilespmem:s23], [sflag:$0x4], $0x80, s16, s21, $0xb8;
	[tilespmem:$0x1EC80] =	vst v63  }
0x248: {  	_ =	swait.ge [sflag:s19], $0x3200  }
0x249: {  	[sflag:s19] =	ssyncset.done $0x0  }
0x24a: {  	[sflag:s19] =	ssyncadd.s32 $0xFFFFCE00  }
0x24b: {  	[bflag:$0x0] =	sbarrier.arrive $0xFFFF  }
0x24c: {  	s17 =	sld [smem:$0x7F6]  }
0x24d: {  	s6 =	rddreg [dreg:$0x1f]  }
0x24e: {  	s8 =	simm.s32 @p4 $0x1FC4;
	s6 =	sshrl.u32 @p4 s6, $0x3  }
0x24f: {  	[hbm:s17], [sflag:s8] =	dma.local @p4 [spmem:s6], $0x280  }
0x250: {  	s6 =	simm.s32 @p4 $0x4  }
0x251: {  	s8 =	stileid.u32;
	_ =	swait.ge @p4 [sflag:s6], $0x280  }
0x252: {  	s8 =	sshll.u32 @!p4 s8, $0x6;
	[sflag:s6] =	ssyncset.done @p4 $0x0;
	s17 =	sld [smem:$0x7F5]  }
0x253: {  	[sflag:s6] =	ssyncadd.s32 @p4 $0xFFFFFD80;
	s6 =	sor.u32 @!p4 $0x1C04, s8;
	s8 =	rddreg [dreg:$0x1d]  }
0x254: {  	s8 =	sshrl.u32 @!p4 s8, $0x3  }
0x255: {  	[hbm:s17], [sflag:s6] =	dma.local @!p4 [spmem:s8], $0x2980  }
0x256: {  	s6 =	simm.s32 @!p4 $0x4  }
0x257: {  	_ =	swait.ge @!p4 [sflag:s6], $0x2980  }
0x258: {  	s8 =	sld [smem:$0x7F3]  }
0x259: {  	s18 =	sld [smem:$0x7F7];
	_ =	sdelay $0x1  }
0x25a: {  	s17 =	sadd.s32 $0x1, s8  }
0x25b: {  	p5 =	sne.s32 s17, s18  }
.Ltmp1:
0x25c: {  	_ = 	snop;
	(pc) =	sbr.rel @p5 .LBB2_1-.Ltmp1, $3  }
0x25d: {  	_ =	sdelay $0x1  }
0x25e: {  	[sflag:s6] =	ssyncset.done @!p4 $0x0  }
0x25f: {  	[sflag:s6] =	ssyncadd.s32 @!p4 $0xFFFFD680  }
0x260: {  	_ =	sfence.sel $0x180000  }
0x261: {  	[bflag:$0x0] =	sbarrier.arrive $0xFFFF  }
0x262: {  	_ =	strace $0x9000004D  }
0x263: {  	s0 =	stileid.u32;
	[bflag:$0x2] =	sbarrier.arrive $0xFFFF  }
0x264: {  	p0 =	sne.s32 s0, $0x0;
	s0 =	rddreg [dreg:$0x3]  }
0x265: {  	s0 =	sadd.s32 @!p0 $0x100000, s0  }
0x266: {  	[sflag:s0] =	ssyncadd.tile.s32 @!p0 $0x1;
	_ =	shalt  }
.Lfunc_end2:
_tile_overlayer_lowered:
.L_overlay_start_2:
0x267: {  	(tag) =	ssettag $0x2  }
0x268: {  	s0 =	rddreg [dreg:$0x0];
	s2 =	stileid.u32  }
0x269: {  	s1 =	rddreg [dreg:$0x1];
	p0 =	sne.s32 s2, $0x0  }
0x26a: {  	s3 =	rddreg [dreg:$0x2];
	[bflag:$0x3] =	sbarrier.arrive $0xFFFF;
	s2 =	simm.s32 @!p0 $0x1C04  }
0x26b: {  	[timem:s3], [sflag:s2] =	dma.local @!p0 [hbm:s0], s1  }
0x26c: {  	s0 =	simm.s32 @!p0 $0x4  }
0x26d: {  	_ =	swait.ge @!p0 [sflag:s0], s1  }
0x26e: {  	s1 =	ssub.s32 @!p0 $0x0, s1;
	[sflag:s0] =	ssyncset.done @!p0 $0x0  }
0x26f: {  	[sflag:s0] =	ssyncadd.s32 @!p0 s1  }
0x270: {  	[bflag:$0x3] =	sbarrier.arrive $0xFFFF  }
0x271: {  	_ =	shalt  }

// kernel: kernel.9.cloned.1.call-start
scs
__scs_entry_jumppad:
0x0: {  	(pc) =	sbr.rel $0x88, $3  }
0x1: {  	(tag) =	ssettag $0x0;
	lr =	simm.s32 $0x1  }
0x2: {  	[smem:$0x3F95] =	sst lr;
	_ =	strace $0xD0000000  }
0x3: {  	_ = 	snop  }
0x4: {  	_ = 	snop  }
0x5: {  	_ = 	snop  }
0x6: {  	_ = 	snop  }
0x7: {  	_ = 	snop  }
__scs_overlays_trampoline_lowered:
0x8: {  	[smem:$0x3FA4] =	sst s0  }
0x9: {  	[smem:$0x3FA5] =	sst s1  }
0xa: {  	[smem:$0x3FA6] =	sst s2  }
0xb: {  	[smem:$0x3FA7] =	sst s3  }
0xc: {  	[smem:$0x3FA8] =	sst s4  }
0xd: {  	[smem:$0x3FA9] =	sst s5  }
0xe: {  	[smem:$0x3FAA] =	sst s6  }
0xf: {  	[smem:$0x3FAB] =	sst s7  }
0x10: {  	[smem:$0x3FAC] =	sst s8  }
0x11: {  	[smem:$0x3FAD] =	sst s9;
	s0 =	simm.s32 @!p0 $0x0  }
0x12: {  	s1 =	sld [smem:$0x3F93];
	s0 =	simm.s32 @p0 $0x1  }
0x13: {  	[smem:$0x3FAE] =	sst s0;
	s0 =	simm.s32 @!p1 $0x0  }
0x14: {  	s2 =	sld [smem:$0x3F92];
	s0 =	simm.s32 @p1 $0x1  }
0x15: {  	[smem:$0x3FAF] =	sst s0;
	s0 =	simm.s32 @!p2 $0x0  }
0x16: {  	s3 =	sld [smem:$0x3FDB];
	s0 =	simm.s32 @p2 $0x1  }
0x17: {  	s4 =	simm.s32 $0x1BF5;
	[smem:$0x3FB1] =	sst s0  }
0x18: {  	s0 =	sld [smem:$0x3F94];
	_ =	swait.ge [sflag:s4], $0x0  }
0x19: {  	s7 =	sld [smem:$0x3F95]  }
0x1a: {  	s8 =	sadd.s32 $0xFFFFE003, lr  }
0x1b: {  	s9 =	sadd.s32 $0xFFFFFEF7, lr;
	s5 =	simm.s32 $0xFFFFFFFF;
	p2 =	slt.u32 s8, $0xFFFFF086  }
0x1c: {  	p1 =	slt.u32 s9, $0xF7A;
	s5 =	simm.s32 @!p2 $0x0  }
0x1d: {  	s5 =	simm.s32 @p1 $0x1;
	p0 =	seq.s32 s7, s2  }
0x1e: {  	s7 =	smul.u32 @!p0 $0xF7A, s2;
	p2 =	seq.s32 @!p0 s5, $0x0  }
0x1f: {  	s9 =	smul.u32 $0xF7A, s1;
	s8 =	simm.s32 @!p0 $0x1BF5;
	p2 =	por !p2, p0  }
0x20: {  	[sflag:s8] =	ssyncset.s32 @!p0 $0xFFFFF086;
	s6 =	sadd.s32 @!p0 s3, s7;
	s7 =	simm.s32 @!p0 $0x108  }
0x21: {  	s3 =	sadd.s32 s3, s9;
	s6 =	sadd.s32 @!p0 $0x88, s6;
	s7 =	simm.s32 @p2 $0x1082  }
0x22: {  	[simem:s7], [sflag:s8] =	dma.local @!p0 [hbm:s6], $0xF7A  }
0x23: {  	s9 =	sor.u32 $0xD0000000, s2;
	s6 =	simm.s32 $0x108;
	_ =	swait.ge @!p0 [sflag:s8], $0x0  }
0x24: {  	s3 =	sadd.s32 $0x88, s3;
	s6 =	simm.s32 @!p1 $0x1082;
	[sflag:s4] =	ssyncset.s32 $0xFFFFF086  }
0x25: {  	[simem:s6], [sflag:s4] =	dma.local [hbm:s3], $0xF7A  }
0x26: {  	[smem:$0x3F95] =	sst s1;
	(tag) =	ssettag s2;
	_ =	strace s9  }
0x27: {  	s1 =	sld [smem:$0x3FA5]  }
0x28: {  	s2 =	sld [smem:$0x3FA6]  }
0x29: {  	s4 =	sld [smem:$0x3FA8]  }
0x2a: {  	p0 =	seq.s32 s5, $0x0;
	s5 =	sld [smem:$0x3FA9]  }
0x2b: {  	s6 =	sld [smem:$0x3FAA]  }
0x2c: {  	s7 =	sld [smem:$0x3FAB]  }
0x2d: {  	s3 =	simm.s32 $0x108;
	s8 =	sld [smem:$0x3FAC]  }
0x2e: {  	s3 =	simm.s32 @!p0 $0x1082;
	s9 =	sld [smem:$0x3FAD]  }
0x2f: {  	lr =	sadd.s32 s0, s3;
	s0 =	sld [smem:$0x3FA4]  }
0x30: {  	s3 =	sld [smem:$0x3FA7]  }
0x31: {  	[smem:$0x3FB0] =	sst s10  }
0x32: {  	s10 =	sld [smem:$0x3FAE];
	_ =	sdelay $0x3  }
0x33: {  	p0 =	seq.s32 s10, $0x1;
	s10 =	sld [smem:$0x3FB0];
	_ =	sdelay $0x3  }
0x34: {  	[smem:$0x3FB0] =	sst s10  }
0x35: {  	s10 =	sld [smem:$0x3FAF];
	_ =	sdelay $0x3  }
0x36: {  	p1 =	seq.s32 s10, $0x1;
	s10 =	sld [smem:$0x3FB0];
	_ =	sdelay $0x3  }
0x37: {  	[smem:$0x3FB0] =	sst s10  }
0x38: {  	s10 =	sld [smem:$0x3FB1]  }
0x39: {  	_ = 	snop;
	(pc) =	sbr.ind lr, $3  }
0x3a: {  	_ = 	snop  }
0x3b: {  	_ = 	snop  }
0x3c: {  	p2 =	seq.s32 s10, $0x1;
	s10 =	sld [smem:$0x3FB0]  }
0x3d: {  	_ =	shalt  }
0x3e: {  	_ =	shalt  }
0x3f: {  	_ =	shalt  }
0x40: {  	_ =	shalt  }
0x41: {  	_ =	shalt  }
0x42: {  	_ =	shalt  }
0x43: {  	_ =	shalt  }
0x44: {  	_ =	shalt  }
0x45: {  	_ =	shalt  }
0x46: {  	_ =	shalt  }
0x47: {  	_ =	shalt  }
0x48: {  	_ =	shalt  }
0x49: {  	_ =	shalt  }
0x4a: {  	_ =	shalt  }
0x4b: {  	_ =	shalt  }
0x4c: {  	_ =	shalt  }
0x4d: {  	_ =	shalt  }
0x4e: {  	_ =	shalt  }
0x4f: {  	_ =	shalt  }
0x50: {  	_ =	shalt  }
0x51: {  	_ =	shalt  }
0x52: {  	_ =	shalt  }
0x53: {  	_ =	shalt  }
0x54: {  	_ =	shalt  }
0x55: {  	_ =	shalt  }
0x56: {  	_ =	shalt  }
0x57: {  	_ =	shalt  }
0x58: {  	_ =	shalt  }
0x59: {  	_ =	shalt  }
0x5a: {  	_ =	shalt  }
0x5b: {  	_ =	shalt  }
0x5c: {  	_ =	shalt  }
0x5d: {  	_ =	shalt  }
0x5e: {  	_ =	shalt  }
0x5f: {  	_ =	shalt  }
0x60: {  	_ =	shalt  }
0x61: {  	_ =	shalt  }
0x62: {  	_ =	shalt  }
0x63: {  	_ =	shalt  }
0x64: {  	_ =	shalt  }
0x65: {  	_ =	shalt  }
0x66: {  	_ =	shalt  }
0x67: {  	_ =	shalt  }
0x68: {  	_ =	shalt  }
0x69: {  	_ =	shalt  }
0x6a: {  	_ =	shalt  }
0x6b: {  	_ =	shalt  }
0x6c: {  	_ =	shalt  }
0x6d: {  	_ =	shalt  }
0x6e: {  	_ =	shalt  }
0x6f: {  	_ =	shalt  }
0x70: {  	_ =	shalt  }
0x71: {  	_ =	shalt  }
0x72: {  	_ =	shalt  }
0x73: {  	_ =	shalt  }
0x74: {  	_ =	shalt  }
0x75: {  	_ =	shalt  }
0x76: {  	_ =	shalt  }
0x77: {  	_ =	shalt  }
0x78: {  	_ =	shalt  }
0x79: {  	_ =	shalt  }
0x7a: {  	_ =	shalt  }
0x7b: {  	_ =	shalt  }
0x7c: {  	_ =	shalt  }
0x7d: {  	_ =	shalt  }
0x7e: {  	_ =	shalt  }
0x7f: {  	_ =	shalt  }
0x80: {  	_ =	shalt  }
0x81: {  	_ =	shalt  }
0x82: {  	_ =	shalt  }
0x83: {  	_ =	shalt  }
0x84: {  	_ =	shalt  }
0x85: {  	_ =	shalt  }
0x86: {  	_ =	shalt  }
0x87: {  	_ =	shalt  }
.Lfunc_end0:
.L_simem_size_0:
called_computation_lowered:
.L_overlay_start_0:
0x88: {  	s2 =	sld [smem:$0x3FD9]  }
0x89: {  	s3 =	sld [smem:$0x3FFE];
	_ =	sdelay $0x1  }
0x8a: {  	s1 =	srdreg.scid  }
0x8b: {  	s0 =	sand.u32 $0x1, s1  }
0x8c: {  	s17 =	sshll.u32 s0, $0xA;
	s2 =	sadd.s32 s3, s2  }
0x8d: {  	s2 =	sadd.s32 s2, s17  }
0x8e: {  	[smem:$0x3FBC] =	sst s2  }
0x8f: {  	_ = 	snop  }
0x90: {  	s2 =	sld [smem:$0x3FD0];
	(tm) =	ssettm $0x1  }
0x91: {  	s18 =	sld [smem:$0x3FFB];
	_ =	sdelay $0x3  }
0x92: {  	_ =	strace s18  }
0x93: {  	s3 =	sld [smem:$0x3FFC];
	_ =	sdelay $0x3  }
0x94: {  	_ =	strace s3  }
0x95: {  	s3 =	sld [smem:$0x3FFD];
	_ =	sdelay $0x3  }
0x96: {  	_ =	strace s3  }
0x97: {  	_ =	strace $0x8FFFFFFF  }
0x98: {  	s19 =	sld [smem:$0x3FDB];
	_ =	sdelay $0x1  }
0x99: {  	s4 =	simm.s32 $_scs_section_size  }
0x9a: {  	s5 =	simm.s32 $_size__tile_overlayer_lowered;
	s6 =	simm.s32 $_tile_overlayer_lowered  }
0x9b: {  	s22 =	simm.s32 $0x1BFF;
	s21 =	sshll.u32 s6, $0x1;
	s3 =	sadd.s32 s4, s19  }
0x9c: {  	s7 =	simm.s32 $0x0;
	s20 =	sshll.u32 s5, $0x1;
	s5 =	sadd.s32 s21, s3  }
0x9d: {  	[timem:s7], [sflag:s22] =	dma.local [hbm:s5], s20  }
0x9e: {  	_ =	swait.ge [sflag:s22], s20  }
0x9f: {  	s4 =	ssub.s32 $0x0, s20;
	[sflag:s22] =	ssyncset.done $0x0  }
0xa0: {  	[sflag:s22] =	ssyncadd.s32 s4;
	_ =	sdelay $0x1  }
0xa1: {  	s23 =	simm.s32 $0x1B8B  }
0xa2: {  	_ =	swait.ge [sflag:s23], $0x1  }
0xa3: {  	[sflag:s23] =	ssyncset.done $0x0  }
0xa4: {  	s25 =	simm.s32 $0x1B8E;
	s24 =	sld [smem:$0x3FFE];
	[sflag:s23] =	ssyncadd.s32 $0xFFFFFFFF  }
0xa5: {  	s26 =	simm.s32 $execute0_lowered;
	[smem:$0x3FD2] =	sst s25  }
0xa6: {  	s5 =	sshll.u32 s26, $0x1;
	_ =	strace $0x80000046;
	[dreg:$0x1] =	wrdreg $0xFFFFFFFF  }
0xa7: {  	s28 =	simm.s32 $_size_execute0_lowered;
	s3 =	sadd.s32 s3, s5;
	[dreg:$0x0] =	wrdreg $0x0  }
0xa8: {  	s5 =	sshll.u32 s28, $0x1;
	[dreg:$0x2] =	wrdreg s3  }
0xa9: {  	[dreg:$0x3] =	wrdreg s5  }
0xaa: {  	[dreg:$0x4] =	wrdreg $0xC0  }
0xab: {  	_ =	task [dreg:s7], $0x5FFFF  }
0xac: {  	[dreg:$0x1] =	wrdreg $0xFFFFFFFF  }
0xad: {  	[dreg:$0x0] =	wrdreg $0x60  }
0xae: {  	[dreg:$0x2] =	wrdreg s24  }
0xaf: {  	[dreg:$0x3] =	wrdreg s2  }
0xb0: {  	[dreg:$0x4] =	wrdreg $0x40800  }
0xb1: {  	[dreg:$0x5] =	wrdreg $0x9  }
0xb2: {  	_ =	task.clear_ibuf [dreg:s7], $0x6FFFF;
	_ =	strace $0x90000046  }
0xb3: {  	s29 =	simm.s32 $0x9;
	_ =	strace $0x80000048  }
0xb4: {  	_ =	swait.ge [sflag:s29], $0x1  }
0xb5: {  	[sflag:s29] =	ssyncadd.s32 $0xFFFFFFFF  }
0xb6: {  	_ =	strace $0x90000048  }
0xb7: {  	_ =	sfence  }
0xb8: {  	s30 =	sld [smem:$0x0];
	_ =	sdelay $0x2  }
0xb9: {  	s31 =	sshll.u32 s1, $0xD;
	s1 =	sshrl.u32 s1, $0x2  }
0xba: {  	s3 =	sand.u32 $0x4000, s31;
	s1 =	sadd.s32 s1, s30  }
0xbb: {  	s0 =	sor.u32 s3, s0;
	s1 =	sshll.u32 s1, $0x11  }
0xbc: {  	s0 =	sor.u32 s1, s0  }
0xbd: {  	s0 =	sadd.s32 $0x8F2B, s0  }
0xbe: {  	[sflag:s0] =	ssyncadd.remote.s32 $0x1  }
0xbf: {  	_ =	sfence.sel $0xFFFF  }
0xc0: {  	[dreg:$0x0] =	wrdreg $0xFFFFFFFF;
	(pc) =	sbr.abs _section_cstart, $3  }
0xc1: {  	[dreg:$0x1] =	wrdreg $0xFFFFFFFF  }
0xc2: {  	_ =	task.clear_ibuf [dreg:s7], $0x2FFFF;
	_ =	strace $0x9FFFFFFF  }
0xc3: {  	(tm) =	ssettm $0x7FFFFFFF  }
tec
execute0_lowered:
.L_overlay_start_1:
0x0: {  	(tag) =	ssettag $0x1  }
0x1: {  	s5 =	rddreg [dreg:$0x0]  }
0x2: {  	s0 =	srdreg.scid;
	s7 =	rddreg [dreg:$0x1]  }
0x3: {  	s2 =	rddreg [dreg:$0x2];
	s3 =	simm.s32 $0x0;
	s14 =	simm.s32 $0x2400  }
0x4: {  	s16 =	simm.s32 $0x3000;
	s17 =	simm.s32 $0x2;
	s18 =	simm.s32 $0x64  }
0x5: {  	s19 =	simm.s32 $0x3C00;
	s4 =	sand.u32 $0x1, s0;
	s0 =	stileid.u32  }
0x6: {  	s20 =	simm.s32 $0x1;
	[smem:$0x7FF] =	sst s3;
	s8 =	smul.u32 $0xFA0, s0  }
0x7: {  	s1 =	sshll.u32 s4, $0x4;
	s9 =	ssub.s32 $0x2, s4;
	s10 =	smul.u32 $0x3E8, s0  }
0x8: {  	s12 =	smul.u32 $0x2710, s4;
	p0 =	sgt.u32 s0, $0x9;
	s6 =	sor.u32 s0, s1  }
0x9: {  	s1 =	rddreg [dreg:$0x3];
	s11 =	sshrl.u32 s9, $0x1;
	s6 =	smul.u32 $0x3C00, s6  }
0xa: {  	_ =	strace $0x80000047;
	s9 =	ssub.s32 s9, s11;
	s30 =	sshrl.u32 s8, $0x2  }
0xb: {  	s31 =	sadd.s32 s10, s12;
	s12 =	simm.s32 $0x1800;
	s6 =	sshrl.u32 s6, $0x3  }
0xc: {  	s4 =	sadd.s32 s30, s2;
	s8 =	sshrl.u32 s31, $0x3;
	s5 =	sadd.s32 s5, s6  }
0xd: {  	s7 =	sadd.s32 s7, s8;
	s8 =	smax.u32 s9, $0x1;
	s5 =	sadd.s32 $0x12400, s5  }
0xe: {  	s6 =	sadd.s32 s10, s2;
	s10 =	simm.s32 $0xC00;
	s9 =	sadd.s32 $0x180, s5  }
0xf: {  	v0 =	vimm.f32 $1.000000000e+00;
	v1 =	vimm.f32 $0.0e+00;
	s11 =	sadd.s32 $0x300, s5;
	s13 =	sadd.s32 $0x480, s5;
	s15 =	sadd.s32 $0x600, s5  }
.LBB2_1:
0x10: {  	[tilespmem:$0x3C00] =	vst v0  }
0x11: {  	[tilespmem:$0x3C10] =	vst v0  }
0x12: {  	[tilespmem:$0x3C20] =	vst v0  }
0x13: {  	[tilespmem:$0x3C30] =	vst v0  }
0x14: {  	[tilespmem:$0x3C40] =	vst v0  }
0x15: {  	[tilespmem:$0x3C50] =	vst v0  }
0x16: {  	[tilespmem:$0x3C60] =	vst v0  }
0x17: {  	[tilespmem:$0x3C70] =	vst v0;
	s21 =	simm.s32 $0x40;
	s22 =	simm.s32 $0x0  }
.LBB2_2:
0x18: {  	p1 =	sne.s32 s21, $0xFC0;
	[tilespmem:s22+$0x3C80] =	vst v1;
	s22 =	smov.u32 s21;
	s21 =	sadd.s32 $0x40, s21  }
.Ltmp0:
0x19: {  	(pc) =	sbr.rel @p1 .LBB2_2-.Ltmp0, $2  }
0x1a: {  	_ =	sdelay $0x2  }
0x1b: {  	s22 =	sshra.s32 s22, $0x2  }
0x1c: {  	[tilespmem:s22+$0x3C80] =	vst v1;
	s21 =	simm.s32 @!p0 $0x3C80  }
0x1d: {  	[spmem:s4] =	stream.linear.scatter @!p0 [tilespmem:s21], [sflag:$0x2], $0x3E8, $0x38;
	[tilespmem:$0x42F8] =	vst v63  }
0x1e: {  	s21 =	simm.s32 @!p0 $0x2  }
0x1f: {  	_ =	swait.ge @!p0 [sflag:s21], $0x3E8  }
0x20: {  	[sflag:s21] =	ssyncset.done @!p0 $0x0  }
0x21: {  	[sflag:s21] =	ssyncadd.s32 @!p0 $0xFFFFFC18  }
0x22: {  	s29 =	simm.s32 $0x0;
	[bflag:$0x0] =	sbarrier.arrive $0xFFFF  }
0x23: {  	[tilespmem:s29], [sflag:$0x2] =	stream.linear.gather [hbm4b:s5+s29], $0xA00, $0x38;
	[tilespmem:$0x42F8] =	vst v63  }
0x24: {  	_ = 	snop  }
0x25: {  	[tilespmem:s10], [sflag:$0x2] =	stream.linear.gather [hbm4b:s9+s29], $0xA00, $0x38;
	[tilespmem:$0x42F8] =	vst v63  }
0x26: {  	_ = 	snop  }
0x27: {  	[tilespmem:s12], [sflag:$0x2] =	stream.linear.gather [hbm4b:s11+s29], $0xA00, $0x38;
	[tilespmem:$0x42F8] =	vst v63  }
0x28: {  	_ = 	snop  }
0x29: {  	[tilespmem:s14], [sflag:$0x2] =	stream.linear.gather [hbm4b:s13+s29], $0xA00, $0x38;
	[tilespmem:$0x42F8] =	vst v63  }
0x2a: {  	_ = 	snop  }
0x2b: {  	[tilespmem:s16], [sflag:$0x2] =	stream.linear.gather [hbm4b:s15+s29], $0xA00, $0x38;
	[tilespmem:$0x42F8] =	vst v63  }
0x2c: {  	_ =	swait.ge [sflag:s17], $0x3200  }
0x2d: {  	[sflag:s17] =	ssyncset.done $0x0  }
0x2e: {  	s30 =	simm.s32 $0x0;
	[sflag:s17] =	ssyncadd.s32 $0xFFFFCE00  }
0x2f: {  	[spmem:s2] =	stream.indirect.scatter.add.f32 [tilespmem:s19], [sflag:$0x1], $0x1, s30, s18, $0xb8;
	[tilespmem:$0x42F8] =	vst v63  }
0x30: {  	s31 =	simm.s32 $0x80  }
0x31: {  	[spmem:s2] =	stream.indirect.scatter.add.f32 [tilespmem:s19], [sflag:$0x1], $0x1, s31, s18, $0xb8;
	[tilespmem:$0x42F8] =	vst v63  }
0x32: {  	s22 =	simm.s32 $0x100  }
0x33: {  	[spmem:s2] =	stream.indirect.scatter.add.f32 [tilespmem:s19], [sflag:$0x1], $0x1, s22, s18, $0xb8;
	[tilespmem:$0x42F8] =	vst v63  }
0x34: {  	s23 =	simm.s32 $0x180  }
0x35: {  	[spmem:s2] =	stream.indirect.scatter.add.f32 [tilespmem:s19], [sflag:$0x1], $0x1, s23, s18, $0xb8;
	[tilespmem:$0x42F8] =	vst v63  }
0x36: {  	s24 =	simm.s32 $0x200  }
0x37: {  	[spmem:s2] =	stream.indirect.scatter.add.f32 [tilespmem:s19], [sflag:$0x1], $0x1, s24, s18, $0xb8;
	[tilespmem:$0x42F8] =	vst v63  }
0x38: {  	s25 =	simm.s32 $0x280  }
0x39: {  	[spmem:s2] =	stream.indirect.scatter.add.f32 [tilespmem:s19], [sflag:$0x1], $0x1, s25, s18, $0xb8;
	[tilespmem:$0x42F8] =	vst v63  }
0x3a: {  	s26 =	simm.s32 $0x300  }
0x3b: {  	[spmem:s2] =	stream.indirect.scatter.add.f32 [tilespmem:s19], [sflag:$0x1], $0x1, s26, s18, $0xb8;
	[tilespmem:$0x42F8] =	vst v63  }
0x3c: {  	s28 =	simm.s32 $0x380  }
0x3d: {  	[spmem:s2] =	stream.indirect.scatter.add.f32 [tilespmem:s19], [sflag:$0x1], $0x1, s28, s18, $0xb8;
	[tilespmem:$0x42F8] =	vst v63  }
0x3e: {  	s29 =	simm.s32 $0x400  }
0x3f: {  	[spmem:s2] =	stream.indirect.scatter.add.f32 [tilespmem:s19], [sflag:$0x1], $0x1, s29, s18, $0xb8;
	[tilespmem:$0x42F8] =	vst v63  }
0x40: {  	s30 =	simm.s32 $0x480  }
0x41: {  	[spmem:s2] =	stream.indirect.scatter.add.f32 [tilespmem:s19], [sflag:$0x1], $0x1, s30, s18, $0xb8;
	[tilespmem:$0x42F8] =	vst v63  }
0x42: {  	s31 =	simm.s32 $0x500  }
0x43: {  	[spmem:s2] =	stream.indirect.scatter.add.f32 [tilespmem:s19], [sflag:$0x1], $0x1, s31, s18, $0xb8;
	[tilespmem:$0x42F8] =	vst v63  }
0x44: {  	s22 =	simm.s32 $0x580  }
0x45: {  	[spmem:s2] =	stream.indirect.scatter.add.f32 [tilespmem:s19], [sflag:$0x1], $0x1, s22, s18, $0xb8;
	[tilespmem:$0x42F8] =	vst v63  }
0x46: {  	s23 =	simm.s32 $0x600  }
0x47: {  	[spmem:s2] =	stream.indirect.scatter.add.f32 [tilespmem:s19], [sflag:$0x1], $0x1, s23, s18, $0xb8;
	[tilespmem:$0x42F8] =	vst v63  }
0x48: {  	s24 =	simm.s32 $0x680  }
0x49: {  	[spmem:s2] =	stream.indirect.scatter.add.f32 [tilespmem:s19], [sflag:$0x1], $0x1, s24, s18, $0xb8;
	[tilespmem:$0x42F8] =	vst v63  }
0x4a: {  	s25 =	simm.s32 $0x700  }
0x4b: {  	[spmem:s2] =	stream.indirect.scatter.add.f32 [tilespmem:s19], [sflag:$0x1], $0x1, s25, s18, $0xb8;
	[tilespmem:$0x42F8] =	vst v63  }
0x4c: {  	s26 =	simm.s32 $0x780  }
0x4d: {  	[spmem:s2] =	stream.indirect.scatter.add.f32 [tilespmem:s19], [sflag:$0x1], $0x1, s26, s18, $0xb8;
	[tilespmem:$0x42F8] =	vst v63  }
0x4e: {  	s28 =	simm.s32 $0x800  }
0x4f: {  	[spmem:s2] =	stream.indirect.scatter.add.f32 [tilespmem:s19], [sflag:$0x1], $0x1, s28, s18, $0xb8;
	[tilespmem:$0x42F8] =	vst v63  }
0x50: {  	s29 =	simm.s32 $0x880  }
0x51: {  	[spmem:s2] =	stream.indirect.scatter.add.f32 [tilespmem:s19], [sflag:$0x1], $0x1, s29, s18, $0xb8;
	[tilespmem:$0x42F8] =	vst v63  }
0x52: {  	s30 =	simm.s32 $0x900  }
0x53: {  	[spmem:s2] =	stream.indirect.scatter.add.f32 [tilespmem:s19], [sflag:$0x1], $0x1, s30, s18, $0xb8;
	[tilespmem:$0x42F8] =	vst v63  }
0x54: {  	s31 =	simm.s32 $0x980  }
0x55: {  	[spmem:s2] =	stream.indirect.scatter.add.f32 [tilespmem:s19], [sflag:$0x1], $0x1, s31, s18, $0xb8;
	[tilespmem:$0x42F8] =	vst v63  }
0x56: {  	_ =	swait.ge [sflag:s20], $0x64  }
0x57: {  	[sflag:s20] =	ssyncset.done $0x0  }
0x58: {  	[sflag:s20] =	ssyncadd.s32 $0xFFFFFF9C  }
0x59: {  	_ =	swait.ge [sflag:s20], $0x64  }
0x5a: {  	[sflag:s20] =	ssyncset.done $0x0  }
0x5b: {  	[sflag:s20] =	ssyncadd.s32 $0xFFFFFF9C  }
0x5c: {  	_ =	swait.ge [sflag:s20], $0x64  }
0x5d: {  	[sflag:s20] =	ssyncset.done $0x0  }
0x5e: {  	[sflag:s20] =	ssyncadd.s32 $0xFFFFFF9C  }
0x5f: {  	_ =	swait.ge [sflag:s20], $0x64  }
0x60: {  	[sflag:s20] =	ssyncset.done $0x0  }
0x61: {  	[sflag:s20] =	ssyncadd.s32 $0xFFFFFF9C  }
0x62: {  	_ =	swait.ge [sflag:s20], $0x64  }
0x63: {  	[sflag:s20] =	ssyncset.done $0x0  }
0x64: {  	[sflag:s20] =	ssyncadd.s32 $0xFFFFFF9C  }
0x65: {  	_ =	swait.ge [sflag:s20], $0x64  }
0x66: {  	[sflag:s20] =	ssyncset.done $0x0  }
0x67: {  	[sflag:s20] =	ssyncadd.s32 $0xFFFFFF9C  }
0x68: {  	_ =	swait.ge [sflag:s20], $0x64  }
0x69: {  	[sflag:s20] =	ssyncset.done $0x0  }
0x6a: {  	[sflag:s20] =	ssyncadd.s32 $0xFFFFFF9C  }
0x6b: {  	_ =	swait.ge [sflag:s20], $0x64  }
0x6c: {  	[sflag:s20] =	ssyncset.done $0x0  }
0x6d: {  	[sflag:s20] =	ssyncadd.s32 $0xFFFFFF9C  }
0x6e: {  	_ =	swait.ge [sflag:s20], $0x64  }
0x6f: {  	[sflag:s20] =	ssyncset.done $0x0  }
0x70: {  	[sflag:s20] =	ssyncadd.s32 $0xFFFFFF9C  }
0x71: {  	_ =	swait.ge [sflag:s20], $0x64  }
0x72: {  	[sflag:s20] =	ssyncset.done $0x0  }
0x73: {  	[sflag:s20] =	ssyncadd.s32 $0xFFFFFF9C  }
0x74: {  	_ =	swait.ge [sflag:s20], $0x64  }
0x75: {  	[sflag:s20] =	ssyncset.done $0x0  }
0x76: {  	[sflag:s20] =	ssyncadd.s32 $0xFFFFFF9C  }
0x77: {  	_ =	swait.ge [sflag:s20], $0x64  }
0x78: {  	[sflag:s20] =	ssyncset.done $0x0  }
0x79: {  	[sflag:s20] =	ssyncadd.s32 $0xFFFFFF9C  }
0x7a: {  	_ =	swait.ge [sflag:s20], $0x64  }
0x7b: {  	[sflag:s20] =	ssyncset.done $0x0  }
0x7c: {  	[sflag:s20] =	ssyncadd.s32 $0xFFFFFF9C  }
0x7d: {  	_ =	swait.ge [sflag:s20], $0x64  }
0x7e: {  	[sflag:s20] =	ssyncset.done $0x0  }
0x7f: {  	[sflag:s20] =	ssyncadd.s32 $0xFFFFFF9C  }
0x80: {  	_ =	swait.ge [sflag:s20], $0x64  }
0x81: {  	[sflag:s20] =	ssyncset.done $0x0  }
0x82: {  	[sflag:s20] =	ssyncadd.s32 $0xFFFFFF9C  }
0x83: {  	_ =	swait.ge [sflag:s20], $0x64  }
0x84: {  	[sflag:s20] =	ssyncset.done $0x0  }
0x85: {  	[sflag:s20] =	ssyncadd.s32 $0xFFFFFF9C  }
0x86: {  	_ =	swait.ge [sflag:s20], $0x64  }
0x87: {  	[sflag:s20] =	ssyncset.done $0x0  }
0x88: {  	[sflag:s20] =	ssyncadd.s32 $0xFFFFFF9C  }
0x89: {  	_ =	swait.ge [sflag:s20], $0x64  }
0x8a: {  	[sflag:s20] =	ssyncset.done $0x0  }
0x8b: {  	[sflag:s20] =	ssyncadd.s32 $0xFFFFFF9C  }
0x8c: {  	_ =	swait.ge [sflag:s20], $0x64  }
0x8d: {  	[sflag:s20] =	ssyncset.done $0x0  }
0x8e: {  	[sflag:s20] =	ssyncadd.s32 $0xFFFFFF9C  }
0x8f: {  	_ =	swait.ge [sflag:s20], $0x64  }
0x90: {  	s21 =	simm.s32 $0x3000;
	s24 =	simm.s32 $0x6000;
	[sflag:s20] =	ssyncset.done $0x0  }
.LBB2_4:
0x91: {  	s23 =	sshra.s32 s21, $0x2  }
0x92: {  	[sflag:s20] =	ssyncadd.s32 $0xFFFFFF9C;
	s21 =	smov.u32 s24;
	s22 =	sadd.s32 $0x3000, s24  }
0x93: {  	[spmem:s2] =	stream.indirect.scatter.add.f32 [tilespmem:s19], [sflag:$0x1], $0x1, s23, s18, $0xb8;
	[tilespmem:$0x42F8] =	vst v63  }
0x94: {  	p1 =	sne.s32 s24, $0xC000;
	s24 =	sadd.s32 $0x80, s23  }
0x95: {  	[spmem:s2] =	stream.indirect.scatter.add.f32 [tilespmem:s19], [sflag:$0x1], $0x1, s24, s18, $0xb8;
	[tilespmem:$0x42F8] =	vst v63  }
0x96: {  	s24 =	sadd.s32 $0x100, s23  }
0x97: {  	[spmem:s2] =	stream.indirect.scatter.add.f32 [tilespmem:s19], [sflag:$0x1], $0x1, s24, s18, $0xb8;
	[tilespmem:$0x42F8] =	vst v63  }
0x98: {  	s24 =	sadd.s32 $0x180, s23  }
0x99: {  	[spmem:s2] =	stream.indirect.scatter.add.f32 [tilespmem:s19], [sflag:$0x1], $0x1, s24, s18, $0xb8;
	[tilespmem:$0x42F8] =	vst v63  }
0x9a: {  	s24 =	sadd.s32 $0x200, s23  }
0x9b: {  	[spmem:s2] =	stream.indirect.scatter.add.f32 [tilespmem:s19], [sflag:$0x1], $0x1, s24, s18, $0xb8;
	[tilespmem:$0x42F8] =	vst v63  }
0x9c: {  	s24 =	sadd.s32 $0x280, s23  }
0x9d: {  	[spmem:s2] =	stream.indirect.scatter.add.f32 [tilespmem:s19], [sflag:$0x1], $0x1, s24, s18, $0xb8;
	[tilespmem:$0x42F8] =	vst v63  }
0x9e: {  	s24 =	sadd.s32 $0x300, s23  }
0x9f: {  	[spmem:s2] =	stream.indirect.scatter.add.f32 [tilespmem:s19], [sflag:$0x1], $0x1, s24, s18, $0xb8;
	[tilespmem:$0x42F8] =	vst v63  }
0xa0: {  	s24 =	sadd.s32 $0x380, s23  }
0xa1: {  	[spmem:s2] =	stream.indirect.scatter.add.f32 [tilespmem:s19], [sflag:$0x1], $0x1, s24, s18, $0xb8;
	[tilespmem:$0x42F8] =	vst v63  }
0xa2: {  	s24 =	sadd.s32 $0x400, s23  }
0xa3: {  	[spmem:s2] =	stream.indirect.scatter.add.f32 [tilespmem:s19], [sflag:$0x1], $0x1, s24, s18, $0xb8;
	[tilespmem:$0x42F8] =	vst v63  }
0xa4: {  	s24 =	sadd.s32 $0x480, s23  }
0xa5: {  	[spmem:s2] =	stream.indirect.scatter.add.f32 [tilespmem:s19], [sflag:$0x1], $0x1, s24, s18, $0xb8;
	[tilespmem:$0x42F8] =	vst v63  }
0xa6: {  	s24 =	sadd.s32 $0x500, s23  }
0xa7: {  	[spmem:s2] =	stream.indirect.scatter.add.f32 [tilespmem:s19], [sflag:$0x1], $0x1, s24, s18, $0xb8;
	[tilespmem:$0x42F8] =	vst v63  }
0xa8: {  	s24 =	sadd.s32 $0x580, s23  }
0xa9: {  	[spmem:s2] =	stream.indirect.scatter.add.f32 [tilespmem:s19], [sflag:$0x1], $0x1, s24, s18, $0xb8;
	[tilespmem:$0x42F8] =	vst v63  }
0xaa: {  	s24 =	sadd.s32 $0x600, s23  }
0xab: {  	[spmem:s2] =	stream.indirect.scatter.add.f32 [tilespmem:s19], [sflag:$0x1], $0x1, s24, s18, $0xb8;
	[tilespmem:$0x42F8] =	vst v63  }
0xac: {  	s24 =	sadd.s32 $0x680, s23  }
0xad: {  	[spmem:s2] =	stream.indirect.scatter.add.f32 [tilespmem:s19], [sflag:$0x1], $0x1, s24, s18, $0xb8;
	[tilespmem:$0x42F8] =	vst v63  }
0xae: {  	s24 =	sadd.s32 $0x700, s23  }
0xaf: {  	[spmem:s2] =	stream.indirect.scatter.add.f32 [tilespmem:s19], [sflag:$0x1], $0x1, s24, s18, $0xb8;
	[tilespmem:$0x42F8] =	vst v63  }
0xb0: {  	s24 =	sadd.s32 $0x780, s23  }
0xb1: {  	[spmem:s2] =	stream.indirect.scatter.add.f32 [tilespmem:s19], [sflag:$0x1], $0x1, s24, s18, $0xb8;
	[tilespmem:$0x42F8] =	vst v63  }
0xb2: {  	s24 =	sadd.s32 $0x800, s23  }
0xb3: {  	[spmem:s2] =	stream.indirect.scatter.add.f32 [tilespmem:s19], [sflag:$0x1], $0x1, s24, s18, $0xb8;
	[tilespmem:$0x42F8] =	vst v63  }
0xb4: {  	s24 =	sadd.s32 $0x880, s23  }
0xb5: {  	[spmem:s2] =	stream.indirect.scatter.add.f32 [tilespmem:s19], [sflag:$0x1], $0x1, s24, s18, $0xb8;
	[tilespmem:$0x42F8] =	vst v63  }
0xb6: {  	s24 =	sadd.s32 $0x900, s23  }
0xb7: {  	[spmem:s2] =	stream.indirect.scatter.add.f32 [tilespmem:s19], [sflag:$0x1], $0x1, s24, s18, $0xb8;
	[tilespmem:$0x42F8] =	vst v63  }
0xb8: {  	s23 =	sadd.s32 $0x980, s23  }
0xb9: {  	[spmem:s2] =	stream.indirect.scatter.add.f32 [tilespmem:s19], [sflag:$0x1], $0x1, s23, s18, $0xb8;
	[tilespmem:$0x42F8] =	vst v63  }
0xba: {  	_ =	swait.ge [sflag:s20], $0x64  }
0xbb: {  	[sflag:s20] =	ssyncset.done $0x0  }
0xbc: {  	[sflag:s20] =	ssyncadd.s32 $0xFFFFFF9C  }
0xbd: {  	_ =	swait.ge [sflag:s20], $0x64  }
0xbe: {  	[sflag:s20] =	ssyncset.done $0x0  }
0xbf: {  	[sflag:s20] =	ssyncadd.s32 $0xFFFFFF9C  }
0xc0: {  	_ =	swait.ge [sflag:s20], $0x64  }
0xc1: {  	[sflag:s20] =	ssyncset.done $0x0  }
0xc2: {  	[sflag:s20] =	ssyncadd.s32 $0xFFFFFF9C  }
0xc3: {  	_ =	swait.ge [sflag:s20], $0x64  }
0xc4: {  	[sflag:s20] =	ssyncset.done $0x0  }
0xc5: {  	[sflag:s20] =	ssyncadd.s32 $0xFFFFFF9C  }
0xc6: {  	_ =	swait.ge [sflag:s20], $0x64  }
0xc7: {  	[sflag:s20] =	ssyncset.done $0x0  }
0xc8: {  	[sflag:s20] =	ssyncadd.s32 $0xFFFFFF9C  }
0xc9: {  	_ =	swait.ge [sflag:s20], $0x64  }
0xca: {  	[sflag:s20] =	ssyncset.done $0x0  }
0xcb: {  	[sflag:s20] =	ssyncadd.s32 $0xFFFFFF9C  }
0xcc: {  	_ =	swait.ge [sflag:s20], $0x64  }
0xcd: {  	[sflag:s20] =	ssyncset.done $0x0  }
0xce: {  	[sflag:s20] =	ssyncadd.s32 $0xFFFFFF9C  }
0xcf: {  	_ =	swait.ge [sflag:s20], $0x64  }
0xd0: {  	[sflag:s20] =	ssyncset.done $0x0  }
0xd1: {  	[sflag:s20] =	ssyncadd.s32 $0xFFFFFF9C  }
0xd2: {  	_ =	swait.ge [sflag:s20], $0x64  }
0xd3: {  	[sflag:s20] =	ssyncset.done $0x0  }
0xd4: {  	[sflag:s20] =	ssyncadd.s32 $0xFFFFFF9C  }
0xd5: {  	_ =	swait.ge [sflag:s20], $0x64  }
0xd6: {  	[sflag:s20] =	ssyncset.done $0x0  }
0xd7: {  	[sflag:s20] =	ssyncadd.s32 $0xFFFFFF9C  }
0xd8: {  	_ =	swait.ge [sflag:s20], $0x64  }
0xd9: {  	[sflag:s20] =	ssyncset.done $0x0  }
0xda: {  	[sflag:s20] =	ssyncadd.s32 $0xFFFFFF9C  }
0xdb: {  	_ =	swait.ge [sflag:s20], $0x64  }
0xdc: {  	[sflag:s20] =	ssyncset.done $0x0  }
0xdd: {  	[sflag:s20] =	ssyncadd.s32 $0xFFFFFF9C  }
0xde: {  	_ =	swait.ge [sflag:s20], $0x64  }
0xdf: {  	[sflag:s20] =	ssyncset.done $0x0  }
0xe0: {  	[sflag:s20] =	ssyncadd.s32 $0xFFFFFF9C  }
0xe1: {  	_ =	swait.ge [sflag:s20], $0x64  }
0xe2: {  	[sflag:s20] =	ssyncset.done $0x0  }
0xe3: {  	[sflag:s20] =	ssyncadd.s32 $0xFFFFFF9C  }
0xe4: {  	_ =	swait.ge [sflag:s20], $0x64  }
0xe5: {  	[sflag:s20] =	ssyncset.done $0x0  }
0xe6: {  	[sflag:s20] =	ssyncadd.s32 $0xFFFFFF9C  }
0xe7: {  	_ =	swait.ge [sflag:s20], $0x64  }
0xe8: {  	[sflag:s20] =	ssyncset.done $0x0  }
0xe9: {  	[sflag:s20] =	ssyncadd.s32 $0xFFFFFF9C  }
0xea: {  	_ =	swait.ge [sflag:s20], $0x64  }
0xeb: {  	[sflag:s20] =	ssyncset.done $0x0  }
0xec: {  	[sflag:s20] =	ssyncadd.s32 $0xFFFFFF9C  }
0xed: {  	_ =	swait.ge [sflag:s20], $0x64  }
0xee: {  	[sflag:s20] =	ssyncset.done $0x0  }
0xef: {  	[sflag:s20] =	ssyncadd.s32 $0xFFFFFF9C  }
.Ltmp1:
0xf0: {  	_ =	swait.ge [sflag:s20], $0x64;
	(pc) =	sbr.rel @p1 .LBB2_4-.Ltmp1, $4  }
0xf1: {  	[sflag:s20] =	ssyncset.done $0x0  }
0xf2: {  	[sflag:s20] =	ssyncadd.s32 $0xFFFFFF9C  }
0xf3: {  	_ =	swait.ge [sflag:s20], $0x64  }
0xf4: {  	s24 =	smov.u32 s22;
	[sflag:s20] =	ssyncset.done $0x0  }
0xf5: {  	s21 =	sshra.s32 s21, $0x2;
	[sflag:s20] =	ssyncadd.s32 $0xFFFFFF9C  }
0xf6: {  	[spmem:s2] =	stream.indirect.scatter.add.f32 [tilespmem:s19], [sflag:$0x1], $0x1, s21, s18, $0xb8;
	[tilespmem:$0x42F8] =	vst v63  }
0xf7: {  	s22 =	sadd.s32 $0x80, s21  }
0xf8: {  	[spmem:s2] =	stream.indirect.scatter.add.f32 [tilespmem:s19], [sflag:$0x1], $0x1, s22, s18, $0xb8;
	[tilespmem:$0x42F8] =	vst v63  }
0xf9: {  	s31 =	sadd.s32 $0x100, s21  }
0xfa: {  	[spmem:s2] =	stream.indirect.scatter.add.f32 [tilespmem:s19], [sflag:$0x1], $0x1, s31, s18, $0xb8;
	[tilespmem:$0x42F8] =	vst v63  }
0xfb: {  	s23 =	sadd.s32 $0x180, s21  }
0xfc: {  	[spmem:s2] =	stream.indirect.scatter.add.f32 [tilespmem:s19], [sflag:$0x1], $0x1, s23, s18, $0xb8;
	[tilespmem:$0x42F8] =	vst v63  }
0xfd: {  	s24 =	sadd.s32 $0x200, s21  }
0xfe: {  	[spmem:s2] =	stream.indirect.scatter.add.f32 [tilespmem:s19], [sflag:$0x1], $0x1, s24, s18, $0xb8;
	[tilespmem:$0x42F8] =	vst v63  }
0xff: {  	s25 =	sadd.s32 $0x280, s21  }
0x100: {  	[spmem:s2] =	stream.indirect.scatter.add.f32 [tilespmem:s19], [sflag:$0x1], $0x1, s25, s18, $0xb8;
	[tilespmem:$0x42F8] =	vst v63  }
0x101: {  	s26 =	sadd.s32 $0x300, s21  }
0x102: {  	[spmem:s2] =	stream.indirect.scatter.add.f32 [tilespmem:s19], [sflag:$0x1], $0x1, s26, s18, $0xb8;
	[tilespmem:$0x42F8] =	vst v63  }
0x103: {  	s28 =	sadd.s32 $0x380, s21  }
0x104: {  	[spmem:s2] =	stream.indirect.scatter.add.f32 [tilespmem:s19], [sflag:$0x1], $0x1, s28, s18, $0xb8;
	[tilespmem:$0x42F8] =	vst v63  }
0x105: {  	s29 =	sadd.s32 $0x400, s21  }
0x106: {  	[spmem:s2] =	stream.indirect.scatter.add.f32 [tilespmem:s19], [sflag:$0x1], $0x1, s29, s18, $0xb8;
	[tilespmem:$0x42F8] =	vst v63  }
0x107: {  	s30 =	sadd.s32 $0x480, s21  }
0x108: {  	[spmem:s2] =	stream.indirect.scatter.add.f32 [tilespmem:s19], [sflag:$0x1], $0x1, s30, s18, $0xb8;
	[tilespmem:$0x42F8] =	vst v63  }
0x109: {  	s31 =	sadd.s32 $0x500, s21  }
0x10a: {  	[spmem:s2] =	stream.indirect.scatter.add.f32 [tilespmem:s19], [sflag:$0x1], $0x1, s31, s18, $0xb8;
	[tilespmem:$0x42F8] =	vst v63  }
0x10b: {  	s23 =	sadd.s32 $0x580, s21  }
0x10c: {  	[spmem:s2] =	stream.indirect.scatter.add.f32 [tilespmem:s19], [sflag:$0x1], $0x1, s23, s18, $0xb8;
	[tilespmem:$0x42F8] =	vst v63  }
0x10d: {  	s24 =	sadd.s32 $0x600, s21  }
0x10e: {  	[spmem:s2] =	stream.indirect.scatter.add.f32 [tilespmem:s19], [sflag:$0x1], $0x1, s24, s18, $0xb8;
	[tilespmem:$0x42F8] =	vst v63  }
0x10f: {  	s25 =	sadd.s32 $0x680, s21  }
0x110: {  	[spmem:s2] =	stream.indirect.scatter.add.f32 [tilespmem:s19], [sflag:$0x1], $0x1, s25, s18, $0xb8;
	[tilespmem:$0x42F8] =	vst v63  }
0x111: {  	s26 =	sadd.s32 $0x700, s21  }
0x112: {  	[spmem:s2] =	stream.indirect.scatter.add.f32 [tilespmem:s19], [sflag:$0x1], $0x1, s26, s18, $0xb8;
	[tilespmem:$0x42F8] =	vst v63  }
0x113: {  	s28 =	sadd.s32 $0x780, s21  }
0x114: {  	[spmem:s2] =	stream.indirect.scatter.add.f32 [tilespmem:s19], [sflag:$0x1], $0x1, s28, s18, $0xb8;
	[tilespmem:$0x42F8] =	vst v63  }
0x115: {  	s29 =	sadd.s32 $0x800, s21  }
0x116: {  	[spmem:s2] =	stream.indirect.scatter.add.f32 [tilespmem:s19], [sflag:$0x1], $0x1, s29, s18, $0xb8;
	[tilespmem:$0x42F8] =	vst v63  }
0x117: {  	s30 =	sadd.s32 $0x880, s21  }
0x118: {  	[spmem:s2] =	stream.indirect.scatter.add.f32 [tilespmem:s19], [sflag:$0x1], $0x1, s30, s18, $0xb8;
	[tilespmem:$0x42F8] =	vst v63  }
0x119: {  	s31 =	sadd.s32 $0x900, s21  }
0x11a: {  	[spmem:s2] =	stream.indirect.scatter.add.f32 [tilespmem:s19], [sflag:$0x1], $0x1, s31, s18, $0xb8;
	[tilespmem:$0x42F8] =	vst v63  }
0x11b: {  	s21 =	sadd.s32 $0x980, s21  }
0x11c: {  	[spmem:s2] =	stream.indirect.scatter.add.f32 [tilespmem:s19], [sflag:$0x1], $0x1, s21, s18, $0xb8;
	[tilespmem:$0x42F8] =	vst v63  }
0x11d: {  	_ =	swait.ge [sflag:s20], $0x64  }
0x11e: {  	[sflag:s20] =	ssyncset.done $0x0  }
0x11f: {  	[sflag:s20] =	ssyncadd.s32 $0xFFFFFF9C  }
0x120: {  	_ =	swait.ge [sflag:s20], $0x64  }
0x121: {  	[sflag:s20] =	ssyncset.done $0x0  }
0x122: {  	[sflag:s20] =	ssyncadd.s32 $0xFFFFFF9C  }
0x123: {  	_ =	swait.ge [sflag:s20], $0x64  }
0x124: {  	[sflag:s20] =	ssyncset.done $0x0  }
0x125: {  	[sflag:s20] =	ssyncadd.s32 $0xFFFFFF9C  }
0x126: {  	_ =	swait.ge [sflag:s20], $0x64  }
0x127: {  	[sflag:s20] =	ssyncset.done $0x0  }
0x128: {  	[sflag:s20] =	ssyncadd.s32 $0xFFFFFF9C  }
0x129: {  	_ =	swait.ge [sflag:s20], $0x64  }
0x12a: {  	[sflag:s20] =	ssyncset.done $0x0  }
0x12b: {  	[sflag:s20] =	ssyncadd.s32 $0xFFFFFF9C  }
0x12c: {  	_ =	swait.ge [sflag:s20], $0x64  }
0x12d: {  	[sflag:s20] =	ssyncset.done $0x0  }
0x12e: {  	[sflag:s20] =	ssyncadd.s32 $0xFFFFFF9C  }
0x12f: {  	_ =	swait.ge [sflag:s20], $0x64  }
0x130: {  	[sflag:s20] =	ssyncset.done $0x0  }
0x131: {  	[sflag:s20] =	ssyncadd.s32 $0xFFFFFF9C  }
0x132: {  	_ =	swait.ge [sflag:s20], $0x64  }
0x133: {  	[sflag:s20] =	ssyncset.done $0x0  }
0x134: {  	[sflag:s20] =	ssyncadd.s32 $0xFFFFFF9C  }
0x135: {  	_ =	swait.ge [sflag:s20], $0x64  }
0x136: {  	[sflag:s20] =	ssyncset.done $0x0  }
0x137: {  	[sflag:s20] =	ssyncadd.s32 $0xFFFFFF9C  }
0x138: {  	_ =	swait.ge [sflag:s20], $0x64  }
0x139: {  	[sflag:s20] =	ssyncset.done $0x0  }
0x13a: {  	[sflag:s20] =	ssyncadd.s32 $0xFFFFFF9C  }
0x13b: {  	_ =	swait.ge [sflag:s20], $0x64  }
0x13c: {  	[sflag:s20] =	ssyncset.done $0x0  }
0x13d: {  	[sflag:s20] =	ssyncadd.s32 $0xFFFFFF9C  }
0x13e: {  	_ =	swait.ge [sflag:s20], $0x64  }
0x13f: {  	[sflag:s20] =	ssyncset.done $0x0  }
0x140: {  	[sflag:s20] =	ssyncadd.s32 $0xFFFFFF9C  }
0x141: {  	_ =	swait.ge [sflag:s20], $0x64  }
0x142: {  	[sflag:s20] =	ssyncset.done $0x0  }
0x143: {  	[sflag:s20] =	ssyncadd.s32 $0xFFFFFF9C  }
0x144: {  	_ =	swait.ge [sflag:s20], $0x64  }
0x145: {  	[sflag:s20] =	ssyncset.done $0x0  }
0x146: {  	[sflag:s20] =	ssyncadd.s32 $0xFFFFFF9C  }
0x147: {  	_ =	swait.ge [sflag:s20], $0x64  }
0x148: {  	[sflag:s20] =	ssyncset.done $0x0  }
0x149: {  	[sflag:s20] =	ssyncadd.s32 $0xFFFFFF9C  }
0x14a: {  	_ =	swait.ge [sflag:s20], $0x64  }
0x14b: {  	[sflag:s20] =	ssyncset.done $0x0  }
0x14c: {  	[sflag:s20] =	ssyncadd.s32 $0xFFFFFF9C  }
0x14d: {  	_ =	swait.ge [sflag:s20], $0x64  }
0x14e: {  	[sflag:s20] =	ssyncset.done $0x0  }
0x14f: {  	[sflag:s20] =	ssyncadd.s32 $0xFFFFFF9C  }
0x150: {  	_ =	swait.ge [sflag:s20], $0x64  }
0x151: {  	[sflag:s20] =	ssyncset.done $0x0  }
0x152: {  	[sflag:s20] =	ssyncadd.s32 $0xFFFFFF9C  }
0x153: {  	_ =	swait.ge [sflag:s20], $0x64  }
0x154: {  	[sflag:s20] =	ssyncset.done $0x0  }
0x155: {  	[sflag:s20] =	ssyncadd.s32 $0xFFFFFF9C  }
0x156: {  	_ =	swait.ge [sflag:s20], $0x64  }
0x157: {  	[sflag:s20] =	ssyncset.done $0x0  }
0x158: {  	[sflag:s20] =	ssyncadd.s32 $0xFFFFFF9C  }
0x159: {  	s22 =	simm.s32 @!p0 $0x2;
	s21 =	simm.s32 @!p0 $0x3C80;
	[bflag:$0x0] =	sbarrier.arrive $0xFFFF  }
0x15a: {  	[tilespmem:s21], [sflag:$0x2] =	stream.linear.gather @!p0 [spmem:s6], $0x3E8, $0x38;
	[tilespmem:$0x42F8] =	vst v63  }
0x15b: {  	s3 =	sadd.s32 $0x1, s3;
	_ =	swait.ge @!p0 [sflag:s22], $0x3E8  }
0x15c: {  	p1 =	sne.s32 s3, s8;
	[sflag:s22] =	ssyncset.done @!p0 $0x0  }
.Ltmp2:
0x15d: {  	s23 =	simm.s32 @!p0 $0x0;
	[sflag:s22] =	ssyncadd.s32 @!p0 $0xFFFFFC18;
	(pc) =	sbr.rel @p1 .LBB2_1-.Ltmp2, $4  }
0x15e: {  	[hbm4b:s7+s23] =	stream.linear.scatter @!p0 [tilespmem:s21], [sflag:$0x2], $0x3E8, $0x38;
	[tilespmem:$0x42F8] =	vst v63  }
0x15f: {  	_ =	swait.ge @!p0 [sflag:s22], $0x3E8  }
0x160: {  	[sflag:s22] =	ssyncset.done @!p0 $0x0  }
0x161: {  	[sflag:s22] =	ssyncadd.s32 @!p0 $0xFFFFFC18  }
0x162: {  	_ =	sfence.sel $0x180000  }
0x163: {  	[bflag:$0x0] =	sbarrier.arrive $0xFFFF  }
0x164: {  	p0 =	sne.s32 s0, $0x0;
	_ =	strace $0x90000047  }
0x165: {  	s0 =	sadd.s32 @!p0 $0x100000, s1;
	[bflag:$0x2] =	sbarrier.arrive $0xFFFF  }
0x166: {  	[sflag:s0] =	ssyncadd.tile.s32 @!p0 $0x1;
	_ =	shalt  }
.Lfunc_end2:
_tile_overlayer_lowered:
.L_overlay_start_2:
0x167: {  	(tag) =	ssettag $0x2  }
0x168: {  	s0 =	rddreg [dreg:$0x0];
	s2 =	stileid.u32  }
0x169: {  	s1 =	rddreg [dreg:$0x1];
	p0 =	sne.s32 s2, $0x0  }
0x16a: {  	s3 =	rddreg [dreg:$0x2];
	[bflag:$0x3] =	sbarrier.arrive $0xFFFF;
	s2 =	simm.s32 @!p0 $0x1C02  }
0x16b: {  	[timem:s3], [sflag:s2] =	dma.local @!p0 [hbm:s0], s1  }
0x16c: {  	s0 =	simm.s32 @!p0 $0x2  }
0x16d: {  	_ =	swait.ge @!p0 [sflag:s0], s1  }
0x16e: {  	s1 =	ssub.s32 @!p0 $0x0, s1;
	[sflag:s0] =	ssyncset.done @!p0 $0x0  }
0x16f: {  	[sflag:s0] =	ssyncadd.s32 @!p0 s1  }
0x170: {  	[bflag:$0x3] =	sbarrier.arrive $0xFFFF  }
0x171: {  	_ =	shalt  }

</sc_bundles>
